<compile_context>
chip_gen: v7x
topology: tpu7x:2x2x1
jax: 0.10.2.dev20260603
libtpu: 0.0.44.dev20260713+nightly
codegen_flags: <defaults>
</compile_context>

<pallas_src>
import functools

import jax
import jax.numpy as jnp
from jax import lax
from jax.experimental import pallas as pl
from jax.experimental.pallas import tpu as pltpu
from jax.experimental.pallas import tpu_sc as plsc

_N, _E, _D, _DE, _H = 10000, 320000, 128, 16, 32

_NC, _NS = 2, 16
_NW = _NC * _NS
_CH = 256
_EC = _E // _CH
_NSLOT = (((_EC + _NW - 1) // _NW + 3) // 4) * 4
_NP = 10240
_RPT = _NP // _NS

_f32 = jnp.float32



def _pre_nodes_body(x_ref, w1at_ref, w1bt_ref, b1_ref, p_ref, q_ref):
    xb = x_ref[...]
    p_ref[...] = jnp.dot(xb, w1at_ref[...], preferred_element_type=_f32)
    q_ref[...] = (jnp.dot(xb, w1bt_ref[...], preferred_element_type=_f32)
                  + b1_ref[...])


_BEB = 12800
_B8 = _BEB // 8
_CPB = _BEB // _CH


def _pre_edges_body(eat_ref, wk_ref, a0_ref, a1_ref):
    eb = eat_ref[...].astype(jnp.bfloat16)

    def part(k):
        return lax.dot_general(eb[:, k * _B8:(k + 1) * _B8], wk_ref[k % 4],
                               (((0,), (0,)), ((), ())),
                               preferred_element_type=_f32)
    a0_ref[...] = part(0) + part(1) + part(2) + part(3)
    a1_ref[...] = part(4) + part(5) + part(6) + part(7)



def _sc_edge_body(p_hbm, q_hbm, a0_hbm, a1_hbm, ei_hbm,
                  hp_hbm, cp_hbm,
                  sivd0, sivd1, sivd2, sivd3,
                  pbuf0, qbuf0, pbuf1, qbuf1,
                  abuf0, abuf1, hbuf0, hbuf1,
                  onesv, zbuf, zcnt, acc, cacc,
                  semidx0, semidx1, sema0, sema1,
                  semg0, semg1, semsc0, semsc1):
    cid = lax.axis_index("c")
    sid = lax.axis_index("s")
    wid = sid * _NC + cid
    zero16 = jnp.zeros((16,), _f32)
    one16 = jnp.ones((16,), _f32)

    ibufs = (sivd0, sivd1, sivd2, sivd3)
    cbufs = ((pbuf0, qbuf0, abuf0, hbuf0, semidx0, sema0, semg0, semsc0),
             (pbuf1, qbuf1, abuf1, hbuf1, semidx1, sema1, semg1, semsc1))

    def _zrow(r, c):
        zbuf[r, 0:16] = zero16
        zbuf[r, 16:32] = zero16
        return c
    lax.fori_loop(0, _RPT, _zrow, 0)

    def _zcnt(i, c):
        zcnt[pl.ds(i * 16, 16)] = zero16
        return c
    lax.fori_loop(0, _RPT // 16, _zcnt, 0)

    def _ones(i, c):
        onesv[pl.ds(i * 16, 16)] = one16
        return c
    lax.fori_loop(0, _CH // 16, _ones, 0)

    pltpu.sync_copy(zbuf, acc.at[pl.ds(sid * _RPT, _RPT)])
    pltpu.sync_copy(zcnt, cacc.at[pl.ds(sid * _RPT, _RPT)])
    plsc.subcore_barrier()

    _R = _CH // 8

    def issue_idx(cidx, I, sem):
        b = (cidx * 10486) >> 19
        ebase = _BEB * b + _R * (cidx - _CPB * b)
        for half in range(2):
            for k in range(4):
                off = ebase + 4 * _B8 * half + _B8 * k
                pos = _R * (4 * half + k)
                c0 = pl.multiple_of(off & 127, _R)
                pltpu.async_copy(ei_hbm.at[off >> 7, slice(None),
                                           pl.ds(c0, _R)],
                                 I.at[:, pl.ds(pos, _R)], sem)

    def drain_idx(I, sem):
        pltpu.make_async_copy(ei_hbm.at[0], I, sem).wait()

    _AR = _CH // 8

    def issue_a(cidx, C):
        abuf = C[2]
        pltpu.async_copy(a0_hbm.at[pl.ds(cidx * _AR, _AR)],
                         abuf.at[pl.ds(0, _AR)], C[5])
        pltpu.async_copy(a1_hbm.at[pl.ds(cidx * _AR, _AR)],
                         abuf.at[pl.ds(_AR, _AR)], C[5])

    def drain_a(C):
        abuf = C[2]
        pltpu.make_async_copy(a0_hbm.at[pl.ds(0, _AR)],
                              abuf.at[pl.ds(0, _AR)], C[5]).wait()
        pltpu.make_async_copy(a1_hbm.at[pl.ds(0, _AR)],
                              abuf.at[pl.ds(_AR, _AR)], C[5]).wait()

    def issue_gather(I, C):
        pltpu.async_copy(p_hbm.at[I.at[0]], C[0], C[6])
        pltpu.async_copy(q_hbm.at[I.at[1]], C[1], C[6])

    def drain_gather(C):
        pltpu.make_async_copy(p_hbm.at[pl.ds(0, _CH)], C[0], C[6]).wait()
        pltpu.make_async_copy(q_hbm.at[pl.ds(0, _CH)], C[1], C[6]).wait()

    def issue_scatter(I, C):
        pltpu.async_copy(C[3], acc.at[I.at[1]], C[7], add=True)
        pltpu.async_copy(onesv, cacc.at[I.at[1]], C[7], add=True)

    def drain_scatter(I, C):
        pltpu.make_async_copy(C[3], acc.at[I.at[1]], C[7]).wait()
        pltpu.make_async_copy(onesv, cacc.at[I.at[1]], C[7]).wait()

    def valu(C):
        pbuf, qbuf, abuf, hbuf = C[0], C[1], C[2], C[3]

        def _row(i, cc):
            for half in range(2):
                r = (_CH // 8) * half + i
                for k in range(4):
                    e = (_CH // 2) * half + (_CH // 8) * k + i
                    for hh in range(2):
                        col = 32 * k + 16 * hh
                        v = (pbuf[e, pl.ds(16 * hh, 16)]
                             + qbuf[e, pl.ds(16 * hh, 16)]
                             + abuf[r, pl.ds(col, 16)])
                        hbuf[e, pl.ds(16 * hh, 16)] = jnp.maximum(v, 0.0)
            return cc
        lax.fori_loop(0, _CH // 8, _row, 0)

    issue_idx(wid, ibufs[0], cbufs[0][4])
    issue_a(wid, cbufs[0])
    drain_idx(ibufs[0], cbufs[0][4])
    issue_gather(ibufs[0], cbufs[0])
    issue_idx(_NW + wid, ibufs[1], cbufs[1][4])
    issue_a(_NW + wid, cbufs[1])

    def _quad(jj, c):
        for par in range(4):
            par2 = par % 2
            C = cbufs[par2]
            Cn = cbufs[1 - par2]
            I = ibufs[par]
            In1 = ibufs[(par + 1) % 4]
            In2 = ibufs[(par + 2) % 4]
            Im2 = ibufs[(par + 2) % 4]
            s = 4 * jj + par
            cidx = s * _NW + wid
            act_s = cidx < _EC
            act_s1 = cidx + _NW < _EC
            act_s2 = cidx + 2 * _NW < _EC

            @pl.when(act_s)
            def _():
                drain_gather(C)
                drain_a(C)

            @pl.when(s >= 2)
            def _():
                drain_scatter(Im2, C)

            @pl.when(act_s1)
            def _():
                drain_idx(In1, Cn[4])
                issue_gather(In1, Cn)

            @pl.when(act_s2)
            def _():
                issue_idx(cidx + 2 * _NW, In2, C[4])

            @pl.when(act_s)
            def _():
                valu(C)

            @pl.when(act_s2)
            def _():
                issue_a(cidx + 2 * _NW, C)

            @pl.when(act_s)
            def _():
                issue_scatter(I, C)
        return c

    lax.fori_loop(0, _NSLOT // 4, _quad, 0)

    drain_scatter(ibufs[(_NSLOT - 2) % 4], cbufs[(_NSLOT - 2) % 2])

    @pl.when((_NSLOT - 1) * _NW + wid < _EC)
    def _():
        drain_scatter(ibufs[(_NSLOT - 1) % 4], cbufs[(_NSLOT - 1) % 2])

    plsc.subcore_barrier()

    pltpu.sync_copy(acc.at[pl.ds(sid * _RPT, _RPT)],
                    hp_hbm.at[cid, pl.ds(sid * _RPT, _RPT)])
    pltpu.sync_copy(cacc.at[pl.ds(sid * _RPT, _RPT)],
                    cp_hbm.at[cid, pl.ds(sid * _RPT, _RPT)])



def _post_body(x_ref, hp_ref, cp_ref, w2t_ref, b2_ref, w3at_ref, w3bt_ref,
               b3_ref, o_ref):
    hagg = hp_ref[0] + hp_ref[1]
    cnt = cp_ref[0] + cp_ref[1]
    agg = ((jnp.dot(hagg, w2t_ref[...], preferred_element_type=_f32)
            + cnt * b2_ref[...]) / (cnt + 1e-6))
    xb = x_ref[...]
    up = (jnp.dot(xb, w3at_ref[...], preferred_element_type=_f32)
          + jnp.dot(agg, w3bt_ref[...], preferred_element_type=_f32)
          + b3_ref[...])
    o_ref[...] = xb + jnp.maximum(up, 0.0)



_BN = 1000


def kernel(x, edge_index, edge_attr, W1, b1, W2, b2, W3, b3):
    w1at = W1[:, :_D].T
    w1bt = W1[:, _D:2 * _D].T
    w1ct = W1[:, 2 * _D:].T
    w2t = W2.T
    w3at = W3[:, :_D].T
    w3bt = W3[:, _D:].T
    b1r = b1.reshape(1, _H)
    b2r = b2.reshape(1, _H)
    b3r = b3.reshape(1, _D)
    ei_v = edge_index.reshape(2, _E // 128, 128).transpose(1, 0, 2)
    eat = edge_attr.T
    wk = jnp.stack([jnp.zeros((_DE, 128), _f32)
                    .at[:, 32 * k:32 * (k + 1)].set(w1ct)
                    for k in range(4)]).astype(jnp.bfloat16)

    p, q = pl.pallas_call(
        _pre_nodes_body,
        grid=(_N // _BN,),
        in_specs=[
            pl.BlockSpec((_BN, _D), lambda i: (i, 0)),
            pl.BlockSpec((_D, _H), lambda i: (0, 0)),
            pl.BlockSpec((_D, _H), lambda i: (0, 0)),
            pl.BlockSpec((1, _H), lambda i: (0, 0)),
        ],
        out_specs=[pl.BlockSpec((_BN, _H), lambda i: (i, 0)),
                   pl.BlockSpec((_BN, _H), lambda i: (i, 0))],
        out_shape=[jax.ShapeDtypeStruct((_N, _H), _f32),
                   jax.ShapeDtypeStruct((_N, _H), _f32)],
    )(x, w1at, w1bt, b1r)

    a0, a1 = pl.pallas_call(
        _pre_edges_body,
        grid=(_E // _BEB,),
        in_specs=[
            pl.BlockSpec((_DE, _BEB), lambda i: (0, i)),
            pl.BlockSpec((4, _DE, 128), lambda i: (0, 0, 0)),
        ],
        out_specs=[pl.BlockSpec((_B8, 128), lambda i: (i, 0)),
                   pl.BlockSpec((_B8, 128), lambda i: (i, 0))],
        out_shape=[jax.ShapeDtypeStruct((_E // 8, 128), _f32),
                   jax.ShapeDtypeStruct((_E // 8, 128), _f32)],
        compiler_params=pltpu.CompilerParams(
            fuse_transposed_lhs_in_matmul=True),
    )(eat, wk)

    sc_edge = functools.partial(
        pl.kernel,
        out_type=[jax.ShapeDtypeStruct((_NC, _NP, _H), _f32),
                  jax.ShapeDtypeStruct((_NC, _NP), _f32)],
        mesh=plsc.VectorSubcoreMesh(core_axis_name="c", subcore_axis_name="s"),
        scratch_types=(
            [pltpu.VMEM((2, _CH), jnp.int32)] * 4
            + [pltpu.VMEM((_CH, _H), _f32)] * 4
            + [pltpu.VMEM((_CH // 4, 128), _f32)] * 2
            + [pltpu.VMEM((_CH, _H), _f32)] * 2
            + [pltpu.VMEM((_CH,), _f32),
               pltpu.VMEM((_RPT, _H), _f32),
               pltpu.VMEM((_RPT,), _f32),
               pltpu.VMEM_SHARED((_NP, _H), _f32),
               pltpu.VMEM_SHARED((_NP,), _f32)]
            + [pltpu.SemaphoreType.DMA] * 8
        ),
        compiler_params=pltpu.CompilerParams(use_tc_tiling_on_sc=False),
    )(_sc_edge_body)

    hp, cp = sc_edge(p, q, a0, a1, ei_v)

    out = pl.pallas_call(
        _post_body,
        grid=(_N // _BN,),
        in_specs=[
            pl.BlockSpec((_BN, _D), lambda i: (i, 0)),
            pl.BlockSpec((_NC, _BN, _H), lambda i: (0, i, 0)),
            pl.BlockSpec((_NC, _BN, 1), lambda i: (0, i, 0)),
            pl.BlockSpec((_H, _H), lambda i: (0, 0)),
            pl.BlockSpec((1, _H), lambda i: (0, 0)),
            pl.BlockSpec((_D, _D), lambda i: (0, 0)),
            pl.BlockSpec((_H, _D), lambda i: (0, 0)),
            pl.BlockSpec((1, _D), lambda i: (0, 0)),
        ],
        out_specs=pl.BlockSpec((_BN, _D), lambda i: (i, 0)),
        out_shape=jax.ShapeDtypeStruct((_N, _D), _f32),
    )(x, hp, cp.reshape(_NC, _NP, 1), w2t, b2r, w3at, w3bt, b3r)

    return out

# --- scband reference (transcript-rebuilt; emitter-appended) ---
"""Pipeline reference for scband-edge-conv-16174846837133 (READ-ONLY COPY).

The authoritative reference and input builder live on the scoring server;
editing this copy changes nothing except your own understanding.
"""

import jax, jax.numpy as jnp
import numpy as np

N, E, D, DE, H = 10000, 320000, 128, 16, 32


def setup_inputs(seed: int = 0) -> dict:
    key = jax.random.key(seed)
    ks = jax.random.split(key, 10)
    x = jax.random.normal(ks[0], (N, D), dtype=jnp.float32)
    edge_index = jax.random.randint(ks[1], (2, E), 0, N, dtype=jnp.int32)
    edge_attr = jax.random.normal(ks[2], (E, DE), dtype=jnp.float32)
    W1 = jax.random.normal(ks[3], (H, 2 * D + DE), dtype=jnp.float32) * 0.05
    b1 = jnp.zeros((H,), dtype=jnp.float32)
    W2 = jax.random.normal(ks[4], (H, H), dtype=jnp.float32) * 0.05
    b2 = jnp.zeros((H,), dtype=jnp.float32)
    W3 = jax.random.normal(ks[5], (D, D + H), dtype=jnp.float32) * 0.05
    b3 = jnp.zeros((D,), dtype=jnp.float32)
    return {"x": x, "edge_index": edge_index, "edge_attr": edge_attr,
            "W1": W1, "b1": b1, "W2": W2, "b2": b2, "W3": W3, "b3": b3}


def reference(x, edge_index, edge_attr, W1, b1, W2, b2, W3, b3):
    src = edge_index[0]
    dst = edge_index[1]
    n_nodes = x.shape[0]
    n_edges = edge_index.shape[1]
    x_src = jnp.take(x, src, axis=0)
    x_dst = jnp.take(x, dst, axis=0)
    edge_input = jnp.concatenate([x_src, x_dst, edge_attr], axis=1)
    h = jnp.maximum(edge_input @ W1.T + b1, 0.0)  # dropout=0.0 -> identity
    messages = h @ W2.T + b2
    aggregated = jnp.zeros((n_nodes, messages.shape[1]), dtype=x.dtype).at[dst].add(messages)
    counts = jnp.zeros((n_nodes, 1), dtype=x.dtype).at[dst].add(jnp.ones((n_edges, 1), dtype=x.dtype))
    aggregated = aggregated / (counts + 1e-06)
    update_input = jnp.concatenate([x, aggregated], axis=1)
    x_new = jnp.maximum(update_input @ W3.T + b3, 0.0)
    return x + x_new

if __name__ == "__main__":
    import jax
    _d = setup_inputs()
    print(jax.jit(kernel)(*tuple(_d.values())))

</pallas_src>

<mosaic_0001>
#map = affine_map<(d0, d1) -> (0, 0)>
#map1 = affine_map<(d0, d1) -> (0, 0, 0)>
module attributes {stable_mosaic.version = 14 : i64} {
  func.func @_sc_edge_body(%arg0: i32, %arg1: i32, %arg2: memref<10000x32xf32, #tpu.memory_space<hbm>>, %arg3: memref<10000x32xf32, #tpu.memory_space<hbm>>, %arg4: memref<40000x128xf32, #tpu.memory_space<hbm>>, %arg5: memref<40000x128xf32, #tpu.memory_space<hbm>>, %arg6: memref<2500x2x128xi32, #tpu.memory_space<hbm>>, %arg7: memref<2x10240x32xf32, #tpu.memory_space<hbm>>, %arg8: memref<2x10240xf32, #tpu.memory_space<hbm>>, %arg9: memref<2x256xi32, #tpu.memory_space<vmem>>, %arg10: memref<2x256xi32, #tpu.memory_space<vmem>>, %arg11: memref<2x256xi32, #tpu.memory_space<vmem>>, %arg12: memref<2x256xi32, #tpu.memory_space<vmem>>, %arg13: memref<256x32xf32, #tpu.memory_space<vmem>>, %arg14: memref<256x32xf32, #tpu.memory_space<vmem>>, %arg15: memref<256x32xf32, #tpu.memory_space<vmem>>, %arg16: memref<256x32xf32, #tpu.memory_space<vmem>>, %arg17: memref<64x128xf32, #tpu.memory_space<vmem>>, %arg18: memref<64x128xf32, #tpu.memory_space<vmem>>, %arg19: memref<256x32xf32, #tpu.memory_space<vmem>>, %arg20: memref<256x32xf32, #tpu.memory_space<vmem>>, %arg21: memref<256xf32, #tpu.memory_space<vmem>>, %arg22: memref<640x32xf32, #tpu.memory_space<vmem>>, %arg23: memref<640xf32, #tpu.memory_space<vmem>>, %arg24: memref<10240x32xf32, #tpu.memory_space<vmem_shared>>, %arg25: memref<10240xf32, #tpu.memory_space<vmem_shared>>, %arg26: memref<!tpu.dma_semaphore, #tpu.memory_space<semaphore_mem>>, %arg27: memref<!tpu.dma_semaphore, #tpu.memory_space<semaphore_mem>>, %arg28: memref<!tpu.dma_semaphore, #tpu.memory_space<semaphore_mem>>, %arg29: memref<!tpu.dma_semaphore, #tpu.memory_space<semaphore_mem>>, %arg30: memref<!tpu.dma_semaphore, #tpu.memory_space<semaphore_mem>>, %arg31: memref<!tpu.dma_semaphore, #tpu.memory_space<semaphore_mem>>, %arg32: memref<!tpu.dma_semaphore, #tpu.memory_space<semaphore_mem>>, %arg33: memref<!tpu.dma_semaphore, #tpu.memory_space<semaphore_mem>>) attributes {dimension_semantics = [#tpu.dimension_semantics<core_parallel>, #tpu.dimension_semantics<subcore_parallel>], iteration_bounds = array<i64: 2, 16>, scalar_prefetch = 0 : i64, scratch_operands = 25 : i64, tpu.core_type = #tpu.core_type<sc_vector_subcore>, window_params = [{transform_indices = #map}, {transform_indices = #map}, {transform_indices = #map}, {transform_indices = #map}, {transform_indices = #map1}, {transform_indices = #map1}, {transform_indices = #map}]} {
    %mul3A = arith.constant 2 : i32
    %mul3A_0 = arith.muli %arg1, %mul3A : i32
    %add3A = arith.addi %mul3A_0, %arg0 : i32
    %broadcast_in_dim3A = arith.constant 0.000000e+00 : f32
    %broadcast_in_dim3A_1 = vector.broadcast %broadcast_in_dim3A : f32 to vector<16xf32>
    %broadcast_in_dim3A_2 = arith.constant 1.000000e+00 : f32
    %broadcast_in_dim3A_3 = vector.broadcast %broadcast_in_dim3A_2 : f32 to vector<16xf32>
    %scan3A = arith.constant 0 : i32
    %scan3A_4 = arith.constant 0 : i32
    %scan3A_5 = arith.constant 640 : i32
    %scan3A_6 = arith.addi %scan3A_4, %scan3A_5 : i32
    %scan3A_7 = arith.constant 1 : i32
    scf.for %scan3A_486 = %scan3A_4 to %scan3A_6 step %scan3A_7  : i32 {
      %swap3A = arith.index_cast %scan3A_486 : i32 to index
      %swap3A_487 = arith.constant 0 : index
      %swap3A_488 = tpu.vector_load %arg22[%swap3A, %swap3A_487] {strides = array<i32>} : memref<640x32xf32, #tpu.memory_space<vmem>>, vector<1x16xf32>,
      %swap3A_489 = vector.shape_cast %swap3A_488 : vector<1x16xf32> to vector<16xf32>
      %swap3A_490 = vector.shape_cast %broadcast_in_dim3A_1 : vector<16xf32> to vector<1x16xf32>
      tpu.vector_store %arg22[%swap3A, %swap3A_487], %swap3A_490 {strides = array<i32>} : memref<640x32xf32, #tpu.memory_space<vmem>>, vector<1x16xf32>,
      %swap3A_491 = arith.index_cast %scan3A_486 : i32 to index
      %swap3A_492 = arith.constant 16 : index
      %swap3A_493 = tpu.vector_load %arg22[%swap3A_491, %swap3A_492] {strides = array<i32>} : memref<640x32xf32, #tpu.memory_space<vmem>>, vector<1x16xf32>,
      %swap3A_494 = vector.shape_cast %swap3A_493 : vector<1x16xf32> to vector<16xf32>
      %swap3A_495 = vector.shape_cast %broadcast_in_dim3A_1 : vector<16xf32> to vector<1x16xf32>
      tpu.vector_store %arg22[%swap3A_491, %swap3A_492], %swap3A_495 {strides = array<i32>} : memref<640x32xf32, #tpu.memory_space<vmem>>, vector<1x16xf32>,
    }
    %scan3A_8 = arith.constant 640 : i32
    %scan3A_9 = arith.constant 0 : i32
    %scan3A_10 = arith.constant 0 : i32
    %scan3A_11 = arith.constant 40 : i32
    %scan3A_12 = arith.addi %scan3A_10, %scan3A_11 : i32
    %scan3A_13 = arith.constant 1 : i32
    scf.for %scan3A_486 = %scan3A_10 to %scan3A_12 step %scan3A_13  : i32 {
      %mul3A_487 = arith.constant 16 : i32
      %mul3A_488 = arith.muli %scan3A_486, %mul3A_487 : i32
      %swap3A = arith.index_cast %mul3A_488 : i32 to index
      %swap3A_489 = tpu.vector_load %arg23[%swap3A] {strides = array<i32>} : memref<640xf32, #tpu.memory_space<vmem>>, vector<16xf32>,
      %swap3A_490 = vector.shape_cast %swap3A_489 : vector<16xf32> to vector<16xf32>
      %swap3A_491 = vector.shape_cast %broadcast_in_dim3A_1 : vector<16xf32> to vector<16xf32>
      tpu.vector_store %arg23[%swap3A], %swap3A_491 {strides = array<i32>} : memref<640xf32, #tpu.memory_space<vmem>>, vector<16xf32>,
    }
    %scan3A_14 = arith.constant 40 : i32
    %scan3A_15 = arith.constant 0 : i32
    %scan3A_16 = arith.constant 0 : i32
    %scan3A_17 = arith.constant 16 : i32
    %scan3A_18 = arith.addi %scan3A_16, %scan3A_17 : i32
    %scan3A_19 = arith.constant 1 : i32
    scf.for %scan3A_486 = %scan3A_16 to %scan3A_18 step %scan3A_19  : i32 {
      %mul3A_487 = arith.constant 16 : i32
      %mul3A_488 = arith.muli %scan3A_486, %mul3A_487 : i32
      %swap3A = arith.index_cast %mul3A_488 : i32 to index
      %swap3A_489 = tpu.vector_load %arg21[%swap3A] {strides = array<i32>} : memref<256xf32, #tpu.memory_space<vmem>>, vector<16xf32>,
      %swap3A_490 = vector.shape_cast %swap3A_489 : vector<16xf32> to vector<16xf32>
      %swap3A_491 = vector.shape_cast %broadcast_in_dim3A_3 : vector<16xf32> to vector<16xf32>
      tpu.vector_store %arg21[%swap3A], %swap3A_491 {strides = array<i32>} : memref<256xf32, #tpu.memory_space<vmem>>, vector<16xf32>,
    }
    %scan3A_20 = arith.constant 16 : i32
    %mul3A_21 = arith.constant 640 : i32
    %mul3A_22 = arith.muli %arg1, %mul3A_21 : i32
    "tpu.region"() ({
      %run_scoped3A = tpu.sem_alloc : memref<!tpu.dma_semaphore, #tpu.memory_space<semaphore_mem>>
      %dma_start3A_486 = arith.constant 0 : i32
      %dma_start3A_487 = tpu.memref_slice %arg24[%mul3A_22, %dma_start3A_486] : memref<10240x32xf32, #tpu.memory_space<vmem_shared>> -> memref<640x32xf32, #tpu.memory_space<vmem_shared>>
      %dma_start3A_488 = arith.constant 0 : i32
      %dma_start3A_489 = tpu.memref_slice %arg24[%mul3A_22, %dma_start3A_488] : memref<10240x32xf32, #tpu.memory_space<vmem_shared>> -> memref<640x32xf32, #tpu.memory_space<vmem_shared>>
      tpu.enqueue_dma source(%arg22 : memref<640x32xf32, #tpu.memory_space<vmem>>) target(%dma_start3A_489 : memref<640x32xf32, #tpu.memory_space<vmem_shared>>) target_semaphore(%run_scoped3A : memref<!tpu.dma_semaphore, #tpu.memory_space<semaphore_mem>>)
      %dma_wait3A_490 = arith.constant 0 : i32
      %dma_wait3A_491 = tpu.memref_slice %arg24[%mul3A_22, %dma_wait3A_490] : memref<10240x32xf32, #tpu.memory_space<vmem_shared>> -> memref<640x32xf32, #tpu.memory_space<vmem_shared>>
      %dma_wait3A_492 = arith.constant 0 : i32
      %dma_wait3A_493 = tpu.memref_slice %arg24[%mul3A_22, %dma_wait3A_492] : memref<10240x32xf32, #tpu.memory_space<vmem_shared>> -> memref<640x32xf32, #tpu.memory_space<vmem_shared>>
      tpu.wait_dma2 semaphore(%run_scoped3A : memref<!tpu.dma_semaphore, #tpu.memory_space<semaphore_mem>>) src(%arg22 : memref<640x32xf32, #tpu.memory_space<vmem>>) dst(%dma_wait3A_493 : memref<640x32xf32, #tpu.memory_space<vmem_shared>>)
      tpu.yield
    }) : () -> ()
    %mul3A_23 = arith.constant 640 : i32
    %mul3A_24 = arith.muli %arg1, %mul3A_23 : i32
    "tpu.region"() ({
      %run_scoped3A = tpu.sem_alloc : memref<!tpu.dma_semaphore, #tpu.memory_space<semaphore_mem>>
      %dma_start3A_486 = tpu.memref_slice %arg25[%mul3A_24] : memref<10240xf32, #tpu.memory_space<vmem_shared>> -> memref<640xf32, #tpu.memory_space<vmem_shared>>
      %dma_start3A_487 = tpu.memref_slice %arg25[%mul3A_24] : memref<10240xf32, #tpu.memory_space<vmem_shared>> -> memref<640xf32, #tpu.memory_space<vmem_shared>>
      tpu.enqueue_dma source(%arg23 : memref<640xf32, #tpu.memory_space<vmem>>) target(%dma_start3A_487 : memref<640xf32, #tpu.memory_space<vmem_shared>>) target_semaphore(%run_scoped3A : memref<!tpu.dma_semaphore, #tpu.memory_space<semaphore_mem>>)
      %dma_wait3A_488 = tpu.memref_slice %arg25[%mul3A_24] : memref<10240xf32, #tpu.memory_space<vmem_shared>> -> memref<640xf32, #tpu.memory_space<vmem_shared>>
      %dma_wait3A_489 = tpu.memref_slice %arg25[%mul3A_24] : memref<10240xf32, #tpu.memory_space<vmem_shared>> -> memref<640xf32, #tpu.memory_space<vmem_shared>>
      tpu.wait_dma2 semaphore(%run_scoped3A : memref<!tpu.dma_semaphore, #tpu.memory_space<semaphore_mem>>) src(%arg23 : memref<640xf32, #tpu.memory_space<vmem>>) dst(%dma_wait3A_489 : memref<640xf32, #tpu.memory_space<vmem_shared>>)
      tpu.yield
    }) : () -> ()
    %barrier3A = arith.constant 0 : index
    tpu.barrier barrier_id(%barrier3A)
    %mul3A_25 = arith.constant 10486 : i32
    %mul3A_26 = arith.muli %add3A, %mul3A_25 : i32
    %shift_right_arithmetic3A = arith.constant 19 : i32
    %shift_right_arithmetic3A_27 = arith.shrsi %mul3A_26, %shift_right_arithmetic3A : i32
    %mul3A_28 = arith.constant 12800 : i32
    %mul3A_29 = arith.muli %mul3A_28, %shift_right_arithmetic3A_27 : i32
    %mul3A_30 = arith.constant 50 : i32
    %mul3A_31 = arith.muli %mul3A_30, %shift_right_arithmetic3A_27 : i32
    %sub3A = arith.subi %add3A, %mul3A_31 : i32
    %mul3A_32 = arith.constant 32 : i32
    %mul3A_33 = arith.muli %mul3A_32, %sub3A : i32
    %add3A_34 = arith.addi %mul3A_29, %mul3A_33 : i32
    %add3A_35 = arith.constant 0 : i32
    %add3A_36 = arith.addi %add3A_34, %add3A_35 : i32
    %add3A_37 = arith.constant 0 : i32
    %add3A_38 = arith.addi %add3A_36, %add3A_37 : i32
    %and3A = arith.constant 127 : i32
    %and3A_39 = arith.andi %add3A_38, %and3A : i32
    %multiple_of3A = tpu.assume_multiple %and3A_39, 32 : i32
    %shift_right_arithmetic3A_40 = arith.constant 7 : i32
    %shift_right_arithmetic3A_41 = arith.shrsi %add3A_38, %shift_right_arithmetic3A_40 : i32
    %dma_start3A = arith.constant 0 : i32
    %dma_start3A_42 = arith.constant 0 : i32
    %dma_start3A_43 = tpu.memref_slice %arg9[%dma_start3A, %dma_start3A_42] : memref<2x256xi32, #tpu.memory_space<vmem>> -> memref<2x32xi32, #tpu.memory_space<vmem>>
    %dma_start3A_44 = arith.constant 0 : i32
    %dma_start3A_45 = tpu.memref_slice %arg6[%shift_right_arithmetic3A_41, %dma_start3A_44, %multiple_of3A] : memref<2500x2x128xi32, #tpu.memory_space<hbm>> -> memref<1x2x32xi32, #tpu.memory_space<hbm>>
    %dma_start3A_46 = tpu.memref_squeeze %dma_start3A_45 : memref<1x2x32xi32, #tpu.memory_space<hbm>> -> memref<2x32xi32, #tpu.memory_space<hbm>>
    %dma_start3A_47 = arith.constant 0 : i32
    %dma_start3A_48 = arith.constant 0 : i32
    %dma_start3A_49 = tpu.memref_slice %arg9[%dma_start3A_47, %dma_start3A_48] : memref<2x256xi32, #tpu.memory_space<vmem>> -> memref<2x32xi32, #tpu.memory_space<vmem>>
    %dma_start3A_50 = arith.constant 0 : i32
    %dma_start3A_51 = tpu.memref_slice %arg6[%shift_right_arithmetic3A_41, %dma_start3A_50, %multiple_of3A] : memref<2500x2x128xi32, #tpu.memory_space<hbm>> -> memref<1x2x32xi32, #tpu.memory_space<hbm>>
    %dma_start3A_52 = tpu.memref_squeeze %dma_start3A_51 : memref<1x2x32xi32, #tpu.memory_space<hbm>> -> memref<2x32xi32, #tpu.memory_space<hbm>>
    tpu.enqueue_dma source(%dma_start3A_52 : memref<2x32xi32, #tpu.memory_space<hbm>>) target(%dma_start3A_49 : memref<2x32xi32, #tpu.memory_space<vmem>>) target_semaphore(%arg26 : memref<!tpu.dma_semaphore, #tpu.memory_space<semaphore_mem>>)
    %add3A_53 = arith.constant 0 : i32
    %add3A_54 = arith.addi %add3A_34, %add3A_53 : i32
    %add3A_55 = arith.constant 1600 : i32
    %add3A_56 = arith.addi %add3A_54, %add3A_55 : i32
    %and3A_57 = arith.constant 127 : i32
    %and3A_58 = arith.andi %add3A_56, %and3A_57 : i32
    %multiple_of3A_59 = tpu.assume_multiple %and3A_58, 32 : i32
    %shift_right_arithmetic3A_60 = arith.constant 7 : i32
    %shift_right_arithmetic3A_61 = arith.shrsi %add3A_56, %shift_right_arithmetic3A_60 : i32
    %dma_start3A_62 = arith.constant 0 : i32
    %dma_start3A_63 = arith.constant 32 : i32
    %dma_start3A_64 = tpu.memref_slice %arg9[%dma_start3A_62, %dma_start3A_63] : memref<2x256xi32, #tpu.memory_space<vmem>> -> memref<2x32xi32, #tpu.memory_space<vmem>>
    %dma_start3A_65 = arith.constant 0 : i32
    %dma_start3A_66 = tpu.memref_slice %arg6[%shift_right_arithmetic3A_61, %dma_start3A_65, %multiple_of3A_59] : memref<2500x2x128xi32, #tpu.memory_space<hbm>> -> memref<1x2x32xi32, #tpu.memory_space<hbm>>
    %dma_start3A_67 = tpu.memref_squeeze %dma_start3A_66 : memref<1x2x32xi32, #tpu.memory_space<hbm>> -> memref<2x32xi32, #tpu.memory_space<hbm>>
    %dma_start3A_68 = arith.constant 0 : i32
    %dma_start3A_69 = arith.constant 32 : i32
    %dma_start3A_70 = tpu.memref_slice %arg9[%dma_start3A_68, %dma_start3A_69] : memref<2x256xi32, #tpu.memory_space<vmem>> -> memref<2x32xi32, #tpu.memory_space<vmem>>
    %dma_start3A_71 = arith.constant 0 : i32
    %dma_start3A_72 = tpu.memref_slice %arg6[%shift_right_arithmetic3A_61, %dma_start3A_71, %multiple_of3A_59] : memref<2500x2x128xi32, #tpu.memory_space<hbm>> -> memref<1x2x32xi32, #tpu.memory_space<hbm>>
    %dma_start3A_73 = tpu.memref_squeeze %dma_start3A_72 : memref<1x2x32xi32, #tpu.memory_space<hbm>> -> memref<2x32xi32, #tpu.memory_space<hbm>>
    tpu.enqueue_dma source(%dma_start3A_73 : memref<2x32xi32, #tpu.memory_space<hbm>>) target(%dma_start3A_70 : memref<2x32xi32, #tpu.memory_space<vmem>>) target_semaphore(%arg26 : memref<!tpu.dma_semaphore, #tpu.memory_space<semaphore_mem>>)
    %add3A_74 = arith.constant 0 : i32
    %add3A_75 = arith.addi %add3A_34, %add3A_74 : i32
    %add3A_76 = arith.constant 3200 : i32
    %add3A_77 = arith.addi %add3A_75, %add3A_76 : i32
    %and3A_78 = arith.constant 127 : i32
    %and3A_79 = arith.andi %add3A_77, %and3A_78 : i32
    %multiple_of3A_80 = tpu.assume_multiple %and3A_79, 32 : i32
    %shift_right_arithmetic3A_81 = arith.constant 7 : i32
    %shift_right_arithmetic3A_82 = arith.shrsi %add3A_77, %shift_right_arithmetic3A_81 : i32
    %dma_start3A_83 = arith.constant 0 : i32
    %dma_start3A_84 = arith.constant 64 : i32
    %dma_start3A_85 = tpu.memref_slice %arg9[%dma_start3A_83, %dma_start3A_84] : memref<2x256xi32, #tpu.memory_space<vmem>> -> memref<2x32xi32, #tpu.memory_space<vmem>>
    %dma_start3A_86 = arith.constant 0 : i32
    %dma_start3A_87 = tpu.memref_slice %arg6[%shift_right_arithmetic3A_82, %dma_start3A_86, %multiple_of3A_80] : memref<2500x2x128xi32, #tpu.memory_space<hbm>> -> memref<1x2x32xi32, #tpu.memory_space<hbm>>
    %dma_start3A_88 = tpu.memref_squeeze %dma_start3A_87 : memref<1x2x32xi32, #tpu.memory_space<hbm>> -> memref<2x32xi32, #tpu.memory_space<hbm>>
    %dma_start3A_89 = arith.constant 0 : i32
    %dma_start3A_90 = arith.constant 64 : i32
    %dma_start3A_91 = tpu.memref_slice %arg9[%dma_start3A_89, %dma_start3A_90] : memref<2x256xi32, #tpu.memory_space<vmem>> -> memref<2x32xi32, #tpu.memory_space<vmem>>
    %dma_start3A_92 = arith.constant 0 : i32
    %dma_start3A_93 = tpu.memref_slice %arg6[%shift_right_arithmetic3A_82, %dma_start3A_92, %multiple_of3A_80] : memref<2500x2x128xi32, #tpu.memory_space<hbm>> -> memref<1x2x32xi32, #tpu.memory_space<hbm>>
    %dma_start3A_94 = tpu.memref_squeeze %dma_start3A_93 : memref<1x2x32xi32, #tpu.memory_space<hbm>> -> memref<2x32xi32, #tpu.memory_space<hbm>>
    tpu.enqueue_dma source(%dma_start3A_94 : memref<2x32xi32, #tpu.memory_space<hbm>>) target(%dma_start3A_91 : memref<2x32xi32, #tpu.memory_space<vmem>>) target_semaphore(%arg26 : memref<!tpu.dma_semaphore, #tpu.memory_space<semaphore_mem>>)
    %add3A_95 = arith.constant 0 : i32
    %add3A_96 = arith.addi %add3A_34, %add3A_95 : i32
    %add3A_97 = arith.constant 4800 : i32
    %add3A_98 = arith.addi %add3A_96, %add3A_97 : i32
    %and3A_99 = arith.constant 127 : i32
    %and3A_100 = arith.andi %add3A_98, %and3A_99 : i32
    %multiple_of3A_101 = tpu.assume_multiple %and3A_100, 32 : i32
    %shift_right_arithmetic3A_102 = arith.constant 7 : i32
    %shift_right_arithmetic3A_103 = arith.shrsi %add3A_98, %shift_right_arithmetic3A_102 : i32
    %dma_start3A_104 = arith.constant 0 : i32
    %dma_start3A_105 = arith.constant 96 : i32
    %dma_start3A_106 = tpu.memref_slice %arg9[%dma_start3A_104, %dma_start3A_105] : memref<2x256xi32, #tpu.memory_space<vmem>> -> memref<2x32xi32, #tpu.memory_space<vmem>>
    %dma_start3A_107 = arith.constant 0 : i32
    %dma_start3A_108 = tpu.memref_slice %arg6[%shift_right_arithmetic3A_103, %dma_start3A_107, %multiple_of3A_101] : memref<2500x2x128xi32, #tpu.memory_space<hbm>> -> memref<1x2x32xi32, #tpu.memory_space<hbm>>
    %dma_start3A_109 = tpu.memref_squeeze %dma_start3A_108 : memref<1x2x32xi32, #tpu.memory_space<hbm>> -> memref<2x32xi32, #tpu.memory_space<hbm>>
    %dma_start3A_110 = arith.constant 0 : i32
    %dma_start3A_111 = arith.constant 96 : i32
    %dma_start3A_112 = tpu.memref_slice %arg9[%dma_start3A_110, %dma_start3A_111] : memref<2x256xi32, #tpu.memory_space<vmem>> -> memref<2x32xi32, #tpu.memory_space<vmem>>
    %dma_start3A_113 = arith.constant 0 : i32
    %dma_start3A_114 = tpu.memref_slice %arg6[%shift_right_arithmetic3A_103, %dma_start3A_113, %multiple_of3A_101] : memref<2500x2x128xi32, #tpu.memory_space<hbm>> -> memref<1x2x32xi32, #tpu.memory_space<hbm>>
    %dma_start3A_115 = tpu.memref_squeeze %dma_start3A_114 : memref<1x2x32xi32, #tpu.memory_space<hbm>> -> memref<2x32xi32, #tpu.memory_space<hbm>>
    tpu.enqueue_dma source(%dma_start3A_115 : memref<2x32xi32, #tpu.memory_space<hbm>>) target(%dma_start3A_112 : memref<2x32xi32, #tpu.memory_space<vmem>>) target_semaphore(%arg26 : memref<!tpu.dma_semaphore, #tpu.memory_space<semaphore_mem>>)
    %add3A_116 = arith.constant 6400 : i32
    %add3A_117 = arith.addi %add3A_34, %add3A_116 : i32
    %add3A_118 = arith.constant 0 : i32
    %add3A_119 = arith.addi %add3A_117, %add3A_118 : i32
    %and3A_120 = arith.constant 127 : i32
    %and3A_121 = arith.andi %add3A_119, %and3A_120 : i32
    %multiple_of3A_122 = tpu.assume_multiple %and3A_121, 32 : i32
    %shift_right_arithmetic3A_123 = arith.constant 7 : i32
    %shift_right_arithmetic3A_124 = arith.shrsi %add3A_119, %shift_right_arithmetic3A_123 : i32
    %dma_start3A_125 = arith.constant 0 : i32
    %dma_start3A_126 = arith.constant 128 : i32
    %dma_start3A_127 = tpu.memref_slice %arg9[%dma_start3A_125, %dma_start3A_126] : memref<2x256xi32, #tpu.memory_space<vmem>> -> memref<2x32xi32, #tpu.memory_space<vmem>>
    %dma_start3A_128 = arith.constant 0 : i32
    %dma_start3A_129 = tpu.memref_slice %arg6[%shift_right_arithmetic3A_124, %dma_start3A_128, %multiple_of3A_122] : memref<2500x2x128xi32, #tpu.memory_space<hbm>> -> memref<1x2x32xi32, #tpu.memory_space<hbm>>
    %dma_start3A_130 = tpu.memref_squeeze %dma_start3A_129 : memref<1x2x32xi32, #tpu.memory_space<hbm>> -> memref<2x32xi32, #tpu.memory_space<hbm>>
    %dma_start3A_131 = arith.constant 0 : i32
    %dma_start3A_132 = arith.constant 128 : i32
    %dma_start3A_133 = tpu.memref_slice %arg9[%dma_start3A_131, %dma_start3A_132] : memref<2x256xi32, #tpu.memory_space<vmem>> -> memref<2x32xi32, #tpu.memory_space<vmem>>
    %dma_start3A_134 = arith.constant 0 : i32
    %dma_start3A_135 = tpu.memref_slice %arg6[%shift_right_arithmetic3A_124, %dma_start3A_134, %multiple_of3A_122] : memref<2500x2x128xi32, #tpu.memory_space<hbm>> -> memref<1x2x32xi32, #tpu.memory_space<hbm>>
    %dma_start3A_136 = tpu.memref_squeeze %dma_start3A_135 : memref<1x2x32xi32, #tpu.memory_space<hbm>> -> memref<2x32xi32, #tpu.memory_space<hbm>>
    tpu.enqueue_dma source(%dma_start3A_136 : memref<2x32xi32, #tpu.memory_space<hbm>>) target(%dma_start3A_133 : memref<2x32xi32, #tpu.memory_space<vmem>>) target_semaphore(%arg26 : memref<!tpu.dma_semaphore, #tpu.memory_space<semaphore_mem>>)
    %add3A_137 = arith.constant 6400 : i32
    %add3A_138 = arith.addi %add3A_34, %add3A_137 : i32
    %add3A_139 = arith.constant 1600 : i32
    %add3A_140 = arith.addi %add3A_138, %add3A_139 : i32
    %and3A_141 = arith.constant 127 : i32
    %and3A_142 = arith.andi %add3A_140, %and3A_141 : i32
    %multiple_of3A_143 = tpu.assume_multiple %and3A_142, 32 : i32
    %shift_right_arithmetic3A_144 = arith.constant 7 : i32
    %shift_right_arithmetic3A_145 = arith.shrsi %add3A_140, %shift_right_arithmetic3A_144 : i32
    %dma_start3A_146 = arith.constant 0 : i32
    %dma_start3A_147 = arith.constant 160 : i32
    %dma_start3A_148 = tpu.memref_slice %arg9[%dma_start3A_146, %dma_start3A_147] : memref<2x256xi32, #tpu.memory_space<vmem>> -> memref<2x32xi32, #tpu.memory_space<vmem>>
    %dma_start3A_149 = arith.constant 0 : i32
    %dma_start3A_150 = tpu.memref_slice %arg6[%shift_right_arithmetic3A_145, %dma_start3A_149, %multiple_of3A_143] : memref<2500x2x128xi32, #tpu.memory_space<hbm>> -> memref<1x2x32xi32, #tpu.memory_space<hbm>>
    %dma_start3A_151 = tpu.memref_squeeze %dma_start3A_150 : memref<1x2x32xi32, #tpu.memory_space<hbm>> -> memref<2x32xi32, #tpu.memory_space<hbm>>
    %dma_start3A_152 = arith.constant 0 : i32
    %dma_start3A_153 = arith.constant 160 : i32
    %dma_start3A_154 = tpu.memref_slice %arg9[%dma_start3A_152, %dma_start3A_153] : memref<2x256xi32, #tpu.memory_space<vmem>> -> memref<2x32xi32, #tpu.memory_space<vmem>>
    %dma_start3A_155 = arith.constant 0 : i32
    %dma_start3A_156 = tpu.memref_slice %arg6[%shift_right_arithmetic3A_145, %dma_start3A_155, %multiple_of3A_143] : memref<2500x2x128xi32, #tpu.memory_space<hbm>> -> memref<1x2x32xi32, #tpu.memory_space<hbm>>
    %dma_start3A_157 = tpu.memref_squeeze %dma_start3A_156 : memref<1x2x32xi32, #tpu.memory_space<hbm>> -> memref<2x32xi32, #tpu.memory_space<hbm>>
    tpu.enqueue_dma source(%dma_start3A_157 : memref<2x32xi32, #tpu.memory_space<hbm>>) target(%dma_start3A_154 : memref<2x32xi32, #tpu.memory_space<vmem>>) target_semaphore(%arg26 : memref<!tpu.dma_semaphore, #tpu.memory_space<semaphore_mem>>)
    %add3A_158 = arith.constant 6400 : i32
    %add3A_159 = arith.addi %add3A_34, %add3A_158 : i32
    %add3A_160 = arith.constant 3200 : i32
    %add3A_161 = arith.addi %add3A_159, %add3A_160 : i32
    %and3A_162 = arith.constant 127 : i32
    %and3A_163 = arith.andi %add3A_161, %and3A_162 : i32
    %multiple_of3A_164 = tpu.assume_multiple %and3A_163, 32 : i32
    %shift_right_arithmetic3A_165 = arith.constant 7 : i32
    %shift_right_arithmetic3A_166 = arith.shrsi %add3A_161, %shift_right_arithmetic3A_165 : i32
    %dma_start3A_167 = arith.constant 0 : i32
    %dma_start3A_168 = arith.constant 192 : i32
    %dma_start3A_169 = tpu.memref_slice %arg9[%dma_start3A_167, %dma_start3A_168] : memref<2x256xi32, #tpu.memory_space<vmem>> -> memref<2x32xi32, #tpu.memory_space<vmem>>
    %dma_start3A_170 = arith.constant 0 : i32
    %dma_start3A_171 = tpu.memref_slice %arg6[%shift_right_arithmetic3A_166, %dma_start3A_170, %multiple_of3A_164] : memref<2500x2x128xi32, #tpu.memory_space<hbm>> -> memref<1x2x32xi32, #tpu.memory_space<hbm>>
    %dma_start3A_172 = tpu.memref_squeeze %dma_start3A_171 : memref<1x2x32xi32, #tpu.memory_space<hbm>> -> memref<2x32xi32, #tpu.memory_space<hbm>>
    %dma_start3A_173 = arith.constant 0 : i32
    %dma_start3A_174 = arith.constant 192 : i32
    %dma_start3A_175 = tpu.memref_slice %arg9[%dma_start3A_173, %dma_start3A_174] : memref<2x256xi32, #tpu.memory_space<vmem>> -> memref<2x32xi32, #tpu.memory_space<vmem>>
    %dma_start3A_176 = arith.constant 0 : i32
    %dma_start3A_177 = tpu.memref_slice %arg6[%shift_right_arithmetic3A_166, %dma_start3A_176, %multiple_of3A_164] : memref<2500x2x128xi32, #tpu.memory_space<hbm>> -> memref<1x2x32xi32, #tpu.memory_space<hbm>>
    %dma_start3A_178 = tpu.memref_squeeze %dma_start3A_177 : memref<1x2x32xi32, #tpu.memory_space<hbm>> -> memref<2x32xi32, #tpu.memory_space<hbm>>
    tpu.enqueue_dma source(%dma_start3A_178 : memref<2x32xi32, #tpu.memory_space<hbm>>) target(%dma_start3A_175 : memref<2x32xi32, #tpu.memory_space<vmem>>) target_semaphore(%arg26 : memref<!tpu.dma_semaphore, #tpu.memory_space<semaphore_mem>>)
    %add3A_179 = arith.constant 6400 : i32
    %add3A_180 = arith.addi %add3A_34, %add3A_179 : i32
    %add3A_181 = arith.constant 4800 : i32
    %add3A_182 = arith.addi %add3A_180, %add3A_181 : i32
    %and3A_183 = arith.constant 127 : i32
    %and3A_184 = arith.andi %add3A_182, %and3A_183 : i32
    %multiple_of3A_185 = tpu.assume_multiple %and3A_184, 32 : i32
    %shift_right_arithmetic3A_186 = arith.constant 7 : i32
    %shift_right_arithmetic3A_187 = arith.shrsi %add3A_182, %shift_right_arithmetic3A_186 : i32
    %dma_start3A_188 = arith.constant 0 : i32
    %dma_start3A_189 = arith.constant 224 : i32
    %dma_start3A_190 = tpu.memref_slice %arg9[%dma_start3A_188, %dma_start3A_189] : memref<2x256xi32, #tpu.memory_space<vmem>> -> memref<2x32xi32, #tpu.memory_space<vmem>>
    %dma_start3A_191 = arith.constant 0 : i32
    %dma_start3A_192 = tpu.memref_slice %arg6[%shift_right_arithmetic3A_187, %dma_start3A_191, %multiple_of3A_185] : memref<2500x2x128xi32, #tpu.memory_space<hbm>> -> memref<1x2x32xi32, #tpu.memory_space<hbm>>
    %dma_start3A_193 = tpu.memref_squeeze %dma_start3A_192 : memref<1x2x32xi32, #tpu.memory_space<hbm>> -> memref<2x32xi32, #tpu.memory_space<hbm>>
    %dma_start3A_194 = arith.constant 0 : i32
    %dma_start3A_195 = arith.constant 224 : i32
    %dma_start3A_196 = tpu.memref_slice %arg9[%dma_start3A_194, %dma_start3A_195] : memref<2x256xi32, #tpu.memory_space<vmem>> -> memref<2x32xi32, #tpu.memory_space<vmem>>
    %dma_start3A_197 = arith.constant 0 : i32
    %dma_start3A_198 = tpu.memref_slice %arg6[%shift_right_arithmetic3A_187, %dma_start3A_197, %multiple_of3A_185] : memref<2500x2x128xi32, #tpu.memory_space<hbm>> -> memref<1x2x32xi32, #tpu.memory_space<hbm>>
    %dma_start3A_199 = tpu.memref_squeeze %dma_start3A_198 : memref<1x2x32xi32, #tpu.memory_space<hbm>> -> memref<2x32xi32, #tpu.memory_space<hbm>>
    tpu.enqueue_dma source(%dma_start3A_199 : memref<2x32xi32, #tpu.memory_space<hbm>>) target(%dma_start3A_196 : memref<2x32xi32, #tpu.memory_space<vmem>>) target_semaphore(%arg26 : memref<!tpu.dma_semaphore, #tpu.memory_space<semaphore_mem>>)
    %mul3A_200 = arith.constant 32 : i32
    %mul3A_201 = arith.muli %add3A, %mul3A_200 : i32
    %dma_start3A_202 = arith.constant 0 : i32
    %dma_start3A_203 = arith.constant 0 : i32
    %dma_start3A_204 = tpu.memref_slice %arg17[%dma_start3A_202, %dma_start3A_203] : memref<64x128xf32, #tpu.memory_space<vmem>> -> memref<32x128xf32, #tpu.memory_space<vmem>>
    %dma_start3A_205 = arith.constant 0 : i32
    %dma_start3A_206 = tpu.memref_slice %arg4[%mul3A_201, %dma_start3A_205] : memref<40000x128xf32, #tpu.memory_space<hbm>> -> memref<32x128xf32, #tpu.memory_space<hbm>>
    %dma_start3A_207 = arith.constant 0 : i32
    %dma_start3A_208 = arith.constant 0 : i32
    %dma_start3A_209 = tpu.memref_slice %arg17[%dma_start3A_207, %dma_start3A_208] : memref<64x128xf32, #tpu.memory_space<vmem>> -> memref<32x128xf32, #tpu.memory_space<vmem>>
    %dma_start3A_210 = arith.constant 0 : i32
    %dma_start3A_211 = tpu.memref_slice %arg4[%mul3A_201, %dma_start3A_210] : memref<40000x128xf32, #tpu.memory_space<hbm>> -> memref<32x128xf32, #tpu.memory_space<hbm>>
    tpu.enqueue_dma source(%dma_start3A_211 : memref<32x128xf32, #tpu.memory_space<hbm>>) target(%dma_start3A_209 : memref<32x128xf32, #tpu.memory_space<vmem>>) target_semaphore(%arg28 : memref<!tpu.dma_semaphore, #tpu.memory_space<semaphore_mem>>)
    %mul3A_212 = arith.constant 32 : i32
    %mul3A_213 = arith.muli %add3A, %mul3A_212 : i32
    %dma_start3A_214 = arith.constant 32 : i32
    %dma_start3A_215 = arith.constant 0 : i32
    %dma_start3A_216 = tpu.memref_slice %arg17[%dma_start3A_214, %dma_start3A_215] : memref<64x128xf32, #tpu.memory_space<vmem>> -> memref<32x128xf32, #tpu.memory_space<vmem>>
    %dma_start3A_217 = arith.constant 0 : i32
    %dma_start3A_218 = tpu.memref_slice %arg5[%mul3A_213, %dma_start3A_217] : memref<40000x128xf32, #tpu.memory_space<hbm>> -> memref<32x128xf32, #tpu.memory_space<hbm>>
    %dma_start3A_219 = arith.constant 32 : i32
    %dma_start3A_220 = arith.constant 0 : i32
    %dma_start3A_221 = tpu.memref_slice %arg17[%dma_start3A_219, %dma_start3A_220] : memref<64x128xf32, #tpu.memory_space<vmem>> -> memref<32x128xf32, #tpu.memory_space<vmem>>
    %dma_start3A_222 = arith.constant 0 : i32
    %dma_start3A_223 = tpu.memref_slice %arg5[%mul3A_213, %dma_start3A_222] : memref<40000x128xf32, #tpu.memory_space<hbm>> -> memref<32x128xf32, #tpu.memory_space<hbm>>
    tpu.enqueue_dma source(%dma_start3A_223 : memref<32x128xf32, #tpu.memory_space<hbm>>) target(%dma_start3A_221 : memref<32x128xf32, #tpu.memory_space<vmem>>) target_semaphore(%arg28 : memref<!tpu.dma_semaphore, #tpu.memory_space<semaphore_mem>>)
    %dma_wait3A = arith.constant 0 : i32
    %dma_wait3A_224 = arith.constant 0 : i32
    %dma_wait3A_225 = arith.constant 0 : i32
    %dma_wait3A_226 = tpu.memref_slice %arg6[%dma_wait3A, %dma_wait3A_224, %dma_wait3A_225] : memref<2500x2x128xi32, #tpu.memory_space<hbm>> -> memref<1x2x128xi32, #tpu.memory_space<hbm>>
    %dma_wait3A_227 = tpu.memref_squeeze %dma_wait3A_226 : memref<1x2x128xi32, #tpu.memory_space<hbm>> -> memref<2x128xi32, #tpu.memory_space<hbm>>
    %dma_wait3A_228 = arith.constant 0 : i32
    %dma_wait3A_229 = arith.constant 0 : i32
    %dma_wait3A_230 = tpu.memref_slice %arg6[%dma_wait3A, %dma_wait3A_228, %dma_wait3A_229] : memref<2500x2x128xi32, #tpu.memory_space<hbm>> -> memref<1x2x128xi32, #tpu.memory_space<hbm>>
    %dma_wait3A_231 = tpu.memref_squeeze %dma_wait3A_230 : memref<1x2x128xi32, #tpu.memory_space<hbm>> -> memref<2x128xi32, #tpu.memory_space<hbm>>
    tpu.wait_dma2 semaphore(%arg26 : memref<!tpu.dma_semaphore, #tpu.memory_space<semaphore_mem>>) src(%dma_wait3A_231 : memref<2x128xi32, #tpu.memory_space<hbm>>) dst(%arg9 : memref<2x256xi32, #tpu.memory_space<vmem>>)
    %dma_start3A_232 = arith.constant 0 : i32
    %dma_start3A_233 = arith.constant 0 : i32
    %dma_start3A_234 = tpu.memref_slice %arg9[%dma_start3A_232, %dma_start3A_233] : memref<2x256xi32, #tpu.memory_space<vmem>> -> memref<1x256xi32, #tpu.memory_space<vmem>>
    %dma_start3A_235 = tpu.memref_squeeze %dma_start3A_234 : memref<1x256xi32, #tpu.memory_space<vmem>> -> memref<256xi32, #tpu.memory_space<vmem>>
    %dma_start3A_236 = arith.constant 0 : i32
    %dma_start3A_237 = arith.constant 0 : i32
    %dma_start3A_238 = tpu.memref_slice %arg2[%dma_start3A_236, %dma_start3A_237] : memref<10000x32xf32, #tpu.memory_space<hbm>> -> memref<10000x32xf32, #tpu.memory_space<hbm>>
    tpu.enqueue_indirect_dma source(%dma_start3A_238 : memref<10000x32xf32, #tpu.memory_space<hbm>>) target(%arg13 : memref<256x32xf32, #tpu.memory_space<vmem>>) offsets(%dma_start3A_235 : memref<256xi32, #tpu.memory_space<vmem>>) semaphore(%arg30 : memref<!tpu.dma_semaphore, #tpu.memory_space<semaphore_mem>>)
    %dma_start3A_239 = arith.constant 1 : i32
    %dma_start3A_240 = arith.constant 0 : i32
    %dma_start3A_241 = tpu.memref_slice %arg9[%dma_start3A_239, %dma_start3A_240] : memref<2x256xi32, #tpu.memory_space<vmem>> -> memref<1x256xi32, #tpu.memory_space<vmem>>
    %dma_start3A_242 = tpu.memref_squeeze %dma_start3A_241 : memref<1x256xi32, #tpu.memory_space<vmem>> -> memref<256xi32, #tpu.memory_space<vmem>>
    %dma_start3A_243 = arith.constant 0 : i32
    %dma_start3A_244 = arith.constant 0 : i32
    %dma_start3A_245 = tpu.memref_slice %arg3[%dma_start3A_243, %dma_start3A_244] : memref<10000x32xf32, #tpu.memory_space<hbm>> -> memref<10000x32xf32, #tpu.memory_space<hbm>>
    tpu.enqueue_indirect_dma source(%dma_start3A_245 : memref<10000x32xf32, #tpu.memory_space<hbm>>) target(%arg14 : memref<256x32xf32, #tpu.memory_space<vmem>>) offsets(%dma_start3A_242 : memref<256xi32, #tpu.memory_space<vmem>>) semaphore(%arg30 : memref<!tpu.dma_semaphore, #tpu.memory_space<semaphore_mem>>)
    %add3A_246 = arith.constant 32 : i32
    %add3A_247 = arith.addi %add3A_246, %add3A : i32
    %mul3A_248 = arith.constant 10486 : i32
    %mul3A_249 = arith.muli %add3A_247, %mul3A_248 : i32
    %shift_right_arithmetic3A_250 = arith.constant 19 : i32
    %shift_right_arithmetic3A_251 = arith.shrsi %mul3A_249, %shift_right_arithmetic3A_250 : i32
    %mul3A_252 = arith.constant 12800 : i32
    %mul3A_253 = arith.muli %mul3A_252, %shift_right_arithmetic3A_251 : i32
    %mul3A_254 = arith.constant 50 : i32
    %mul3A_255 = arith.muli %mul3A_254, %shift_right_arithmetic3A_251 : i32
    %sub3A_256 = arith.subi %add3A_247, %mul3A_255 : i32
    %mul3A_257 = arith.constant 32 : i32
    %mul3A_258 = arith.muli %mul3A_257, %sub3A_256 : i32
    %add3A_259 = arith.addi %mul3A_253, %mul3A_258 : i32
    %add3A_260 = arith.constant 0 : i32
    %add3A_261 = arith.addi %add3A_259, %add3A_260 : i32
    %add3A_262 = arith.constant 0 : i32
    %add3A_263 = arith.addi %add3A_261, %add3A_262 : i32
    %and3A_264 = arith.constant 127 : i32
    %and3A_265 = arith.andi %add3A_263, %and3A_264 : i32
    %multiple_of3A_266 = tpu.assume_multiple %and3A_265, 32 : i32
    %shift_right_arithmetic3A_267 = arith.constant 7 : i32
    %shift_right_arithmetic3A_268 = arith.shrsi %add3A_263, %shift_right_arithmetic3A_267 : i32
    %dma_start3A_269 = arith.constant 0 : i32
    %dma_start3A_270 = arith.constant 0 : i32
    %dma_start3A_271 = tpu.memref_slice %arg10[%dma_start3A_269, %dma_start3A_270] : memref<2x256xi32, #tpu.memory_space<vmem>> -> memref<2x32xi32, #tpu.memory_space<vmem>>
    %dma_start3A_272 = arith.constant 0 : i32
    %dma_start3A_273 = tpu.memref_slice %arg6[%shift_right_arithmetic3A_268, %dma_start3A_272, %multiple_of3A_266] : memref<2500x2x128xi32, #tpu.memory_space<hbm>> -> memref<1x2x32xi32, #tpu.memory_space<hbm>>
    %dma_start3A_274 = tpu.memref_squeeze %dma_start3A_273 : memref<1x2x32xi32, #tpu.memory_space<hbm>> -> memref<2x32xi32, #tpu.memory_space<hbm>>
    %dma_start3A_275 = arith.constant 0 : i32
    %dma_start3A_276 = arith.constant 0 : i32
    %dma_start3A_277 = tpu.memref_slice %arg10[%dma_start3A_275, %dma_start3A_276] : memref<2x256xi32, #tpu.memory_space<vmem>> -> memref<2x32xi32, #tpu.memory_space<vmem>>
    %dma_start3A_278 = arith.constant 0 : i32
    %dma_start3A_279 = tpu.memref_slice %arg6[%shift_right_arithmetic3A_268, %dma_start3A_278, %multiple_of3A_266] : memref<2500x2x128xi32, #tpu.memory_space<hbm>> -> memref<1x2x32xi32, #tpu.memory_space<hbm>>
    %dma_start3A_280 = tpu.memref_squeeze %dma_start3A_279 : memref<1x2x32xi32, #tpu.memory_space<hbm>> -> memref<2x32xi32, #tpu.memory_space<hbm>>
    tpu.enqueue_dma source(%dma_start3A_280 : memref<2x32xi32, #tpu.memory_space<hbm>>) target(%dma_start3A_277 : memref<2x32xi32, #tpu.memory_space<vmem>>) target_semaphore(%arg27 : memref<!tpu.dma_semaphore, #tpu.memory_space<semaphore_mem>>)
    %add3A_281 = arith.constant 0 : i32
    %add3A_282 = arith.addi %add3A_259, %add3A_281 : i32
    %add3A_283 = arith.constant 1600 : i32
    %add3A_284 = arith.addi %add3A_282, %add3A_283 : i32
    %and3A_285 = arith.constant 127 : i32
    %and3A_286 = arith.andi %add3A_284, %and3A_285 : i32
    %multiple_of3A_287 = tpu.assume_multiple %and3A_286, 32 : i32
    %shift_right_arithmetic3A_288 = arith.constant 7 : i32
    %shift_right_arithmetic3A_289 = arith.shrsi %add3A_284, %shift_right_arithmetic3A_288 : i32
    %dma_start3A_290 = arith.constant 0 : i32
    %dma_start3A_291 = arith.constant 32 : i32
    %dma_start3A_292 = tpu.memref_slice %arg10[%dma_start3A_290, %dma_start3A_291] : memref<2x256xi32, #tpu.memory_space<vmem>> -> memref<2x32xi32, #tpu.memory_space<vmem>>
    %dma_start3A_293 = arith.constant 0 : i32
    %dma_start3A_294 = tpu.memref_slice %arg6[%shift_right_arithmetic3A_289, %dma_start3A_293, %multiple_of3A_287] : memref<2500x2x128xi32, #tpu.memory_space<hbm>> -> memref<1x2x32xi32, #tpu.memory_space<hbm>>
    %dma_start3A_295 = tpu.memref_squeeze %dma_start3A_294 : memref<1x2x32xi32, #tpu.memory_space<hbm>> -> memref<2x32xi32, #tpu.memory_space<hbm>>
    %dma_start3A_296 = arith.constant 0 : i32
    %dma_start3A_297 = arith.constant 32 : i32
    %dma_start3A_298 = tpu.memref_slice %arg10[%dma_start3A_296, %dma_start3A_297] : memref<2x256xi32, #tpu.memory_space<vmem>> -> memref<2x32xi32, #tpu.memory_space<vmem>>
    %dma_start3A_299 = arith.constant 0 : i32
    %dma_start3A_300 = tpu.memref_slice %arg6[%shift_right_arithmetic3A_289, %dma_start3A_299, %multiple_of3A_287] : memref<2500x2x128xi32, #tpu.memory_space<hbm>> -> memref<1x2x32xi32, #tpu.memory_space<hbm>>
    %dma_start3A_301 = tpu.memref_squeeze %dma_start3A_300 : memref<1x2x32xi32, #tpu.memory_space<hbm>> -> memref<2x32xi32, #tpu.memory_space<hbm>>
    tpu.enqueue_dma source(%dma_start3A_301 : memref<2x32xi32, #tpu.memory_space<hbm>>) target(%dma_start3A_298 : memref<2x32xi32, #tpu.memory_space<vmem>>) target_semaphore(%arg27 : memref<!tpu.dma_semaphore, #tpu.memory_space<semaphore_mem>>)
    %add3A_302 = arith.constant 0 : i32
    %add3A_303 = arith.addi %add3A_259, %add3A_302 : i32
    %add3A_304 = arith.constant 3200 : i32
    %add3A_305 = arith.addi %add3A_303, %add3A_304 : i32
    %and3A_306 = arith.constant 127 : i32
    %and3A_307 = arith.andi %add3A_305, %and3A_306 : i32
    %multiple_of3A_308 = tpu.assume_multiple %and3A_307, 32 : i32
    %shift_right_arithmetic3A_309 = arith.constant 7 : i32
    %shift_right_arithmetic3A_310 = arith.shrsi %add3A_305, %shift_right_arithmetic3A_309 : i32
    %dma_start3A_311 = arith.constant 0 : i32
    %dma_start3A_312 = arith.constant 64 : i32
    %dma_start3A_313 = tpu.memref_slice %arg10[%dma_start3A_311, %dma_start3A_312] : memref<2x256xi32, #tpu.memory_space<vmem>> -> memref<2x32xi32, #tpu.memory_space<vmem>>
    %dma_start3A_314 = arith.constant 0 : i32
    %dma_start3A_315 = tpu.memref_slice %arg6[%shift_right_arithmetic3A_310, %dma_start3A_314, %multiple_of3A_308] : memref<2500x2x128xi32, #tpu.memory_space<hbm>> -> memref<1x2x32xi32, #tpu.memory_space<hbm>>
    %dma_start3A_316 = tpu.memref_squeeze %dma_start3A_315 : memref<1x2x32xi32, #tpu.memory_space<hbm>> -> memref<2x32xi32, #tpu.memory_space<hbm>>
    %dma_start3A_317 = arith.constant 0 : i32
    %dma_start3A_318 = arith.constant 64 : i32
    %dma_start3A_319 = tpu.memref_slice %arg10[%dma_start3A_317, %dma_start3A_318] : memref<2x256xi32, #tpu.memory_space<vmem>> -> memref<2x32xi32, #tpu.memory_space<vmem>>
    %dma_start3A_320 = arith.constant 0 : i32
    %dma_start3A_321 = tpu.memref_slice %arg6[%shift_right_arithmetic3A_310, %dma_start3A_320, %multiple_of3A_308] : memref<2500x2x128xi32, #tpu.memory_space<hbm>> -> memref<1x2x32xi32, #tpu.memory_space<hbm>>
    %dma_start3A_322 = tpu.memref_squeeze %dma_start3A_321 : memref<1x2x32xi32, #tpu.memory_space<hbm>> -> memref<2x32xi32, #tpu.memory_space<hbm>>
    tpu.enqueue_dma source(%dma_start3A_322 : memref<2x32xi32, #tpu.memory_space<hbm>>) target(%dma_start3A_319 : memref<2x32xi32, #tpu.memory_space<vmem>>) target_semaphore(%arg27 : memref<!tpu.dma_semaphore, #tpu.memory_space<semaphore_mem>>)
    %add3A_323 = arith.constant 0 : i32
    %add3A_324 = arith.addi %add3A_259, %add3A_323 : i32
    %add3A_325 = arith.constant 4800 : i32
    %add3A_326 = arith.addi %add3A_324, %add3A_325 : i32
    %and3A_327 = arith.constant 127 : i32
    %and3A_328 = arith.andi %add3A_326, %and3A_327 : i32
    %multiple_of3A_329 = tpu.assume_multiple %and3A_328, 32 : i32
    %shift_right_arithmetic3A_330 = arith.constant 7 : i32
    %shift_right_arithmetic3A_331 = arith.shrsi %add3A_326, %shift_right_arithmetic3A_330 : i32
    %dma_start3A_332 = arith.constant 0 : i32
    %dma_start3A_333 = arith.constant 96 : i32
    %dma_start3A_334 = tpu.memref_slice %arg10[%dma_start3A_332, %dma_start3A_333] : memref<2x256xi32, #tpu.memory_space<vmem>> -> memref<2x32xi32, #tpu.memory_space<vmem>>
    %dma_start3A_335 = arith.constant 0 : i32
    %dma_start3A_336 = tpu.memref_slice %arg6[%shift_right_arithmetic3A_331, %dma_start3A_335, %multiple_of3A_329] : memref<2500x2x128xi32, #tpu.memory_space<hbm>> -> memref<1x2x32xi32, #tpu.memory_space<hbm>>
    %dma_start3A_337 = tpu.memref_squeeze %dma_start3A_336 : memref<1x2x32xi32, #tpu.memory_space<hbm>> -> memref<2x32xi32, #tpu.memory_space<hbm>>
    %dma_start3A_338 = arith.constant 0 : i32
    %dma_start3A_339 = arith.constant 96 : i32
    %dma_start3A_340 = tpu.memref_slice %arg10[%dma_start3A_338, %dma_start3A_339] : memref<2x256xi32, #tpu.memory_space<vmem>> -> memref<2x32xi32, #tpu.memory_space<vmem>>
    %dma_start3A_341 = arith.constant 0 : i32
    %dma_start3A_342 = tpu.memref_slice %arg6[%shift_right_arithmetic3A_331, %dma_start3A_341, %multiple_of3A_329] : memref<2500x2x128xi32, #tpu.memory_space<hbm>> -> memref<1x2x32xi32, #tpu.memory_space<hbm>>
    %dma_start3A_343 = tpu.memref_squeeze %dma_start3A_342 : memref<1x2x32xi32, #tpu.memory_space<hbm>> -> memref<2x32xi32, #tpu.memory_space<hbm>>
    tpu.enqueue_dma source(%dma_start3A_343 : memref<2x32xi32, #tpu.memory_space<hbm>>) target(%dma_start3A_340 : memref<2x32xi32, #tpu.memory_space<vmem>>) target_semaphore(%arg27 : memref<!tpu.dma_semaphore, #tpu.memory_space<semaphore_mem>>)
    %add3A_344 = arith.constant 6400 : i32
    %add3A_345 = arith.addi %add3A_259, %add3A_344 : i32
    %add3A_346 = arith.constant 0 : i32
    %add3A_347 = arith.addi %add3A_345, %add3A_346 : i32
    %and3A_348 = arith.constant 127 : i32
    %and3A_349 = arith.andi %add3A_347, %and3A_348 : i32
    %multiple_of3A_350 = tpu.assume_multiple %and3A_349, 32 : i32
    %shift_right_arithmetic3A_351 = arith.constant 7 : i32
    %shift_right_arithmetic3A_352 = arith.shrsi %add3A_347, %shift_right_arithmetic3A_351 : i32
    %dma_start3A_353 = arith.constant 0 : i32
    %dma_start3A_354 = arith.constant 128 : i32
    %dma_start3A_355 = tpu.memref_slice %arg10[%dma_start3A_353, %dma_start3A_354] : memref<2x256xi32, #tpu.memory_space<vmem>> -> memref<2x32xi32, #tpu.memory_space<vmem>>
    %dma_start3A_356 = arith.constant 0 : i32
    %dma_start3A_357 = tpu.memref_slice %arg6[%shift_right_arithmetic3A_352, %dma_start3A_356, %multiple_of3A_350] : memref<2500x2x128xi32, #tpu.memory_space<hbm>> -> memref<1x2x32xi32, #tpu.memory_space<hbm>>
    %dma_start3A_358 = tpu.memref_squeeze %dma_start3A_357 : memref<1x2x32xi32, #tpu.memory_space<hbm>> -> memref<2x32xi32, #tpu.memory_space<hbm>>
    %dma_start3A_359 = arith.constant 0 : i32
    %dma_start3A_360 = arith.constant 128 : i32
    %dma_start3A_361 = tpu.memref_slice %arg10[%dma_start3A_359, %dma_start3A_360] : memref<2x256xi32, #tpu.memory_space<vmem>> -> memref<2x32xi32, #tpu.memory_space<vmem>>
    %dma_start3A_362 = arith.constant 0 : i32
    %dma_start3A_363 = tpu.memref_slice %arg6[%shift_right_arithmetic3A_352, %dma_start3A_362, %multiple_of3A_350] : memref<2500x2x128xi32, #tpu.memory_space<hbm>> -> memref<1x2x32xi32, #tpu.memory_space<hbm>>
    %dma_start3A_364 = tpu.memref_squeeze %dma_start3A_363 : memref<1x2x32xi32, #tpu.memory_space<hbm>> -> memref<2x32xi32, #tpu.memory_space<hbm>>
    tpu.enqueue_dma source(%dma_start3A_364 : memref<2x32xi32, #tpu.memory_space<hbm>>) target(%dma_start3A_361 : memref<2x32xi32, #tpu.memory_space<vmem>>) target_semaphore(%arg27 : memref<!tpu.dma_semaphore, #tpu.memory_space<semaphore_mem>>)
    %add3A_365 = arith.constant 6400 : i32
    %add3A_366 = arith.addi %add3A_259, %add3A_365 : i32
    %add3A_367 = arith.constant 1600 : i32
    %add3A_368 = arith.addi %add3A_366, %add3A_367 : i32
    %and3A_369 = arith.constant 127 : i32
    %and3A_370 = arith.andi %add3A_368, %and3A_369 : i32
    %multiple_of3A_371 = tpu.assume_multiple %and3A_370, 32 : i32
    %shift_right_arithmetic3A_372 = arith.constant 7 : i32
    %shift_right_arithmetic3A_373 = arith.shrsi %add3A_368, %shift_right_arithmetic3A_372 : i32
    %dma_start3A_374 = arith.constant 0 : i32
    %dma_start3A_375 = arith.constant 160 : i32
    %dma_start3A_376 = tpu.memref_slice %arg10[%dma_start3A_374, %dma_start3A_375] : memref<2x256xi32, #tpu.memory_space<vmem>> -> memref<2x32xi32, #tpu.memory_space<vmem>>
    %dma_start3A_377 = arith.constant 0 : i32
    %dma_start3A_378 = tpu.memref_slice %arg6[%shift_right_arithmetic3A_373, %dma_start3A_377, %multiple_of3A_371] : memref<2500x2x128xi32, #tpu.memory_space<hbm>> -> memref<1x2x32xi32, #tpu.memory_space<hbm>>
    %dma_start3A_379 = tpu.memref_squeeze %dma_start3A_378 : memref<1x2x32xi32, #tpu.memory_space<hbm>> -> memref<2x32xi32, #tpu.memory_space<hbm>>
    %dma_start3A_380 = arith.constant 0 : i32
    %dma_start3A_381 = arith.constant 160 : i32
    %dma_start3A_382 = tpu.memref_slice %arg10[%dma_start3A_380, %dma_start3A_381] : memref<2x256xi32, #tpu.memory_space<vmem>> -> memref<2x32xi32, #tpu.memory_space<vmem>>
    %dma_start3A_383 = arith.constant 0 : i32
    %dma_start3A_384 = tpu.memref_slice %arg6[%shift_right_arithmetic3A_373, %dma_start3A_383, %multiple_of3A_371] : memref<2500x2x128xi32, #tpu.memory_space<hbm>> -> memref<1x2x32xi32, #tpu.memory_space<hbm>>
    %dma_start3A_385 = tpu.memref_squeeze %dma_start3A_384 : memref<1x2x32xi32, #tpu.memory_space<hbm>> -> memref<2x32xi32, #tpu.memory_space<hbm>>
    tpu.enqueue_dma source(%dma_start3A_385 : memref<2x32xi32, #tpu.memory_space<hbm>>) target(%dma_start3A_382 : memref<2x32xi32, #tpu.memory_space<vmem>>) target_semaphore(%arg27 : memref<!tpu.dma_semaphore, #tpu.memory_space<semaphore_mem>>)
    %add3A_386 = arith.constant 6400 : i32
    %add3A_387 = arith.addi %add3A_259, %add3A_386 : i32
    %add3A_388 = arith.constant 3200 : i32
    %add3A_389 = arith.addi %add3A_387, %add3A_388 : i32
    %and3A_390 = arith.constant 127 : i32
    %and3A_391 = arith.andi %add3A_389, %and3A_390 : i32
    %multiple_of3A_392 = tpu.assume_multiple %and3A_391, 32 : i32
    %shift_right_arithmetic3A_393 = arith.constant 7 : i32
    %shift_right_arithmetic3A_394 = arith.shrsi %add3A_389, %shift_right_arithmetic3A_393 : i32
    %dma_start3A_395 = arith.constant 0 : i32
    %dma_start3A_396 = arith.constant 192 : i32
    %dma_start3A_397 = tpu.memref_slice %arg10[%dma_start3A_395, %dma_start3A_396] : memref<2x256xi32, #tpu.memory_space<vmem>> -> memref<2x32xi32, #tpu.memory_space<vmem>>
    %dma_start3A_398 = arith.constant 0 : i32
    %dma_start3A_399 = tpu.memref_slice %arg6[%shift_right_arithmetic3A_394, %dma_start3A_398, %multiple_of3A_392] : memref<2500x2x128xi32, #tpu.memory_space<hbm>> -> memref<1x2x32xi32, #tpu.memory_space<hbm>>
    %dma_start3A_400 = tpu.memref_squeeze %dma_start3A_399 : memref<1x2x32xi32, #tpu.memory_space<hbm>> -> memref<2x32xi32, #tpu.memory_space<hbm>>
    %dma_start3A_401 = arith.constant 0 : i32
    %dma_start3A_402 = arith.constant 192 : i32
    %dma_start3A_403 = tpu.memref_slice %arg10[%dma_start3A_401, %dma_start3A_402] : memref<2x256xi32, #tpu.memory_space<vmem>> -> memref<2x32xi32, #tpu.memory_space<vmem>>
    %dma_start3A_404 = arith.constant 0 : i32
    %dma_start3A_405 = tpu.memref_slice %arg6[%shift_right_arithmetic3A_394, %dma_start3A_404, %multiple_of3A_392] : memref<2500x2x128xi32, #tpu.memory_space<hbm>> -> memref<1x2x32xi32, #tpu.memory_space<hbm>>
    %dma_start3A_406 = tpu.memref_squeeze %dma_start3A_405 : memref<1x2x32xi32, #tpu.memory_space<hbm>> -> memref<2x32xi32, #tpu.memory_space<hbm>>
    tpu.enqueue_dma source(%dma_start3A_406 : memref<2x32xi32, #tpu.memory_space<hbm>>) target(%dma_start3A_403 : memref<2x32xi32, #tpu.memory_space<vmem>>) target_semaphore(%arg27 : memref<!tpu.dma_semaphore, #tpu.memory_space<semaphore_mem>>)
    %add3A_407 = arith.constant 6400 : i32
    %add3A_408 = arith.addi %add3A_259, %add3A_407 : i32
    %add3A_409 = arith.constant 4800 : i32
    %add3A_410 = arith.addi %add3A_408, %add3A_409 : i32
    %and3A_411 = arith.constant 127 : i32
    %and3A_412 = arith.andi %add3A_410, %and3A_411 : i32
    %multiple_of3A_413 = tpu.assume_multiple %and3A_412, 32 : i32
    %shift_right_arithmetic3A_414 = arith.constant 7 : i32
    %shift_right_arithmetic3A_415 = arith.shrsi %add3A_410, %shift_right_arithmetic3A_414 : i32
    %dma_start3A_416 = arith.constant 0 : i32
    %dma_start3A_417 = arith.constant 224 : i32
    %dma_start3A_418 = tpu.memref_slice %arg10[%dma_start3A_416, %dma_start3A_417] : memref<2x256xi32, #tpu.memory_space<vmem>> -> memref<2x32xi32, #tpu.memory_space<vmem>>
    %dma_start3A_419 = arith.constant 0 : i32
    %dma_start3A_420 = tpu.memref_slice %arg6[%shift_right_arithmetic3A_415, %dma_start3A_419, %multiple_of3A_413] : memref<2500x2x128xi32, #tpu.memory_space<hbm>> -> memref<1x2x32xi32, #tpu.memory_space<hbm>>
    %dma_start3A_421 = tpu.memref_squeeze %dma_start3A_420 : memref<1x2x32xi32, #tpu.memory_space<hbm>> -> memref<2x32xi32, #tpu.memory_space<hbm>>
    %dma_start3A_422 = arith.constant 0 : i32
    %dma_start3A_423 = arith.constant 224 : i32
    %dma_start3A_424 = tpu.memref_slice %arg10[%dma_start3A_422, %dma_start3A_423] : memref<2x256xi32, #tpu.memory_space<vmem>> -> memref<2x32xi32, #tpu.memory_space<vmem>>
    %dma_start3A_425 = arith.constant 0 : i32
    %dma_start3A_426 = tpu.memref_slice %arg6[%shift_right_arithmetic3A_415, %dma_start3A_425, %multiple_of3A_413] : memref<2500x2x128xi32, #tpu.memory_space<hbm>> -> memref<1x2x32xi32, #tpu.memory_space<hbm>>
    %dma_start3A_427 = tpu.memref_squeeze %dma_start3A_426 : memref<1x2x32xi32, #tpu.memory_space<hbm>> -> memref<2x32xi32, #tpu.memory_space<hbm>>
    tpu.enqueue_dma source(%dma_start3A_427 : memref<2x32xi32, #tpu.memory_space<hbm>>) target(%dma_start3A_424 : memref<2x32xi32, #tpu.memory_space<vmem>>) target_semaphore(%arg27 : memref<!tpu.dma_semaphore, #tpu.memory_space<semaphore_mem>>)
    %add3A_428 = arith.constant 32 : i32
    %add3A_429 = arith.addi %add3A_428, %add3A : i32
    %mul3A_430 = arith.constant 32 : i32
    %mul3A_431 = arith.muli %add3A_429, %mul3A_430 : i32
    %dma_start3A_432 = arith.constant 0 : i32
    %dma_start3A_433 = arith.constant 0 : i32
    %dma_start3A_434 = tpu.memref_slice %arg18[%dma_start3A_432, %dma_start3A_433] : memref<64x128xf32, #tpu.memory_space<vmem>> -> memref<32x128xf32, #tpu.memory_space<vmem>>
    %dma_start3A_435 = arith.constant 0 : i32
    %dma_start3A_436 = tpu.memref_slice %arg4[%mul3A_431, %dma_start3A_435] : memref<40000x128xf32, #tpu.memory_space<hbm>> -> memref<32x128xf32, #tpu.memory_space<hbm>>
    %dma_start3A_437 = arith.constant 0 : i32
    %dma_start3A_438 = arith.constant 0 : i32
    %dma_start3A_439 = tpu.memref_slice %arg18[%dma_start3A_437, %dma_start3A_438] : memref<64x128xf32, #tpu.memory_space<vmem>> -> memref<32x128xf32, #tpu.memory_space<vmem>>
    %dma_start3A_440 = arith.constant 0 : i32
    %dma_start3A_441 = tpu.memref_slice %arg4[%mul3A_431, %dma_start3A_440] : memref<40000x128xf32, #tpu.memory_space<hbm>> -> memref<32x128xf32, #tpu.memory_space<hbm>>
    tpu.enqueue_dma source(%dma_start3A_441 : memref<32x128xf32, #tpu.memory_space<hbm>>) target(%dma_start3A_439 : memref<32x128xf32, #tpu.memory_space<vmem>>) target_semaphore(%arg29 : memref<!tpu.dma_semaphore, #tpu.memory_space<semaphore_mem>>)
    %mul3A_442 = arith.constant 32 : i32
    %mul3A_443 = arith.muli %add3A_429, %mul3A_442 : i32
    %dma_start3A_444 = arith.constant 32 : i32
    %dma_start3A_445 = arith.constant 0 : i32
    %dma_start3A_446 = tpu.memref_slice %arg18[%dma_start3A_444, %dma_start3A_445] : memref<64x128xf32, #tpu.memory_space<vmem>> -> memref<32x128xf32, #tpu.memory_space<vmem>>
    %dma_start3A_447 = arith.constant 0 : i32
    %dma_start3A_448 = tpu.memref_slice %arg5[%mul3A_443, %dma_start3A_447] : memref<40000x128xf32, #tpu.memory_space<hbm>> -> memref<32x128xf32, #tpu.memory_space<hbm>>
    %dma_start3A_449 = arith.constant 32 : i32
    %dma_start3A_450 = arith.constant 0 : i32
    %dma_start3A_451 = tpu.memref_slice %arg18[%dma_start3A_449, %dma_start3A_450] : memref<64x128xf32, #tpu.memory_space<vmem>> -> memref<32x128xf32, #tpu.memory_space<vmem>>
    %dma_start3A_452 = arith.constant 0 : i32
    %dma_start3A_453 = tpu.memref_slice %arg5[%mul3A_443, %dma_start3A_452] : memref<40000x128xf32, #tpu.memory_space<hbm>> -> memref<32x128xf32, #tpu.memory_space<hbm>>
    tpu.enqueue_dma source(%dma_start3A_453 : memref<32x128xf32, #tpu.memory_space<hbm>>) target(%dma_start3A_451 : memref<32x128xf32, #tpu.memory_space<vmem>>) target_semaphore(%arg29 : memref<!tpu.dma_semaphore, #tpu.memory_space<semaphore_mem>>)
    %scan3A_454 = arith.constant 0 : i32
    %scan3A_455 = arith.constant 0 : i32
    %scan3A_456 = arith.constant 10 : i32
    %scan3A_457 = arith.addi %scan3A_455, %scan3A_456 : i32
    %scan3A_458 = arith.constant 1 : i32
    scf.for %scan3A_486 = %scan3A_455 to %scan3A_457 step %scan3A_458  : i32 {
      %mul3A_487 = arith.constant 4 : i32
      %mul3A_488 = arith.muli %mul3A_487, %scan3A_486 : i32
      %add3A_489 = arith.constant 0 : i32
      %add3A_490 = arith.addi %mul3A_488, %add3A_489 : i32
      %mul3A_491 = arith.constant 32 : i32
      %mul3A_492 = arith.muli %add3A_490, %mul3A_491 : i32
      %add3A_493 = arith.addi %mul3A_492, %add3A : i32
      %lt3A_494 = arith.constant 1250 : i32
      %lt3A_495 = arith.cmpi slt, %add3A_493, %lt3A_494 : i32
      %add3A_496 = arith.constant 32 : i32
      %add3A_497 = arith.addi %add3A_493, %add3A_496 : i32
      %lt3A_498 = arith.constant 1250 : i32
      %lt3A_499 = arith.cmpi slt, %add3A_497, %lt3A_498 : i32
      %add3A_500 = arith.constant 64 : i32
      %add3A_501 = arith.addi %add3A_493, %add3A_500 : i32
      %lt3A_502 = arith.constant 1250 : i32
      %lt3A_503 = arith.cmpi slt, %add3A_501, %lt3A_502 : i32
      %convert_element_type3A_504 = arith.extui %lt3A_495 : i1 to i32
      %cond3A_505 = arith.constant 0 : i32
      %cond3A_506 = arith.cmpi ne, %convert_element_type3A_504, %cond3A_505 : i32
      scf.if %cond3A_506 {
        %dma_wait3A_646 = arith.constant 0 : i32
        %dma_wait3A_647 = arith.constant 0 : i32
        %dma_wait3A_648 = tpu.memref_slice %arg2[%dma_wait3A_646, %dma_wait3A_647] : memref<10000x32xf32, #tpu.memory_space<hbm>> -> memref<256x32xf32, #tpu.memory_space<hbm>>
        %dma_wait3A_649 = arith.constant 0 : i32
        %dma_wait3A_650 = arith.constant 0 : i32
        %dma_wait3A_651 = tpu.memref_slice %arg2[%dma_wait3A_649, %dma_wait3A_650] : memref<10000x32xf32, #tpu.memory_space<hbm>> -> memref<256x32xf32, #tpu.memory_space<hbm>>
        tpu.wait_dma2 semaphore(%arg30 : memref<!tpu.dma_semaphore, #tpu.memory_space<semaphore_mem>>) src(%dma_wait3A_651 : memref<256x32xf32, #tpu.memory_space<hbm>>) dst(%arg13 : memref<256x32xf32, #tpu.memory_space<vmem>>)
        %dma_wait3A_652 = arith.constant 0 : i32
        %dma_wait3A_653 = arith.constant 0 : i32
        %dma_wait3A_654 = tpu.memref_slice %arg3[%dma_wait3A_652, %dma_wait3A_653] : memref<10000x32xf32, #tpu.memory_space<hbm>> -> memref<256x32xf32, #tpu.memory_space<hbm>>
        %dma_wait3A_655 = arith.constant 0 : i32
        %dma_wait3A_656 = arith.constant 0 : i32
        %dma_wait3A_657 = tpu.memref_slice %arg3[%dma_wait3A_655, %dma_wait3A_656] : memref<10000x32xf32, #tpu.memory_space<hbm>> -> memref<256x32xf32, #tpu.memory_space<hbm>>
        tpu.wait_dma2 semaphore(%arg30 : memref<!tpu.dma_semaphore, #tpu.memory_space<semaphore_mem>>) src(%dma_wait3A_657 : memref<256x32xf32, #tpu.memory_space<hbm>>) dst(%arg14 : memref<256x32xf32, #tpu.memory_space<vmem>>)
        %dma_wait3A_658 = arith.constant 0 : i32
        %dma_wait3A_659 = arith.constant 0 : i32
        %dma_wait3A_660 = tpu.memref_slice %arg17[%dma_wait3A_658, %dma_wait3A_659] : memref<64x128xf32, #tpu.memory_space<vmem>> -> memref<32x128xf32, #tpu.memory_space<vmem>>
        %dma_wait3A_661 = arith.constant 0 : i32
        %dma_wait3A_662 = arith.constant 0 : i32
        %dma_wait3A_663 = tpu.memref_slice %arg4[%dma_wait3A_661, %dma_wait3A_662] : memref<40000x128xf32, #tpu.memory_space<hbm>> -> memref<32x128xf32, #tpu.memory_space<hbm>>
        %dma_wait3A_664 = arith.constant 0 : i32
        %dma_wait3A_665 = arith.constant 0 : i32
        %dma_wait3A_666 = tpu.memref_slice %arg17[%dma_wait3A_664, %dma_wait3A_665] : memref<64x128xf32, #tpu.memory_space<vmem>> -> memref<32x128xf32, #tpu.memory_space<vmem>>
        %dma_wait3A_667 = arith.constant 0 : i32
        %dma_wait3A_668 = arith.constant 0 : i32
        %dma_wait3A_669 = tpu.memref_slice %arg4[%dma_wait3A_667, %dma_wait3A_668] : memref<40000x128xf32, #tpu.memory_space<hbm>> -> memref<32x128xf32, #tpu.memory_space<hbm>>
        tpu.wait_dma2 semaphore(%arg28 : memref<!tpu.dma_semaphore, #tpu.memory_space<semaphore_mem>>) src(%dma_wait3A_669 : memref<32x128xf32, #tpu.memory_space<hbm>>) dst(%dma_wait3A_666 : memref<32x128xf32, #tpu.memory_space<vmem>>)
        %dma_wait3A_670 = arith.constant 32 : i32
        %dma_wait3A_671 = arith.constant 0 : i32
        %dma_wait3A_672 = tpu.memref_slice %arg17[%dma_wait3A_670, %dma_wait3A_671] : memref<64x128xf32, #tpu.memory_space<vmem>> -> memref<32x128xf32, #tpu.memory_space<vmem>>
        %dma_wait3A_673 = arith.constant 0 : i32
        %dma_wait3A_674 = arith.constant 0 : i32
        %dma_wait3A_675 = tpu.memref_slice %arg5[%dma_wait3A_673, %dma_wait3A_674] : memref<40000x128xf32, #tpu.memory_space<hbm>> -> memref<32x128xf32, #tpu.memory_space<hbm>>
        %dma_wait3A_676 = arith.constant 32 : i32
        %dma_wait3A_677 = arith.constant 0 : i32
        %dma_wait3A_678 = tpu.memref_slice %arg17[%dma_wait3A_676, %dma_wait3A_677] : memref<64x128xf32, #tpu.memory_space<vmem>> -> memref<32x128xf32, #tpu.memory_space<vmem>>
        %dma_wait3A_679 = arith.constant 0 : i32
        %dma_wait3A_680 = arith.constant 0 : i32
        %dma_wait3A_681 = tpu.memref_slice %arg5[%dma_wait3A_679, %dma_wait3A_680] : memref<40000x128xf32, #tpu.memory_space<hbm>> -> memref<32x128xf32, #tpu.memory_space<hbm>>
        tpu.wait_dma2 semaphore(%arg28 : memref<!tpu.dma_semaphore, #tpu.memory_space<semaphore_mem>>) src(%dma_wait3A_681 : memref<32x128xf32, #tpu.memory_space<hbm>>) dst(%dma_wait3A_678 : memref<32x128xf32, #tpu.memory_space<vmem>>)
      } else {
      }
      %ge3A = arith.constant 2 : i32
      %ge3A_507 = arith.cmpi sge, %add3A_490, %ge3A : i32
      %convert_element_type3A_508 = arith.extui %ge3A_507 : i1 to i32
      %cond3A_509 = arith.constant 0 : i32
      %cond3A_510 = arith.cmpi ne, %convert_element_type3A_508, %cond3A_509 : i32
      scf.if %cond3A_510 {
        %dma_wait3A_646 = arith.constant 1 : i32
        %dma_wait3A_647 = arith.constant 0 : i32
        %dma_wait3A_648 = tpu.memref_slice %arg11[%dma_wait3A_646, %dma_wait3A_647] : memref<2x256xi32, #tpu.memory_space<vmem>> -> memref<1x256xi32, #tpu.memory_space<vmem>>
        %dma_wait3A_649 = tpu.memref_squeeze %dma_wait3A_648 : memref<1x256xi32, #tpu.memory_space<vmem>> -> memref<256xi32, #tpu.memory_space<vmem>>
        %dma_wait3A_650 = arith.constant 0 : i32
        %dma_wait3A_651 = arith.constant 0 : i32
        %dma_wait3A_652 = tpu.memref_slice %arg24[%dma_wait3A_650, %dma_wait3A_651] : memref<10240x32xf32, #tpu.memory_space<vmem_shared>> -> memref<10240x32xf32, #tpu.memory_space<vmem_shared>>
        tpu.wait_indirect_dma semaphore(%arg32 : memref<!tpu.dma_semaphore, #tpu.memory_space<semaphore_mem>>) src(%arg19 : memref<256x32xf32, #tpu.memory_space<vmem>>) dst(%dma_wait3A_652 : memref<10240x32xf32, #tpu.memory_space<vmem_shared>>)
        %dma_wait3A_653 = arith.constant 1 : i32
        %dma_wait3A_654 = arith.constant 0 : i32
        %dma_wait3A_655 = tpu.memref_slice %arg11[%dma_wait3A_653, %dma_wait3A_654] : memref<2x256xi32, #tpu.memory_space<vmem>> -> memref<1x256xi32, #tpu.memory_space<vmem>>
        %dma_wait3A_656 = tpu.memref_squeeze %dma_wait3A_655 : memref<1x256xi32, #tpu.memory_space<vmem>> -> memref<256xi32, #tpu.memory_space<vmem>>
        %dma_wait3A_657 = arith.constant 0 : i32
        %dma_wait3A_658 = tpu.memref_slice %arg25[%dma_wait3A_657] : memref<10240xf32, #tpu.memory_space<vmem_shared>> -> memref<10240xf32, #tpu.memory_space<vmem_shared>>
        tpu.wait_indirect_dma semaphore(%arg32 : memref<!tpu.dma_semaphore, #tpu.memory_space<semaphore_mem>>) src(%arg21 : memref<256xf32, #tpu.memory_space<vmem>>) dst(%dma_wait3A_658 : memref<10240xf32, #tpu.memory_space<vmem_shared>>)
      } else {
      }
      %convert_element_type3A_511 = arith.extui %lt3A_499 : i1 to i32
      %cond3A_512 = arith.constant 0 : i32
      %cond3A_513 = arith.cmpi ne, %convert_element_type3A_511, %cond3A_512 : i32
      scf.if %cond3A_513 {
        %dma_wait3A_646 = arith.constant 0 : i32
        %dma_wait3A_647 = arith.constant 0 : i32
        %dma_wait3A_648 = arith.constant 0 : i32
        %dma_wait3A_649 = tpu.memref_slice %arg6[%dma_wait3A_646, %dma_wait3A_647, %dma_wait3A_648] : memref<2500x2x128xi32, #tpu.memory_space<hbm>> -> memref<1x2x128xi32, #tpu.memory_space<hbm>>
        %dma_wait3A_650 = tpu.memref_squeeze %dma_wait3A_649 : memref<1x2x128xi32, #tpu.memory_space<hbm>> -> memref<2x128xi32, #tpu.memory_space<hbm>>
        %dma_wait3A_651 = arith.constant 0 : i32
        %dma_wait3A_652 = arith.constant 0 : i32
        %dma_wait3A_653 = tpu.memref_slice %arg6[%dma_wait3A_646, %dma_wait3A_651, %dma_wait3A_652] : memref<2500x2x128xi32, #tpu.memory_space<hbm>> -> memref<1x2x128xi32, #tpu.memory_space<hbm>>
        %dma_wait3A_654 = tpu.memref_squeeze %dma_wait3A_653 : memref<1x2x128xi32, #tpu.memory_space<hbm>> -> memref<2x128xi32, #tpu.memory_space<hbm>>
        tpu.wait_dma2 semaphore(%arg27 : memref<!tpu.dma_semaphore, #tpu.memory_space<semaphore_mem>>) src(%dma_wait3A_654 : memref<2x128xi32, #tpu.memory_space<hbm>>) dst(%arg10 : memref<2x256xi32, #tpu.memory_space<vmem>>)
        %dma_start3A_655 = arith.constant 0 : i32
        %dma_start3A_656 = arith.constant 0 : i32
        %dma_start3A_657 = tpu.memref_slice %arg10[%dma_start3A_655, %dma_start3A_656] : memref<2x256xi32, #tpu.memory_space<vmem>> -> memref<1x256xi32, #tpu.memory_space<vmem>>
        %dma_start3A_658 = tpu.memref_squeeze %dma_start3A_657 : memref<1x256xi32, #tpu.memory_space<vmem>> -> memref<256xi32, #tpu.memory_space<vmem>>
        %dma_start3A_659 = arith.constant 0 : i32
        %dma_start3A_660 = arith.constant 0 : i32
        %dma_start3A_661 = tpu.memref_slice %arg2[%dma_start3A_659, %dma_start3A_660] : memref<10000x32xf32, #tpu.memory_space<hbm>> -> memref<10000x32xf32, #tpu.memory_space<hbm>>
        tpu.enqueue_indirect_dma source(%dma_start3A_661 : memref<10000x32xf32, #tpu.memory_space<hbm>>) target(%arg15 : memref<256x32xf32, #tpu.memory_space<vmem>>) offsets(%dma_start3A_658 : memref<256xi32, #tpu.memory_space<vmem>>) semaphore(%arg31 : memref<!tpu.dma_semaphore, #tpu.memory_space<semaphore_mem>>)
        %dma_start3A_662 = arith.constant 1 : i32
        %dma_start3A_663 = arith.constant 0 : i32
        %dma_start3A_664 = tpu.memref_slice %arg10[%dma_start3A_662, %dma_start3A_663] : memref<2x256xi32, #tpu.memory_space<vmem>> -> memref<1x256xi32, #tpu.memory_space<vmem>>
        %dma_start3A_665 = tpu.memref_squeeze %dma_start3A_664 : memref<1x256xi32, #tpu.memory_space<vmem>> -> memref<256xi32, #tpu.memory_space<vmem>>
        %dma_start3A_666 = arith.constant 0 : i32
        %dma_start3A_667 = arith.constant 0 : i32
        %dma_start3A_668 = tpu.memref_slice %arg3[%dma_start3A_666, %dma_start3A_667] : memref<10000x32xf32, #tpu.memory_space<hbm>> -> memref<10000x32xf32, #tpu.memory_space<hbm>>
        tpu.enqueue_indirect_dma source(%dma_start3A_668 : memref<10000x32xf32, #tpu.memory_space<hbm>>) target(%arg16 : memref<256x32xf32, #tpu.memory_space<vmem>>) offsets(%dma_start3A_665 : memref<256xi32, #tpu.memory_space<vmem>>) semaphore(%arg31 : memref<!tpu.dma_semaphore, #tpu.memory_space<semaphore_mem>>)
      } else {
      }
      %convert_element_type3A_514 = arith.extui %lt3A_503 : i1 to i32
      %cond3A_515 = arith.constant 0 : i32
      %cond3A_516 = arith.cmpi ne, %convert_element_type3A_514, %cond3A_515 : i32
      scf.if %cond3A_516 {
        %add3A_646 = arith.constant 64 : i32
        %add3A_647 = arith.addi %add3A_493, %add3A_646 : i32
        %mul3A_648 = arith.constant 10486 : i32
        %mul3A_649 = arith.muli %add3A_647, %mul3A_648 : i32
        %shift_right_arithmetic3A_650 = arith.constant 19 : i32
        %shift_right_arithmetic3A_651 = arith.shrsi %mul3A_649, %shift_right_arithmetic3A_650 : i32
        %mul3A_652 = arith.constant 12800 : i32
        %mul3A_653 = arith.muli %mul3A_652, %shift_right_arithmetic3A_651 : i32
        %mul3A_654 = arith.constant 50 : i32
        %mul3A_655 = arith.muli %mul3A_654, %shift_right_arithmetic3A_651 : i32
        %sub3A_656 = arith.subi %add3A_647, %mul3A_655 : i32
        %mul3A_657 = arith.constant 32 : i32
        %mul3A_658 = arith.muli %mul3A_657, %sub3A_656 : i32
        %add3A_659 = arith.addi %mul3A_653, %mul3A_658 : i32
        %add3A_660 = arith.constant 0 : i32
        %add3A_661 = arith.addi %add3A_659, %add3A_660 : i32
        %add3A_662 = arith.constant 0 : i32
        %add3A_663 = arith.addi %add3A_661, %add3A_662 : i32
        %and3A_664 = arith.constant 127 : i32
        %and3A_665 = arith.andi %add3A_663, %and3A_664 : i32
        %multiple_of3A_666 = tpu.assume_multiple %and3A_665, 32 : i32
        %shift_right_arithmetic3A_667 = arith.constant 7 : i32
        %shift_right_arithmetic3A_668 = arith.shrsi %add3A_663, %shift_right_arithmetic3A_667 : i32
        %dma_start3A_669 = arith.constant 0 : i32
        %dma_start3A_670 = arith.constant 0 : i32
        %dma_start3A_671 = tpu.memref_slice %arg11[%dma_start3A_669, %dma_start3A_670] : memref<2x256xi32, #tpu.memory_space<vmem>> -> memref<2x32xi32, #tpu.memory_space<vmem>>
        %dma_start3A_672 = arith.constant 0 : i32
        %dma_start3A_673 = tpu.memref_slice %arg6[%shift_right_arithmetic3A_668, %dma_start3A_672, %multiple_of3A_666] : memref<2500x2x128xi32, #tpu.memory_space<hbm>> -> memref<1x2x32xi32, #tpu.memory_space<hbm>>
        %dma_start3A_674 = tpu.memref_squeeze %dma_start3A_673 : memref<1x2x32xi32, #tpu.memory_space<hbm>> -> memref<2x32xi32, #tpu.memory_space<hbm>>
        %dma_start3A_675 = arith.constant 0 : i32
        %dma_start3A_676 = arith.constant 0 : i32
        %dma_start3A_677 = tpu.memref_slice %arg11[%dma_start3A_675, %dma_start3A_676] : memref<2x256xi32, #tpu.memory_space<vmem>> -> memref<2x32xi32, #tpu.memory_space<vmem>>
        %dma_start3A_678 = arith.constant 0 : i32
        %dma_start3A_679 = tpu.memref_slice %arg6[%shift_right_arithmetic3A_668, %dma_start3A_678, %multiple_of3A_666] : memref<2500x2x128xi32, #tpu.memory_space<hbm>> -> memref<1x2x32xi32, #tpu.memory_space<hbm>>
        %dma_start3A_680 = tpu.memref_squeeze %dma_start3A_679 : memref<1x2x32xi32, #tpu.memory_space<hbm>> -> memref<2x32xi32, #tpu.memory_space<hbm>>
        tpu.enqueue_dma source(%dma_start3A_680 : memref<2x32xi32, #tpu.memory_space<hbm>>) target(%dma_start3A_677 : memref<2x32xi32, #tpu.memory_space<vmem>>) target_semaphore(%arg26 : memref<!tpu.dma_semaphore, #tpu.memory_space<semaphore_mem>>)
        %add3A_681 = arith.constant 0 : i32
        %add3A_682 = arith.addi %add3A_659, %add3A_681 : i32
        %add3A_683 = arith.constant 1600 : i32
        %add3A_684 = arith.addi %add3A_682, %add3A_683 : i32
        %and3A_685 = arith.constant 127 : i32
        %and3A_686 = arith.andi %add3A_684, %and3A_685 : i32
        %multiple_of3A_687 = tpu.assume_multiple %and3A_686, 32 : i32
        %shift_right_arithmetic3A_688 = arith.constant 7 : i32
        %shift_right_arithmetic3A_689 = arith.shrsi %add3A_684, %shift_right_arithmetic3A_688 : i32
        %dma_start3A_690 = arith.constant 0 : i32
        %dma_start3A_691 = arith.constant 32 : i32
        %dma_start3A_692 = tpu.memref_slice %arg11[%dma_start3A_690, %dma_start3A_691] : memref<2x256xi32, #tpu.memory_space<vmem>> -> memref<2x32xi32, #tpu.memory_space<vmem>>
        %dma_start3A_693 = arith.constant 0 : i32
        %dma_start3A_694 = tpu.memref_slice %arg6[%shift_right_arithmetic3A_689, %dma_start3A_693, %multiple_of3A_687] : memref<2500x2x128xi32, #tpu.memory_space<hbm>> -> memref<1x2x32xi32, #tpu.memory_space<hbm>>
        %dma_start3A_695 = tpu.memref_squeeze %dma_start3A_694 : memref<1x2x32xi32, #tpu.memory_space<hbm>> -> memref<2x32xi32, #tpu.memory_space<hbm>>
        %dma_start3A_696 = arith.constant 0 : i32
        %dma_start3A_697 = arith.constant 32 : i32
        %dma_start3A_698 = tpu.memref_slice %arg11[%dma_start3A_696, %dma_start3A_697] : memref<2x256xi32, #tpu.memory_space<vmem>> -> memref<2x32xi32, #tpu.memory_space<vmem>>
        %dma_start3A_699 = arith.constant 0 : i32
        %dma_start3A_700 = tpu.memref_slice %arg6[%shift_right_arithmetic3A_689, %dma_start3A_699, %multiple_of3A_687] : memref<2500x2x128xi32, #tpu.memory_space<hbm>> -> memref<1x2x32xi32, #tpu.memory_space<hbm>>
        %dma_start3A_701 = tpu.memref_squeeze %dma_start3A_700 : memref<1x2x32xi32, #tpu.memory_space<hbm>> -> memref<2x32xi32, #tpu.memory_space<hbm>>
        tpu.enqueue_dma source(%dma_start3A_701 : memref<2x32xi32, #tpu.memory_space<hbm>>) target(%dma_start3A_698 : memref<2x32xi32, #tpu.memory_space<vmem>>) target_semaphore(%arg26 : memref<!tpu.dma_semaphore, #tpu.memory_space<semaphore_mem>>)
        %add3A_702 = arith.constant 0 : i32
        %add3A_703 = arith.addi %add3A_659, %add3A_702 : i32
        %add3A_704 = arith.constant 3200 : i32
        %add3A_705 = arith.addi %add3A_703, %add3A_704 : i32
        %and3A_706 = arith.constant 127 : i32
        %and3A_707 = arith.andi %add3A_705, %and3A_706 : i32
        %multiple_of3A_708 = tpu.assume_multiple %and3A_707, 32 : i32
        %shift_right_arithmetic3A_709 = arith.constant 7 : i32
        %shift_right_arithmetic3A_710 = arith.shrsi %add3A_705, %shift_right_arithmetic3A_709 : i32
        %dma_start3A_711 = arith.constant 0 : i32
        %dma_start3A_712 = arith.constant 64 : i32
        %dma_start3A_713 = tpu.memref_slice %arg11[%dma_start3A_711, %dma_start3A_712] : memref<2x256xi32, #tpu.memory_space<vmem>> -> memref<2x32xi32, #tpu.memory_space<vmem>>
        %dma_start3A_714 = arith.constant 0 : i32
        %dma_start3A_715 = tpu.memref_slice %arg6[%shift_right_arithmetic3A_710, %dma_start3A_714, %multiple_of3A_708] : memref<2500x2x128xi32, #tpu.memory_space<hbm>> -> memref<1x2x32xi32, #tpu.memory_space<hbm>>
        %dma_start3A_716 = tpu.memref_squeeze %dma_start3A_715 : memref<1x2x32xi32, #tpu.memory_space<hbm>> -> memref<2x32xi32, #tpu.memory_space<hbm>>
        %dma_start3A_717 = arith.constant 0 : i32
        %dma_start3A_718 = arith.constant 64 : i32
        %dma_start3A_719 = tpu.memref_slice %arg11[%dma_start3A_717, %dma_start3A_718] : memref<2x256xi32, #tpu.memory_space<vmem>> -> memref<2x32xi32, #tpu.memory_space<vmem>>
        %dma_start3A_720 = arith.constant 0 : i32
        %dma_start3A_721 = tpu.memref_slice %arg6[%shift_right_arithmetic3A_710, %dma_start3A_720, %multiple_of3A_708] : memref<2500x2x128xi32, #tpu.memory_space<hbm>> -> memref<1x2x32xi32, #tpu.memory_space<hbm>>
        %dma_start3A_722 = tpu.memref_squeeze %dma_start3A_721 : memref<1x2x32xi32, #tpu.memory_space<hbm>> -> memref<2x32xi32, #tpu.memory_space<hbm>>
        tpu.enqueue_dma source(%dma_start3A_722 : memref<2x32xi32, #tpu.memory_space<hbm>>) target(%dma_start3A_719 : memref<2x32xi32, #tpu.memory_space<vmem>>) target_semaphore(%arg26 : memref<!tpu.dma_semaphore, #tpu.memory_space<semaphore_mem>>)
        %add3A_723 = arith.constant 0 : i32
        %add3A_724 = arith.addi %add3A_659, %add3A_723 : i32
        %add3A_725 = arith.constant 4800 : i32
        %add3A_726 = arith.addi %add3A_724, %add3A_725 : i32
        %and3A_727 = arith.constant 127 : i32
        %and3A_728 = arith.andi %add3A_726, %and3A_727 : i32
        %multiple_of3A_729 = tpu.assume_multiple %and3A_728, 32 : i32
        %shift_right_arithmetic3A_730 = arith.constant 7 : i32
        %shift_right_arithmetic3A_731 = arith.shrsi %add3A_726, %shift_right_arithmetic3A_730 : i32
        %dma_start3A_732 = arith.constant 0 : i32
        %dma_start3A_733 = arith.constant 96 : i32
        %dma_start3A_734 = tpu.memref_slice %arg11[%dma_start3A_732, %dma_start3A_733] : memref<2x256xi32, #tpu.memory_space<vmem>> -> memref<2x32xi32, #tpu.memory_space<vmem>>
        %dma_start3A_735 = arith.constant 0 : i32
        %dma_start3A_736 = tpu.memref_slice %arg6[%shift_right_arithmetic3A_731, %dma_start3A_735, %multiple_of3A_729] : memref<2500x2x128xi32, #tpu.memory_space<hbm>> -> memref<1x2x32xi32, #tpu.memory_space<hbm>>
        %dma_start3A_737 = tpu.memref_squeeze %dma_start3A_736 : memref<1x2x32xi32, #tpu.memory_space<hbm>> -> memref<2x32xi32, #tpu.memory_space<hbm>>
        %dma_start3A_738 = arith.constant 0 : i32
        %dma_start3A_739 = arith.constant 96 : i32
        %dma_start3A_740 = tpu.memref_slice %arg11[%dma_start3A_738, %dma_start3A_739] : memref<2x256xi32, #tpu.memory_space<vmem>> -> memref<2x32xi32, #tpu.memory_space<vmem>>
        %dma_start3A_741 = arith.constant 0 : i32
        %dma_start3A_742 = tpu.memref_slice %arg6[%shift_right_arithmetic3A_731, %dma_start3A_741, %multiple_of3A_729] : memref<2500x2x128xi32, #tpu.memory_space<hbm>> -> memref<1x2x32xi32, #tpu.memory_space<hbm>>
        %dma_start3A_743 = tpu.memref_squeeze %dma_start3A_742 : memref<1x2x32xi32, #tpu.memory_space<hbm>> -> memref<2x32xi32, #tpu.memory_space<hbm>>
        tpu.enqueue_dma source(%dma_start3A_743 : memref<2x32xi32, #tpu.memory_space<hbm>>) target(%dma_start3A_740 : memref<2x32xi32, #tpu.memory_space<vmem>>) target_semaphore(%arg26 : memref<!tpu.dma_semaphore, #tpu.memory_space<semaphore_mem>>)
        %add3A_744 = arith.constant 6400 : i32
        %add3A_745 = arith.addi %add3A_659, %add3A_744 : i32
        %add3A_746 = arith.constant 0 : i32
        %add3A_747 = arith.addi %add3A_745, %add3A_746 : i32
        %and3A_748 = arith.constant 127 : i32
        %and3A_749 = arith.andi %add3A_747, %and3A_748 : i32
        %multiple_of3A_750 = tpu.assume_multiple %and3A_749, 32 : i32
        %shift_right_arithmetic3A_751 = arith.constant 7 : i32
        %shift_right_arithmetic3A_752 = arith.shrsi %add3A_747, %shift_right_arithmetic3A_751 : i32
        %dma_start3A_753 = arith.constant 0 : i32
        %dma_start3A_754 = arith.constant 128 : i32
        %dma_start3A_755 = tpu.memref_slice %arg11[%dma_start3A_753, %dma_start3A_754] : memref<2x256xi32, #tpu.memory_space<vmem>> -> memref<2x32xi32, #tpu.memory_space<vmem>>
        %dma_start3A_756 = arith.constant 0 : i32
        %dma_start3A_757 = tpu.memref_slice %arg6[%shift_right_arithmetic3A_752, %dma_start3A_756, %multiple_of3A_750] : memref<2500x2x128xi32, #tpu.memory_space<hbm>> -> memref<1x2x32xi32, #tpu.memory_space<hbm>>
        %dma_start3A_758 = tpu.memref_squeeze %dma_start3A_757 : memref<1x2x32xi32, #tpu.memory_space<hbm>> -> memref<2x32xi32, #tpu.memory_space<hbm>>
        %dma_start3A_759 = arith.constant 0 : i32
        %dma_start3A_760 = arith.constant 128 : i32
        %dma_start3A_761 = tpu.memref_slice %arg11[%dma_start3A_759, %dma_start3A_760] : memref<2x256xi32, #tpu.memory_space<vmem>> -> memref<2x32xi32, #tpu.memory_space<vmem>>
        %dma_start3A_762 = arith.constant 0 : i32
        %dma_start3A_763 = tpu.memref_slice %arg6[%shift_right_arithmetic3A_752, %dma_start3A_762, %multiple_of3A_750] : memref<2500x2x128xi32, #tpu.memory_space<hbm>> -> memref<1x2x32xi32, #tpu.memory_space<hbm>>
        %dma_start3A_764 = tpu.memref_squeeze %dma_start3A_763 : memref<1x2x32xi32, #tpu.memory_space<hbm>> -> memref<2x32xi32, #tpu.memory_space<hbm>>
        tpu.enqueue_dma source(%dma_start3A_764 : memref<2x32xi32, #tpu.memory_space<hbm>>) target(%dma_start3A_761 : memref<2x32xi32, #tpu.memory_space<vmem>>) target_semaphore(%arg26 : memref<!tpu.dma_semaphore, #tpu.memory_space<semaphore_mem>>)
        %add3A_765 = arith.constant 6400 : i32
        %add3A_766 = arith.addi %add3A_659, %add3A_765 : i32
        %add3A_767 = arith.constant 1600 : i32
        %add3A_768 = arith.addi %add3A_766, %add3A_767 : i32
        %and3A_769 = arith.constant 127 : i32
        %and3A_770 = arith.andi %add3A_768, %and3A_769 : i32
        %multiple_of3A_771 = tpu.assume_multiple %and3A_770, 32 : i32
        %shift_right_arithmetic3A_772 = arith.constant 7 : i32
        %shift_right_arithmetic3A_773 = arith.shrsi %add3A_768, %shift_right_arithmetic3A_772 : i32
        %dma_start3A_774 = arith.constant 0 : i32
        %dma_start3A_775 = arith.constant 160 : i32
        %dma_start3A_776 = tpu.memref_slice %arg11[%dma_start3A_774, %dma_start3A_775] : memref<2x256xi32, #tpu.memory_space<vmem>> -> memref<2x32xi32, #tpu.memory_space<vmem>>
        %dma_start3A_777 = arith.constant 0 : i32
        %dma_start3A_778 = tpu.memref_slice %arg6[%shift_right_arithmetic3A_773, %dma_start3A_777, %multiple_of3A_771] : memref<2500x2x128xi32, #tpu.memory_space<hbm>> -> memref<1x2x32xi32, #tpu.memory_space<hbm>>
        %dma_start3A_779 = tpu.memref_squeeze %dma_start3A_778 : memref<1x2x32xi32, #tpu.memory_space<hbm>> -> memref<2x32xi32, #tpu.memory_space<hbm>>
        %dma_start3A_780 = arith.constant 0 : i32
        %dma_start3A_781 = arith.constant 160 : i32
        %dma_start3A_782 = tpu.memref_slice %arg11[%dma_start3A_780, %dma_start3A_781] : memref<2x256xi32, #tpu.memory_space<vmem>> -> memref<2x32xi32, #tpu.memory_space<vmem>>
        %dma_start3A_783 = arith.constant 0 : i32
        %dma_start3A_784 = tpu.memref_slice %arg6[%shift_right_arithmetic3A_773, %dma_start3A_783, %multiple_of3A_771] : memref<2500x2x128xi32, #tpu.memory_space<hbm>> -> memref<1x2x32xi32, #tpu.memory_space<hbm>>
        %dma_start3A_785 = tpu.memref_squeeze %dma_start3A_784 : memref<1x2x32xi32, #tpu.memory_space<hbm>> -> memref<2x32xi32, #tpu.memory_space<hbm>>
        tpu.enqueue_dma source(%dma_start3A_785 : memref<2x32xi32, #tpu.memory_space<hbm>>) target(%dma_start3A_782 : memref<2x32xi32, #tpu.memory_space<vmem>>) target_semaphore(%arg26 : memref<!tpu.dma_semaphore, #tpu.memory_space<semaphore_mem>>)
        %add3A_786 = arith.constant 6400 : i32
        %add3A_787 = arith.addi %add3A_659, %add3A_786 : i32
        %add3A_788 = arith.constant 3200 : i32
        %add3A_789 = arith.addi %add3A_787, %add3A_788 : i32
        %and3A_790 = arith.constant 127 : i32
        %and3A_791 = arith.andi %add3A_789, %and3A_790 : i32
        %multiple_of3A_792 = tpu.assume_multiple %and3A_791, 32 : i32
        %shift_right_arithmetic3A_793 = arith.constant 7 : i32
        %shift_right_arithmetic3A_794 = arith.shrsi %add3A_789, %shift_right_arithmetic3A_793 : i32
        %dma_start3A_795 = arith.constant 0 : i32
        %dma_start3A_796 = arith.constant 192 : i32
        %dma_start3A_797 = tpu.memref_slice %arg11[%dma_start3A_795, %dma_start3A_796] : memref<2x256xi32, #tpu.memory_space<vmem>> -> memref<2x32xi32, #tpu.memory_space<vmem>>
        %dma_start3A_798 = arith.constant 0 : i32
        %dma_start3A_799 = tpu.memref_slice %arg6[%shift_right_arithmetic3A_794, %dma_start3A_798, %multiple_of3A_792] : memref<2500x2x128xi32, #tpu.memory_space<hbm>> -> memref<1x2x32xi32, #tpu.memory_space<hbm>>
        %dma_start3A_800 = tpu.memref_squeeze %dma_start3A_799 : memref<1x2x32xi32, #tpu.memory_space<hbm>> -> memref<2x32xi32, #tpu.memory_space<hbm>>
        %dma_start3A_801 = arith.constant 0 : i32
        %dma_start3A_802 = arith.constant 192 : i32
        %dma_start3A_803 = tpu.memref_slice %arg11[%dma_start3A_801, %dma_start3A_802] : memref<2x256xi32, #tpu.memory_space<vmem>> -> memref<2x32xi32, #tpu.memory_space<vmem>>
        %dma_start3A_804 = arith.constant 0 : i32
        %dma_start3A_805 = tpu.memref_slice %arg6[%shift_right_arithmetic3A_794, %dma_start3A_804, %multiple_of3A_792] : memref<2500x2x128xi32, #tpu.memory_space<hbm>> -> memref<1x2x32xi32, #tpu.memory_space<hbm>>
        %dma_start3A_806 = tpu.memref_squeeze %dma_start3A_805 : memref<1x2x32xi32, #tpu.memory_space<hbm>> -> memref<2x32xi32, #tpu.memory_space<hbm>>
        tpu.enqueue_dma source(%dma_start3A_806 : memref<2x32xi32, #tpu.memory_space<hbm>>) target(%dma_start3A_803 : memref<2x32xi32, #tpu.memory_space<vmem>>) target_semaphore(%arg26 : memref<!tpu.dma_semaphore, #tpu.memory_space<semaphore_mem>>)
        %add3A_807 = arith.constant 6400 : i32
        %add3A_808 = arith.addi %add3A_659, %add3A_807 : i32
        %add3A_809 = arith.constant 4800 : i32
        %add3A_810 = arith.addi %add3A_808, %add3A_809 : i32
        %and3A_811 = arith.constant 127 : i32
        %and3A_812 = arith.andi %add3A_810, %and3A_811 : i32
        %multiple_of3A_813 = tpu.assume_multiple %and3A_812, 32 : i32
        %shift_right_arithmetic3A_814 = arith.constant 7 : i32
        %shift_right_arithmetic3A_815 = arith.shrsi %add3A_810, %shift_right_arithmetic3A_814 : i32
        %dma_start3A_816 = arith.constant 0 : i32
        %dma_start3A_817 = arith.constant 224 : i32
        %dma_start3A_818 = tpu.memref_slice %arg11[%dma_start3A_816, %dma_start3A_817] : memref<2x256xi32, #tpu.memory_space<vmem>> -> memref<2x32xi32, #tpu.memory_space<vmem>>
        %dma_start3A_819 = arith.constant 0 : i32
        %dma_start3A_820 = tpu.memref_slice %arg6[%shift_right_arithmetic3A_815, %dma_start3A_819, %multiple_of3A_813] : memref<2500x2x128xi32, #tpu.memory_space<hbm>> -> memref<1x2x32xi32, #tpu.memory_space<hbm>>
        %dma_start3A_821 = tpu.memref_squeeze %dma_start3A_820 : memref<1x2x32xi32, #tpu.memory_space<hbm>> -> memref<2x32xi32, #tpu.memory_space<hbm>>
        %dma_start3A_822 = arith.constant 0 : i32
        %dma_start3A_823 = arith.constant 224 : i32
        %dma_start3A_824 = tpu.memref_slice %arg11[%dma_start3A_822, %dma_start3A_823] : memref<2x256xi32, #tpu.memory_space<vmem>> -> memref<2x32xi32, #tpu.memory_space<vmem>>
        %dma_start3A_825 = arith.constant 0 : i32
        %dma_start3A_826 = tpu.memref_slice %arg6[%shift_right_arithmetic3A_815, %dma_start3A_825, %multiple_of3A_813] : memref<2500x2x128xi32, #tpu.memory_space<hbm>> -> memref<1x2x32xi32, #tpu.memory_space<hbm>>
        %dma_start3A_827 = tpu.memref_squeeze %dma_start3A_826 : memref<1x2x32xi32, #tpu.memory_space<hbm>> -> memref<2x32xi32, #tpu.memory_space<hbm>>
        tpu.enqueue_dma source(%dma_start3A_827 : memref<2x32xi32, #tpu.memory_space<hbm>>) target(%dma_start3A_824 : memref<2x32xi32, #tpu.memory_space<vmem>>) target_semaphore(%arg26 : memref<!tpu.dma_semaphore, #tpu.memory_space<semaphore_mem>>)
      } else {
      }
      %convert_element_type3A_517 = arith.extui %lt3A_495 : i1 to i32
      %cond3A_518 = arith.constant 0 : i32
      %cond3A_519 = arith.cmpi ne, %convert_element_type3A_517, %cond3A_518 : i32
      scf.if %cond3A_519 {
        %scan3A_646 = arith.constant 0 : i32
        %scan3A_647 = arith.constant 0 : i32
        %scan3A_648 = arith.constant 32 : i32
        %scan3A_649 = arith.addi %scan3A_647, %scan3A_648 : i32
        %scan3A_650 = arith.constant 1 : i32
        scf.for %scan3A_652 = %scan3A_647 to %scan3A_649 step %scan3A_650  : i32 {
          %add3A_653 = arith.constant 0 : i32
          %add3A_654 = arith.addi %add3A_653, %scan3A_652 : i32
          %add3A_655 = arith.constant 0 : i32
          %add3A_656 = arith.addi %add3A_655, %scan3A_652 : i32
          %get3A = arith.index_cast %add3A_656 : i32 to index
          %get3A_657 = arith.constant 0 : index
          %get3A_658 = tpu.vector_load %arg13[%get3A, %get3A_657] {strides = array<i32>} : memref<256x32xf32, #tpu.memory_space<vmem>>, vector<1x16xf32>,
          %get3A_659 = vector.shape_cast %get3A_658 : vector<1x16xf32> to vector<16xf32>
          %get3A_660 = arith.index_cast %add3A_656 : i32 to index
          %get3A_661 = arith.constant 0 : index
          %get3A_662 = tpu.vector_load %arg14[%get3A_660, %get3A_661] {strides = array<i32>} : memref<256x32xf32, #tpu.memory_space<vmem>>, vector<1x16xf32>,
          %get3A_663 = vector.shape_cast %get3A_662 : vector<1x16xf32> to vector<16xf32>
          %add3A_664 = arith.addf %get3A_659, %get3A_663 : vector<16xf32>
          %get3A_665 = arith.index_cast %add3A_654 : i32 to index
          %get3A_666 = arith.constant 0 : index
          %get3A_667 = tpu.vector_load %arg17[%get3A_665, %get3A_666] {strides = array<i32>} : memref<64x128xf32, #tpu.memory_space<vmem>>, vector<1x16xf32>,
          %get3A_668 = vector.shape_cast %get3A_667 : vector<1x16xf32> to vector<16xf32>
          %add3A_669 = arith.addf %add3A_664, %get3A_668 : vector<16xf32>
          %max3A = arith.constant 0.000000e+00 : f32
          %max3A_670 = vector.broadcast %max3A : f32 to vector<16xf32>
          %max3A_671 = arith.maximumf %add3A_669, %max3A_670 : vector<16xf32>
          %swap3A = arith.index_cast %add3A_656 : i32 to index
          %swap3A_672 = arith.constant 0 : index
          %swap3A_673 = tpu.vector_load %arg19[%swap3A, %swap3A_672] {strides = array<i32>} : memref<256x32xf32, #tpu.memory_space<vmem>>, vector<1x16xf32>,
          %swap3A_674 = vector.shape_cast %swap3A_673 : vector<1x16xf32> to vector<16xf32>
          %swap3A_675 = vector.shape_cast %max3A_671 : vector<16xf32> to vector<1x16xf32>
          tpu.vector_store %arg19[%swap3A, %swap3A_672], %swap3A_675 {strides = array<i32>} : memref<256x32xf32, #tpu.memory_space<vmem>>, vector<1x16xf32>,
          %get3A_676 = arith.index_cast %add3A_656 : i32 to index
          %get3A_677 = arith.constant 16 : index
          %get3A_678 = tpu.vector_load %arg13[%get3A_676, %get3A_677] {strides = array<i32>} : memref<256x32xf32, #tpu.memory_space<vmem>>, vector<1x16xf32>,
          %get3A_679 = vector.shape_cast %get3A_678 : vector<1x16xf32> to vector<16xf32>
          %get3A_680 = arith.index_cast %add3A_656 : i32 to index
          %get3A_681 = arith.constant 16 : index
          %get3A_682 = tpu.vector_load %arg14[%get3A_680, %get3A_681] {strides = array<i32>} : memref<256x32xf32, #tpu.memory_space<vmem>>, vector<1x16xf32>,
          %get3A_683 = vector.shape_cast %get3A_682 : vector<1x16xf32> to vector<16xf32>
          %add3A_684 = arith.addf %get3A_679, %get3A_683 : vector<16xf32>
          %get3A_685 = arith.index_cast %add3A_654 : i32 to index
          %get3A_686 = arith.constant 16 : index
          %get3A_687 = tpu.vector_load %arg17[%get3A_685, %get3A_686] {strides = array<i32>} : memref<64x128xf32, #tpu.memory_space<vmem>>, vector<1x16xf32>,
          %get3A_688 = vector.shape_cast %get3A_687 : vector<1x16xf32> to vector<16xf32>
          %add3A_689 = arith.addf %add3A_684, %get3A_688 : vector<16xf32>
          %max3A_690 = arith.constant 0.000000e+00 : f32
          %max3A_691 = vector.broadcast %max3A_690 : f32 to vector<16xf32>
          %max3A_692 = arith.maximumf %add3A_689, %max3A_691 : vector<16xf32>
          %swap3A_693 = arith.index_cast %add3A_656 : i32 to index
          %swap3A_694 = arith.constant 16 : index
          %swap3A_695 = tpu.vector_load %arg19[%swap3A_693, %swap3A_694] {strides = array<i32>} : memref<256x32xf32, #tpu.memory_space<vmem>>, vector<1x16xf32>,
          %swap3A_696 = vector.shape_cast %swap3A_695 : vector<1x16xf32> to vector<16xf32>
          %swap3A_697 = vector.shape_cast %max3A_692 : vector<16xf32> to vector<1x16xf32>
          tpu.vector_store %arg19[%swap3A_693, %swap3A_694], %swap3A_697 {strides = array<i32>} : memref<256x32xf32, #tpu.memory_space<vmem>>, vector<1x16xf32>,
          %add3A_698 = arith.constant 32 : i32
          %add3A_699 = arith.addi %add3A_698, %scan3A_652 : i32
          %get3A_700 = arith.index_cast %add3A_699 : i32 to index
          %get3A_701 = arith.constant 0 : index
          %get3A_702 = tpu.vector_load %arg13[%get3A_700, %get3A_701] {strides = array<i32>} : memref<256x32xf32, #tpu.memory_space<vmem>>, vector<1x16xf32>,
          %get3A_703 = vector.shape_cast %get3A_702 : vector<1x16xf32> to vector<16xf32>
          %get3A_704 = arith.index_cast %add3A_699 : i32 to index
          %get3A_705 = arith.constant 0 : index
          %get3A_706 = tpu.vector_load %arg14[%get3A_704, %get3A_705] {strides = array<i32>} : memref<256x32xf32, #tpu.memory_space<vmem>>, vector<1x16xf32>,
          %get3A_707 = vector.shape_cast %get3A_706 : vector<1x16xf32> to vector<16xf32>
          %add3A_708 = arith.addf %get3A_703, %get3A_707 : vector<16xf32>
          %get3A_709 = arith.index_cast %add3A_654 : i32 to index
          %get3A_710 = arith.constant 32 : index
          %get3A_711 = tpu.vector_load %arg17[%get3A_709, %get3A_710] {strides = array<i32>} : memref<64x128xf32, #tpu.memory_space<vmem>>, vector<1x16xf32>,
          %get3A_712 = vector.shape_cast %get3A_711 : vector<1x16xf32> to vector<16xf32>
          %add3A_713 = arith.addf %add3A_708, %get3A_712 : vector<16xf32>
          %max3A_714 = arith.constant 0.000000e+00 : f32
          %max3A_715 = vector.broadcast %max3A_714 : f32 to vector<16xf32>
          %max3A_716 = arith.maximumf %add3A_713, %max3A_715 : vector<16xf32>
          %swap3A_717 = arith.index_cast %add3A_699 : i32 to index
          %swap3A_718 = arith.constant 0 : index
          %swap3A_719 = tpu.vector_load %arg19[%swap3A_717, %swap3A_718] {strides = array<i32>} : memref<256x32xf32, #tpu.memory_space<vmem>>, vector<1x16xf32>,
          %swap3A_720 = vector.shape_cast %swap3A_719 : vector<1x16xf32> to vector<16xf32>
          %swap3A_721 = vector.shape_cast %max3A_716 : vector<16xf32> to vector<1x16xf32>
          tpu.vector_store %arg19[%swap3A_717, %swap3A_718], %swap3A_721 {strides = array<i32>} : memref<256x32xf32, #tpu.memory_space<vmem>>, vector<1x16xf32>,
          %get3A_722 = arith.index_cast %add3A_699 : i32 to index
          %get3A_723 = arith.constant 16 : index
          %get3A_724 = tpu.vector_load %arg13[%get3A_722, %get3A_723] {strides = array<i32>} : memref<256x32xf32, #tpu.memory_space<vmem>>, vector<1x16xf32>,
          %get3A_725 = vector.shape_cast %get3A_724 : vector<1x16xf32> to vector<16xf32>
          %get3A_726 = arith.index_cast %add3A_699 : i32 to index
          %get3A_727 = arith.constant 16 : index
          %get3A_728 = tpu.vector_load %arg14[%get3A_726, %get3A_727] {strides = array<i32>} : memref<256x32xf32, #tpu.memory_space<vmem>>, vector<1x16xf32>,
          %get3A_729 = vector.shape_cast %get3A_728 : vector<1x16xf32> to vector<16xf32>
          %add3A_730 = arith.addf %get3A_725, %get3A_729 : vector<16xf32>
          %get3A_731 = arith.index_cast %add3A_654 : i32 to index
          %get3A_732 = arith.constant 48 : index
          %get3A_733 = tpu.vector_load %arg17[%get3A_731, %get3A_732] {strides = array<i32>} : memref<64x128xf32, #tpu.memory_space<vmem>>, vector<1x16xf32>,
          %get3A_734 = vector.shape_cast %get3A_733 : vector<1x16xf32> to vector<16xf32>
          %add3A_735 = arith.addf %add3A_730, %get3A_734 : vector<16xf32>
          %max3A_736 = arith.constant 0.000000e+00 : f32
          %max3A_737 = vector.broadcast %max3A_736 : f32 to vector<16xf32>
          %max3A_738 = arith.maximumf %add3A_735, %max3A_737 : vector<16xf32>
          %swap3A_739 = arith.index_cast %add3A_699 : i32 to index
          %swap3A_740 = arith.constant 16 : index
          %swap3A_741 = tpu.vector_load %arg19[%swap3A_739, %swap3A_740] {strides = array<i32>} : memref<256x32xf32, #tpu.memory_space<vmem>>, vector<1x16xf32>,
          %swap3A_742 = vector.shape_cast %swap3A_741 : vector<1x16xf32> to vector<16xf32>
          %swap3A_743 = vector.shape_cast %max3A_738 : vector<16xf32> to vector<1x16xf32>
          tpu.vector_store %arg19[%swap3A_739, %swap3A_740], %swap3A_743 {strides = array<i32>} : memref<256x32xf32, #tpu.memory_space<vmem>>, vector<1x16xf32>,
          %add3A_744 = arith.constant 64 : i32
          %add3A_745 = arith.addi %add3A_744, %scan3A_652 : i32
          %get3A_746 = arith.index_cast %add3A_745 : i32 to index
          %get3A_747 = arith.constant 0 : index
          %get3A_748 = tpu.vector_load %arg13[%get3A_746, %get3A_747] {strides = array<i32>} : memref<256x32xf32, #tpu.memory_space<vmem>>, vector<1x16xf32>,
          %get3A_749 = vector.shape_cast %get3A_748 : vector<1x16xf32> to vector<16xf32>
          %get3A_750 = arith.index_cast %add3A_745 : i32 to index
          %get3A_751 = arith.constant 0 : index
          %get3A_752 = tpu.vector_load %arg14[%get3A_750, %get3A_751] {strides = array<i32>} : memref<256x32xf32, #tpu.memory_space<vmem>>, vector<1x16xf32>,
          %get3A_753 = vector.shape_cast %get3A_752 : vector<1x16xf32> to vector<16xf32>
          %add3A_754 = arith.addf %get3A_749, %get3A_753 : vector<16xf32>
          %get3A_755 = arith.index_cast %add3A_654 : i32 to index
          %get3A_756 = arith.constant 64 : index
          %get3A_757 = tpu.vector_load %arg17[%get3A_755, %get3A_756] {strides = array<i32>} : memref<64x128xf32, #tpu.memory_space<vmem>>, vector<1x16xf32>,
          %get3A_758 = vector.shape_cast %get3A_757 : vector<1x16xf32> to vector<16xf32>
          %add3A_759 = arith.addf %add3A_754, %get3A_758 : vector<16xf32>
          %max3A_760 = arith.constant 0.000000e+00 : f32
          %max3A_761 = vector.broadcast %max3A_760 : f32 to vector<16xf32>
          %max3A_762 = arith.maximumf %add3A_759, %max3A_761 : vector<16xf32>
          %swap3A_763 = arith.index_cast %add3A_745 : i32 to index
          %swap3A_764 = arith.constant 0 : index
          %swap3A_765 = tpu.vector_load %arg19[%swap3A_763, %swap3A_764] {strides = array<i32>} : memref<256x32xf32, #tpu.memory_space<vmem>>, vector<1x16xf32>,
          %swap3A_766 = vector.shape_cast %swap3A_765 : vector<1x16xf32> to vector<16xf32>
          %swap3A_767 = vector.shape_cast %max3A_762 : vector<16xf32> to vector<1x16xf32>
          tpu.vector_store %arg19[%swap3A_763, %swap3A_764], %swap3A_767 {strides = array<i32>} : memref<256x32xf32, #tpu.memory_space<vmem>>, vector<1x16xf32>,
          %get3A_768 = arith.index_cast %add3A_745 : i32 to index
          %get3A_769 = arith.constant 16 : index
          %get3A_770 = tpu.vector_load %arg13[%get3A_768, %get3A_769] {strides = array<i32>} : memref<256x32xf32, #tpu.memory_space<vmem>>, vector<1x16xf32>,
          %get3A_771 = vector.shape_cast %get3A_770 : vector<1x16xf32> to vector<16xf32>
          %get3A_772 = arith.index_cast %add3A_745 : i32 to index
          %get3A_773 = arith.constant 16 : index
          %get3A_774 = tpu.vector_load %arg14[%get3A_772, %get3A_773] {strides = array<i32>} : memref<256x32xf32, #tpu.memory_space<vmem>>, vector<1x16xf32>,
          %get3A_775 = vector.shape_cast %get3A_774 : vector<1x16xf32> to vector<16xf32>
          %add3A_776 = arith.addf %get3A_771, %get3A_775 : vector<16xf32>
          %get3A_777 = arith.index_cast %add3A_654 : i32 to index
          %get3A_778 = arith.constant 80 : index
          %get3A_779 = tpu.vector_load %arg17[%get3A_777, %get3A_778] {strides = array<i32>} : memref<64x128xf32, #tpu.memory_space<vmem>>, vector<1x16xf32>,
          %get3A_780 = vector.shape_cast %get3A_779 : vector<1x16xf32> to vector<16xf32>
          %add3A_781 = arith.addf %add3A_776, %get3A_780 : vector<16xf32>
          %max3A_782 = arith.constant 0.000000e+00 : f32
          %max3A_783 = vector.broadcast %max3A_782 : f32 to vector<16xf32>
          %max3A_784 = arith.maximumf %add3A_781, %max3A_783 : vector<16xf32>
          %swap3A_785 = arith.index_cast %add3A_745 : i32 to index
          %swap3A_786 = arith.constant 16 : index
          %swap3A_787 = tpu.vector_load %arg19[%swap3A_785, %swap3A_786] {strides = array<i32>} : memref<256x32xf32, #tpu.memory_space<vmem>>, vector<1x16xf32>,
          %swap3A_788 = vector.shape_cast %swap3A_787 : vector<1x16xf32> to vector<16xf32>
          %swap3A_789 = vector.shape_cast %max3A_784 : vector<16xf32> to vector<1x16xf32>
          tpu.vector_store %arg19[%swap3A_785, %swap3A_786], %swap3A_789 {strides = array<i32>} : memref<256x32xf32, #tpu.memory_space<vmem>>, vector<1x16xf32>,
          %add3A_790 = arith.constant 96 : i32
          %add3A_791 = arith.addi %add3A_790, %scan3A_652 : i32
          %get3A_792 = arith.index_cast %add3A_791 : i32 to index
          %get3A_793 = arith.constant 0 : index
          %get3A_794 = tpu.vector_load %arg13[%get3A_792, %get3A_793] {strides = array<i32>} : memref<256x32xf32, #tpu.memory_space<vmem>>, vector<1x16xf32>,
          %get3A_795 = vector.shape_cast %get3A_794 : vector<1x16xf32> to vector<16xf32>
          %get3A_796 = arith.index_cast %add3A_791 : i32 to index
          %get3A_797 = arith.constant 0 : index
          %get3A_798 = tpu.vector_load %arg14[%get3A_796, %get3A_797] {strides = array<i32>} : memref<256x32xf32, #tpu.memory_space<vmem>>, vector<1x16xf32>,
          %get3A_799 = vector.shape_cast %get3A_798 : vector<1x16xf32> to vector<16xf32>
          %add3A_800 = arith.addf %get3A_795, %get3A_799 : vector<16xf32>
          %get3A_801 = arith.index_cast %add3A_654 : i32 to index
          %get3A_802 = arith.constant 96 : index
          %get3A_803 = tpu.vector_load %arg17[%get3A_801, %get3A_802] {strides = array<i32>} : memref<64x128xf32, #tpu.memory_space<vmem>>, vector<1x16xf32>,
          %get3A_804 = vector.shape_cast %get3A_803 : vector<1x16xf32> to vector<16xf32>
          %add3A_805 = arith.addf %add3A_800, %get3A_804 : vector<16xf32>
          %max3A_806 = arith.constant 0.000000e+00 : f32
          %max3A_807 = vector.broadcast %max3A_806 : f32 to vector<16xf32>
          %max3A_808 = arith.maximumf %add3A_805, %max3A_807 : vector<16xf32>
          %swap3A_809 = arith.index_cast %add3A_791 : i32 to index
          %swap3A_810 = arith.constant 0 : index
          %swap3A_811 = tpu.vector_load %arg19[%swap3A_809, %swap3A_810] {strides = array<i32>} : memref<256x32xf32, #tpu.memory_space<vmem>>, vector<1x16xf32>,
          %swap3A_812 = vector.shape_cast %swap3A_811 : vector<1x16xf32> to vector<16xf32>
          %swap3A_813 = vector.shape_cast %max3A_808 : vector<16xf32> to vector<1x16xf32>
          tpu.vector_store %arg19[%swap3A_809, %swap3A_810], %swap3A_813 {strides = array<i32>} : memref<256x32xf32, #tpu.memory_space<vmem>>, vector<1x16xf32>,
          %get3A_814 = arith.index_cast %add3A_791 : i32 to index
          %get3A_815 = arith.constant 16 : index
          %get3A_816 = tpu.vector_load %arg13[%get3A_814, %get3A_815] {strides = array<i32>} : memref<256x32xf32, #tpu.memory_space<vmem>>, vector<1x16xf32>,
          %get3A_817 = vector.shape_cast %get3A_816 : vector<1x16xf32> to vector<16xf32>
          %get3A_818 = arith.index_cast %add3A_791 : i32 to index
          %get3A_819 = arith.constant 16 : index
          %get3A_820 = tpu.vector_load %arg14[%get3A_818, %get3A_819] {strides = array<i32>} : memref<256x32xf32, #tpu.memory_space<vmem>>, vector<1x16xf32>,
          %get3A_821 = vector.shape_cast %get3A_820 : vector<1x16xf32> to vector<16xf32>
          %add3A_822 = arith.addf %get3A_817, %get3A_821 : vector<16xf32>
          %get3A_823 = arith.index_cast %add3A_654 : i32 to index
          %get3A_824 = arith.constant 112 : index
          %get3A_825 = tpu.vector_load %arg17[%get3A_823, %get3A_824] {strides = array<i32>} : memref<64x128xf32, #tpu.memory_space<vmem>>, vector<1x16xf32>,
          %get3A_826 = vector.shape_cast %get3A_825 : vector<1x16xf32> to vector<16xf32>
          %add3A_827 = arith.addf %add3A_822, %get3A_826 : vector<16xf32>
          %max3A_828 = arith.constant 0.000000e+00 : f32
          %max3A_829 = vector.broadcast %max3A_828 : f32 to vector<16xf32>
          %max3A_830 = arith.maximumf %add3A_827, %max3A_829 : vector<16xf32>
          %swap3A_831 = arith.index_cast %add3A_791 : i32 to index
          %swap3A_832 = arith.constant 16 : index
          %swap3A_833 = tpu.vector_load %arg19[%swap3A_831, %swap3A_832] {strides = array<i32>} : memref<256x32xf32, #tpu.memory_space<vmem>>, vector<1x16xf32>,
          %swap3A_834 = vector.shape_cast %swap3A_833 : vector<1x16xf32> to vector<16xf32>
          %swap3A_835 = vector.shape_cast %max3A_830 : vector<16xf32> to vector<1x16xf32>
          tpu.vector_store %arg19[%swap3A_831, %swap3A_832], %swap3A_835 {strides = array<i32>} : memref<256x32xf32, #tpu.memory_space<vmem>>, vector<1x16xf32>,
          %add3A_836 = arith.constant 32 : i32
          %add3A_837 = arith.addi %add3A_836, %scan3A_652 : i32
          %add3A_838 = arith.constant 128 : i32
          %add3A_839 = arith.addi %add3A_838, %scan3A_652 : i32
          %get3A_840 = arith.index_cast %add3A_839 : i32 to index
          %get3A_841 = arith.constant 0 : index
          %get3A_842 = tpu.vector_load %arg13[%get3A_840, %get3A_841] {strides = array<i32>} : memref<256x32xf32, #tpu.memory_space<vmem>>, vector<1x16xf32>,
          %get3A_843 = vector.shape_cast %get3A_842 : vector<1x16xf32> to vector<16xf32>
          %get3A_844 = arith.index_cast %add3A_839 : i32 to index
          %get3A_845 = arith.constant 0 : index
          %get3A_846 = tpu.vector_load %arg14[%get3A_844, %get3A_845] {strides = array<i32>} : memref<256x32xf32, #tpu.memory_space<vmem>>, vector<1x16xf32>,
          %get3A_847 = vector.shape_cast %get3A_846 : vector<1x16xf32> to vector<16xf32>
          %add3A_848 = arith.addf %get3A_843, %get3A_847 : vector<16xf32>
          %get3A_849 = arith.index_cast %add3A_837 : i32 to index
          %get3A_850 = arith.constant 0 : index
          %get3A_851 = tpu.vector_load %arg17[%get3A_849, %get3A_850] {strides = array<i32>} : memref<64x128xf32, #tpu.memory_space<vmem>>, vector<1x16xf32>,
          %get3A_852 = vector.shape_cast %get3A_851 : vector<1x16xf32> to vector<16xf32>
          %add3A_853 = arith.addf %add3A_848, %get3A_852 : vector<16xf32>
          %max3A_854 = arith.constant 0.000000e+00 : f32
          %max3A_855 = vector.broadcast %max3A_854 : f32 to vector<16xf32>
          %max3A_856 = arith.maximumf %add3A_853, %max3A_855 : vector<16xf32>
          %swap3A_857 = arith.index_cast %add3A_839 : i32 to index
          %swap3A_858 = arith.constant 0 : index
          %swap3A_859 = tpu.vector_load %arg19[%swap3A_857, %swap3A_858] {strides = array<i32>} : memref<256x32xf32, #tpu.memory_space<vmem>>, vector<1x16xf32>,
          %swap3A_860 = vector.shape_cast %swap3A_859 : vector<1x16xf32> to vector<16xf32>
          %swap3A_861 = vector.shape_cast %max3A_856 : vector<16xf32> to vector<1x16xf32>
          tpu.vector_store %arg19[%swap3A_857, %swap3A_858], %swap3A_861 {strides = array<i32>} : memref<256x32xf32, #tpu.memory_space<vmem>>, vector<1x16xf32>,
          %get3A_862 = arith.index_cast %add3A_839 : i32 to index
          %get3A_863 = arith.constant 16 : index
          %get3A_864 = tpu.vector_load %arg13[%get3A_862, %get3A_863] {strides = array<i32>} : memref<256x32xf32, #tpu.memory_space<vmem>>, vector<1x16xf32>,
          %get3A_865 = vector.shape_cast %get3A_864 : vector<1x16xf32> to vector<16xf32>
          %get3A_866 = arith.index_cast %add3A_839 : i32 to index
          %get3A_867 = arith.constant 16 : index
          %get3A_868 = tpu.vector_load %arg14[%get3A_866, %get3A_867] {strides = array<i32>} : memref<256x32xf32, #tpu.memory_space<vmem>>, vector<1x16xf32>,
          %get3A_869 = vector.shape_cast %get3A_868 : vector<1x16xf32> to vector<16xf32>
          %add3A_870 = arith.addf %get3A_865, %get3A_869 : vector<16xf32>
          %get3A_871 = arith.index_cast %add3A_837 : i32 to index
          %get3A_872 = arith.constant 16 : index
          %get3A_873 = tpu.vector_load %arg17[%get3A_871, %get3A_872] {strides = array<i32>} : memref<64x128xf32, #tpu.memory_space<vmem>>, vector<1x16xf32>,
          %get3A_874 = vector.shape_cast %get3A_873 : vector<1x16xf32> to vector<16xf32>
          %add3A_875 = arith.addf %add3A_870, %get3A_874 : vector<16xf32>
          %max3A_876 = arith.constant 0.000000e+00 : f32
          %max3A_877 = vector.broadcast %max3A_876 : f32 to vector<16xf32>
          %max3A_878 = arith.maximumf %add3A_875, %max3A_877 : vector<16xf32>
          %swap3A_879 = arith.index_cast %add3A_839 : i32 to index
          %swap3A_880 = arith.constant 16 : index
          %swap3A_881 = tpu.vector_load %arg19[%swap3A_879, %swap3A_880] {strides = array<i32>} : memref<256x32xf32, #tpu.memory_space<vmem>>, vector<1x16xf32>,
          %swap3A_882 = vector.shape_cast %swap3A_881 : vector<1x16xf32> to vector<16xf32>
          %swap3A_883 = vector.shape_cast %max3A_878 : vector<16xf32> to vector<1x16xf32>
          tpu.vector_store %arg19[%swap3A_879, %swap3A_880], %swap3A_883 {strides = array<i32>} : memref<256x32xf32, #tpu.memory_space<vmem>>, vector<1x16xf32>,
          %add3A_884 = arith.constant 160 : i32
          %add3A_885 = arith.addi %add3A_884, %scan3A_652 : i32
          %get3A_886 = arith.index_cast %add3A_885 : i32 to index
          %get3A_887 = arith.constant 0 : index
          %get3A_888 = tpu.vector_load %arg13[%get3A_886, %get3A_887] {strides = array<i32>} : memref<256x32xf32, #tpu.memory_space<vmem>>, vector<1x16xf32>,
          %get3A_889 = vector.shape_cast %get3A_888 : vector<1x16xf32> to vector<16xf32>
          %get3A_890 = arith.index_cast %add3A_885 : i32 to index
          %get3A_891 = arith.constant 0 : index
          %get3A_892 = tpu.vector_load %arg14[%get3A_890, %get3A_891] {strides = array<i32>} : memref<256x32xf32, #tpu.memory_space<vmem>>, vector<1x16xf32>,
          %get3A_893 = vector.shape_cast %get3A_892 : vector<1x16xf32> to vector<16xf32>
          %add3A_894 = arith.addf %get3A_889, %get3A_893 : vector<16xf32>
          %get3A_895 = arith.index_cast %add3A_837 : i32 to index
          %get3A_896 = arith.constant 32 : index
          %get3A_897 = tpu.vector_load %arg17[%get3A_895, %get3A_896] {strides = array<i32>} : memref<64x128xf32, #tpu.memory_space<vmem>>, vector<1x16xf32>,
          %get3A_898 = vector.shape_cast %get3A_897 : vector<1x16xf32> to vector<16xf32>
          %add3A_899 = arith.addf %add3A_894, %get3A_898 : vector<16xf32>
          %max3A_900 = arith.constant 0.000000e+00 : f32
          %max3A_901 = vector.broadcast %max3A_900 : f32 to vector<16xf32>
          %max3A_902 = arith.maximumf %add3A_899, %max3A_901 : vector<16xf32>
          %swap3A_903 = arith.index_cast %add3A_885 : i32 to index
          %swap3A_904 = arith.constant 0 : index
          %swap3A_905 = tpu.vector_load %arg19[%swap3A_903, %swap3A_904] {strides = array<i32>} : memref<256x32xf32, #tpu.memory_space<vmem>>, vector<1x16xf32>,
          %swap3A_906 = vector.shape_cast %swap3A_905 : vector<1x16xf32> to vector<16xf32>
          %swap3A_907 = vector.shape_cast %max3A_902 : vector<16xf32> to vector<1x16xf32>
          tpu.vector_store %arg19[%swap3A_903, %swap3A_904], %swap3A_907 {strides = array<i32>} : memref<256x32xf32, #tpu.memory_space<vmem>>, vector<1x16xf32>,
          %get3A_908 = arith.index_cast %add3A_885 : i32 to index
          %get3A_909 = arith.constant 16 : index
          %get3A_910 = tpu.vector_load %arg13[%get3A_908, %get3A_909] {strides = array<i32>} : memref<256x32xf32, #tpu.memory_space<vmem>>, vector<1x16xf32>,
          %get3A_911 = vector.shape_cast %get3A_910 : vector<1x16xf32> to vector<16xf32>
          %get3A_912 = arith.index_cast %add3A_885 : i32 to index
          %get3A_913 = arith.constant 16 : index
          %get3A_914 = tpu.vector_load %arg14[%get3A_912, %get3A_913] {strides = array<i32>} : memref<256x32xf32, #tpu.memory_space<vmem>>, vector<1x16xf32>,
          %get3A_915 = vector.shape_cast %get3A_914 : vector<1x16xf32> to vector<16xf32>
          %add3A_916 = arith.addf %get3A_911, %get3A_915 : vector<16xf32>
          %get3A_917 = arith.index_cast %add3A_837 : i32 to index
          %get3A_918 = arith.constant 48 : index
          %get3A_919 = tpu.vector_load %arg17[%get3A_917, %get3A_918] {strides = array<i32>} : memref<64x128xf32, #tpu.memory_space<vmem>>, vector<1x16xf32>,
          %get3A_920 = vector.shape_cast %get3A_919 : vector<1x16xf32> to vector<16xf32>
          %add3A_921 = arith.addf %add3A_916, %get3A_920 : vector<16xf32>
          %max3A_922 = arith.constant 0.000000e+00 : f32
          %max3A_923 = vector.broadcast %max3A_922 : f32 to vector<16xf32>
          %max3A_924 = arith.maximumf %add3A_921, %max3A_923 : vector<16xf32>
          %swap3A_925 = arith.index_cast %add3A_885 : i32 to index
          %swap3A_926 = arith.constant 16 : index
          %swap3A_927 = tpu.vector_load %arg19[%swap3A_925, %swap3A_926] {strides = array<i32>} : memref<256x32xf32, #tpu.memory_space<vmem>>, vector<1x16xf32>,
          %swap3A_928 = vector.shape_cast %swap3A_927 : vector<1x16xf32> to vector<16xf32>
          %swap3A_929 = vector.shape_cast %max3A_924 : vector<16xf32> to vector<1x16xf32>
          tpu.vector_store %arg19[%swap3A_925, %swap3A_926], %swap3A_929 {strides = array<i32>} : memref<256x32xf32, #tpu.memory_space<vmem>>, vector<1x16xf32>,
          %add3A_930 = arith.constant 192 : i32
          %add3A_931 = arith.addi %add3A_930, %scan3A_652 : i32
          %get3A_932 = arith.index_cast %add3A_931 : i32 to index
          %get3A_933 = arith.constant 0 : index
          %get3A_934 = tpu.vector_load %arg13[%get3A_932, %get3A_933] {strides = array<i32>} : memref<256x32xf32, #tpu.memory_space<vmem>>, vector<1x16xf32>,
          %get3A_935 = vector.shape_cast %get3A_934 : vector<1x16xf32> to vector<16xf32>
          %get3A_936 = arith.index_cast %add3A_931 : i32 to index
          %get3A_937 = arith.constant 0 : index
          %get3A_938 = tpu.vector_load %arg14[%get3A_936, %get3A_937] {strides = array<i32>} : memref<256x32xf32, #tpu.memory_space<vmem>>, vector<1x16xf32>,
          %get3A_939 = vector.shape_cast %get3A_938 : vector<1x16xf32> to vector<16xf32>
          %add3A_940 = arith.addf %get3A_935, %get3A_939 : vector<16xf32>
          %get3A_941 = arith.index_cast %add3A_837 : i32 to index
          %get3A_942 = arith.constant 64 : index
          %get3A_943 = tpu.vector_load %arg17[%get3A_941, %get3A_942] {strides = array<i32>} : memref<64x128xf32, #tpu.memory_space<vmem>>, vector<1x16xf32>,
          %get3A_944 = vector.shape_cast %get3A_943 : vector<1x16xf32> to vector<16xf32>
          %add3A_945 = arith.addf %add3A_940, %get3A_944 : vector<16xf32>
          %max3A_946 = arith.constant 0.000000e+00 : f32
          %max3A_947 = vector.broadcast %max3A_946 : f32 to vector<16xf32>
          %max3A_948 = arith.maximumf %add3A_945, %max3A_947 : vector<16xf32>
          %swap3A_949 = arith.index_cast %add3A_931 : i32 to index
          %swap3A_950 = arith.constant 0 : index
          %swap3A_951 = tpu.vector_load %arg19[%swap3A_949, %swap3A_950] {strides = array<i32>} : memref<256x32xf32, #tpu.memory_space<vmem>>, vector<1x16xf32>,
          %swap3A_952 = vector.shape_cast %swap3A_951 : vector<1x16xf32> to vector<16xf32>
          %swap3A_953 = vector.shape_cast %max3A_948 : vector<16xf32> to vector<1x16xf32>
          tpu.vector_store %arg19[%swap3A_949, %swap3A_950], %swap3A_953 {strides = array<i32>} : memref<256x32xf32, #tpu.memory_space<vmem>>, vector<1x16xf32>,
          %get3A_954 = arith.index_cast %add3A_931 : i32 to index
          %get3A_955 = arith.constant 16 : index
          %get3A_956 = tpu.vector_load %arg13[%get3A_954, %get3A_955] {strides = array<i32>} : memref<256x32xf32, #tpu.memory_space<vmem>>, vector<1x16xf32>,
          %get3A_957 = vector.shape_cast %get3A_956 : vector<1x16xf32> to vector<16xf32>
          %get3A_958 = arith.index_cast %add3A_931 : i32 to index
          %get3A_959 = arith.constant 16 : index
          %get3A_960 = tpu.vector_load %arg14[%get3A_958, %get3A_959] {strides = array<i32>} : memref<256x32xf32, #tpu.memory_space<vmem>>, vector<1x16xf32>,
          %get3A_961 = vector.shape_cast %get3A_960 : vector<1x16xf32> to vector<16xf32>
          %add3A_962 = arith.addf %get3A_957, %get3A_961 : vector<16xf32>
          %get3A_963 = arith.index_cast %add3A_837 : i32 to index
          %get3A_964 = arith.constant 80 : index
          %get3A_965 = tpu.vector_load %arg17[%get3A_963, %get3A_964] {strides = array<i32>} : memref<64x128xf32, #tpu.memory_space<vmem>>, vector<1x16xf32>,
          %get3A_966 = vector.shape_cast %get3A_965 : vector<1x16xf32> to vector<16xf32>
          %add3A_967 = arith.addf %add3A_962, %get3A_966 : vector<16xf32>
          %max3A_968 = arith.constant 0.000000e+00 : f32
          %max3A_969 = vector.broadcast %max3A_968 : f32 to vector<16xf32>
          %max3A_970 = arith.maximumf %add3A_967, %max3A_969 : vector<16xf32>
          %swap3A_971 = arith.index_cast %add3A_931 : i32 to index
          %swap3A_972 = arith.constant 16 : index
          %swap3A_973 = tpu.vector_load %arg19[%swap3A_971, %swap3A_972] {strides = array<i32>} : memref<256x32xf32, #tpu.memory_space<vmem>>, vector<1x16xf32>,
          %swap3A_974 = vector.shape_cast %swap3A_973 : vector<1x16xf32> to vector<16xf32>
          %swap3A_975 = vector.shape_cast %max3A_970 : vector<16xf32> to vector<1x16xf32>
          tpu.vector_store %arg19[%swap3A_971, %swap3A_972], %swap3A_975 {strides = array<i32>} : memref<256x32xf32, #tpu.memory_space<vmem>>, vector<1x16xf32>,
          %add3A_976 = arith.constant 224 : i32
          %add3A_977 = arith.addi %add3A_976, %scan3A_652 : i32
          %get3A_978 = arith.index_cast %add3A_977 : i32 to index
          %get3A_979 = arith.constant 0 : index
          %get3A_980 = tpu.vector_load %arg13[%get3A_978, %get3A_979] {strides = array<i32>} : memref<256x32xf32, #tpu.memory_space<vmem>>, vector<1x16xf32>,
          %get3A_981 = vector.shape_cast %get3A_980 : vector<1x16xf32> to vector<16xf32>
          %get3A_982 = arith.index_cast %add3A_977 : i32 to index
          %get3A_983 = arith.constant 0 : index
          %get3A_984 = tpu.vector_load %arg14[%get3A_982, %get3A_983] {strides = array<i32>} : memref<256x32xf32, #tpu.memory_space<vmem>>, vector<1x16xf32>,
          %get3A_985 = vector.shape_cast %get3A_984 : vector<1x16xf32> to vector<16xf32>
          %add3A_986 = arith.addf %get3A_981, %get3A_985 : vector<16xf32>
          %get3A_987 = arith.index_cast %add3A_837 : i32 to index
          %get3A_988 = arith.constant 96 : index
          %get3A_989 = tpu.vector_load %arg17[%get3A_987, %get3A_988] {strides = array<i32>} : memref<64x128xf32, #tpu.memory_space<vmem>>, vector<1x16xf32>,
          %get3A_990 = vector.shape_cast %get3A_989 : vector<1x16xf32> to vector<16xf32>
          %add3A_991 = arith.addf %add3A_986, %get3A_990 : vector<16xf32>
          %max3A_992 = arith.constant 0.000000e+00 : f32
          %max3A_993 = vector.broadcast %max3A_992 : f32 to vector<16xf32>
          %max3A_994 = arith.maximumf %add3A_991, %max3A_993 : vector<16xf32>
          %swap3A_995 = arith.index_cast %add3A_977 : i32 to index
          %swap3A_996 = arith.constant 0 : index
          %swap3A_997 = tpu.vector_load %arg19[%swap3A_995, %swap3A_996] {strides = array<i32>} : memref<256x32xf32, #tpu.memory_space<vmem>>, vector<1x16xf32>,
          %swap3A_998 = vector.shape_cast %swap3A_997 : vector<1x16xf32> to vector<16xf32>
          %swap3A_999 = vector.shape_cast %max3A_994 : vector<16xf32> to vector<1x16xf32>
          tpu.vector_store %arg19[%swap3A_995, %swap3A_996], %swap3A_999 {strides = array<i32>} : memref<256x32xf32, #tpu.memory_space<vmem>>, vector<1x16xf32>,
          %get3A_1000 = arith.index_cast %add3A_977 : i32 to index
          %get3A_1001 = arith.constant 16 : index
          %get3A_1002 = tpu.vector_load %arg13[%get3A_1000, %get3A_1001] {strides = array<i32>} : memref<256x32xf32, #tpu.memory_space<vmem>>, vector<1x16xf32>,
          %get3A_1003 = vector.shape_cast %get3A_1002 : vector<1x16xf32> to vector<16xf32>
          %get3A_1004 = arith.index_cast %add3A_977 : i32 to index
          %get3A_1005 = arith.constant 16 : index
          %get3A_1006 = tpu.vector_load %arg14[%get3A_1004, %get3A_1005] {strides = array<i32>} : memref<256x32xf32, #tpu.memory_space<vmem>>, vector<1x16xf32>,
          %get3A_1007 = vector.shape_cast %get3A_1006 : vector<1x16xf32> to vector<16xf32>
          %add3A_1008 = arith.addf %get3A_1003, %get3A_1007 : vector<16xf32>
          %get3A_1009 = arith.index_cast %add3A_837 : i32 to index
          %get3A_1010 = arith.constant 112 : index
          %get3A_1011 = tpu.vector_load %arg17[%get3A_1009, %get3A_1010] {strides = array<i32>} : memref<64x128xf32, #tpu.memory_space<vmem>>, vector<1x16xf32>,
          %get3A_1012 = vector.shape_cast %get3A_1011 : vector<1x16xf32> to vector<16xf32>
          %add3A_1013 = arith.addf %add3A_1008, %get3A_1012 : vector<16xf32>
          %max3A_1014 = arith.constant 0.000000e+00 : f32
          %max3A_1015 = vector.broadcast %max3A_1014 : f32 to vector<16xf32>
          %max3A_1016 = arith.maximumf %add3A_1013, %max3A_1015 : vector<16xf32>
          %swap3A_1017 = arith.index_cast %add3A_977 : i32 to index
          %swap3A_1018 = arith.constant 16 : index
          %swap3A_1019 = tpu.vector_load %arg19[%swap3A_1017, %swap3A_1018] {strides = array<i32>} : memref<256x32xf32, #tpu.memory_space<vmem>>, vector<1x16xf32>,
          %swap3A_1020 = vector.shape_cast %swap3A_1019 : vector<1x16xf32> to vector<16xf32>
          %swap3A_1021 = vector.shape_cast %max3A_1016 : vector<16xf32> to vector<1x16xf32>
          tpu.vector_store %arg19[%swap3A_1017, %swap3A_1018], %swap3A_1021 {strides = array<i32>} : memref<256x32xf32, #tpu.memory_space<vmem>>, vector<1x16xf32>,
        }
        %scan3A_651 = arith.constant 32 : i32
      } else {
      }
      %convert_element_type3A_520 = arith.extui %lt3A_503 : i1 to i32
      %cond3A_521 = arith.constant 0 : i32
      %cond3A_522 = arith.cmpi ne, %convert_element_type3A_520, %cond3A_521 : i32
      scf.if %cond3A_522 {
        %add3A_646 = arith.constant 64 : i32
        %add3A_647 = arith.addi %add3A_493, %add3A_646 : i32
        %mul3A_648 = arith.constant 32 : i32
        %mul3A_649 = arith.muli %add3A_647, %mul3A_648 : i32
        %dma_start3A_650 = arith.constant 0 : i32
        %dma_start3A_651 = arith.constant 0 : i32
        %dma_start3A_652 = tpu.memref_slice %arg17[%dma_start3A_650, %dma_start3A_651] : memref<64x128xf32, #tpu.memory_space<vmem>> -> memref<32x128xf32, #tpu.memory_space<vmem>>
        %dma_start3A_653 = arith.constant 0 : i32
        %dma_start3A_654 = tpu.memref_slice %arg4[%mul3A_649, %dma_start3A_653] : memref<40000x128xf32, #tpu.memory_space<hbm>> -> memref<32x128xf32, #tpu.memory_space<hbm>>
        %dma_start3A_655 = arith.constant 0 : i32
        %dma_start3A_656 = arith.constant 0 : i32
        %dma_start3A_657 = tpu.memref_slice %arg17[%dma_start3A_655, %dma_start3A_656] : memref<64x128xf32, #tpu.memory_space<vmem>> -> memref<32x128xf32, #tpu.memory_space<vmem>>
        %dma_start3A_658 = arith.constant 0 : i32
        %dma_start3A_659 = tpu.memref_slice %arg4[%mul3A_649, %dma_start3A_658] : memref<40000x128xf32, #tpu.memory_space<hbm>> -> memref<32x128xf32, #tpu.memory_space<hbm>>
        tpu.enqueue_dma source(%dma_start3A_659 : memref<32x128xf32, #tpu.memory_space<hbm>>) target(%dma_start3A_657 : memref<32x128xf32, #tpu.memory_space<vmem>>) target_semaphore(%arg28 : memref<!tpu.dma_semaphore, #tpu.memory_space<semaphore_mem>>)
        %mul3A_660 = arith.constant 32 : i32
        %mul3A_661 = arith.muli %add3A_647, %mul3A_660 : i32
        %dma_start3A_662 = arith.constant 32 : i32
        %dma_start3A_663 = arith.constant 0 : i32
        %dma_start3A_664 = tpu.memref_slice %arg17[%dma_start3A_662, %dma_start3A_663] : memref<64x128xf32, #tpu.memory_space<vmem>> -> memref<32x128xf32, #tpu.memory_space<vmem>>
        %dma_start3A_665 = arith.constant 0 : i32
        %dma_start3A_666 = tpu.memref_slice %arg5[%mul3A_661, %dma_start3A_665] : memref<40000x128xf32, #tpu.memory_space<hbm>> -> memref<32x128xf32, #tpu.memory_space<hbm>>
        %dma_start3A_667 = arith.constant 32 : i32
        %dma_start3A_668 = arith.constant 0 : i32
        %dma_start3A_669 = tpu.memref_slice %arg17[%dma_start3A_667, %dma_start3A_668] : memref<64x128xf32, #tpu.memory_space<vmem>> -> memref<32x128xf32, #tpu.memory_space<vmem>>
        %dma_start3A_670 = arith.constant 0 : i32
        %dma_start3A_671 = tpu.memref_slice %arg5[%mul3A_661, %dma_start3A_670] : memref<40000x128xf32, #tpu.memory_space<hbm>> -> memref<32x128xf32, #tpu.memory_space<hbm>>
        tpu.enqueue_dma source(%dma_start3A_671 : memref<32x128xf32, #tpu.memory_space<hbm>>) target(%dma_start3A_669 : memref<32x128xf32, #tpu.memory_space<vmem>>) target_semaphore(%arg28 : memref<!tpu.dma_semaphore, #tpu.memory_space<semaphore_mem>>)
      } else {
      }
      %convert_element_type3A_523 = arith.extui %lt3A_495 : i1 to i32
      %cond3A_524 = arith.constant 0 : i32
      %cond3A_525 = arith.cmpi ne, %convert_element_type3A_523, %cond3A_524 : i32
      scf.if %cond3A_525 {
        %dma_start3A_646 = arith.constant 1 : i32
        %dma_start3A_647 = arith.constant 0 : i32
        %dma_start3A_648 = tpu.memref_slice %arg9[%dma_start3A_646, %dma_start3A_647] : memref<2x256xi32, #tpu.memory_space<vmem>> -> memref<1x256xi32, #tpu.memory_space<vmem>>
        %dma_start3A_649 = tpu.memref_squeeze %dma_start3A_648 : memref<1x256xi32, #tpu.memory_space<vmem>> -> memref<256xi32, #tpu.memory_space<vmem>>
        %dma_start3A_650 = arith.constant 0 : i32
        %dma_start3A_651 = arith.constant 0 : i32
        %dma_start3A_652 = tpu.memref_slice %arg24[%dma_start3A_650, %dma_start3A_651] : memref<10240x32xf32, #tpu.memory_space<vmem_shared>> -> memref<10240x32xf32, #tpu.memory_space<vmem_shared>>
        tpu.enqueue_indirect_dma source(%arg19 : memref<256x32xf32, #tpu.memory_space<vmem>>) target(%dma_start3A_652 : memref<10240x32xf32, #tpu.memory_space<vmem_shared>>) offsets(%dma_start3A_649 : memref<256xi32, #tpu.memory_space<vmem>>) semaphore(%arg32 : memref<!tpu.dma_semaphore, #tpu.memory_space<semaphore_mem>>) {add = true}
        %dma_start3A_653 = arith.constant 1 : i32
        %dma_start3A_654 = arith.constant 0 : i32
        %dma_start3A_655 = tpu.memref_slice %arg9[%dma_start3A_653, %dma_start3A_654] : memref<2x256xi32, #tpu.memory_space<vmem>> -> memref<1x256xi32, #tpu.memory_space<vmem>>
        %dma_start3A_656 = tpu.memref_squeeze %dma_start3A_655 : memref<1x256xi32, #tpu.memory_space<vmem>> -> memref<256xi32, #tpu.memory_space<vmem>>
        %dma_start3A_657 = arith.constant 0 : i32
        %dma_start3A_658 = tpu.memref_slice %arg25[%dma_start3A_657] : memref<10240xf32, #tpu.memory_space<vmem_shared>> -> memref<10240xf32, #tpu.memory_space<vmem_shared>>
        tpu.enqueue_indirect_dma source(%arg21 : memref<256xf32, #tpu.memory_space<vmem>>) target(%dma_start3A_658 : memref<10240xf32, #tpu.memory_space<vmem_shared>>) offsets(%dma_start3A_656 : memref<256xi32, #tpu.memory_space<vmem>>) semaphore(%arg32 : memref<!tpu.dma_semaphore, #tpu.memory_space<semaphore_mem>>) {add = true}
      } else {
      }
      %mul3A_526 = arith.constant 4 : i32
      %mul3A_527 = arith.muli %mul3A_526, %scan3A_486 : i32
      %add3A_528 = arith.constant 1 : i32
      %add3A_529 = arith.addi %mul3A_527, %add3A_528 : i32
      %mul3A_530 = arith.constant 32 : i32
      %mul3A_531 = arith.muli %add3A_529, %mul3A_530 : i32
      %add3A_532 = arith.addi %mul3A_531, %add3A : i32
      %lt3A_533 = arith.constant 1250 : i32
      %lt3A_534 = arith.cmpi slt, %add3A_532, %lt3A_533 : i32
      %add3A_535 = arith.constant 32 : i32
      %add3A_536 = arith.addi %add3A_532, %add3A_535 : i32
      %lt3A_537 = arith.constant 1250 : i32
      %lt3A_538 = arith.cmpi slt, %add3A_536, %lt3A_537 : i32
      %add3A_539 = arith.constant 64 : i32
      %add3A_540 = arith.addi %add3A_532, %add3A_539 : i32
      %lt3A_541 = arith.constant 1250 : i32
      %lt3A_542 = arith.cmpi slt, %add3A_540, %lt3A_541 : i32
      %convert_element_type3A_543 = arith.extui %lt3A_534 : i1 to i32
      %cond3A_544 = arith.constant 0 : i32
      %cond3A_545 = arith.cmpi ne, %convert_element_type3A_543, %cond3A_544 : i32
      scf.if %cond3A_545 {
        %dma_wait3A_646 = arith.constant 0 : i32
        %dma_wait3A_647 = arith.constant 0 : i32
        %dma_wait3A_648 = tpu.memref_slice %arg2[%dma_wait3A_646, %dma_wait3A_647] : memref<10000x32xf32, #tpu.memory_space<hbm>> -> memref<256x32xf32, #tpu.memory_space<hbm>>
        %dma_wait3A_649 = arith.constant 0 : i32
        %dma_wait3A_650 = arith.constant 0 : i32
        %dma_wait3A_651 = tpu.memref_slice %arg2[%dma_wait3A_649, %dma_wait3A_650] : memref<10000x32xf32, #tpu.memory_space<hbm>> -> memref<256x32xf32, #tpu.memory_space<hbm>>
        tpu.wait_dma2 semaphore(%arg31 : memref<!tpu.dma_semaphore, #tpu.memory_space<semaphore_mem>>) src(%dma_wait3A_651 : memref<256x32xf32, #tpu.memory_space<hbm>>) dst(%arg15 : memref<256x32xf32, #tpu.memory_space<vmem>>)
        %dma_wait3A_652 = arith.constant 0 : i32
        %dma_wait3A_653 = arith.constant 0 : i32
        %dma_wait3A_654 = tpu.memref_slice %arg3[%dma_wait3A_652, %dma_wait3A_653] : memref<10000x32xf32, #tpu.memory_space<hbm>> -> memref<256x32xf32, #tpu.memory_space<hbm>>
        %dma_wait3A_655 = arith.constant 0 : i32
        %dma_wait3A_656 = arith.constant 0 : i32
        %dma_wait3A_657 = tpu.memref_slice %arg3[%dma_wait3A_655, %dma_wait3A_656] : memref<10000x32xf32, #tpu.memory_space<hbm>> -> memref<256x32xf32, #tpu.memory_space<hbm>>
        tpu.wait_dma2 semaphore(%arg31 : memref<!tpu.dma_semaphore, #tpu.memory_space<semaphore_mem>>) src(%dma_wait3A_657 : memref<256x32xf32, #tpu.memory_space<hbm>>) dst(%arg16 : memref<256x32xf32, #tpu.memory_space<vmem>>)
        %dma_wait3A_658 = arith.constant 0 : i32
        %dma_wait3A_659 = arith.constant 0 : i32
        %dma_wait3A_660 = tpu.memref_slice %arg18[%dma_wait3A_658, %dma_wait3A_659] : memref<64x128xf32, #tpu.memory_space<vmem>> -> memref<32x128xf32, #tpu.memory_space<vmem>>
        %dma_wait3A_661 = arith.constant 0 : i32
        %dma_wait3A_662 = arith.constant 0 : i32
        %dma_wait3A_663 = tpu.memref_slice %arg4[%dma_wait3A_661, %dma_wait3A_662] : memref<40000x128xf32, #tpu.memory_space<hbm>> -> memref<32x128xf32, #tpu.memory_space<hbm>>
        %dma_wait3A_664 = arith.constant 0 : i32
        %dma_wait3A_665 = arith.constant 0 : i32
        %dma_wait3A_666 = tpu.memref_slice %arg18[%dma_wait3A_664, %dma_wait3A_665] : memref<64x128xf32, #tpu.memory_space<vmem>> -> memref<32x128xf32, #tpu.memory_space<vmem>>
        %dma_wait3A_667 = arith.constant 0 : i32
        %dma_wait3A_668 = arith.constant 0 : i32
        %dma_wait3A_669 = tpu.memref_slice %arg4[%dma_wait3A_667, %dma_wait3A_668] : memref<40000x128xf32, #tpu.memory_space<hbm>> -> memref<32x128xf32, #tpu.memory_space<hbm>>
        tpu.wait_dma2 semaphore(%arg29 : memref<!tpu.dma_semaphore, #tpu.memory_space<semaphore_mem>>) src(%dma_wait3A_669 : memref<32x128xf32, #tpu.memory_space<hbm>>) dst(%dma_wait3A_666 : memref<32x128xf32, #tpu.memory_space<vmem>>)
        %dma_wait3A_670 = arith.constant 32 : i32
        %dma_wait3A_671 = arith.constant 0 : i32
        %dma_wait3A_672 = tpu.memref_slice %arg18[%dma_wait3A_670, %dma_wait3A_671] : memref<64x128xf32, #tpu.memory_space<vmem>> -> memref<32x128xf32, #tpu.memory_space<vmem>>
        %dma_wait3A_673 = arith.constant 0 : i32
        %dma_wait3A_674 = arith.constant 0 : i32
        %dma_wait3A_675 = tpu.memref_slice %arg5[%dma_wait3A_673, %dma_wait3A_674] : memref<40000x128xf32, #tpu.memory_space<hbm>> -> memref<32x128xf32, #tpu.memory_space<hbm>>
        %dma_wait3A_676 = arith.constant 32 : i32
        %dma_wait3A_677 = arith.constant 0 : i32
        %dma_wait3A_678 = tpu.memref_slice %arg18[%dma_wait3A_676, %dma_wait3A_677] : memref<64x128xf32, #tpu.memory_space<vmem>> -> memref<32x128xf32, #tpu.memory_space<vmem>>
        %dma_wait3A_679 = arith.constant 0 : i32
        %dma_wait3A_680 = arith.constant 0 : i32
        %dma_wait3A_681 = tpu.memref_slice %arg5[%dma_wait3A_679, %dma_wait3A_680] : memref<40000x128xf32, #tpu.memory_space<hbm>> -> memref<32x128xf32, #tpu.memory_space<hbm>>
        tpu.wait_dma2 semaphore(%arg29 : memref<!tpu.dma_semaphore, #tpu.memory_space<semaphore_mem>>) src(%dma_wait3A_681 : memref<32x128xf32, #tpu.memory_space<hbm>>) dst(%dma_wait3A_678 : memref<32x128xf32, #tpu.memory_space<vmem>>)
      } else {
      }
      %ge3A_546 = arith.constant 2 : i32
      %ge3A_547 = arith.cmpi sge, %add3A_529, %ge3A_546 : i32
      %convert_element_type3A_548 = arith.extui %ge3A_547 : i1 to i32
      %cond3A_549 = arith.constant 0 : i32
      %cond3A_550 = arith.cmpi ne, %convert_element_type3A_548, %cond3A_549 : i32
      scf.if %cond3A_550 {
        %dma_wait3A_646 = arith.constant 1 : i32
        %dma_wait3A_647 = arith.constant 0 : i32
        %dma_wait3A_648 = tpu.memref_slice %arg12[%dma_wait3A_646, %dma_wait3A_647] : memref<2x256xi32, #tpu.memory_space<vmem>> -> memref<1x256xi32, #tpu.memory_space<vmem>>
        %dma_wait3A_649 = tpu.memref_squeeze %dma_wait3A_648 : memref<1x256xi32, #tpu.memory_space<vmem>> -> memref<256xi32, #tpu.memory_space<vmem>>
        %dma_wait3A_650 = arith.constant 0 : i32
        %dma_wait3A_651 = arith.constant 0 : i32
        %dma_wait3A_652 = tpu.memref_slice %arg24[%dma_wait3A_650, %dma_wait3A_651] : memref<10240x32xf32, #tpu.memory_space<vmem_shared>> -> memref<10240x32xf32, #tpu.memory_space<vmem_shared>>
        tpu.wait_indirect_dma semaphore(%arg33 : memref<!tpu.dma_semaphore, #tpu.memory_space<semaphore_mem>>) src(%arg20 : memref<256x32xf32, #tpu.memory_space<vmem>>) dst(%dma_wait3A_652 : memref<10240x32xf32, #tpu.memory_space<vmem_shared>>)
        %dma_wait3A_653 = arith.constant 1 : i32
        %dma_wait3A_654 = arith.constant 0 : i32
        %dma_wait3A_655 = tpu.memref_slice %arg12[%dma_wait3A_653, %dma_wait3A_654] : memref<2x256xi32, #tpu.memory_space<vmem>> -> memref<1x256xi32, #tpu.memory_space<vmem>>
        %dma_wait3A_656 = tpu.memref_squeeze %dma_wait3A_655 : memref<1x256xi32, #tpu.memory_space<vmem>> -> memref<256xi32, #tpu.memory_space<vmem>>
        %dma_wait3A_657 = arith.constant 0 : i32
        %dma_wait3A_658 = tpu.memref_slice %arg25[%dma_wait3A_657] : memref<10240xf32, #tpu.memory_space<vmem_shared>> -> memref<10240xf32, #tpu.memory_space<vmem_shared>>
        tpu.wait_indirect_dma semaphore(%arg33 : memref<!tpu.dma_semaphore, #tpu.memory_space<semaphore_mem>>) src(%arg21 : memref<256xf32, #tpu.memory_space<vmem>>) dst(%dma_wait3A_658 : memref<10240xf32, #tpu.memory_space<vmem_shared>>)
      } else {
      }
      %convert_element_type3A_551 = arith.extui %lt3A_538 : i1 to i32
      %cond3A_552 = arith.constant 0 : i32
      %cond3A_553 = arith.cmpi ne, %convert_element_type3A_551, %cond3A_552 : i32
      scf.if %cond3A_553 {
        %dma_wait3A_646 = arith.constant 0 : i32
        %dma_wait3A_647 = arith.constant 0 : i32
        %dma_wait3A_648 = arith.constant 0 : i32
        %dma_wait3A_649 = tpu.memref_slice %arg6[%dma_wait3A_646, %dma_wait3A_647, %dma_wait3A_648] : memref<2500x2x128xi32, #tpu.memory_space<hbm>> -> memref<1x2x128xi32, #tpu.memory_space<hbm>>
        %dma_wait3A_650 = tpu.memref_squeeze %dma_wait3A_649 : memref<1x2x128xi32, #tpu.memory_space<hbm>> -> memref<2x128xi32, #tpu.memory_space<hbm>>
        %dma_wait3A_651 = arith.constant 0 : i32
        %dma_wait3A_652 = arith.constant 0 : i32
        %dma_wait3A_653 = tpu.memref_slice %arg6[%dma_wait3A_646, %dma_wait3A_651, %dma_wait3A_652] : memref<2500x2x128xi32, #tpu.memory_space<hbm>> -> memref<1x2x128xi32, #tpu.memory_space<hbm>>
        %dma_wait3A_654 = tpu.memref_squeeze %dma_wait3A_653 : memref<1x2x128xi32, #tpu.memory_space<hbm>> -> memref<2x128xi32, #tpu.memory_space<hbm>>
        tpu.wait_dma2 semaphore(%arg26 : memref<!tpu.dma_semaphore, #tpu.memory_space<semaphore_mem>>) src(%dma_wait3A_654 : memref<2x128xi32, #tpu.memory_space<hbm>>) dst(%arg11 : memref<2x256xi32, #tpu.memory_space<vmem>>)
        %dma_start3A_655 = arith.constant 0 : i32
        %dma_start3A_656 = arith.constant 0 : i32
        %dma_start3A_657 = tpu.memref_slice %arg11[%dma_start3A_655, %dma_start3A_656] : memref<2x256xi32, #tpu.memory_space<vmem>> -> memref<1x256xi32, #tpu.memory_space<vmem>>
        %dma_start3A_658 = tpu.memref_squeeze %dma_start3A_657 : memref<1x256xi32, #tpu.memory_space<vmem>> -> memref<256xi32, #tpu.memory_space<vmem>>
        %dma_start3A_659 = arith.constant 0 : i32
        %dma_start3A_660 = arith.constant 0 : i32
        %dma_start3A_661 = tpu.memref_slice %arg2[%dma_start3A_659, %dma_start3A_660] : memref<10000x32xf32, #tpu.memory_space<hbm>> -> memref<10000x32xf32, #tpu.memory_space<hbm>>
        tpu.enqueue_indirect_dma source(%dma_start3A_661 : memref<10000x32xf32, #tpu.memory_space<hbm>>) target(%arg13 : memref<256x32xf32, #tpu.memory_space<vmem>>) offsets(%dma_start3A_658 : memref<256xi32, #tpu.memory_space<vmem>>) semaphore(%arg30 : memref<!tpu.dma_semaphore, #tpu.memory_space<semaphore_mem>>)
        %dma_start3A_662 = arith.constant 1 : i32
        %dma_start3A_663 = arith.constant 0 : i32
        %dma_start3A_664 = tpu.memref_slice %arg11[%dma_start3A_662, %dma_start3A_663] : memref<2x256xi32, #tpu.memory_space<vmem>> -> memref<1x256xi32, #tpu.memory_space<vmem>>
        %dma_start3A_665 = tpu.memref_squeeze %dma_start3A_664 : memref<1x256xi32, #tpu.memory_space<vmem>> -> memref<256xi32, #tpu.memory_space<vmem>>
        %dma_start3A_666 = arith.constant 0 : i32
        %dma_start3A_667 = arith.constant 0 : i32
        %dma_start3A_668 = tpu.memref_slice %arg3[%dma_start3A_666, %dma_start3A_667] : memref<10000x32xf32, #tpu.memory_space<hbm>> -> memref<10000x32xf32, #tpu.memory_space<hbm>>
        tpu.enqueue_indirect_dma source(%dma_start3A_668 : memref<10000x32xf32, #tpu.memory_space<hbm>>) target(%arg14 : memref<256x32xf32, #tpu.memory_space<vmem>>) offsets(%dma_start3A_665 : memref<256xi32, #tpu.memory_space<vmem>>) semaphore(%arg30 : memref<!tpu.dma_semaphore, #tpu.memory_space<semaphore_mem>>)
      } else {
      }
      %convert_element_type3A_554 = arith.extui %lt3A_542 : i1 to i32
      %cond3A_555 = arith.constant 0 : i32
      %cond3A_556 = arith.cmpi ne, %convert_element_type3A_554, %cond3A_555 : i32
      scf.if %cond3A_556 {
        %add3A_646 = arith.constant 64 : i32
        %add3A_647 = arith.addi %add3A_532, %add3A_646 : i32
        %mul3A_648 = arith.constant 10486 : i32
        %mul3A_649 = arith.muli %add3A_647, %mul3A_648 : i32
        %shift_right_arithmetic3A_650 = arith.constant 19 : i32
        %shift_right_arithmetic3A_651 = arith.shrsi %mul3A_649, %shift_right_arithmetic3A_650 : i32
        %mul3A_652 = arith.constant 12800 : i32
        %mul3A_653 = arith.muli %mul3A_652, %shift_right_arithmetic3A_651 : i32
        %mul3A_654 = arith.constant 50 : i32
        %mul3A_655 = arith.muli %mul3A_654, %shift_right_arithmetic3A_651 : i32
        %sub3A_656 = arith.subi %add3A_647, %mul3A_655 : i32
        %mul3A_657 = arith.constant 32 : i32
        %mul3A_658 = arith.muli %mul3A_657, %sub3A_656 : i32
        %add3A_659 = arith.addi %mul3A_653, %mul3A_658 : i32
        %add3A_660 = arith.constant 0 : i32
        %add3A_661 = arith.addi %add3A_659, %add3A_660 : i32
        %add3A_662 = arith.constant 0 : i32
        %add3A_663 = arith.addi %add3A_661, %add3A_662 : i32
        %and3A_664 = arith.constant 127 : i32
        %and3A_665 = arith.andi %add3A_663, %and3A_664 : i32
        %multiple_of3A_666 = tpu.assume_multiple %and3A_665, 32 : i32
        %shift_right_arithmetic3A_667 = arith.constant 7 : i32
        %shift_right_arithmetic3A_668 = arith.shrsi %add3A_663, %shift_right_arithmetic3A_667 : i32
        %dma_start3A_669 = arith.constant 0 : i32
        %dma_start3A_670 = arith.constant 0 : i32
        %dma_start3A_671 = tpu.memref_slice %arg12[%dma_start3A_669, %dma_start3A_670] : memref<2x256xi32, #tpu.memory_space<vmem>> -> memref<2x32xi32, #tpu.memory_space<vmem>>
        %dma_start3A_672 = arith.constant 0 : i32
        %dma_start3A_673 = tpu.memref_slice %arg6[%shift_right_arithmetic3A_668, %dma_start3A_672, %multiple_of3A_666] : memref<2500x2x128xi32, #tpu.memory_space<hbm>> -> memref<1x2x32xi32, #tpu.memory_space<hbm>>
        %dma_start3A_674 = tpu.memref_squeeze %dma_start3A_673 : memref<1x2x32xi32, #tpu.memory_space<hbm>> -> memref<2x32xi32, #tpu.memory_space<hbm>>
        %dma_start3A_675 = arith.constant 0 : i32
        %dma_start3A_676 = arith.constant 0 : i32
        %dma_start3A_677 = tpu.memref_slice %arg12[%dma_start3A_675, %dma_start3A_676] : memref<2x256xi32, #tpu.memory_space<vmem>> -> memref<2x32xi32, #tpu.memory_space<vmem>>
        %dma_start3A_678 = arith.constant 0 : i32
        %dma_start3A_679 = tpu.memref_slice %arg6[%shift_right_arithmetic3A_668, %dma_start3A_678, %multiple_of3A_666] : memref<2500x2x128xi32, #tpu.memory_space<hbm>> -> memref<1x2x32xi32, #tpu.memory_space<hbm>>
        %dma_start3A_680 = tpu.memref_squeeze %dma_start3A_679 : memref<1x2x32xi32, #tpu.memory_space<hbm>> -> memref<2x32xi32, #tpu.memory_space<hbm>>
        tpu.enqueue_dma source(%dma_start3A_680 : memref<2x32xi32, #tpu.memory_space<hbm>>) target(%dma_start3A_677 : memref<2x32xi32, #tpu.memory_space<vmem>>) target_semaphore(%arg27 : memref<!tpu.dma_semaphore, #tpu.memory_space<semaphore_mem>>)
        %add3A_681 = arith.constant 0 : i32
        %add3A_682 = arith.addi %add3A_659, %add3A_681 : i32
        %add3A_683 = arith.constant 1600 : i32
        %add3A_684 = arith.addi %add3A_682, %add3A_683 : i32
        %and3A_685 = arith.constant 127 : i32
        %and3A_686 = arith.andi %add3A_684, %and3A_685 : i32
        %multiple_of3A_687 = tpu.assume_multiple %and3A_686, 32 : i32
        %shift_right_arithmetic3A_688 = arith.constant 7 : i32
        %shift_right_arithmetic3A_689 = arith.shrsi %add3A_684, %shift_right_arithmetic3A_688 : i32
        %dma_start3A_690 = arith.constant 0 : i32
        %dma_start3A_691 = arith.constant 32 : i32
        %dma_start3A_692 = tpu.memref_slice %arg12[%dma_start3A_690, %dma_start3A_691] : memref<2x256xi32, #tpu.memory_space<vmem>> -> memref<2x32xi32, #tpu.memory_space<vmem>>
        %dma_start3A_693 = arith.constant 0 : i32
        %dma_start3A_694 = tpu.memref_slice %arg6[%shift_right_arithmetic3A_689, %dma_start3A_693, %multiple_of3A_687] : memref<2500x2x128xi32, #tpu.memory_space<hbm>> -> memref<1x2x32xi32, #tpu.memory_space<hbm>>
        %dma_start3A_695 = tpu.memref_squeeze %dma_start3A_694 : memref<1x2x32xi32, #tpu.memory_space<hbm>> -> memref<2x32xi32, #tpu.memory_space<hbm>>
        %dma_start3A_696 = arith.constant 0 : i32
        %dma_start3A_697 = arith.constant 32 : i32
        %dma_start3A_698 = tpu.memref_slice %arg12[%dma_start3A_696, %dma_start3A_697] : memref<2x256xi32, #tpu.memory_space<vmem>> -> memref<2x32xi32, #tpu.memory_space<vmem>>
        %dma_start3A_699 = arith.constant 0 : i32
        %dma_start3A_700 = tpu.memref_slice %arg6[%shift_right_arithmetic3A_689, %dma_start3A_699, %multiple_of3A_687] : memref<2500x2x128xi32, #tpu.memory_space<hbm>> -> memref<1x2x32xi32, #tpu.memory_space<hbm>>
        %dma_start3A_701 = tpu.memref_squeeze %dma_start3A_700 : memref<1x2x32xi32, #tpu.memory_space<hbm>> -> memref<2x32xi32, #tpu.memory_space<hbm>>
        tpu.enqueue_dma source(%dma_start3A_701 : memref<2x32xi32, #tpu.memory_space<hbm>>) target(%dma_start3A_698 : memref<2x32xi32, #tpu.memory_space<vmem>>) target_semaphore(%arg27 : memref<!tpu.dma_semaphore, #tpu.memory_space<semaphore_mem>>)
        %add3A_702 = arith.constant 0 : i32
        %add3A_703 = arith.addi %add3A_659, %add3A_702 : i32
        %add3A_704 = arith.constant 3200 : i32
        %add3A_705 = arith.addi %add3A_703, %add3A_704 : i32
        %and3A_706 = arith.constant 127 : i32
        %and3A_707 = arith.andi %add3A_705, %and3A_706 : i32
        %multiple_of3A_708 = tpu.assume_multiple %and3A_707, 32 : i32
        %shift_right_arithmetic3A_709 = arith.constant 7 : i32
        %shift_right_arithmetic3A_710 = arith.shrsi %add3A_705, %shift_right_arithmetic3A_709 : i32
        %dma_start3A_711 = arith.constant 0 : i32
        %dma_start3A_712 = arith.constant 64 : i32
        %dma_start3A_713 = tpu.memref_slice %arg12[%dma_start3A_711, %dma_start3A_712] : memref<2x256xi32, #tpu.memory_space<vmem>> -> memref<2x32xi32, #tpu.memory_space<vmem>>
        %dma_start3A_714 = arith.constant 0 : i32
        %dma_start3A_715 = tpu.memref_slice %arg6[%shift_right_arithmetic3A_710, %dma_start3A_714, %multiple_of3A_708] : memref<2500x2x128xi32, #tpu.memory_space<hbm>> -> memref<1x2x32xi32, #tpu.memory_space<hbm>>
        %dma_start3A_716 = tpu.memref_squeeze %dma_start3A_715 : memref<1x2x32xi32, #tpu.memory_space<hbm>> -> memref<2x32xi32, #tpu.memory_space<hbm>>
        %dma_start3A_717 = arith.constant 0 : i32
        %dma_start3A_718 = arith.constant 64 : i32
        %dma_start3A_719 = tpu.memref_slice %arg12[%dma_start3A_717, %dma_start3A_718] : memref<2x256xi32, #tpu.memory_space<vmem>> -> memref<2x32xi32, #tpu.memory_space<vmem>>
        %dma_start3A_720 = arith.constant 0 : i32
        %dma_start3A_721 = tpu.memref_slice %arg6[%shift_right_arithmetic3A_710, %dma_start3A_720, %multiple_of3A_708] : memref<2500x2x128xi32, #tpu.memory_space<hbm>> -> memref<1x2x32xi32, #tpu.memory_space<hbm>>
        %dma_start3A_722 = tpu.memref_squeeze %dma_start3A_721 : memref<1x2x32xi32, #tpu.memory_space<hbm>> -> memref<2x32xi32, #tpu.memory_space<hbm>>
        tpu.enqueue_dma source(%dma_start3A_722 : memref<2x32xi32, #tpu.memory_space<hbm>>) target(%dma_start3A_719 : memref<2x32xi32, #tpu.memory_space<vmem>>) target_semaphore(%arg27 : memref<!tpu.dma_semaphore, #tpu.memory_space<semaphore_mem>>)
        %add3A_723 = arith.constant 0 : i32
        %add3A_724 = arith.addi %add3A_659, %add3A_723 : i32
        %add3A_725 = arith.constant 4800 : i32
        %add3A_726 = arith.addi %add3A_724, %add3A_725 : i32
        %and3A_727 = arith.constant 127 : i32
        %and3A_728 = arith.andi %add3A_726, %and3A_727 : i32
        %multiple_of3A_729 = tpu.assume_multiple %and3A_728, 32 : i32
        %shift_right_arithmetic3A_730 = arith.constant 7 : i32
        %shift_right_arithmetic3A_731 = arith.shrsi %add3A_726, %shift_right_arithmetic3A_730 : i32
        %dma_start3A_732 = arith.constant 0 : i32
        %dma_start3A_733 = arith.constant 96 : i32
        %dma_start3A_734 = tpu.memref_slice %arg12[%dma_start3A_732, %dma_start3A_733] : memref<2x256xi32, #tpu.memory_space<vmem>> -> memref<2x32xi32, #tpu.memory_space<vmem>>
        %dma_start3A_735 = arith.constant 0 : i32
        %dma_start3A_736 = tpu.memref_slice %arg6[%shift_right_arithmetic3A_731, %dma_start3A_735, %multiple_of3A_729] : memref<2500x2x128xi32, #tpu.memory_space<hbm>> -> memref<1x2x32xi32, #tpu.memory_space<hbm>>
        %dma_start3A_737 = tpu.memref_squeeze %dma_start3A_736 : memref<1x2x32xi32, #tpu.memory_space<hbm>> -> memref<2x32xi32, #tpu.memory_space<hbm>>
        %dma_start3A_738 = arith.constant 0 : i32
        %dma_start3A_739 = arith.constant 96 : i32
        %dma_start3A_740 = tpu.memref_slice %arg12[%dma_start3A_738, %dma_start3A_739] : memref<2x256xi32, #tpu.memory_space<vmem>> -> memref<2x32xi32, #tpu.memory_space<vmem>>
        %dma_start3A_741 = arith.constant 0 : i32
        %dma_start3A_742 = tpu.memref_slice %arg6[%shift_right_arithmetic3A_731, %dma_start3A_741, %multiple_of3A_729] : memref<2500x2x128xi32, #tpu.memory_space<hbm>> -> memref<1x2x32xi32, #tpu.memory_space<hbm>>
        %dma_start3A_743 = tpu.memref_squeeze %dma_start3A_742 : memref<1x2x32xi32, #tpu.memory_space<hbm>> -> memref<2x32xi32, #tpu.memory_space<hbm>>
        tpu.enqueue_dma source(%dma_start3A_743 : memref<2x32xi32, #tpu.memory_space<hbm>>) target(%dma_start3A_740 : memref<2x32xi32, #tpu.memory_space<vmem>>) target_semaphore(%arg27 : memref<!tpu.dma_semaphore, #tpu.memory_space<semaphore_mem>>)
        %add3A_744 = arith.constant 6400 : i32
        %add3A_745 = arith.addi %add3A_659, %add3A_744 : i32
        %add3A_746 = arith.constant 0 : i32
        %add3A_747 = arith.addi %add3A_745, %add3A_746 : i32
        %and3A_748 = arith.constant 127 : i32
        %and3A_749 = arith.andi %add3A_747, %and3A_748 : i32
        %multiple_of3A_750 = tpu.assume_multiple %and3A_749, 32 : i32
        %shift_right_arithmetic3A_751 = arith.constant 7 : i32
        %shift_right_arithmetic3A_752 = arith.shrsi %add3A_747, %shift_right_arithmetic3A_751 : i32
        %dma_start3A_753 = arith.constant 0 : i32
        %dma_start3A_754 = arith.constant 128 : i32
        %dma_start3A_755 = tpu.memref_slice %arg12[%dma_start3A_753, %dma_start3A_754] : memref<2x256xi32, #tpu.memory_space<vmem>> -> memref<2x32xi32, #tpu.memory_space<vmem>>
        %dma_start3A_756 = arith.constant 0 : i32
        %dma_start3A_757 = tpu.memref_slice %arg6[%shift_right_arithmetic3A_752, %dma_start3A_756, %multiple_of3A_750] : memref<2500x2x128xi32, #tpu.memory_space<hbm>> -> memref<1x2x32xi32, #tpu.memory_space<hbm>>
        %dma_start3A_758 = tpu.memref_squeeze %dma_start3A_757 : memref<1x2x32xi32, #tpu.memory_space<hbm>> -> memref<2x32xi32, #tpu.memory_space<hbm>>
        %dma_start3A_759 = arith.constant 0 : i32
        %dma_start3A_760 = arith.constant 128 : i32
        %dma_start3A_761 = tpu.memref_slice %arg12[%dma_start3A_759, %dma_start3A_760] : memref<2x256xi32, #tpu.memory_space<vmem>> -> memref<2x32xi32, #tpu.memory_space<vmem>>
        %dma_start3A_762 = arith.constant 0 : i32
        %dma_start3A_763 = tpu.memref_slice %arg6[%shift_right_arithmetic3A_752, %dma_start3A_762, %multiple_of3A_750] : memref<2500x2x128xi32, #tpu.memory_space<hbm>> -> memref<1x2x32xi32, #tpu.memory_space<hbm>>
        %dma_start3A_764 = tpu.memref_squeeze %dma_start3A_763 : memref<1x2x32xi32, #tpu.memory_space<hbm>> -> memref<2x32xi32, #tpu.memory_space<hbm>>
        tpu.enqueue_dma source(%dma_start3A_764 : memref<2x32xi32, #tpu.memory_space<hbm>>) target(%dma_start3A_761 : memref<2x32xi32, #tpu.memory_space<vmem>>) target_semaphore(%arg27 : memref<!tpu.dma_semaphore, #tpu.memory_space<semaphore_mem>>)
        %add3A_765 = arith.constant 6400 : i32
        %add3A_766 = arith.addi %add3A_659, %add3A_765 : i32
        %add3A_767 = arith.constant 1600 : i32
        %add3A_768 = arith.addi %add3A_766, %add3A_767 : i32
        %and3A_769 = arith.constant 127 : i32
        %and3A_770 = arith.andi %add3A_768, %and3A_769 : i32
        %multiple_of3A_771 = tpu.assume_multiple %and3A_770, 32 : i32
        %shift_right_arithmetic3A_772 = arith.constant 7 : i32
        %shift_right_arithmetic3A_773 = arith.shrsi %add3A_768, %shift_right_arithmetic3A_772 : i32
        %dma_start3A_774 = arith.constant 0 : i32
        %dma_start3A_775 = arith.constant 160 : i32
        %dma_start3A_776 = tpu.memref_slice %arg12[%dma_start3A_774, %dma_start3A_775] : memref<2x256xi32, #tpu.memory_space<vmem>> -> memref<2x32xi32, #tpu.memory_space<vmem>>
        %dma_start3A_777 = arith.constant 0 : i32
        %dma_start3A_778 = tpu.memref_slice %arg6[%shift_right_arithmetic3A_773, %dma_start3A_777, %multiple_of3A_771] : memref<2500x2x128xi32, #tpu.memory_space<hbm>> -> memref<1x2x32xi32, #tpu.memory_space<hbm>>
        %dma_start3A_779 = tpu.memref_squeeze %dma_start3A_778 : memref<1x2x32xi32, #tpu.memory_space<hbm>> -> memref<2x32xi32, #tpu.memory_space<hbm>>
        %dma_start3A_780 = arith.constant 0 : i32
        %dma_start3A_781 = arith.constant 160 : i32
        %dma_start3A_782 = tpu.memref_slice %arg12[%dma_start3A_780, %dma_start3A_781] : memref<2x256xi32, #tpu.memory_space<vmem>> -> memref<2x32xi32, #tpu.memory_space<vmem>>
        %dma_start3A_783 = arith.constant 0 : i32
        %dma_start3A_784 = tpu.memref_slice %arg6[%shift_right_arithmetic3A_773, %dma_start3A_783, %multiple_of3A_771] : memref<2500x2x128xi32, #tpu.memory_space<hbm>> -> memref<1x2x32xi32, #tpu.memory_space<hbm>>
        %dma_start3A_785 = tpu.memref_squeeze %dma_start3A_784 : memref<1x2x32xi32, #tpu.memory_space<hbm>> -> memref<2x32xi32, #tpu.memory_space<hbm>>
        tpu.enqueue_dma source(%dma_start3A_785 : memref<2x32xi32, #tpu.memory_space<hbm>>) target(%dma_start3A_782 : memref<2x32xi32, #tpu.memory_space<vmem>>) target_semaphore(%arg27 : memref<!tpu.dma_semaphore, #tpu.memory_space<semaphore_mem>>)
        %add3A_786 = arith.constant 6400 : i32
        %add3A_787 = arith.addi %add3A_659, %add3A_786 : i32
        %add3A_788 = arith.constant 3200 : i32
        %add3A_789 = arith.addi %add3A_787, %add3A_788 : i32
        %and3A_790 = arith.constant 127 : i32
        %and3A_791 = arith.andi %add3A_789, %and3A_790 : i32
        %multiple_of3A_792 = tpu.assume_multiple %and3A_791, 32 : i32
        %shift_right_arithmetic3A_793 = arith.constant 7 : i32
        %shift_right_arithmetic3A_794 = arith.shrsi %add3A_789, %shift_right_arithmetic3A_793 : i32
        %dma_start3A_795 = arith.constant 0 : i32
        %dma_start3A_796 = arith.constant 192 : i32
        %dma_start3A_797 = tpu.memref_slice %arg12[%dma_start3A_795, %dma_start3A_796] : memref<2x256xi32, #tpu.memory_space<vmem>> -> memref<2x32xi32, #tpu.memory_space<vmem>>
        %dma_start3A_798 = arith.constant 0 : i32
        %dma_start3A_799 = tpu.memref_slice %arg6[%shift_right_arithmetic3A_794, %dma_start3A_798, %multiple_of3A_792] : memref<2500x2x128xi32, #tpu.memory_space<hbm>> -> memref<1x2x32xi32, #tpu.memory_space<hbm>>
        %dma_start3A_800 = tpu.memref_squeeze %dma_start3A_799 : memref<1x2x32xi32, #tpu.memory_space<hbm>> -> memref<2x32xi32, #tpu.memory_space<hbm>>
        %dma_start3A_801 = arith.constant 0 : i32
        %dma_start3A_802 = arith.constant 192 : i32
        %dma_start3A_803 = tpu.memref_slice %arg12[%dma_start3A_801, %dma_start3A_802] : memref<2x256xi32, #tpu.memory_space<vmem>> -> memref<2x32xi32, #tpu.memory_space<vmem>>
        %dma_start3A_804 = arith.constant 0 : i32
        %dma_start3A_805 = tpu.memref_slice %arg6[%shift_right_arithmetic3A_794, %dma_start3A_804, %multiple_of3A_792] : memref<2500x2x128xi32, #tpu.memory_space<hbm>> -> memref<1x2x32xi32, #tpu.memory_space<hbm>>
        %dma_start3A_806 = tpu.memref_squeeze %dma_start3A_805 : memref<1x2x32xi32, #tpu.memory_space<hbm>> -> memref<2x32xi32, #tpu.memory_space<hbm>>
        tpu.enqueue_dma source(%dma_start3A_806 : memref<2x32xi32, #tpu.memory_space<hbm>>) target(%dma_start3A_803 : memref<2x32xi32, #tpu.memory_space<vmem>>) target_semaphore(%arg27 : memref<!tpu.dma_semaphore, #tpu.memory_space<semaphore_mem>>)
        %add3A_807 = arith.constant 6400 : i32
        %add3A_808 = arith.addi %add3A_659, %add3A_807 : i32
        %add3A_809 = arith.constant 4800 : i32
        %add3A_810 = arith.addi %add3A_808, %add3A_809 : i32
        %and3A_811 = arith.constant 127 : i32
        %and3A_812 = arith.andi %add3A_810, %and3A_811 : i32
        %multiple_of3A_813 = tpu.assume_multiple %and3A_812, 32 : i32
        %shift_right_arithmetic3A_814 = arith.constant 7 : i32
        %shift_right_arithmetic3A_815 = arith.shrsi %add3A_810, %shift_right_arithmetic3A_814 : i32
        %dma_start3A_816 = arith.constant 0 : i32
        %dma_start3A_817 = arith.constant 224 : i32
        %dma_start3A_818 = tpu.memref_slice %arg12[%dma_start3A_816, %dma_start3A_817] : memref<2x256xi32, #tpu.memory_space<vmem>> -> memref<2x32xi32, #tpu.memory_space<vmem>>
        %dma_start3A_819 = arith.constant 0 : i32
        %dma_start3A_820 = tpu.memref_slice %arg6[%shift_right_arithmetic3A_815, %dma_start3A_819, %multiple_of3A_813] : memref<2500x2x128xi32, #tpu.memory_space<hbm>> -> memref<1x2x32xi32, #tpu.memory_space<hbm>>
        %dma_start3A_821 = tpu.memref_squeeze %dma_start3A_820 : memref<1x2x32xi32, #tpu.memory_space<hbm>> -> memref<2x32xi32, #tpu.memory_space<hbm>>
        %dma_start3A_822 = arith.constant 0 : i32
        %dma_start3A_823 = arith.constant 224 : i32
        %dma_start3A_824 = tpu.memref_slice %arg12[%dma_start3A_822, %dma_start3A_823] : memref<2x256xi32, #tpu.memory_space<vmem>> -> memref<2x32xi32, #tpu.memory_space<vmem>>
        %dma_start3A_825 = arith.constant 0 : i32
        %dma_start3A_826 = tpu.memref_slice %arg6[%shift_right_arithmetic3A_815, %dma_start3A_825, %multiple_of3A_813] : memref<2500x2x128xi32, #tpu.memory_space<hbm>> -> memref<1x2x32xi32, #tpu.memory_space<hbm>>
        %dma_start3A_827 = tpu.memref_squeeze %dma_start3A_826 : memref<1x2x32xi32, #tpu.memory_space<hbm>> -> memref<2x32xi32, #tpu.memory_space<hbm>>
        tpu.enqueue_dma source(%dma_start3A_827 : memref<2x32xi32, #tpu.memory_space<hbm>>) target(%dma_start3A_824 : memref<2x32xi32, #tpu.memory_space<vmem>>) target_semaphore(%arg27 : memref<!tpu.dma_semaphore, #tpu.memory_space<semaphore_mem>>)
      } else {
      }
      %convert_element_type3A_557 = arith.extui %lt3A_534 : i1 to i32
      %cond3A_558 = arith.constant 0 : i32
      %cond3A_559 = arith.cmpi ne, %convert_element_type3A_557, %cond3A_558 : i32
      scf.if %cond3A_559 {
        %scan3A_646 = arith.constant 0 : i32
        %scan3A_647 = arith.constant 0 : i32
        %scan3A_648 = arith.constant 32 : i32
        %scan3A_649 = arith.addi %scan3A_647, %scan3A_648 : i32
        %scan3A_650 = arith.constant 1 : i32
        scf.for %scan3A_652 = %scan3A_647 to %scan3A_649 step %scan3A_650  : i32 {
          %add3A_653 = arith.constant 0 : i32
          %add3A_654 = arith.addi %add3A_653, %scan3A_652 : i32
          %add3A_655 = arith.constant 0 : i32
          %add3A_656 = arith.addi %add3A_655, %scan3A_652 : i32
          %get3A = arith.index_cast %add3A_656 : i32 to index
          %get3A_657 = arith.constant 0 : index
          %get3A_658 = tpu.vector_load %arg15[%get3A, %get3A_657] {strides = array<i32>} : memref<256x32xf32, #tpu.memory_space<vmem>>, vector<1x16xf32>,
          %get3A_659 = vector.shape_cast %get3A_658 : vector<1x16xf32> to vector<16xf32>
          %get3A_660 = arith.index_cast %add3A_656 : i32 to index
          %get3A_661 = arith.constant 0 : index
          %get3A_662 = tpu.vector_load %arg16[%get3A_660, %get3A_661] {strides = array<i32>} : memref<256x32xf32, #tpu.memory_space<vmem>>, vector<1x16xf32>,
          %get3A_663 = vector.shape_cast %get3A_662 : vector<1x16xf32> to vector<16xf32>
          %add3A_664 = arith.addf %get3A_659, %get3A_663 : vector<16xf32>
          %get3A_665 = arith.index_cast %add3A_654 : i32 to index
          %get3A_666 = arith.constant 0 : index
          %get3A_667 = tpu.vector_load %arg18[%get3A_665, %get3A_666] {strides = array<i32>} : memref<64x128xf32, #tpu.memory_space<vmem>>, vector<1x16xf32>,
          %get3A_668 = vector.shape_cast %get3A_667 : vector<1x16xf32> to vector<16xf32>
          %add3A_669 = arith.addf %add3A_664, %get3A_668 : vector<16xf32>
          %max3A = arith.constant 0.000000e+00 : f32
          %max3A_670 = vector.broadcast %max3A : f32 to vector<16xf32>
          %max3A_671 = arith.maximumf %add3A_669, %max3A_670 : vector<16xf32>
          %swap3A = arith.index_cast %add3A_656 : i32 to index
          %swap3A_672 = arith.constant 0 : index
          %swap3A_673 = tpu.vector_load %arg20[%swap3A, %swap3A_672] {strides = array<i32>} : memref<256x32xf32, #tpu.memory_space<vmem>>, vector<1x16xf32>,
          %swap3A_674 = vector.shape_cast %swap3A_673 : vector<1x16xf32> to vector<16xf32>
          %swap3A_675 = vector.shape_cast %max3A_671 : vector<16xf32> to vector<1x16xf32>
          tpu.vector_store %arg20[%swap3A, %swap3A_672], %swap3A_675 {strides = array<i32>} : memref<256x32xf32, #tpu.memory_space<vmem>>, vector<1x16xf32>,
          %get3A_676 = arith.index_cast %add3A_656 : i32 to index
          %get3A_677 = arith.constant 16 : index
          %get3A_678 = tpu.vector_load %arg15[%get3A_676, %get3A_677] {strides = array<i32>} : memref<256x32xf32, #tpu.memory_space<vmem>>, vector<1x16xf32>,
          %get3A_679 = vector.shape_cast %get3A_678 : vector<1x16xf32> to vector<16xf32>
          %get3A_680 = arith.index_cast %add3A_656 : i32 to index
          %get3A_681 = arith.constant 16 : index
          %get3A_682 = tpu.vector_load %arg16[%get3A_680, %get3A_681] {strides = array<i32>} : memref<256x32xf32, #tpu.memory_space<vmem>>, vector<1x16xf32>,
          %get3A_683 = vector.shape_cast %get3A_682 : vector<1x16xf32> to vector<16xf32>
          %add3A_684 = arith.addf %get3A_679, %get3A_683 : vector<16xf32>
          %get3A_685 = arith.index_cast %add3A_654 : i32 to index
          %get3A_686 = arith.constant 16 : index
          %get3A_687 = tpu.vector_load %arg18[%get3A_685, %get3A_686] {strides = array<i32>} : memref<64x128xf32, #tpu.memory_space<vmem>>, vector<1x16xf32>,
          %get3A_688 = vector.shape_cast %get3A_687 : vector<1x16xf32> to vector<16xf32>
          %add3A_689 = arith.addf %add3A_684, %get3A_688 : vector<16xf32>
          %max3A_690 = arith.constant 0.000000e+00 : f32
          %max3A_691 = vector.broadcast %max3A_690 : f32 to vector<16xf32>
          %max3A_692 = arith.maximumf %add3A_689, %max3A_691 : vector<16xf32>
          %swap3A_693 = arith.index_cast %add3A_656 : i32 to index
          %swap3A_694 = arith.constant 16 : index
          %swap3A_695 = tpu.vector_load %arg20[%swap3A_693, %swap3A_694] {strides = array<i32>} : memref<256x32xf32, #tpu.memory_space<vmem>>, vector<1x16xf32>,
          %swap3A_696 = vector.shape_cast %swap3A_695 : vector<1x16xf32> to vector<16xf32>
          %swap3A_697 = vector.shape_cast %max3A_692 : vector<16xf32> to vector<1x16xf32>
          tpu.vector_store %arg20[%swap3A_693, %swap3A_694], %swap3A_697 {strides = array<i32>} : memref<256x32xf32, #tpu.memory_space<vmem>>, vector<1x16xf32>,
          %add3A_698 = arith.constant 32 : i32
          %add3A_699 = arith.addi %add3A_698, %scan3A_652 : i32
          %get3A_700 = arith.index_cast %add3A_699 : i32 to index
          %get3A_701 = arith.constant 0 : index
          %get3A_702 = tpu.vector_load %arg15[%get3A_700, %get3A_701] {strides = array<i32>} : memref<256x32xf32, #tpu.memory_space<vmem>>, vector<1x16xf32>,
          %get3A_703 = vector.shape_cast %get3A_702 : vector<1x16xf32> to vector<16xf32>
          %get3A_704 = arith.index_cast %add3A_699 : i32 to index
          %get3A_705 = arith.constant 0 : index
          %get3A_706 = tpu.vector_load %arg16[%get3A_704, %get3A_705] {strides = array<i32>} : memref<256x32xf32, #tpu.memory_space<vmem>>, vector<1x16xf32>,
          %get3A_707 = vector.shape_cast %get3A_706 : vector<1x16xf32> to vector<16xf32>
          %add3A_708 = arith.addf %get3A_703, %get3A_707 : vector<16xf32>
          %get3A_709 = arith.index_cast %add3A_654 : i32 to index
          %get3A_710 = arith.constant 32 : index
          %get3A_711 = tpu.vector_load %arg18[%get3A_709, %get3A_710] {strides = array<i32>} : memref<64x128xf32, #tpu.memory_space<vmem>>, vector<1x16xf32>,
          %get3A_712 = vector.shape_cast %get3A_711 : vector<1x16xf32> to vector<16xf32>
          %add3A_713 = arith.addf %add3A_708, %get3A_712 : vector<16xf32>
          %max3A_714 = arith.constant 0.000000e+00 : f32
          %max3A_715 = vector.broadcast %max3A_714 : f32 to vector<16xf32>
          %max3A_716 = arith.maximumf %add3A_713, %max3A_715 : vector<16xf32>
          %swap3A_717 = arith.index_cast %add3A_699 : i32 to index
          %swap3A_718 = arith.constant 0 : index
          %swap3A_719 = tpu.vector_load %arg20[%swap3A_717, %swap3A_718] {strides = array<i32>} : memref<256x32xf32, #tpu.memory_space<vmem>>, vector<1x16xf32>,
          %swap3A_720 = vector.shape_cast %swap3A_719 : vector<1x16xf32> to vector<16xf32>
          %swap3A_721 = vector.shape_cast %max3A_716 : vector<16xf32> to vector<1x16xf32>
          tpu.vector_store %arg20[%swap3A_717, %swap3A_718], %swap3A_721 {strides = array<i32>} : memref<256x32xf32, #tpu.memory_space<vmem>>, vector<1x16xf32>,
          %get3A_722 = arith.index_cast %add3A_699 : i32 to index
          %get3A_723 = arith.constant 16 : index
          %get3A_724 = tpu.vector_load %arg15[%get3A_722, %get3A_723] {strides = array<i32>} : memref<256x32xf32, #tpu.memory_space<vmem>>, vector<1x16xf32>,
          %get3A_725 = vector.shape_cast %get3A_724 : vector<1x16xf32> to vector<16xf32>
          %get3A_726 = arith.index_cast %add3A_699 : i32 to index
          %get3A_727 = arith.constant 16 : index
          %get3A_728 = tpu.vector_load %arg16[%get3A_726, %get3A_727] {strides = array<i32>} : memref<256x32xf32, #tpu.memory_space<vmem>>, vector<1x16xf32>,
          %get3A_729 = vector.shape_cast %get3A_728 : vector<1x16xf32> to vector<16xf32>
          %add3A_730 = arith.addf %get3A_725, %get3A_729 : vector<16xf32>
          %get3A_731 = arith.index_cast %add3A_654 : i32 to index
          %get3A_732 = arith.constant 48 : index
          %get3A_733 = tpu.vector_load %arg18[%get3A_731, %get3A_732] {strides = array<i32>} : memref<64x128xf32, #tpu.memory_space<vmem>>, vector<1x16xf32>,
          %get3A_734 = vector.shape_cast %get3A_733 : vector<1x16xf32> to vector<16xf32>
          %add3A_735 = arith.addf %add3A_730, %get3A_734 : vector<16xf32>
          %max3A_736 = arith.constant 0.000000e+00 : f32
          %max3A_737 = vector.broadcast %max3A_736 : f32 to vector<16xf32>
          %max3A_738 = arith.maximumf %add3A_735, %max3A_737 : vector<16xf32>
          %swap3A_739 = arith.index_cast %add3A_699 : i32 to index
          %swap3A_740 = arith.constant 16 : index
          %swap3A_741 = tpu.vector_load %arg20[%swap3A_739, %swap3A_740] {strides = array<i32>} : memref<256x32xf32, #tpu.memory_space<vmem>>, vector<1x16xf32>,
          %swap3A_742 = vector.shape_cast %swap3A_741 : vector<1x16xf32> to vector<16xf32>
          %swap3A_743 = vector.shape_cast %max3A_738 : vector<16xf32> to vector<1x16xf32>
          tpu.vector_store %arg20[%swap3A_739, %swap3A_740], %swap3A_743 {strides = array<i32>} : memref<256x32xf32, #tpu.memory_space<vmem>>, vector<1x16xf32>,
          %add3A_744 = arith.constant 64 : i32
          %add3A_745 = arith.addi %add3A_744, %scan3A_652 : i32
          %get3A_746 = arith.index_cast %add3A_745 : i32 to index
          %get3A_747 = arith.constant 0 : index
          %get3A_748 = tpu.vector_load %arg15[%get3A_746, %get3A_747] {strides = array<i32>} : memref<256x32xf32, #tpu.memory_space<vmem>>, vector<1x16xf32>,
          %get3A_749 = vector.shape_cast %get3A_748 : vector<1x16xf32> to vector<16xf32>
          %get3A_750 = arith.index_cast %add3A_745 : i32 to index
          %get3A_751 = arith.constant 0 : index
          %get3A_752 = tpu.vector_load %arg16[%get3A_750, %get3A_751] {strides = array<i32>} : memref<256x32xf32, #tpu.memory_space<vmem>>, vector<1x16xf32>,
          %get3A_753 = vector.shape_cast %get3A_752 : vector<1x16xf32> to vector<16xf32>
          %add3A_754 = arith.addf %get3A_749, %get3A_753 : vector<16xf32>
          %get3A_755 = arith.index_cast %add3A_654 : i32 to index
          %get3A_756 = arith.constant 64 : index
          %get3A_757 = tpu.vector_load %arg18[%get3A_755, %get3A_756] {strides = array<i32>} : memref<64x128xf32, #tpu.memory_space<vmem>>, vector<1x16xf32>,
          %get3A_758 = vector.shape_cast %get3A_757 : vector<1x16xf32> to vector<16xf32>
          %add3A_759 = arith.addf %add3A_754, %get3A_758 : vector<16xf32>
          %max3A_760 = arith.constant 0.000000e+00 : f32
          %max3A_761 = vector.broadcast %max3A_760 : f32 to vector<16xf32>
          %max3A_762 = arith.maximumf %add3A_759, %max3A_761 : vector<16xf32>
          %swap3A_763 = arith.index_cast %add3A_745 : i32 to index
          %swap3A_764 = arith.constant 0 : index
          %swap3A_765 = tpu.vector_load %arg20[%swap3A_763, %swap3A_764] {strides = array<i32>} : memref<256x32xf32, #tpu.memory_space<vmem>>, vector<1x16xf32>,
          %swap3A_766 = vector.shape_cast %swap3A_765 : vector<1x16xf32> to vector<16xf32>
          %swap3A_767 = vector.shape_cast %max3A_762 : vector<16xf32> to vector<1x16xf32>
          tpu.vector_store %arg20[%swap3A_763, %swap3A_764], %swap3A_767 {strides = array<i32>} : memref<256x32xf32, #tpu.memory_space<vmem>>, vector<1x16xf32>,
          %get3A_768 = arith.index_cast %add3A_745 : i32 to index
          %get3A_769 = arith.constant 16 : index
          %get3A_770 = tpu.vector_load %arg15[%get3A_768, %get3A_769] {strides = array<i32>} : memref<256x32xf32, #tpu.memory_space<vmem>>, vector<1x16xf32>,
          %get3A_771 = vector.shape_cast %get3A_770 : vector<1x16xf32> to vector<16xf32>
          %get3A_772 = arith.index_cast %add3A_745 : i32 to index
          %get3A_773 = arith.constant 16 : index
          %get3A_774 = tpu.vector_load %arg16[%get3A_772, %get3A_773] {strides = array<i32>} : memref<256x32xf32, #tpu.memory_space<vmem>>, vector<1x16xf32>,
          %get3A_775 = vector.shape_cast %get3A_774 : vector<1x16xf32> to vector<16xf32>
          %add3A_776 = arith.addf %get3A_771, %get3A_775 : vector<16xf32>
          %get3A_777 = arith.index_cast %add3A_654 : i32 to index
          %get3A_778 = arith.constant 80 : index
          %get3A_779 = tpu.vector_load %arg18[%get3A_777, %get3A_778] {strides = array<i32>} : memref<64x128xf32, #tpu.memory_space<vmem>>, vector<1x16xf32>,
          %get3A_780 = vector.shape_cast %get3A_779 : vector<1x16xf32> to vector<16xf32>
          %add3A_781 = arith.addf %add3A_776, %get3A_780 : vector<16xf32>
          %max3A_782 = arith.constant 0.000000e+00 : f32
          %max3A_783 = vector.broadcast %max3A_782 : f32 to vector<16xf32>
          %max3A_784 = arith.maximumf %add3A_781, %max3A_783 : vector<16xf32>
          %swap3A_785 = arith.index_cast %add3A_745 : i32 to index
          %swap3A_786 = arith.constant 16 : index
          %swap3A_787 = tpu.vector_load %arg20[%swap3A_785, %swap3A_786] {strides = array<i32>} : memref<256x32xf32, #tpu.memory_space<vmem>>, vector<1x16xf32>,
          %swap3A_788 = vector.shape_cast %swap3A_787 : vector<1x16xf32> to vector<16xf32>
          %swap3A_789 = vector.shape_cast %max3A_784 : vector<16xf32> to vector<1x16xf32>
          tpu.vector_store %arg20[%swap3A_785, %swap3A_786], %swap3A_789 {strides = array<i32>} : memref<256x32xf32, #tpu.memory_space<vmem>>, vector<1x16xf32>,
          %add3A_790 = arith.constant 96 : i32
          %add3A_791 = arith.addi %add3A_790, %scan3A_652 : i32
          %get3A_792 = arith.index_cast %add3A_791 : i32 to index
          %get3A_793 = arith.constant 0 : index
          %get3A_794 = tpu.vector_load %arg15[%get3A_792, %get3A_793] {strides = array<i32>} : memref<256x32xf32, #tpu.memory_space<vmem>>, vector<1x16xf32>,
          %get3A_795 = vector.shape_cast %get3A_794 : vector<1x16xf32> to vector<16xf32>
          %get3A_796 = arith.index_cast %add3A_791 : i32 to index
          %get3A_797 = arith.constant 0 : index
          %get3A_798 = tpu.vector_load %arg16[%get3A_796, %get3A_797] {strides = array<i32>} : memref<256x32xf32, #tpu.memory_space<vmem>>, vector<1x16xf32>,
          %get3A_799 = vector.shape_cast %get3A_798 : vector<1x16xf32> to vector<16xf32>
          %add3A_800 = arith.addf %get3A_795, %get3A_799 : vector<16xf32>
          %get3A_801 = arith.index_cast %add3A_654 : i32 to index
          %get3A_802 = arith.constant 96 : index
          %get3A_803 = tpu.vector_load %arg18[%get3A_801, %get3A_802] {strides = array<i32>} : memref<64x128xf32, #tpu.memory_space<vmem>>, vector<1x16xf32>,
          %get3A_804 = vector.shape_cast %get3A_803 : vector<1x16xf32> to vector<16xf32>
          %add3A_805 = arith.addf %add3A_800, %get3A_804 : vector<16xf32>
          %max3A_806 = arith.constant 0.000000e+00 : f32
          %max3A_807 = vector.broadcast %max3A_806 : f32 to vector<16xf32>
          %max3A_808 = arith.maximumf %add3A_805, %max3A_807 : vector<16xf32>
          %swap3A_809 = arith.index_cast %add3A_791 : i32 to index
          %swap3A_810 = arith.constant 0 : index
          %swap3A_811 = tpu.vector_load %arg20[%swap3A_809, %swap3A_810] {strides = array<i32>} : memref<256x32xf32, #tpu.memory_space<vmem>>, vector<1x16xf32>,
          %swap3A_812 = vector.shape_cast %swap3A_811 : vector<1x16xf32> to vector<16xf32>
          %swap3A_813 = vector.shape_cast %max3A_808 : vector<16xf32> to vector<1x16xf32>
          tpu.vector_store %arg20[%swap3A_809, %swap3A_810], %swap3A_813 {strides = array<i32>} : memref<256x32xf32, #tpu.memory_space<vmem>>, vector<1x16xf32>,
          %get3A_814 = arith.index_cast %add3A_791 : i32 to index
          %get3A_815 = arith.constant 16 : index
          %get3A_816 = tpu.vector_load %arg15[%get3A_814, %get3A_815] {strides = array<i32>} : memref<256x32xf32, #tpu.memory_space<vmem>>, vector<1x16xf32>,
          %get3A_817 = vector.shape_cast %get3A_816 : vector<1x16xf32> to vector<16xf32>
          %get3A_818 = arith.index_cast %add3A_791 : i32 to index
          %get3A_819 = arith.constant 16 : index
          %get3A_820 = tpu.vector_load %arg16[%get3A_818, %get3A_819] {strides = array<i32>} : memref<256x32xf32, #tpu.memory_space<vmem>>, vector<1x16xf32>,
          %get3A_821 = vector.shape_cast %get3A_820 : vector<1x16xf32> to vector<16xf32>
          %add3A_822 = arith.addf %get3A_817, %get3A_821 : vector<16xf32>
          %get3A_823 = arith.index_cast %add3A_654 : i32 to index
          %get3A_824 = arith.constant 112 : index
          %get3A_825 = tpu.vector_load %arg18[%get3A_823, %get3A_824] {strides = array<i32>} : memref<64x128xf32, #tpu.memory_space<vmem>>, vector<1x16xf32>,
          %get3A_826 = vector.shape_cast %get3A_825 : vector<1x16xf32> to vector<16xf32>
          %add3A_827 = arith.addf %add3A_822, %get3A_826 : vector<16xf32>
          %max3A_828 = arith.constant 0.000000e+00 : f32
          %max3A_829 = vector.broadcast %max3A_828 : f32 to vector<16xf32>
          %max3A_830 = arith.maximumf %add3A_827, %max3A_829 : vector<16xf32>
          %swap3A_831 = arith.index_cast %add3A_791 : i32 to index
          %swap3A_832 = arith.constant 16 : index
          %swap3A_833 = tpu.vector_load %arg20[%swap3A_831, %swap3A_832] {strides = array<i32>} : memref<256x32xf32, #tpu.memory_space<vmem>>, vector<1x16xf32>,
          %swap3A_834 = vector.shape_cast %swap3A_833 : vector<1x16xf32> to vector<16xf32>
          %swap3A_835 = vector.shape_cast %max3A_830 : vector<16xf32> to vector<1x16xf32>
          tpu.vector_store %arg20[%swap3A_831, %swap3A_832], %swap3A_835 {strides = array<i32>} : memref<256x32xf32, #tpu.memory_space<vmem>>, vector<1x16xf32>,
          %add3A_836 = arith.constant 32 : i32
          %add3A_837 = arith.addi %add3A_836, %scan3A_652 : i32
          %add3A_838 = arith.constant 128 : i32
          %add3A_839 = arith.addi %add3A_838, %scan3A_652 : i32
          %get3A_840 = arith.index_cast %add3A_839 : i32 to index
          %get3A_841 = arith.constant 0 : index
          %get3A_842 = tpu.vector_load %arg15[%get3A_840, %get3A_841] {strides = array<i32>} : memref<256x32xf32, #tpu.memory_space<vmem>>, vector<1x16xf32>,
          %get3A_843 = vector.shape_cast %get3A_842 : vector<1x16xf32> to vector<16xf32>
          %get3A_844 = arith.index_cast %add3A_839 : i32 to index
          %get3A_845 = arith.constant 0 : index
          %get3A_846 = tpu.vector_load %arg16[%get3A_844, %get3A_845] {strides = array<i32>} : memref<256x32xf32, #tpu.memory_space<vmem>>, vector<1x16xf32>,
          %get3A_847 = vector.shape_cast %get3A_846 : vector<1x16xf32> to vector<16xf32>
          %add3A_848 = arith.addf %get3A_843, %get3A_847 : vector<16xf32>
          %get3A_849 = arith.index_cast %add3A_837 : i32 to index
          %get3A_850 = arith.constant 0 : index
          %get3A_851 = tpu.vector_load %arg18[%get3A_849, %get3A_850] {strides = array<i32>} : memref<64x128xf32, #tpu.memory_space<vmem>>, vector<1x16xf32>,
          %get3A_852 = vector.shape_cast %get3A_851 : vector<1x16xf32> to vector<16xf32>
          %add3A_853 = arith.addf %add3A_848, %get3A_852 : vector<16xf32>
          %max3A_854 = arith.constant 0.000000e+00 : f32
          %max3A_855 = vector.broadcast %max3A_854 : f32 to vector<16xf32>
          %max3A_856 = arith.maximumf %add3A_853, %max3A_855 : vector<16xf32>
          %swap3A_857 = arith.index_cast %add3A_839 : i32 to index
          %swap3A_858 = arith.constant 0 : index
          %swap3A_859 = tpu.vector_load %arg20[%swap3A_857, %swap3A_858] {strides = array<i32>} : memref<256x32xf32, #tpu.memory_space<vmem>>, vector<1x16xf32>,
          %swap3A_860 = vector.shape_cast %swap3A_859 : vector<1x16xf32> to vector<16xf32>
          %swap3A_861 = vector.shape_cast %max3A_856 : vector<16xf32> to vector<1x16xf32>
          tpu.vector_store %arg20[%swap3A_857, %swap3A_858], %swap3A_861 {strides = array<i32>} : memref<256x32xf32, #tpu.memory_space<vmem>>, vector<1x16xf32>,
          %get3A_862 = arith.index_cast %add3A_839 : i32 to index
          %get3A_863 = arith.constant 16 : index
          %get3A_864 = tpu.vector_load %arg15[%get3A_862, %get3A_863] {strides = array<i32>} : memref<256x32xf32, #tpu.memory_space<vmem>>, vector<1x16xf32>,
          %get3A_865 = vector.shape_cast %get3A_864 : vector<1x16xf32> to vector<16xf32>
          %get3A_866 = arith.index_cast %add3A_839 : i32 to index
          %get3A_867 = arith.constant 16 : index
          %get3A_868 = tpu.vector_load %arg16[%get3A_866, %get3A_867] {strides = array<i32>} : memref<256x32xf32, #tpu.memory_space<vmem>>, vector<1x16xf32>,
          %get3A_869 = vector.shape_cast %get3A_868 : vector<1x16xf32> to vector<16xf32>
          %add3A_870 = arith.addf %get3A_865, %get3A_869 : vector<16xf32>
          %get3A_871 = arith.index_cast %add3A_837 : i32 to index
          %get3A_872 = arith.constant 16 : index
          %get3A_873 = tpu.vector_load %arg18[%get3A_871, %get3A_872] {strides = array<i32>} : memref<64x128xf32, #tpu.memory_space<vmem>>, vector<1x16xf32>,
          %get3A_874 = vector.shape_cast %get3A_873 : vector<1x16xf32> to vector<16xf32>
          %add3A_875 = arith.addf %add3A_870, %get3A_874 : vector<16xf32>
          %max3A_876 = arith.constant 0.000000e+00 : f32
          %max3A_877 = vector.broadcast %max3A_876 : f32 to vector<16xf32>
          %max3A_878 = arith.maximumf %add3A_875, %max3A_877 : vector<16xf32>
          %swap3A_879 = arith.index_cast %add3A_839 : i32 to index
          %swap3A_880 = arith.constant 16 : index
          %swap3A_881 = tpu.vector_load %arg20[%swap3A_879, %swap3A_880] {strides = array<i32>} : memref<256x32xf32, #tpu.memory_space<vmem>>, vector<1x16xf32>,
          %swap3A_882 = vector.shape_cast %swap3A_881 : vector<1x16xf32> to vector<16xf32>
          %swap3A_883 = vector.shape_cast %max3A_878 : vector<16xf32> to vector<1x16xf32>
          tpu.vector_store %arg20[%swap3A_879, %swap3A_880], %swap3A_883 {strides = array<i32>} : memref<256x32xf32, #tpu.memory_space<vmem>>, vector<1x16xf32>,
          %add3A_884 = arith.constant 160 : i32
          %add3A_885 = arith.addi %add3A_884, %scan3A_652 : i32
          %get3A_886 = arith.index_cast %add3A_885 : i32 to index
          %get3A_887 = arith.constant 0 : index
          %get3A_888 = tpu.vector_load %arg15[%get3A_886, %get3A_887] {strides = array<i32>} : memref<256x32xf32, #tpu.memory_space<vmem>>, vector<1x16xf32>,
          %get3A_889 = vector.shape_cast %get3A_888 : vector<1x16xf32> to vector<16xf32>
          %get3A_890 = arith.index_cast %add3A_885 : i32 to index
          %get3A_891 = arith.constant 0 : index
          %get3A_892 = tpu.vector_load %arg16[%get3A_890, %get3A_891] {strides = array<i32>} : memref<256x32xf32, #tpu.memory_space<vmem>>, vector<1x16xf32>,
          %get3A_893 = vector.shape_cast %get3A_892 : vector<1x16xf32> to vector<16xf32>
          %add3A_894 = arith.addf %get3A_889, %get3A_893 : vector<16xf32>
          %get3A_895 = arith.index_cast %add3A_837 : i32 to index
          %get3A_896 = arith.constant 32 : index
          %get3A_897 = tpu.vector_load %arg18[%get3A_895, %get3A_896] {strides = array<i32>} : memref<64x128xf32, #tpu.memory_space<vmem>>, vector<1x16xf32>,
          %get3A_898 = vector.shape_cast %get3A_897 : vector<1x16xf32> to vector<16xf32>
          %add3A_899 = arith.addf %add3A_894, %get3A_898 : vector<16xf32>
          %max3A_900 = arith.constant 0.000000e+00 : f32
          %max3A_901 = vector.broadcast %max3A_900 : f32 to vector<16xf32>
          %max3A_902 = arith.maximumf %add3A_899, %max3A_901 : vector<16xf32>
          %swap3A_903 = arith.index_cast %add3A_885 : i32 to index
          %swap3A_904 = arith.constant 0 : index
          %swap3A_905 = tpu.vector_load %arg20[%swap3A_903, %swap3A_904] {strides = array<i32>} : memref<256x32xf32, #tpu.memory_space<vmem>>, vector<1x16xf32>,
          %swap3A_906 = vector.shape_cast %swap3A_905 : vector<1x16xf32> to vector<16xf32>
          %swap3A_907 = vector.shape_cast %max3A_902 : vector<16xf32> to vector<1x16xf32>
          tpu.vector_store %arg20[%swap3A_903, %swap3A_904], %swap3A_907 {strides = array<i32>} : memref<256x32xf32, #tpu.memory_space<vmem>>, vector<1x16xf32>,
          %get3A_908 = arith.index_cast %add3A_885 : i32 to index
          %get3A_909 = arith.constant 16 : index
          %get3A_910 = tpu.vector_load %arg15[%get3A_908, %get3A_909] {strides = array<i32>} : memref<256x32xf32, #tpu.memory_space<vmem>>, vector<1x16xf32>,
          %get3A_911 = vector.shape_cast %get3A_910 : vector<1x16xf32> to vector<16xf32>
          %get3A_912 = arith.index_cast %add3A_885 : i32 to index
          %get3A_913 = arith.constant 16 : index
          %get3A_914 = tpu.vector_load %arg16[%get3A_912, %get3A_913] {strides = array<i32>} : memref<256x32xf32, #tpu.memory_space<vmem>>, vector<1x16xf32>,
          %get3A_915 = vector.shape_cast %get3A_914 : vector<1x16xf32> to vector<16xf32>
          %add3A_916 = arith.addf %get3A_911, %get3A_915 : vector<16xf32>
          %get3A_917 = arith.index_cast %add3A_837 : i32 to index
          %get3A_918 = arith.constant 48 : index
          %get3A_919 = tpu.vector_load %arg18[%get3A_917, %get3A_918] {strides = array<i32>} : memref<64x128xf32, #tpu.memory_space<vmem>>, vector<1x16xf32>,
          %get3A_920 = vector.shape_cast %get3A_919 : vector<1x16xf32> to vector<16xf32>
          %add3A_921 = arith.addf %add3A_916, %get3A_920 : vector<16xf32>
          %max3A_922 = arith.constant 0.000000e+00 : f32
          %max3A_923 = vector.broadcast %max3A_922 : f32 to vector<16xf32>
          %max3A_924 = arith.maximumf %add3A_921, %max3A_923 : vector<16xf32>
          %swap3A_925 = arith.index_cast %add3A_885 : i32 to index
          %swap3A_926 = arith.constant 16 : index
          %swap3A_927 = tpu.vector_load %arg20[%swap3A_925, %swap3A_926] {strides = array<i32>} : memref<256x32xf32, #tpu.memory_space<vmem>>, vector<1x16xf32>,
          %swap3A_928 = vector.shape_cast %swap3A_927 : vector<1x16xf32> to vector<16xf32>
          %swap3A_929 = vector.shape_cast %max3A_924 : vector<16xf32> to vector<1x16xf32>
          tpu.vector_store %arg20[%swap3A_925, %swap3A_926], %swap3A_929 {strides = array<i32>} : memref<256x32xf32, #tpu.memory_space<vmem>>, vector<1x16xf32>,
          %add3A_930 = arith.constant 192 : i32
          %add3A_931 = arith.addi %add3A_930, %scan3A_652 : i32
          %get3A_932 = arith.index_cast %add3A_931 : i32 to index
          %get3A_933 = arith.constant 0 : index
          %get3A_934 = tpu.vector_load %arg15[%get3A_932, %get3A_933] {strides = array<i32>} : memref<256x32xf32, #tpu.memory_space<vmem>>, vector<1x16xf32>,
          %get3A_935 = vector.shape_cast %get3A_934 : vector<1x16xf32> to vector<16xf32>
          %get3A_936 = arith.index_cast %add3A_931 : i32 to index
          %get3A_937 = arith.constant 0 : index
          %get3A_938 = tpu.vector_load %arg16[%get3A_936, %get3A_937] {strides = array<i32>} : memref<256x32xf32, #tpu.memory_space<vmem>>, vector<1x16xf32>,
          %get3A_939 = vector.shape_cast %get3A_938 : vector<1x16xf32> to vector<16xf32>
          %add3A_940 = arith.addf %get3A_935, %get3A_939 : vector<16xf32>
          %get3A_941 = arith.index_cast %add3A_837 : i32 to index
          %get3A_942 = arith.constant 64 : index
          %get3A_943 = tpu.vector_load %arg18[%get3A_941, %get3A_942] {strides = array<i32>} : memref<64x128xf32, #tpu.memory_space<vmem>>, vector<1x16xf32>,
          %get3A_944 = vector.shape_cast %get3A_943 : vector<1x16xf32> to vector<16xf32>
          %add3A_945 = arith.addf %add3A_940, %get3A_944 : vector<16xf32>
          %max3A_946 = arith.constant 0.000000e+00 : f32
          %max3A_947 = vector.broadcast %max3A_946 : f32 to vector<16xf32>
          %max3A_948 = arith.maximumf %add3A_945, %max3A_947 : vector<16xf32>
          %swap3A_949 = arith.index_cast %add3A_931 : i32 to index
          %swap3A_950 = arith.constant 0 : index
          %swap3A_951 = tpu.vector_load %arg20[%swap3A_949, %swap3A_950] {strides = array<i32>} : memref<256x32xf32, #tpu.memory_space<vmem>>, vector<1x16xf32>,
          %swap3A_952 = vector.shape_cast %swap3A_951 : vector<1x16xf32> to vector<16xf32>
          %swap3A_953 = vector.shape_cast %max3A_948 : vector<16xf32> to vector<1x16xf32>
          tpu.vector_store %arg20[%swap3A_949, %swap3A_950], %swap3A_953 {strides = array<i32>} : memref<256x32xf32, #tpu.memory_space<vmem>>, vector<1x16xf32>,
          %get3A_954 = arith.index_cast %add3A_931 : i32 to index
          %get3A_955 = arith.constant 16 : index
          %get3A_956 = tpu.vector_load %arg15[%get3A_954, %get3A_955] {strides = array<i32>} : memref<256x32xf32, #tpu.memory_space<vmem>>, vector<1x16xf32>,
          %get3A_957 = vector.shape_cast %get3A_956 : vector<1x16xf32> to vector<16xf32>
          %get3A_958 = arith.index_cast %add3A_931 : i32 to index
          %get3A_959 = arith.constant 16 : index
          %get3A_960 = tpu.vector_load %arg16[%get3A_958, %get3A_959] {strides = array<i32>} : memref<256x32xf32, #tpu.memory_space<vmem>>, vector<1x16xf32>,
          %get3A_961 = vector.shape_cast %get3A_960 : vector<1x16xf32> to vector<16xf32>
          %add3A_962 = arith.addf %get3A_957, %get3A_961 : vector<16xf32>
          %get3A_963 = arith.index_cast %add3A_837 : i32 to index
          %get3A_964 = arith.constant 80 : index
          %get3A_965 = tpu.vector_load %arg18[%get3A_963, %get3A_964] {strides = array<i32>} : memref<64x128xf32, #tpu.memory_space<vmem>>, vector<1x16xf32>,
          %get3A_966 = vector.shape_cast %get3A_965 : vector<1x16xf32> to vector<16xf32>
          %add3A_967 = arith.addf %add3A_962, %get3A_966 : vector<16xf32>
          %max3A_968 = arith.constant 0.000000e+00 : f32
          %max3A_969 = vector.broadcast %max3A_968 : f32 to vector<16xf32>
          %max3A_970 = arith.maximumf %add3A_967, %max3A_969 : vector<16xf32>
          %swap3A_971 = arith.index_cast %add3A_931 : i32 to index
          %swap3A_972 = arith.constant 16 : index
          %swap3A_973 = tpu.vector_load %arg20[%swap3A_971, %swap3A_972] {strides = array<i32>} : memref<256x32xf32, #tpu.memory_space<vmem>>, vector<1x16xf32>,
          %swap3A_974 = vector.shape_cast %swap3A_973 : vector<1x16xf32> to vector<16xf32>
          %swap3A_975 = vector.shape_cast %max3A_970 : vector<16xf32> to vector<1x16xf32>
          tpu.vector_store %arg20[%swap3A_971, %swap3A_972], %swap3A_975 {strides = array<i32>} : memref<256x32xf32, #tpu.memory_space<vmem>>, vector<1x16xf32>,
          %add3A_976 = arith.constant 224 : i32
          %add3A_977 = arith.addi %add3A_976, %scan3A_652 : i32
          %get3A_978 = arith.index_cast %add3A_977 : i32 to index
          %get3A_979 = arith.constant 0 : index
          %get3A_980 = tpu.vector_load %arg15[%get3A_978, %get3A_979] {strides = array<i32>} : memref<256x32xf32, #tpu.memory_space<vmem>>, vector<1x16xf32>,
          %get3A_981 = vector.shape_cast %get3A_980 : vector<1x16xf32> to vector<16xf32>
          %get3A_982 = arith.index_cast %add3A_977 : i32 to index
          %get3A_983 = arith.constant 0 : index
          %get3A_984 = tpu.vector_load %arg16[%get3A_982, %get3A_983] {strides = array<i32>} : memref<256x32xf32, #tpu.memory_space<vmem>>, vector<1x16xf32>,
          %get3A_985 = vector.shape_cast %get3A_984 : vector<1x16xf32> to vector<16xf32>
          %add3A_986 = arith.addf %get3A_981, %get3A_985 : vector<16xf32>
          %get3A_987 = arith.index_cast %add3A_837 : i32 to index
          %get3A_988 = arith.constant 96 : index
          %get3A_989 = tpu.vector_load %arg18[%get3A_987, %get3A_988] {strides = array<i32>} : memref<64x128xf32, #tpu.memory_space<vmem>>, vector<1x16xf32>,
          %get3A_990 = vector.shape_cast %get3A_989 : vector<1x16xf32> to vector<16xf32>
          %add3A_991 = arith.addf %add3A_986, %get3A_990 : vector<16xf32>
          %max3A_992 = arith.constant 0.000000e+00 : f32
          %max3A_993 = vector.broadcast %max3A_992 : f32 to vector<16xf32>
          %max3A_994 = arith.maximumf %add3A_991, %max3A_993 : vector<16xf32>
          %swap3A_995 = arith.index_cast %add3A_977 : i32 to index
          %swap3A_996 = arith.constant 0 : index
          %swap3A_997 = tpu.vector_load %arg20[%swap3A_995, %swap3A_996] {strides = array<i32>} : memref<256x32xf32, #tpu.memory_space<vmem>>, vector<1x16xf32>,
          %swap3A_998 = vector.shape_cast %swap3A_997 : vector<1x16xf32> to vector<16xf32>
          %swap3A_999 = vector.shape_cast %max3A_994 : vector<16xf32> to vector<1x16xf32>
          tpu.vector_store %arg20[%swap3A_995, %swap3A_996], %swap3A_999 {strides = array<i32>} : memref<256x32xf32, #tpu.memory_space<vmem>>, vector<1x16xf32>,
          %get3A_1000 = arith.index_cast %add3A_977 : i32 to index
          %get3A_1001 = arith.constant 16 : index
          %get3A_1002 = tpu.vector_load %arg15[%get3A_1000, %get3A_1001] {strides = array<i32>} : memref<256x32xf32, #tpu.memory_space<vmem>>, vector<1x16xf32>,
          %get3A_1003 = vector.shape_cast %get3A_1002 : vector<1x16xf32> to vector<16xf32>
          %get3A_1004 = arith.index_cast %add3A_977 : i32 to index
          %get3A_1005 = arith.constant 16 : index
          %get3A_1006 = tpu.vector_load %arg16[%get3A_1004, %get3A_1005] {strides = array<i32>} : memref<256x32xf32, #tpu.memory_space<vmem>>, vector<1x16xf32>,
          %get3A_1007 = vector.shape_cast %get3A_1006 : vector<1x16xf32> to vector<16xf32>
          %add3A_1008 = arith.addf %get3A_1003, %get3A_1007 : vector<16xf32>
          %get3A_1009 = arith.index_cast %add3A_837 : i32 to index
          %get3A_1010 = arith.constant 112 : index
          %get3A_1011 = tpu.vector_load %arg18[%get3A_1009, %get3A_1010] {strides = array<i32>} : memref<64x128xf32, #tpu.memory_space<vmem>>, vector<1x16xf32>,
          %get3A_1012 = vector.shape_cast %get3A_1011 : vector<1x16xf32> to vector<16xf32>
          %add3A_1013 = arith.addf %add3A_1008, %get3A_1012 : vector<16xf32>
          %max3A_1014 = arith.constant 0.000000e+00 : f32
          %max3A_1015 = vector.broadcast %max3A_1014 : f32 to vector<16xf32>
          %max3A_1016 = arith.maximumf %add3A_1013, %max3A_1015 : vector<16xf32>
          %swap3A_1017 = arith.index_cast %add3A_977 : i32 to index
          %swap3A_1018 = arith.constant 16 : index
          %swap3A_1019 = tpu.vector_load %arg20[%swap3A_1017, %swap3A_1018] {strides = array<i32>} : memref<256x32xf32, #tpu.memory_space<vmem>>, vector<1x16xf32>,
          %swap3A_1020 = vector.shape_cast %swap3A_1019 : vector<1x16xf32> to vector<16xf32>
          %swap3A_1021 = vector.shape_cast %max3A_1016 : vector<16xf32> to vector<1x16xf32>
          tpu.vector_store %arg20[%swap3A_1017, %swap3A_1018], %swap3A_1021 {strides = array<i32>} : memref<256x32xf32, #tpu.memory_space<vmem>>, vector<1x16xf32>,
        }
        %scan3A_651 = arith.constant 32 : i32
      } else {
      }
      %convert_element_type3A_560 = arith.extui %lt3A_542 : i1 to i32
      %cond3A_561 = arith.constant 0 : i32
      %cond3A_562 = arith.cmpi ne, %convert_element_type3A_560, %cond3A_561 : i32
      scf.if %cond3A_562 {
        %add3A_646 = arith.constant 64 : i32
        %add3A_647 = arith.addi %add3A_532, %add3A_646 : i32
        %mul3A_648 = arith.constant 32 : i32
        %mul3A_649 = arith.muli %add3A_647, %mul3A_648 : i32
        %dma_start3A_650 = arith.constant 0 : i32
        %dma_start3A_651 = arith.constant 0 : i32
        %dma_start3A_652 = tpu.memref_slice %arg18[%dma_start3A_650, %dma_start3A_651] : memref<64x128xf32, #tpu.memory_space<vmem>> -> memref<32x128xf32, #tpu.memory_space<vmem>>
        %dma_start3A_653 = arith.constant 0 : i32
        %dma_start3A_654 = tpu.memref_slice %arg4[%mul3A_649, %dma_start3A_653] : memref<40000x128xf32, #tpu.memory_space<hbm>> -> memref<32x128xf32, #tpu.memory_space<hbm>>
        %dma_start3A_655 = arith.constant 0 : i32
        %dma_start3A_656 = arith.constant 0 : i32
        %dma_start3A_657 = tpu.memref_slice %arg18[%dma_start3A_655, %dma_start3A_656] : memref<64x128xf32, #tpu.memory_space<vmem>> -> memref<32x128xf32, #tpu.memory_space<vmem>>
        %dma_start3A_658 = arith.constant 0 : i32
        %dma_start3A_659 = tpu.memref_slice %arg4[%mul3A_649, %dma_start3A_658] : memref<40000x128xf32, #tpu.memory_space<hbm>> -> memref<32x128xf32, #tpu.memory_space<hbm>>
        tpu.enqueue_dma source(%dma_start3A_659 : memref<32x128xf32, #tpu.memory_space<hbm>>) target(%dma_start3A_657 : memref<32x128xf32, #tpu.memory_space<vmem>>) target_semaphore(%arg29 : memref<!tpu.dma_semaphore, #tpu.memory_space<semaphore_mem>>)
        %mul3A_660 = arith.constant 32 : i32
        %mul3A_661 = arith.muli %add3A_647, %mul3A_660 : i32
        %dma_start3A_662 = arith.constant 32 : i32
        %dma_start3A_663 = arith.constant 0 : i32
        %dma_start3A_664 = tpu.memref_slice %arg18[%dma_start3A_662, %dma_start3A_663] : memref<64x128xf32, #tpu.memory_space<vmem>> -> memref<32x128xf32, #tpu.memory_space<vmem>>
        %dma_start3A_665 = arith.constant 0 : i32
        %dma_start3A_666 = tpu.memref_slice %arg5[%mul3A_661, %dma_start3A_665] : memref<40000x128xf32, #tpu.memory_space<hbm>> -> memref<32x128xf32, #tpu.memory_space<hbm>>
        %dma_start3A_667 = arith.constant 32 : i32
        %dma_start3A_668 = arith.constant 0 : i32
        %dma_start3A_669 = tpu.memref_slice %arg18[%dma_start3A_667, %dma_start3A_668] : memref<64x128xf32, #tpu.memory_space<vmem>> -> memref<32x128xf32, #tpu.memory_space<vmem>>
        %dma_start3A_670 = arith.constant 0 : i32
        %dma_start3A_671 = tpu.memref_slice %arg5[%mul3A_661, %dma_start3A_670] : memref<40000x128xf32, #tpu.memory_space<hbm>> -> memref<32x128xf32, #tpu.memory_space<hbm>>
        tpu.enqueue_dma source(%dma_start3A_671 : memref<32x128xf32, #tpu.memory_space<hbm>>) target(%dma_start3A_669 : memref<32x128xf32, #tpu.memory_space<vmem>>) target_semaphore(%arg29 : memref<!tpu.dma_semaphore, #tpu.memory_space<semaphore_mem>>)
      } else {
      }
      %convert_element_type3A_563 = arith.extui %lt3A_534 : i1 to i32
      %cond3A_564 = arith.constant 0 : i32
      %cond3A_565 = arith.cmpi ne, %convert_element_type3A_563, %cond3A_564 : i32
      scf.if %cond3A_565 {
        %dma_start3A_646 = arith.constant 1 : i32
        %dma_start3A_647 = arith.constant 0 : i32
        %dma_start3A_648 = tpu.memref_slice %arg10[%dma_start3A_646, %dma_start3A_647] : memref<2x256xi32, #tpu.memory_space<vmem>> -> memref<1x256xi32, #tpu.memory_space<vmem>>
        %dma_start3A_649 = tpu.memref_squeeze %dma_start3A_648 : memref<1x256xi32, #tpu.memory_space<vmem>> -> memref<256xi32, #tpu.memory_space<vmem>>
        %dma_start3A_650 = arith.constant 0 : i32
        %dma_start3A_651 = arith.constant 0 : i32
        %dma_start3A_652 = tpu.memref_slice %arg24[%dma_start3A_650, %dma_start3A_651] : memref<10240x32xf32, #tpu.memory_space<vmem_shared>> -> memref<10240x32xf32, #tpu.memory_space<vmem_shared>>
        tpu.enqueue_indirect_dma source(%arg20 : memref<256x32xf32, #tpu.memory_space<vmem>>) target(%dma_start3A_652 : memref<10240x32xf32, #tpu.memory_space<vmem_shared>>) offsets(%dma_start3A_649 : memref<256xi32, #tpu.memory_space<vmem>>) semaphore(%arg33 : memref<!tpu.dma_semaphore, #tpu.memory_space<semaphore_mem>>) {add = true}
        %dma_start3A_653 = arith.constant 1 : i32
        %dma_start3A_654 = arith.constant 0 : i32
        %dma_start3A_655 = tpu.memref_slice %arg10[%dma_start3A_653, %dma_start3A_654] : memref<2x256xi32, #tpu.memory_space<vmem>> -> memref<1x256xi32, #tpu.memory_space<vmem>>
        %dma_start3A_656 = tpu.memref_squeeze %dma_start3A_655 : memref<1x256xi32, #tpu.memory_space<vmem>> -> memref<256xi32, #tpu.memory_space<vmem>>
        %dma_start3A_657 = arith.constant 0 : i32
        %dma_start3A_658 = tpu.memref_slice %arg25[%dma_start3A_657] : memref<10240xf32, #tpu.memory_space<vmem_shared>> -> memref<10240xf32, #tpu.memory_space<vmem_shared>>
        tpu.enqueue_indirect_dma source(%arg21 : memref<256xf32, #tpu.memory_space<vmem>>) target(%dma_start3A_658 : memref<10240xf32, #tpu.memory_space<vmem_shared>>) offsets(%dma_start3A_656 : memref<256xi32, #tpu.memory_space<vmem>>) semaphore(%arg33 : memref<!tpu.dma_semaphore, #tpu.memory_space<semaphore_mem>>) {add = true}
      } else {
      }
      %mul3A_566 = arith.constant 4 : i32
      %mul3A_567 = arith.muli %mul3A_566, %scan3A_486 : i32
      %add3A_568 = arith.constant 2 : i32
      %add3A_569 = arith.addi %mul3A_567, %add3A_568 : i32
      %mul3A_570 = arith.constant 32 : i32
      %mul3A_571 = arith.muli %add3A_569, %mul3A_570 : i32
      %add3A_572 = arith.addi %mul3A_571, %add3A : i32
      %lt3A_573 = arith.constant 1250 : i32
      %lt3A_574 = arith.cmpi slt, %add3A_572, %lt3A_573 : i32
      %add3A_575 = arith.constant 32 : i32
      %add3A_576 = arith.addi %add3A_572, %add3A_575 : i32
      %lt3A_577 = arith.constant 1250 : i32
      %lt3A_578 = arith.cmpi slt, %add3A_576, %lt3A_577 : i32
      %add3A_579 = arith.constant 64 : i32
      %add3A_580 = arith.addi %add3A_572, %add3A_579 : i32
      %lt3A_581 = arith.constant 1250 : i32
      %lt3A_582 = arith.cmpi slt, %add3A_580, %lt3A_581 : i32
      %convert_element_type3A_583 = arith.extui %lt3A_574 : i1 to i32
      %cond3A_584 = arith.constant 0 : i32
      %cond3A_585 = arith.cmpi ne, %convert_element_type3A_583, %cond3A_584 : i32
      scf.if %cond3A_585 {
        %dma_wait3A_646 = arith.constant 0 : i32
        %dma_wait3A_647 = arith.constant 0 : i32
        %dma_wait3A_648 = tpu.memref_slice %arg2[%dma_wait3A_646, %dma_wait3A_647] : memref<10000x32xf32, #tpu.memory_space<hbm>> -> memref<256x32xf32, #tpu.memory_space<hbm>>
        %dma_wait3A_649 = arith.constant 0 : i32
        %dma_wait3A_650 = arith.constant 0 : i32
        %dma_wait3A_651 = tpu.memref_slice %arg2[%dma_wait3A_649, %dma_wait3A_650] : memref<10000x32xf32, #tpu.memory_space<hbm>> -> memref<256x32xf32, #tpu.memory_space<hbm>>
        tpu.wait_dma2 semaphore(%arg30 : memref<!tpu.dma_semaphore, #tpu.memory_space<semaphore_mem>>) src(%dma_wait3A_651 : memref<256x32xf32, #tpu.memory_space<hbm>>) dst(%arg13 : memref<256x32xf32, #tpu.memory_space<vmem>>)
        %dma_wait3A_652 = arith.constant 0 : i32
        %dma_wait3A_653 = arith.constant 0 : i32
        %dma_wait3A_654 = tpu.memref_slice %arg3[%dma_wait3A_652, %dma_wait3A_653] : memref<10000x32xf32, #tpu.memory_space<hbm>> -> memref<256x32xf32, #tpu.memory_space<hbm>>
        %dma_wait3A_655 = arith.constant 0 : i32
        %dma_wait3A_656 = arith.constant 0 : i32
        %dma_wait3A_657 = tpu.memref_slice %arg3[%dma_wait3A_655, %dma_wait3A_656] : memref<10000x32xf32, #tpu.memory_space<hbm>> -> memref<256x32xf32, #tpu.memory_space<hbm>>
        tpu.wait_dma2 semaphore(%arg30 : memref<!tpu.dma_semaphore, #tpu.memory_space<semaphore_mem>>) src(%dma_wait3A_657 : memref<256x32xf32, #tpu.memory_space<hbm>>) dst(%arg14 : memref<256x32xf32, #tpu.memory_space<vmem>>)
        %dma_wait3A_658 = arith.constant 0 : i32
        %dma_wait3A_659 = arith.constant 0 : i32
        %dma_wait3A_660 = tpu.memref_slice %arg17[%dma_wait3A_658, %dma_wait3A_659] : memref<64x128xf32, #tpu.memory_space<vmem>> -> memref<32x128xf32, #tpu.memory_space<vmem>>
        %dma_wait3A_661 = arith.constant 0 : i32
        %dma_wait3A_662 = arith.constant 0 : i32
        %dma_wait3A_663 = tpu.memref_slice %arg4[%dma_wait3A_661, %dma_wait3A_662] : memref<40000x128xf32, #tpu.memory_space<hbm>> -> memref<32x128xf32, #tpu.memory_space<hbm>>
        %dma_wait3A_664 = arith.constant 0 : i32
        %dma_wait3A_665 = arith.constant 0 : i32
        %dma_wait3A_666 = tpu.memref_slice %arg17[%dma_wait3A_664, %dma_wait3A_665] : memref<64x128xf32, #tpu.memory_space<vmem>> -> memref<32x128xf32, #tpu.memory_space<vmem>>
        %dma_wait3A_667 = arith.constant 0 : i32
        %dma_wait3A_668 = arith.constant 0 : i32
        %dma_wait3A_669 = tpu.memref_slice %arg4[%dma_wait3A_667, %dma_wait3A_668] : memref<40000x128xf32, #tpu.memory_space<hbm>> -> memref<32x128xf32, #tpu.memory_space<hbm>>
        tpu.wait_dma2 semaphore(%arg28 : memref<!tpu.dma_semaphore, #tpu.memory_space<semaphore_mem>>) src(%dma_wait3A_669 : memref<32x128xf32, #tpu.memory_space<hbm>>) dst(%dma_wait3A_666 : memref<32x128xf32, #tpu.memory_space<vmem>>)
        %dma_wait3A_670 = arith.constant 32 : i32
        %dma_wait3A_671 = arith.constant 0 : i32
        %dma_wait3A_672 = tpu.memref_slice %arg17[%dma_wait3A_670, %dma_wait3A_671] : memref<64x128xf32, #tpu.memory_space<vmem>> -> memref<32x128xf32, #tpu.memory_space<vmem>>
        %dma_wait3A_673 = arith.constant 0 : i32
        %dma_wait3A_674 = arith.constant 0 : i32
        %dma_wait3A_675 = tpu.memref_slice %arg5[%dma_wait3A_673, %dma_wait3A_674] : memref<40000x128xf32, #tpu.memory_space<hbm>> -> memref<32x128xf32, #tpu.memory_space<hbm>>
        %dma_wait3A_676 = arith.constant 32 : i32
        %dma_wait3A_677 = arith.constant 0 : i32
        %dma_wait3A_678 = tpu.memref_slice %arg17[%dma_wait3A_676, %dma_wait3A_677] : memref<64x128xf32, #tpu.memory_space<vmem>> -> memref<32x128xf32, #tpu.memory_space<vmem>>
        %dma_wait3A_679 = arith.constant 0 : i32
        %dma_wait3A_680 = arith.constant 0 : i32
        %dma_wait3A_681 = tpu.memref_slice %arg5[%dma_wait3A_679, %dma_wait3A_680] : memref<40000x128xf32, #tpu.memory_space<hbm>> -> memref<32x128xf32, #tpu.memory_space<hbm>>
        tpu.wait_dma2 semaphore(%arg28 : memref<!tpu.dma_semaphore, #tpu.memory_space<semaphore_mem>>) src(%dma_wait3A_681 : memref<32x128xf32, #tpu.memory_space<hbm>>) dst(%dma_wait3A_678 : memref<32x128xf32, #tpu.memory_space<vmem>>)
      } else {
      }
      %ge3A_586 = arith.constant 2 : i32
      %ge3A_587 = arith.cmpi sge, %add3A_569, %ge3A_586 : i32
      %convert_element_type3A_588 = arith.extui %ge3A_587 : i1 to i32
      %cond3A_589 = arith.constant 0 : i32
      %cond3A_590 = arith.cmpi ne, %convert_element_type3A_588, %cond3A_589 : i32
      scf.if %cond3A_590 {
        %dma_wait3A_646 = arith.constant 1 : i32
        %dma_wait3A_647 = arith.constant 0 : i32
        %dma_wait3A_648 = tpu.memref_slice %arg9[%dma_wait3A_646, %dma_wait3A_647] : memref<2x256xi32, #tpu.memory_space<vmem>> -> memref<1x256xi32, #tpu.memory_space<vmem>>
        %dma_wait3A_649 = tpu.memref_squeeze %dma_wait3A_648 : memref<1x256xi32, #tpu.memory_space<vmem>> -> memref<256xi32, #tpu.memory_space<vmem>>
        %dma_wait3A_650 = arith.constant 0 : i32
        %dma_wait3A_651 = arith.constant 0 : i32
        %dma_wait3A_652 = tpu.memref_slice %arg24[%dma_wait3A_650, %dma_wait3A_651] : memref<10240x32xf32, #tpu.memory_space<vmem_shared>> -> memref<10240x32xf32, #tpu.memory_space<vmem_shared>>
        tpu.wait_indirect_dma semaphore(%arg32 : memref<!tpu.dma_semaphore, #tpu.memory_space<semaphore_mem>>) src(%arg19 : memref<256x32xf32, #tpu.memory_space<vmem>>) dst(%dma_wait3A_652 : memref<10240x32xf32, #tpu.memory_space<vmem_shared>>)
        %dma_wait3A_653 = arith.constant 1 : i32
        %dma_wait3A_654 = arith.constant 0 : i32
        %dma_wait3A_655 = tpu.memref_slice %arg9[%dma_wait3A_653, %dma_wait3A_654] : memref<2x256xi32, #tpu.memory_space<vmem>> -> memref<1x256xi32, #tpu.memory_space<vmem>>
        %dma_wait3A_656 = tpu.memref_squeeze %dma_wait3A_655 : memref<1x256xi32, #tpu.memory_space<vmem>> -> memref<256xi32, #tpu.memory_space<vmem>>
        %dma_wait3A_657 = arith.constant 0 : i32
        %dma_wait3A_658 = tpu.memref_slice %arg25[%dma_wait3A_657] : memref<10240xf32, #tpu.memory_space<vmem_shared>> -> memref<10240xf32, #tpu.memory_space<vmem_shared>>
        tpu.wait_indirect_dma semaphore(%arg32 : memref<!tpu.dma_semaphore, #tpu.memory_space<semaphore_mem>>) src(%arg21 : memref<256xf32, #tpu.memory_space<vmem>>) dst(%dma_wait3A_658 : memref<10240xf32, #tpu.memory_space<vmem_shared>>)
      } else {
      }
      %convert_element_type3A_591 = arith.extui %lt3A_578 : i1 to i32
      %cond3A_592 = arith.constant 0 : i32
      %cond3A_593 = arith.cmpi ne, %convert_element_type3A_591, %cond3A_592 : i32
      scf.if %cond3A_593 {
        %dma_wait3A_646 = arith.constant 0 : i32
        %dma_wait3A_647 = arith.constant 0 : i32
        %dma_wait3A_648 = arith.constant 0 : i32
        %dma_wait3A_649 = tpu.memref_slice %arg6[%dma_wait3A_646, %dma_wait3A_647, %dma_wait3A_648] : memref<2500x2x128xi32, #tpu.memory_space<hbm>> -> memref<1x2x128xi32, #tpu.memory_space<hbm>>
        %dma_wait3A_650 = tpu.memref_squeeze %dma_wait3A_649 : memref<1x2x128xi32, #tpu.memory_space<hbm>> -> memref<2x128xi32, #tpu.memory_space<hbm>>
        %dma_wait3A_651 = arith.constant 0 : i32
        %dma_wait3A_652 = arith.constant 0 : i32
        %dma_wait3A_653 = tpu.memref_slice %arg6[%dma_wait3A_646, %dma_wait3A_651, %dma_wait3A_652] : memref<2500x2x128xi32, #tpu.memory_space<hbm>> -> memref<1x2x128xi32, #tpu.memory_space<hbm>>
        %dma_wait3A_654 = tpu.memref_squeeze %dma_wait3A_653 : memref<1x2x128xi32, #tpu.memory_space<hbm>> -> memref<2x128xi32, #tpu.memory_space<hbm>>
        tpu.wait_dma2 semaphore(%arg27 : memref<!tpu.dma_semaphore, #tpu.memory_space<semaphore_mem>>) src(%dma_wait3A_654 : memref<2x128xi32, #tpu.memory_space<hbm>>) dst(%arg12 : memref<2x256xi32, #tpu.memory_space<vmem>>)
        %dma_start3A_655 = arith.constant 0 : i32
        %dma_start3A_656 = arith.constant 0 : i32
        %dma_start3A_657 = tpu.memref_slice %arg12[%dma_start3A_655, %dma_start3A_656] : memref<2x256xi32, #tpu.memory_space<vmem>> -> memref<1x256xi32, #tpu.memory_space<vmem>>
        %dma_start3A_658 = tpu.memref_squeeze %dma_start3A_657 : memref<1x256xi32, #tpu.memory_space<vmem>> -> memref<256xi32, #tpu.memory_space<vmem>>
        %dma_start3A_659 = arith.constant 0 : i32
        %dma_start3A_660 = arith.constant 0 : i32
        %dma_start3A_661 = tpu.memref_slice %arg2[%dma_start3A_659, %dma_start3A_660] : memref<10000x32xf32, #tpu.memory_space<hbm>> -> memref<10000x32xf32, #tpu.memory_space<hbm>>
        tpu.enqueue_indirect_dma source(%dma_start3A_661 : memref<10000x32xf32, #tpu.memory_space<hbm>>) target(%arg15 : memref<256x32xf32, #tpu.memory_space<vmem>>) offsets(%dma_start3A_658 : memref<256xi32, #tpu.memory_space<vmem>>) semaphore(%arg31 : memref<!tpu.dma_semaphore, #tpu.memory_space<semaphore_mem>>)
        %dma_start3A_662 = arith.constant 1 : i32
        %dma_start3A_663 = arith.constant 0 : i32
        %dma_start3A_664 = tpu.memref_slice %arg12[%dma_start3A_662, %dma_start3A_663] : memref<2x256xi32, #tpu.memory_space<vmem>> -> memref<1x256xi32, #tpu.memory_space<vmem>>
        %dma_start3A_665 = tpu.memref_squeeze %dma_start3A_664 : memref<1x256xi32, #tpu.memory_space<vmem>> -> memref<256xi32, #tpu.memory_space<vmem>>
        %dma_start3A_666 = arith.constant 0 : i32
        %dma_start3A_667 = arith.constant 0 : i32
        %dma_start3A_668 = tpu.memref_slice %arg3[%dma_start3A_666, %dma_start3A_667] : memref<10000x32xf32, #tpu.memory_space<hbm>> -> memref<10000x32xf32, #tpu.memory_space<hbm>>
        tpu.enqueue_indirect_dma source(%dma_start3A_668 : memref<10000x32xf32, #tpu.memory_space<hbm>>) target(%arg16 : memref<256x32xf32, #tpu.memory_space<vmem>>) offsets(%dma_start3A_665 : memref<256xi32, #tpu.memory_space<vmem>>) semaphore(%arg31 : memref<!tpu.dma_semaphore, #tpu.memory_space<semaphore_mem>>)
      } else {
      }
      %convert_element_type3A_594 = arith.extui %lt3A_582 : i1 to i32
      %cond3A_595 = arith.constant 0 : i32
      %cond3A_596 = arith.cmpi ne, %convert_element_type3A_594, %cond3A_595 : i32
      scf.if %cond3A_596 {
        %add3A_646 = arith.constant 64 : i32
        %add3A_647 = arith.addi %add3A_572, %add3A_646 : i32
        %mul3A_648 = arith.constant 10486 : i32
        %mul3A_649 = arith.muli %add3A_647, %mul3A_648 : i32
        %shift_right_arithmetic3A_650 = arith.constant 19 : i32
        %shift_right_arithmetic3A_651 = arith.shrsi %mul3A_649, %shift_right_arithmetic3A_650 : i32
        %mul3A_652 = arith.constant 12800 : i32
        %mul3A_653 = arith.muli %mul3A_652, %shift_right_arithmetic3A_651 : i32
        %mul3A_654 = arith.constant 50 : i32
        %mul3A_655 = arith.muli %mul3A_654, %shift_right_arithmetic3A_651 : i32
        %sub3A_656 = arith.subi %add3A_647, %mul3A_655 : i32
        %mul3A_657 = arith.constant 32 : i32
        %mul3A_658 = arith.muli %mul3A_657, %sub3A_656 : i32
        %add3A_659 = arith.addi %mul3A_653, %mul3A_658 : i32
        %add3A_660 = arith.constant 0 : i32
        %add3A_661 = arith.addi %add3A_659, %add3A_660 : i32
        %add3A_662 = arith.constant 0 : i32
        %add3A_663 = arith.addi %add3A_661, %add3A_662 : i32
        %and3A_664 = arith.constant 127 : i32
        %and3A_665 = arith.andi %add3A_663, %and3A_664 : i32
        %multiple_of3A_666 = tpu.assume_multiple %and3A_665, 32 : i32
        %shift_right_arithmetic3A_667 = arith.constant 7 : i32
        %shift_right_arithmetic3A_668 = arith.shrsi %add3A_663, %shift_right_arithmetic3A_667 : i32
        %dma_start3A_669 = arith.constant 0 : i32
        %dma_start3A_670 = arith.constant 0 : i32
        %dma_start3A_671 = tpu.memref_slice %arg9[%dma_start3A_669, %dma_start3A_670] : memref<2x256xi32, #tpu.memory_space<vmem>> -> memref<2x32xi32, #tpu.memory_space<vmem>>
        %dma_start3A_672 = arith.constant 0 : i32
        %dma_start3A_673 = tpu.memref_slice %arg6[%shift_right_arithmetic3A_668, %dma_start3A_672, %multiple_of3A_666] : memref<2500x2x128xi32, #tpu.memory_space<hbm>> -> memref<1x2x32xi32, #tpu.memory_space<hbm>>
        %dma_start3A_674 = tpu.memref_squeeze %dma_start3A_673 : memref<1x2x32xi32, #tpu.memory_space<hbm>> -> memref<2x32xi32, #tpu.memory_space<hbm>>
        %dma_start3A_675 = arith.constant 0 : i32
        %dma_start3A_676 = arith.constant 0 : i32
        %dma_start3A_677 = tpu.memref_slice %arg9[%dma_start3A_675, %dma_start3A_676] : memref<2x256xi32, #tpu.memory_space<vmem>> -> memref<2x32xi32, #tpu.memory_space<vmem>>
        %dma_start3A_678 = arith.constant 0 : i32
        %dma_start3A_679 = tpu.memref_slice %arg6[%shift_right_arithmetic3A_668, %dma_start3A_678, %multiple_of3A_666] : memref<2500x2x128xi32, #tpu.memory_space<hbm>> -> memref<1x2x32xi32, #tpu.memory_space<hbm>>
        %dma_start3A_680 = tpu.memref_squeeze %dma_start3A_679 : memref<1x2x32xi32, #tpu.memory_space<hbm>> -> memref<2x32xi32, #tpu.memory_space<hbm>>
        tpu.enqueue_dma source(%dma_start3A_680 : memref<2x32xi32, #tpu.memory_space<hbm>>) target(%dma_start3A_677 : memref<2x32xi32, #tpu.memory_space<vmem>>) target_semaphore(%arg26 : memref<!tpu.dma_semaphore, #tpu.memory_space<semaphore_mem>>)
        %add3A_681 = arith.constant 0 : i32
        %add3A_682 = arith.addi %add3A_659, %add3A_681 : i32
        %add3A_683 = arith.constant 1600 : i32
        %add3A_684 = arith.addi %add3A_682, %add3A_683 : i32
        %and3A_685 = arith.constant 127 : i32
        %and3A_686 = arith.andi %add3A_684, %and3A_685 : i32
        %multiple_of3A_687 = tpu.assume_multiple %and3A_686, 32 : i32
        %shift_right_arithmetic3A_688 = arith.constant 7 : i32
        %shift_right_arithmetic3A_689 = arith.shrsi %add3A_684, %shift_right_arithmetic3A_688 : i32
        %dma_start3A_690 = arith.constant 0 : i32
        %dma_start3A_691 = arith.constant 32 : i32
        %dma_start3A_692 = tpu.memref_slice %arg9[%dma_start3A_690, %dma_start3A_691] : memref<2x256xi32, #tpu.memory_space<vmem>> -> memref<2x32xi32, #tpu.memory_space<vmem>>
        %dma_start3A_693 = arith.constant 0 : i32
        %dma_start3A_694 = tpu.memref_slice %arg6[%shift_right_arithmetic3A_689, %dma_start3A_693, %multiple_of3A_687] : memref<2500x2x128xi32, #tpu.memory_space<hbm>> -> memref<1x2x32xi32, #tpu.memory_space<hbm>>
        %dma_start3A_695 = tpu.memref_squeeze %dma_start3A_694 : memref<1x2x32xi32, #tpu.memory_space<hbm>> -> memref<2x32xi32, #tpu.memory_space<hbm>>
        %dma_start3A_696 = arith.constant 0 : i32
        %dma_start3A_697 = arith.constant 32 : i32
        %dma_start3A_698 = tpu.memref_slice %arg9[%dma_start3A_696, %dma_start3A_697] : memref<2x256xi32, #tpu.memory_space<vmem>> -> memref<2x32xi32, #tpu.memory_space<vmem>>
        %dma_start3A_699 = arith.constant 0 : i32
        %dma_start3A_700 = tpu.memref_slice %arg6[%shift_right_arithmetic3A_689, %dma_start3A_699, %multiple_of3A_687] : memref<2500x2x128xi32, #tpu.memory_space<hbm>> -> memref<1x2x32xi32, #tpu.memory_space<hbm>>
        %dma_start3A_701 = tpu.memref_squeeze %dma_start3A_700 : memref<1x2x32xi32, #tpu.memory_space<hbm>> -> memref<2x32xi32, #tpu.memory_space<hbm>>
        tpu.enqueue_dma source(%dma_start3A_701 : memref<2x32xi32, #tpu.memory_space<hbm>>) target(%dma_start3A_698 : memref<2x32xi32, #tpu.memory_space<vmem>>) target_semaphore(%arg26 : memref<!tpu.dma_semaphore, #tpu.memory_space<semaphore_mem>>)
        %add3A_702 = arith.constant 0 : i32
        %add3A_703 = arith.addi %add3A_659, %add3A_702 : i32
        %add3A_704 = arith.constant 3200 : i32
        %add3A_705 = arith.addi %add3A_703, %add3A_704 : i32
        %and3A_706 = arith.constant 127 : i32
        %and3A_707 = arith.andi %add3A_705, %and3A_706 : i32
        %multiple_of3A_708 = tpu.assume_multiple %and3A_707, 32 : i32
        %shift_right_arithmetic3A_709 = arith.constant 7 : i32
        %shift_right_arithmetic3A_710 = arith.shrsi %add3A_705, %shift_right_arithmetic3A_709 : i32
        %dma_start3A_711 = arith.constant 0 : i32
        %dma_start3A_712 = arith.constant 64 : i32
        %dma_start3A_713 = tpu.memref_slice %arg9[%dma_start3A_711, %dma_start3A_712] : memref<2x256xi32, #tpu.memory_space<vmem>> -> memref<2x32xi32, #tpu.memory_space<vmem>>
        %dma_start3A_714 = arith.constant 0 : i32
        %dma_start3A_715 = tpu.memref_slice %arg6[%shift_right_arithmetic3A_710, %dma_start3A_714, %multiple_of3A_708] : memref<2500x2x128xi32, #tpu.memory_space<hbm>> -> memref<1x2x32xi32, #tpu.memory_space<hbm>>
        %dma_start3A_716 = tpu.memref_squeeze %dma_start3A_715 : memref<1x2x32xi32, #tpu.memory_space<hbm>> -> memref<2x32xi32, #tpu.memory_space<hbm>>
        %dma_start3A_717 = arith.constant 0 : i32
        %dma_start3A_718 = arith.constant 64 : i32
        %dma_start3A_719 = tpu.memref_slice %arg9[%dma_start3A_717, %dma_start3A_718] : memref<2x256xi32, #tpu.memory_space<vmem>> -> memref<2x32xi32, #tpu.memory_space<vmem>>
        %dma_start3A_720 = arith.constant 0 : i32
        %dma_start3A_721 = tpu.memref_slice %arg6[%shift_right_arithmetic3A_710, %dma_start3A_720, %multiple_of3A_708] : memref<2500x2x128xi32, #tpu.memory_space<hbm>> -> memref<1x2x32xi32, #tpu.memory_space<hbm>>
        %dma_start3A_722 = tpu.memref_squeeze %dma_start3A_721 : memref<1x2x32xi32, #tpu.memory_space<hbm>> -> memref<2x32xi32, #tpu.memory_space<hbm>>
        tpu.enqueue_dma source(%dma_start3A_722 : memref<2x32xi32, #tpu.memory_space<hbm>>) target(%dma_start3A_719 : memref<2x32xi32, #tpu.memory_space<vmem>>) target_semaphore(%arg26 : memref<!tpu.dma_semaphore, #tpu.memory_space<semaphore_mem>>)
        %add3A_723 = arith.constant 0 : i32
        %add3A_724 = arith.addi %add3A_659, %add3A_723 : i32
        %add3A_725 = arith.constant 4800 : i32
        %add3A_726 = arith.addi %add3A_724, %add3A_725 : i32
        %and3A_727 = arith.constant 127 : i32
        %and3A_728 = arith.andi %add3A_726, %and3A_727 : i32
        %multiple_of3A_729 = tpu.assume_multiple %and3A_728, 32 : i32
        %shift_right_arithmetic3A_730 = arith.constant 7 : i32
        %shift_right_arithmetic3A_731 = arith.shrsi %add3A_726, %shift_right_arithmetic3A_730 : i32
        %dma_start3A_732 = arith.constant 0 : i32
        %dma_start3A_733 = arith.constant 96 : i32
        %dma_start3A_734 = tpu.memref_slice %arg9[%dma_start3A_732, %dma_start3A_733] : memref<2x256xi32, #tpu.memory_space<vmem>> -> memref<2x32xi32, #tpu.memory_space<vmem>>
        %dma_start3A_735 = arith.constant 0 : i32
        %dma_start3A_736 = tpu.memref_slice %arg6[%shift_right_arithmetic3A_731, %dma_start3A_735, %multiple_of3A_729] : memref<2500x2x128xi32, #tpu.memory_space<hbm>> -> memref<1x2x32xi32, #tpu.memory_space<hbm>>
        %dma_start3A_737 = tpu.memref_squeeze %dma_start3A_736 : memref<1x2x32xi32, #tpu.memory_space<hbm>> -> memref<2x32xi32, #tpu.memory_space<hbm>>
        %dma_start3A_738 = arith.constant 0 : i32
        %dma_start3A_739 = arith.constant 96 : i32
        %dma_start3A_740 = tpu.memref_slice %arg9[%dma_start3A_738, %dma_start3A_739] : memref<2x256xi32, #tpu.memory_space<vmem>> -> memref<2x32xi32, #tpu.memory_space<vmem>>
        %dma_start3A_741 = arith.constant 0 : i32
        %dma_start3A_742 = tpu.memref_slice %arg6[%shift_right_arithmetic3A_731, %dma_start3A_741, %multiple_of3A_729] : memref<2500x2x128xi32, #tpu.memory_space<hbm>> -> memref<1x2x32xi32, #tpu.memory_space<hbm>>
        %dma_start3A_743 = tpu.memref_squeeze %dma_start3A_742 : memref<1x2x32xi32, #tpu.memory_space<hbm>> -> memref<2x32xi32, #tpu.memory_space<hbm>>
        tpu.enqueue_dma source(%dma_start3A_743 : memref<2x32xi32, #tpu.memory_space<hbm>>) target(%dma_start3A_740 : memref<2x32xi32, #tpu.memory_space<vmem>>) target_semaphore(%arg26 : memref<!tpu.dma_semaphore, #tpu.memory_space<semaphore_mem>>)
        %add3A_744 = arith.constant 6400 : i32
        %add3A_745 = arith.addi %add3A_659, %add3A_744 : i32
        %add3A_746 = arith.constant 0 : i32
        %add3A_747 = arith.addi %add3A_745, %add3A_746 : i32
        %and3A_748 = arith.constant 127 : i32
        %and3A_749 = arith.andi %add3A_747, %and3A_748 : i32
        %multiple_of3A_750 = tpu.assume_multiple %and3A_749, 32 : i32
        %shift_right_arithmetic3A_751 = arith.constant 7 : i32
        %shift_right_arithmetic3A_752 = arith.shrsi %add3A_747, %shift_right_arithmetic3A_751 : i32
        %dma_start3A_753 = arith.constant 0 : i32
        %dma_start3A_754 = arith.constant 128 : i32
        %dma_start3A_755 = tpu.memref_slice %arg9[%dma_start3A_753, %dma_start3A_754] : memref<2x256xi32, #tpu.memory_space<vmem>> -> memref<2x32xi32, #tpu.memory_space<vmem>>
        %dma_start3A_756 = arith.constant 0 : i32
        %dma_start3A_757 = tpu.memref_slice %arg6[%shift_right_arithmetic3A_752, %dma_start3A_756, %multiple_of3A_750] : memref<2500x2x128xi32, #tpu.memory_space<hbm>> -> memref<1x2x32xi32, #tpu.memory_space<hbm>>
        %dma_start3A_758 = tpu.memref_squeeze %dma_start3A_757 : memref<1x2x32xi32, #tpu.memory_space<hbm>> -> memref<2x32xi32, #tpu.memory_space<hbm>>
        %dma_start3A_759 = arith.constant 0 : i32
        %dma_start3A_760 = arith.constant 128 : i32
        %dma_start3A_761 = tpu.memref_slice %arg9[%dma_start3A_759, %dma_start3A_760] : memref<2x256xi32, #tpu.memory_space<vmem>> -> memref<2x32xi32, #tpu.memory_space<vmem>>
        %dma_start3A_762 = arith.constant 0 : i32
        %dma_start3A_763 = tpu.memref_slice %arg6[%shift_right_arithmetic3A_752, %dma_start3A_762, %multiple_of3A_750] : memref<2500x2x128xi32, #tpu.memory_space<hbm>> -> memref<1x2x32xi32, #tpu.memory_space<hbm>>
        %dma_start3A_764 = tpu.memref_squeeze %dma_start3A_763 : memref<1x2x32xi32, #tpu.memory_space<hbm>> -> memref<2x32xi32, #tpu.memory_space<hbm>>
        tpu.enqueue_dma source(%dma_start3A_764 : memref<2x32xi32, #tpu.memory_space<hbm>>) target(%dma_start3A_761 : memref<2x32xi32, #tpu.memory_space<vmem>>) target_semaphore(%arg26 : memref<!tpu.dma_semaphore, #tpu.memory_space<semaphore_mem>>)
        %add3A_765 = arith.constant 6400 : i32
        %add3A_766 = arith.addi %add3A_659, %add3A_765 : i32
        %add3A_767 = arith.constant 1600 : i32
        %add3A_768 = arith.addi %add3A_766, %add3A_767 : i32
        %and3A_769 = arith.constant 127 : i32
        %and3A_770 = arith.andi %add3A_768, %and3A_769 : i32
        %multiple_of3A_771 = tpu.assume_multiple %and3A_770, 32 : i32
        %shift_right_arithmetic3A_772 = arith.constant 7 : i32
        %shift_right_arithmetic3A_773 = arith.shrsi %add3A_768, %shift_right_arithmetic3A_772 : i32
        %dma_start3A_774 = arith.constant 0 : i32
        %dma_start3A_775 = arith.constant 160 : i32
        %dma_start3A_776 = tpu.memref_slice %arg9[%dma_start3A_774, %dma_start3A_775] : memref<2x256xi32, #tpu.memory_space<vmem>> -> memref<2x32xi32, #tpu.memory_space<vmem>>
        %dma_start3A_777 = arith.constant 0 : i32
        %dma_start3A_778 = tpu.memref_slice %arg6[%shift_right_arithmetic3A_773, %dma_start3A_777, %multiple_of3A_771] : memref<2500x2x128xi32, #tpu.memory_space<hbm>> -> memref<1x2x32xi32, #tpu.memory_space<hbm>>
        %dma_start3A_779 = tpu.memref_squeeze %dma_start3A_778 : memref<1x2x32xi32, #tpu.memory_space<hbm>> -> memref<2x32xi32, #tpu.memory_space<hbm>>
        %dma_start3A_780 = arith.constant 0 : i32
        %dma_start3A_781 = arith.constant 160 : i32
        %dma_start3A_782 = tpu.memref_slice %arg9[%dma_start3A_780, %dma_start3A_781] : memref<2x256xi32, #tpu.memory_space<vmem>> -> memref<2x32xi32, #tpu.memory_space<vmem>>
        %dma_start3A_783 = arith.constant 0 : i32
        %dma_start3A_784 = tpu.memref_slice %arg6[%shift_right_arithmetic3A_773, %dma_start3A_783, %multiple_of3A_771] : memref<2500x2x128xi32, #tpu.memory_space<hbm>> -> memref<1x2x32xi32, #tpu.memory_space<hbm>>
        %dma_start3A_785 = tpu.memref_squeeze %dma_start3A_784 : memref<1x2x32xi32, #tpu.memory_space<hbm>> -> memref<2x32xi32, #tpu.memory_space<hbm>>
        tpu.enqueue_dma source(%dma_start3A_785 : memref<2x32xi32, #tpu.memory_space<hbm>>) target(%dma_start3A_782 : memref<2x32xi32, #tpu.memory_space<vmem>>) target_semaphore(%arg26 : memref<!tpu.dma_semaphore, #tpu.memory_space<semaphore_mem>>)
        %add3A_786 = arith.constant 6400 : i32
        %add3A_787 = arith.addi %add3A_659, %add3A_786 : i32
        %add3A_788 = arith.constant 3200 : i32
        %add3A_789 = arith.addi %add3A_787, %add3A_788 : i32
        %and3A_790 = arith.constant 127 : i32
        %and3A_791 = arith.andi %add3A_789, %and3A_790 : i32
        %multiple_of3A_792 = tpu.assume_multiple %and3A_791, 32 : i32
        %shift_right_arithmetic3A_793 = arith.constant 7 : i32
        %shift_right_arithmetic3A_794 = arith.shrsi %add3A_789, %shift_right_arithmetic3A_793 : i32
        %dma_start3A_795 = arith.constant 0 : i32
        %dma_start3A_796 = arith.constant 192 : i32
        %dma_start3A_797 = tpu.memref_slice %arg9[%dma_start3A_795, %dma_start3A_796] : memref<2x256xi32, #tpu.memory_space<vmem>> -> memref<2x32xi32, #tpu.memory_space<vmem>>
        %dma_start3A_798 = arith.constant 0 : i32
        %dma_start3A_799 = tpu.memref_slice %arg6[%shift_right_arithmetic3A_794, %dma_start3A_798, %multiple_of3A_792] : memref<2500x2x128xi32, #tpu.memory_space<hbm>> -> memref<1x2x32xi32, #tpu.memory_space<hbm>>
        %dma_start3A_800 = tpu.memref_squeeze %dma_start3A_799 : memref<1x2x32xi32, #tpu.memory_space<hbm>> -> memref<2x32xi32, #tpu.memory_space<hbm>>
        %dma_start3A_801 = arith.constant 0 : i32
        %dma_start3A_802 = arith.constant 192 : i32
        %dma_start3A_803 = tpu.memref_slice %arg9[%dma_start3A_801, %dma_start3A_802] : memref<2x256xi32, #tpu.memory_space<vmem>> -> memref<2x32xi32, #tpu.memory_space<vmem>>
        %dma_start3A_804 = arith.constant 0 : i32
        %dma_start3A_805 = tpu.memref_slice %arg6[%shift_right_arithmetic3A_794, %dma_start3A_804, %multiple_of3A_792] : memref<2500x2x128xi32, #tpu.memory_space<hbm>> -> memref<1x2x32xi32, #tpu.memory_space<hbm>>
        %dma_start3A_806 = tpu.memref_squeeze %dma_start3A_805 : memref<1x2x32xi32, #tpu.memory_space<hbm>> -> memref<2x32xi32, #tpu.memory_space<hbm>>
        tpu.enqueue_dma source(%dma_start3A_806 : memref<2x32xi32, #tpu.memory_space<hbm>>) target(%dma_start3A_803 : memref<2x32xi32, #tpu.memory_space<vmem>>) target_semaphore(%arg26 : memref<!tpu.dma_semaphore, #tpu.memory_space<semaphore_mem>>)
        %add3A_807 = arith.constant 6400 : i32
        %add3A_808 = arith.addi %add3A_659, %add3A_807 : i32
        %add3A_809 = arith.constant 4800 : i32
        %add3A_810 = arith.addi %add3A_808, %add3A_809 : i32
        %and3A_811 = arith.constant 127 : i32
        %and3A_812 = arith.andi %add3A_810, %and3A_811 : i32
        %multiple_of3A_813 = tpu.assume_multiple %and3A_812, 32 : i32
        %shift_right_arithmetic3A_814 = arith.constant 7 : i32
        %shift_right_arithmetic3A_815 = arith.shrsi %add3A_810, %shift_right_arithmetic3A_814 : i32
        %dma_start3A_816 = arith.constant 0 : i32
        %dma_start3A_817 = arith.constant 224 : i32
        %dma_start3A_818 = tpu.memref_slice %arg9[%dma_start3A_816, %dma_start3A_817] : memref<2x256xi32, #tpu.memory_space<vmem>> -> memref<2x32xi32, #tpu.memory_space<vmem>>
        %dma_start3A_819 = arith.constant 0 : i32
        %dma_start3A_820 = tpu.memref_slice %arg6[%shift_right_arithmetic3A_815, %dma_start3A_819, %multiple_of3A_813] : memref<2500x2x128xi32, #tpu.memory_space<hbm>> -> memref<1x2x32xi32, #tpu.memory_space<hbm>>
        %dma_start3A_821 = tpu.memref_squeeze %dma_start3A_820 : memref<1x2x32xi32, #tpu.memory_space<hbm>> -> memref<2x32xi32, #tpu.memory_space<hbm>>
        %dma_start3A_822 = arith.constant 0 : i32
        %dma_start3A_823 = arith.constant 224 : i32
        %dma_start3A_824 = tpu.memref_slice %arg9[%dma_start3A_822, %dma_start3A_823] : memref<2x256xi32, #tpu.memory_space<vmem>> -> memref<2x32xi32, #tpu.memory_space<vmem>>
        %dma_start3A_825 = arith.constant 0 : i32
        %dma_start3A_826 = tpu.memref_slice %arg6[%shift_right_arithmetic3A_815, %dma_start3A_825, %multiple_of3A_813] : memref<2500x2x128xi32, #tpu.memory_space<hbm>> -> memref<1x2x32xi32, #tpu.memory_space<hbm>>
        %dma_start3A_827 = tpu.memref_squeeze %dma_start3A_826 : memref<1x2x32xi32, #tpu.memory_space<hbm>> -> memref<2x32xi32, #tpu.memory_space<hbm>>
        tpu.enqueue_dma source(%dma_start3A_827 : memref<2x32xi32, #tpu.memory_space<hbm>>) target(%dma_start3A_824 : memref<2x32xi32, #tpu.memory_space<vmem>>) target_semaphore(%arg26 : memref<!tpu.dma_semaphore, #tpu.memory_space<semaphore_mem>>)
      } else {
      }
      %convert_element_type3A_597 = arith.extui %lt3A_574 : i1 to i32
      %cond3A_598 = arith.constant 0 : i32
      %cond3A_599 = arith.cmpi ne, %convert_element_type3A_597, %cond3A_598 : i32
      scf.if %cond3A_599 {
        %scan3A_646 = arith.constant 0 : i32
        %scan3A_647 = arith.constant 0 : i32
        %scan3A_648 = arith.constant 32 : i32
        %scan3A_649 = arith.addi %scan3A_647, %scan3A_648 : i32
        %scan3A_650 = arith.constant 1 : i32
        scf.for %scan3A_652 = %scan3A_647 to %scan3A_649 step %scan3A_650  : i32 {
          %add3A_653 = arith.constant 0 : i32
          %add3A_654 = arith.addi %add3A_653, %scan3A_652 : i32
          %add3A_655 = arith.constant 0 : i32
          %add3A_656 = arith.addi %add3A_655, %scan3A_652 : i32
          %get3A = arith.index_cast %add3A_656 : i32 to index
          %get3A_657 = arith.constant 0 : index
          %get3A_658 = tpu.vector_load %arg13[%get3A, %get3A_657] {strides = array<i32>} : memref<256x32xf32, #tpu.memory_space<vmem>>, vector<1x16xf32>,
          %get3A_659 = vector.shape_cast %get3A_658 : vector<1x16xf32> to vector<16xf32>
          %get3A_660 = arith.index_cast %add3A_656 : i32 to index
          %get3A_661 = arith.constant 0 : index
          %get3A_662 = tpu.vector_load %arg14[%get3A_660, %get3A_661] {strides = array<i32>} : memref<256x32xf32, #tpu.memory_space<vmem>>, vector<1x16xf32>,
          %get3A_663 = vector.shape_cast %get3A_662 : vector<1x16xf32> to vector<16xf32>
          %add3A_664 = arith.addf %get3A_659, %get3A_663 : vector<16xf32>
          %get3A_665 = arith.index_cast %add3A_654 : i32 to index
          %get3A_666 = arith.constant 0 : index
          %get3A_667 = tpu.vector_load %arg17[%get3A_665, %get3A_666] {strides = array<i32>} : memref<64x128xf32, #tpu.memory_space<vmem>>, vector<1x16xf32>,
          %get3A_668 = vector.shape_cast %get3A_667 : vector<1x16xf32> to vector<16xf32>
          %add3A_669 = arith.addf %add3A_664, %get3A_668 : vector<16xf32>
          %max3A = arith.constant 0.000000e+00 : f32
          %max3A_670 = vector.broadcast %max3A : f32 to vector<16xf32>
          %max3A_671 = arith.maximumf %add3A_669, %max3A_670 : vector<16xf32>
          %swap3A = arith.index_cast %add3A_656 : i32 to index
          %swap3A_672 = arith.constant 0 : index
          %swap3A_673 = tpu.vector_load %arg19[%swap3A, %swap3A_672] {strides = array<i32>} : memref<256x32xf32, #tpu.memory_space<vmem>>, vector<1x16xf32>,
          %swap3A_674 = vector.shape_cast %swap3A_673 : vector<1x16xf32> to vector<16xf32>
          %swap3A_675 = vector.shape_cast %max3A_671 : vector<16xf32> to vector<1x16xf32>
          tpu.vector_store %arg19[%swap3A, %swap3A_672], %swap3A_675 {strides = array<i32>} : memref<256x32xf32, #tpu.memory_space<vmem>>, vector<1x16xf32>,
          %get3A_676 = arith.index_cast %add3A_656 : i32 to index
          %get3A_677 = arith.constant 16 : index
          %get3A_678 = tpu.vector_load %arg13[%get3A_676, %get3A_677] {strides = array<i32>} : memref<256x32xf32, #tpu.memory_space<vmem>>, vector<1x16xf32>,
          %get3A_679 = vector.shape_cast %get3A_678 : vector<1x16xf32> to vector<16xf32>
          %get3A_680 = arith.index_cast %add3A_656 : i32 to index
          %get3A_681 = arith.constant 16 : index
          %get3A_682 = tpu.vector_load %arg14[%get3A_680, %get3A_681] {strides = array<i32>} : memref<256x32xf32, #tpu.memory_space<vmem>>, vector<1x16xf32>,
          %get3A_683 = vector.shape_cast %get3A_682 : vector<1x16xf32> to vector<16xf32>
          %add3A_684 = arith.addf %get3A_679, %get3A_683 : vector<16xf32>
          %get3A_685 = arith.index_cast %add3A_654 : i32 to index
          %get3A_686 = arith.constant 16 : index
          %get3A_687 = tpu.vector_load %arg17[%get3A_685, %get3A_686] {strides = array<i32>} : memref<64x128xf32, #tpu.memory_space<vmem>>, vector<1x16xf32>,
          %get3A_688 = vector.shape_cast %get3A_687 : vector<1x16xf32> to vector<16xf32>
          %add3A_689 = arith.addf %add3A_684, %get3A_688 : vector<16xf32>
          %max3A_690 = arith.constant 0.000000e+00 : f32
          %max3A_691 = vector.broadcast %max3A_690 : f32 to vector<16xf32>
          %max3A_692 = arith.maximumf %add3A_689, %max3A_691 : vector<16xf32>
          %swap3A_693 = arith.index_cast %add3A_656 : i32 to index
          %swap3A_694 = arith.constant 16 : index
          %swap3A_695 = tpu.vector_load %arg19[%swap3A_693, %swap3A_694] {strides = array<i32>} : memref<256x32xf32, #tpu.memory_space<vmem>>, vector<1x16xf32>,
          %swap3A_696 = vector.shape_cast %swap3A_695 : vector<1x16xf32> to vector<16xf32>
          %swap3A_697 = vector.shape_cast %max3A_692 : vector<16xf32> to vector<1x16xf32>
          tpu.vector_store %arg19[%swap3A_693, %swap3A_694], %swap3A_697 {strides = array<i32>} : memref<256x32xf32, #tpu.memory_space<vmem>>, vector<1x16xf32>,
          %add3A_698 = arith.constant 32 : i32
          %add3A_699 = arith.addi %add3A_698, %scan3A_652 : i32
          %get3A_700 = arith.index_cast %add3A_699 : i32 to index
          %get3A_701 = arith.constant 0 : index
          %get3A_702 = tpu.vector_load %arg13[%get3A_700, %get3A_701] {strides = array<i32>} : memref<256x32xf32, #tpu.memory_space<vmem>>, vector<1x16xf32>,
          %get3A_703 = vector.shape_cast %get3A_702 : vector<1x16xf32> to vector<16xf32>
          %get3A_704 = arith.index_cast %add3A_699 : i32 to index
          %get3A_705 = arith.constant 0 : index
          %get3A_706 = tpu.vector_load %arg14[%get3A_704, %get3A_705] {strides = array<i32>} : memref<256x32xf32, #tpu.memory_space<vmem>>, vector<1x16xf32>,
          %get3A_707 = vector.shape_cast %get3A_706 : vector<1x16xf32> to vector<16xf32>
          %add3A_708 = arith.addf %get3A_703, %get3A_707 : vector<16xf32>
          %get3A_709 = arith.index_cast %add3A_654 : i32 to index
          %get3A_710 = arith.constant 32 : index
          %get3A_711 = tpu.vector_load %arg17[%get3A_709, %get3A_710] {strides = array<i32>} : memref<64x128xf32, #tpu.memory_space<vmem>>, vector<1x16xf32>,
          %get3A_712 = vector.shape_cast %get3A_711 : vector<1x16xf32> to vector<16xf32>
          %add3A_713 = arith.addf %add3A_708, %get3A_712 : vector<16xf32>
          %max3A_714 = arith.constant 0.000000e+00 : f32
          %max3A_715 = vector.broadcast %max3A_714 : f32 to vector<16xf32>
          %max3A_716 = arith.maximumf %add3A_713, %max3A_715 : vector<16xf32>
          %swap3A_717 = arith.index_cast %add3A_699 : i32 to index
          %swap3A_718 = arith.constant 0 : index
          %swap3A_719 = tpu.vector_load %arg19[%swap3A_717, %swap3A_718] {strides = array<i32>} : memref<256x32xf32, #tpu.memory_space<vmem>>, vector<1x16xf32>,
          %swap3A_720 = vector.shape_cast %swap3A_719 : vector<1x16xf32> to vector<16xf32>
          %swap3A_721 = vector.shape_cast %max3A_716 : vector<16xf32> to vector<1x16xf32>
          tpu.vector_store %arg19[%swap3A_717, %swap3A_718], %swap3A_721 {strides = array<i32>} : memref<256x32xf32, #tpu.memory_space<vmem>>, vector<1x16xf32>,
          %get3A_722 = arith.index_cast %add3A_699 : i32 to index
          %get3A_723 = arith.constant 16 : index
          %get3A_724 = tpu.vector_load %arg13[%get3A_722, %get3A_723] {strides = array<i32>} : memref<256x32xf32, #tpu.memory_space<vmem>>, vector<1x16xf32>,
          %get3A_725 = vector.shape_cast %get3A_724 : vector<1x16xf32> to vector<16xf32>
          %get3A_726 = arith.index_cast %add3A_699 : i32 to index
          %get3A_727 = arith.constant 16 : index
          %get3A_728 = tpu.vector_load %arg14[%get3A_726, %get3A_727] {strides = array<i32>} : memref<256x32xf32, #tpu.memory_space<vmem>>, vector<1x16xf32>,
          %get3A_729 = vector.shape_cast %get3A_728 : vector<1x16xf32> to vector<16xf32>
          %add3A_730 = arith.addf %get3A_725, %get3A_729 : vector<16xf32>
          %get3A_731 = arith.index_cast %add3A_654 : i32 to index
          %get3A_732 = arith.constant 48 : index
          %get3A_733 = tpu.vector_load %arg17[%get3A_731, %get3A_732] {strides = array<i32>} : memref<64x128xf32, #tpu.memory_space<vmem>>, vector<1x16xf32>,
          %get3A_734 = vector.shape_cast %get3A_733 : vector<1x16xf32> to vector<16xf32>
          %add3A_735 = arith.addf %add3A_730, %get3A_734 : vector<16xf32>
          %max3A_736 = arith.constant 0.000000e+00 : f32
          %max3A_737 = vector.broadcast %max3A_736 : f32 to vector<16xf32>
          %max3A_738 = arith.maximumf %add3A_735, %max3A_737 : vector<16xf32>
          %swap3A_739 = arith.index_cast %add3A_699 : i32 to index
          %swap3A_740 = arith.constant 16 : index
          %swap3A_741 = tpu.vector_load %arg19[%swap3A_739, %swap3A_740] {strides = array<i32>} : memref<256x32xf32, #tpu.memory_space<vmem>>, vector<1x16xf32>,
          %swap3A_742 = vector.shape_cast %swap3A_741 : vector<1x16xf32> to vector<16xf32>
          %swap3A_743 = vector.shape_cast %max3A_738 : vector<16xf32> to vector<1x16xf32>
          tpu.vector_store %arg19[%swap3A_739, %swap3A_740], %swap3A_743 {strides = array<i32>} : memref<256x32xf32, #tpu.memory_space<vmem>>, vector<1x16xf32>,
          %add3A_744 = arith.constant 64 : i32
          %add3A_745 = arith.addi %add3A_744, %scan3A_652 : i32
          %get3A_746 = arith.index_cast %add3A_745 : i32 to index
          %get3A_747 = arith.constant 0 : index
          %get3A_748 = tpu.vector_load %arg13[%get3A_746, %get3A_747] {strides = array<i32>} : memref<256x32xf32, #tpu.memory_space<vmem>>, vector<1x16xf32>,
          %get3A_749 = vector.shape_cast %get3A_748 : vector<1x16xf32> to vector<16xf32>
          %get3A_750 = arith.index_cast %add3A_745 : i32 to index
          %get3A_751 = arith.constant 0 : index
          %get3A_752 = tpu.vector_load %arg14[%get3A_750, %get3A_751] {strides = array<i32>} : memref<256x32xf32, #tpu.memory_space<vmem>>, vector<1x16xf32>,
          %get3A_753 = vector.shape_cast %get3A_752 : vector<1x16xf32> to vector<16xf32>
          %add3A_754 = arith.addf %get3A_749, %get3A_753 : vector<16xf32>
          %get3A_755 = arith.index_cast %add3A_654 : i32 to index
          %get3A_756 = arith.constant 64 : index
          %get3A_757 = tpu.vector_load %arg17[%get3A_755, %get3A_756] {strides = array<i32>} : memref<64x128xf32, #tpu.memory_space<vmem>>, vector<1x16xf32>,
          %get3A_758 = vector.shape_cast %get3A_757 : vector<1x16xf32> to vector<16xf32>
          %add3A_759 = arith.addf %add3A_754, %get3A_758 : vector<16xf32>
          %max3A_760 = arith.constant 0.000000e+00 : f32
          %max3A_761 = vector.broadcast %max3A_760 : f32 to vector<16xf32>
          %max3A_762 = arith.maximumf %add3A_759, %max3A_761 : vector<16xf32>
          %swap3A_763 = arith.index_cast %add3A_745 : i32 to index
          %swap3A_764 = arith.constant 0 : index
          %swap3A_765 = tpu.vector_load %arg19[%swap3A_763, %swap3A_764] {strides = array<i32>} : memref<256x32xf32, #tpu.memory_space<vmem>>, vector<1x16xf32>,
          %swap3A_766 = vector.shape_cast %swap3A_765 : vector<1x16xf32> to vector<16xf32>
          %swap3A_767 = vector.shape_cast %max3A_762 : vector<16xf32> to vector<1x16xf32>
          tpu.vector_store %arg19[%swap3A_763, %swap3A_764], %swap3A_767 {strides = array<i32>} : memref<256x32xf32, #tpu.memory_space<vmem>>, vector<1x16xf32>,
          %get3A_768 = arith.index_cast %add3A_745 : i32 to index
          %get3A_769 = arith.constant 16 : index
          %get3A_770 = tpu.vector_load %arg13[%get3A_768, %get3A_769] {strides = array<i32>} : memref<256x32xf32, #tpu.memory_space<vmem>>, vector<1x16xf32>,
          %get3A_771 = vector.shape_cast %get3A_770 : vector<1x16xf32> to vector<16xf32>
          %get3A_772 = arith.index_cast %add3A_745 : i32 to index
          %get3A_773 = arith.constant 16 : index
          %get3A_774 = tpu.vector_load %arg14[%get3A_772, %get3A_773] {strides = array<i32>} : memref<256x32xf32, #tpu.memory_space<vmem>>, vector<1x16xf32>,
          %get3A_775 = vector.shape_cast %get3A_774 : vector<1x16xf32> to vector<16xf32>
          %add3A_776 = arith.addf %get3A_771, %get3A_775 : vector<16xf32>
          %get3A_777 = arith.index_cast %add3A_654 : i32 to index
          %get3A_778 = arith.constant 80 : index
          %get3A_779 = tpu.vector_load %arg17[%get3A_777, %get3A_778] {strides = array<i32>} : memref<64x128xf32, #tpu.memory_space<vmem>>, vector<1x16xf32>,
          %get3A_780 = vector.shape_cast %get3A_779 : vector<1x16xf32> to vector<16xf32>
          %add3A_781 = arith.addf %add3A_776, %get3A_780 : vector<16xf32>
          %max3A_782 = arith.constant 0.000000e+00 : f32
          %max3A_783 = vector.broadcast %max3A_782 : f32 to vector<16xf32>
          %max3A_784 = arith.maximumf %add3A_781, %max3A_783 : vector<16xf32>
          %swap3A_785 = arith.index_cast %add3A_745 : i32 to index
          %swap3A_786 = arith.constant 16 : index
          %swap3A_787 = tpu.vector_load %arg19[%swap3A_785, %swap3A_786] {strides = array<i32>} : memref<256x32xf32, #tpu.memory_space<vmem>>, vector<1x16xf32>,
          %swap3A_788 = vector.shape_cast %swap3A_787 : vector<1x16xf32> to vector<16xf32>
          %swap3A_789 = vector.shape_cast %max3A_784 : vector<16xf32> to vector<1x16xf32>
          tpu.vector_store %arg19[%swap3A_785, %swap3A_786], %swap3A_789 {strides = array<i32>} : memref<256x32xf32, #tpu.memory_space<vmem>>, vector<1x16xf32>,
          %add3A_790 = arith.constant 96 : i32
          %add3A_791 = arith.addi %add3A_790, %scan3A_652 : i32
          %get3A_792 = arith.index_cast %add3A_791 : i32 to index
          %get3A_793 = arith.constant 0 : index
          %get3A_794 = tpu.vector_load %arg13[%get3A_792, %get3A_793] {strides = array<i32>} : memref<256x32xf32, #tpu.memory_space<vmem>>, vector<1x16xf32>,
          %get3A_795 = vector.shape_cast %get3A_794 : vector<1x16xf32> to vector<16xf32>
          %get3A_796 = arith.index_cast %add3A_791 : i32 to index
          %get3A_797 = arith.constant 0 : index
          %get3A_798 = tpu.vector_load %arg14[%get3A_796, %get3A_797] {strides = array<i32>} : memref<256x32xf32, #tpu.memory_space<vmem>>, vector<1x16xf32>,
          %get3A_799 = vector.shape_cast %get3A_798 : vector<1x16xf32> to vector<16xf32>
          %add3A_800 = arith.addf %get3A_795, %get3A_799 : vector<16xf32>
          %get3A_801 = arith.index_cast %add3A_654 : i32 to index
          %get3A_802 = arith.constant 96 : index
          %get3A_803 = tpu.vector_load %arg17[%get3A_801, %get3A_802] {strides = array<i32>} : memref<64x128xf32, #tpu.memory_space<vmem>>, vector<1x16xf32>,
          %get3A_804 = vector.shape_cast %get3A_803 : vector<1x16xf32> to vector<16xf32>
          %add3A_805 = arith.addf %add3A_800, %get3A_804 : vector<16xf32>
          %max3A_806 = arith.constant 0.000000e+00 : f32
          %max3A_807 = vector.broadcast %max3A_806 : f32 to vector<16xf32>
          %max3A_808 = arith.maximumf %add3A_805, %max3A_807 : vector<16xf32>
          %swap3A_809 = arith.index_cast %add3A_791 : i32 to index
          %swap3A_810 = arith.constant 0 : index
          %swap3A_811 = tpu.vector_load %arg19[%swap3A_809, %swap3A_810] {strides = array<i32>} : memref<256x32xf32, #tpu.memory_space<vmem>>, vector<1x16xf32>,
          %swap3A_812 = vector.shape_cast %swap3A_811 : vector<1x16xf32> to vector<16xf32>
          %swap3A_813 = vector.shape_cast %max3A_808 : vector<16xf32> to vector<1x16xf32>
          tpu.vector_store %arg19[%swap3A_809, %swap3A_810], %swap3A_813 {strides = array<i32>} : memref<256x32xf32, #tpu.memory_space<vmem>>, vector<1x16xf32>,
          %get3A_814 = arith.index_cast %add3A_791 : i32 to index
          %get3A_815 = arith.constant 16 : index
          %get3A_816 = tpu.vector_load %arg13[%get3A_814, %get3A_815] {strides = array<i32>} : memref<256x32xf32, #tpu.memory_space<vmem>>, vector<1x16xf32>,
          %get3A_817 = vector.shape_cast %get3A_816 : vector<1x16xf32> to vector<16xf32>
          %get3A_818 = arith.index_cast %add3A_791 : i32 to index
          %get3A_819 = arith.constant 16 : index
          %get3A_820 = tpu.vector_load %arg14[%get3A_818, %get3A_819] {strides = array<i32>} : memref<256x32xf32, #tpu.memory_space<vmem>>, vector<1x16xf32>,
          %get3A_821 = vector.shape_cast %get3A_820 : vector<1x16xf32> to vector<16xf32>
          %add3A_822 = arith.addf %get3A_817, %get3A_821 : vector<16xf32>
          %get3A_823 = arith.index_cast %add3A_654 : i32 to index
          %get3A_824 = arith.constant 112 : index
          %get3A_825 = tpu.vector_load %arg17[%get3A_823, %get3A_824] {strides = array<i32>} : memref<64x128xf32, #tpu.memory_space<vmem>>, vector<1x16xf32>,
          %get3A_826 = vector.shape_cast %get3A_825 : vector<1x16xf32> to vector<16xf32>
          %add3A_827 = arith.addf %add3A_822, %get3A_826 : vector<16xf32>
          %max3A_828 = arith.constant 0.000000e+00 : f32
          %max3A_829 = vector.broadcast %max3A_828 : f32 to vector<16xf32>
          %max3A_830 = arith.maximumf %add3A_827, %max3A_829 : vector<16xf32>
          %swap3A_831 = arith.index_cast %add3A_791 : i32 to index
          %swap3A_832 = arith.constant 16 : index
          %swap3A_833 = tpu.vector_load %arg19[%swap3A_831, %swap3A_832] {strides = array<i32>} : memref<256x32xf32, #tpu.memory_space<vmem>>, vector<1x16xf32>,
          %swap3A_834 = vector.shape_cast %swap3A_833 : vector<1x16xf32> to vector<16xf32>
          %swap3A_835 = vector.shape_cast %max3A_830 : vector<16xf32> to vector<1x16xf32>
          tpu.vector_store %arg19[%swap3A_831, %swap3A_832], %swap3A_835 {strides = array<i32>} : memref<256x32xf32, #tpu.memory_space<vmem>>, vector<1x16xf32>,
          %add3A_836 = arith.constant 32 : i32
          %add3A_837 = arith.addi %add3A_836, %scan3A_652 : i32
          %add3A_838 = arith.constant 128 : i32
          %add3A_839 = arith.addi %add3A_838, %scan3A_652 : i32
          %get3A_840 = arith.index_cast %add3A_839 : i32 to index
          %get3A_841 = arith.constant 0 : index
          %get3A_842 = tpu.vector_load %arg13[%get3A_840, %get3A_841] {strides = array<i32>} : memref<256x32xf32, #tpu.memory_space<vmem>>, vector<1x16xf32>,
          %get3A_843 = vector.shape_cast %get3A_842 : vector<1x16xf32> to vector<16xf32>
          %get3A_844 = arith.index_cast %add3A_839 : i32 to index
          %get3A_845 = arith.constant 0 : index
          %get3A_846 = tpu.vector_load %arg14[%get3A_844, %get3A_845] {strides = array<i32>} : memref<256x32xf32, #tpu.memory_space<vmem>>, vector<1x16xf32>,
          %get3A_847 = vector.shape_cast %get3A_846 : vector<1x16xf32> to vector<16xf32>
          %add3A_848 = arith.addf %get3A_843, %get3A_847 : vector<16xf32>
          %get3A_849 = arith.index_cast %add3A_837 : i32 to index
          %get3A_850 = arith.constant 0 : index
          %get3A_851 = tpu.vector_load %arg17[%get3A_849, %get3A_850] {strides = array<i32>} : memref<64x128xf32, #tpu.memory_space<vmem>>, vector<1x16xf32>,
          %get3A_852 = vector.shape_cast %get3A_851 : vector<1x16xf32> to vector<16xf32>
          %add3A_853 = arith.addf %add3A_848, %get3A_852 : vector<16xf32>
          %max3A_854 = arith.constant 0.000000e+00 : f32
          %max3A_855 = vector.broadcast %max3A_854 : f32 to vector<16xf32>
          %max3A_856 = arith.maximumf %add3A_853, %max3A_855 : vector<16xf32>
          %swap3A_857 = arith.index_cast %add3A_839 : i32 to index
          %swap3A_858 = arith.constant 0 : index
          %swap3A_859 = tpu.vector_load %arg19[%swap3A_857, %swap3A_858] {strides = array<i32>} : memref<256x32xf32, #tpu.memory_space<vmem>>, vector<1x16xf32>,
          %swap3A_860 = vector.shape_cast %swap3A_859 : vector<1x16xf32> to vector<16xf32>
          %swap3A_861 = vector.shape_cast %max3A_856 : vector<16xf32> to vector<1x16xf32>
          tpu.vector_store %arg19[%swap3A_857, %swap3A_858], %swap3A_861 {strides = array<i32>} : memref<256x32xf32, #tpu.memory_space<vmem>>, vector<1x16xf32>,
          %get3A_862 = arith.index_cast %add3A_839 : i32 to index
          %get3A_863 = arith.constant 16 : index
          %get3A_864 = tpu.vector_load %arg13[%get3A_862, %get3A_863] {strides = array<i32>} : memref<256x32xf32, #tpu.memory_space<vmem>>, vector<1x16xf32>,
          %get3A_865 = vector.shape_cast %get3A_864 : vector<1x16xf32> to vector<16xf32>
          %get3A_866 = arith.index_cast %add3A_839 : i32 to index
          %get3A_867 = arith.constant 16 : index
          %get3A_868 = tpu.vector_load %arg14[%get3A_866, %get3A_867] {strides = array<i32>} : memref<256x32xf32, #tpu.memory_space<vmem>>, vector<1x16xf32>,
          %get3A_869 = vector.shape_cast %get3A_868 : vector<1x16xf32> to vector<16xf32>
          %add3A_870 = arith.addf %get3A_865, %get3A_869 : vector<16xf32>
          %get3A_871 = arith.index_cast %add3A_837 : i32 to index
          %get3A_872 = arith.constant 16 : index
          %get3A_873 = tpu.vector_load %arg17[%get3A_871, %get3A_872] {strides = array<i32>} : memref<64x128xf32, #tpu.memory_space<vmem>>, vector<1x16xf32>,
          %get3A_874 = vector.shape_cast %get3A_873 : vector<1x16xf32> to vector<16xf32>
          %add3A_875 = arith.addf %add3A_870, %get3A_874 : vector<16xf32>
          %max3A_876 = arith.constant 0.000000e+00 : f32
          %max3A_877 = vector.broadcast %max3A_876 : f32 to vector<16xf32>
          %max3A_878 = arith.maximumf %add3A_875, %max3A_877 : vector<16xf32>
          %swap3A_879 = arith.index_cast %add3A_839 : i32 to index
          %swap3A_880 = arith.constant 16 : index
          %swap3A_881 = tpu.vector_load %arg19[%swap3A_879, %swap3A_880] {strides = array<i32>} : memref<256x32xf32, #tpu.memory_space<vmem>>, vector<1x16xf32>,
          %swap3A_882 = vector.shape_cast %swap3A_881 : vector<1x16xf32> to vector<16xf32>
          %swap3A_883 = vector.shape_cast %max3A_878 : vector<16xf32> to vector<1x16xf32>
          tpu.vector_store %arg19[%swap3A_879, %swap3A_880], %swap3A_883 {strides = array<i32>} : memref<256x32xf32, #tpu.memory_space<vmem>>, vector<1x16xf32>,
          %add3A_884 = arith.constant 160 : i32
          %add3A_885 = arith.addi %add3A_884, %scan3A_652 : i32
          %get3A_886 = arith.index_cast %add3A_885 : i32 to index
          %get3A_887 = arith.constant 0 : index
          %get3A_888 = tpu.vector_load %arg13[%get3A_886, %get3A_887] {strides = array<i32>} : memref<256x32xf32, #tpu.memory_space<vmem>>, vector<1x16xf32>,
          %get3A_889 = vector.shape_cast %get3A_888 : vector<1x16xf32> to vector<16xf32>
          %get3A_890 = arith.index_cast %add3A_885 : i32 to index
          %get3A_891 = arith.constant 0 : index
          %get3A_892 = tpu.vector_load %arg14[%get3A_890, %get3A_891] {strides = array<i32>} : memref<256x32xf32, #tpu.memory_space<vmem>>, vector<1x16xf32>,
          %get3A_893 = vector.shape_cast %get3A_892 : vector<1x16xf32> to vector<16xf32>
          %add3A_894 = arith.addf %get3A_889, %get3A_893 : vector<16xf32>
          %get3A_895 = arith.index_cast %add3A_837 : i32 to index
          %get3A_896 = arith.constant 32 : index
          %get3A_897 = tpu.vector_load %arg17[%get3A_895, %get3A_896] {strides = array<i32>} : memref<64x128xf32, #tpu.memory_space<vmem>>, vector<1x16xf32>,
          %get3A_898 = vector.shape_cast %get3A_897 : vector<1x16xf32> to vector<16xf32>
          %add3A_899 = arith.addf %add3A_894, %get3A_898 : vector<16xf32>
          %max3A_900 = arith.constant 0.000000e+00 : f32
          %max3A_901 = vector.broadcast %max3A_900 : f32 to vector<16xf32>
          %max3A_902 = arith.maximumf %add3A_899, %max3A_901 : vector<16xf32>
          %swap3A_903 = arith.index_cast %add3A_885 : i32 to index
          %swap3A_904 = arith.constant 0 : index
          %swap3A_905 = tpu.vector_load %arg19[%swap3A_903, %swap3A_904] {strides = array<i32>} : memref<256x32xf32, #tpu.memory_space<vmem>>, vector<1x16xf32>,
          %swap3A_906 = vector.shape_cast %swap3A_905 : vector<1x16xf32> to vector<16xf32>
          %swap3A_907 = vector.shape_cast %max3A_902 : vector<16xf32> to vector<1x16xf32>
          tpu.vector_store %arg19[%swap3A_903, %swap3A_904], %swap3A_907 {strides = array<i32>} : memref<256x32xf32, #tpu.memory_space<vmem>>, vector<1x16xf32>,
          %get3A_908 = arith.index_cast %add3A_885 : i32 to index
          %get3A_909 = arith.constant 16 : index
          %get3A_910 = tpu.vector_load %arg13[%get3A_908, %get3A_909] {strides = array<i32>} : memref<256x32xf32, #tpu.memory_space<vmem>>, vector<1x16xf32>,
          %get3A_911 = vector.shape_cast %get3A_910 : vector<1x16xf32> to vector<16xf32>
          %get3A_912 = arith.index_cast %add3A_885 : i32 to index
          %get3A_913 = arith.constant 16 : index
          %get3A_914 = tpu.vector_load %arg14[%get3A_912, %get3A_913] {strides = array<i32>} : memref<256x32xf32, #tpu.memory_space<vmem>>, vector<1x16xf32>,
          %get3A_915 = vector.shape_cast %get3A_914 : vector<1x16xf32> to vector<16xf32>
          %add3A_916 = arith.addf %get3A_911, %get3A_915 : vector<16xf32>
          %get3A_917 = arith.index_cast %add3A_837 : i32 to index
          %get3A_918 = arith.constant 48 : index
          %get3A_919 = tpu.vector_load %arg17[%get3A_917, %get3A_918] {strides = array<i32>} : memref<64x128xf32, #tpu.memory_space<vmem>>, vector<1x16xf32>,
          %get3A_920 = vector.shape_cast %get3A_919 : vector<1x16xf32> to vector<16xf32>
          %add3A_921 = arith.addf %add3A_916, %get3A_920 : vector<16xf32>
          %max3A_922 = arith.constant 0.000000e+00 : f32
          %max3A_923 = vector.broadcast %max3A_922 : f32 to vector<16xf32>
          %max3A_924 = arith.maximumf %add3A_921, %max3A_923 : vector<16xf32>
          %swap3A_925 = arith.index_cast %add3A_885 : i32 to index
          %swap3A_926 = arith.constant 16 : index
          %swap3A_927 = tpu.vector_load %arg19[%swap3A_925, %swap3A_926] {strides = array<i32>} : memref<256x32xf32, #tpu.memory_space<vmem>>, vector<1x16xf32>,
          %swap3A_928 = vector.shape_cast %swap3A_927 : vector<1x16xf32> to vector<16xf32>
          %swap3A_929 = vector.shape_cast %max3A_924 : vector<16xf32> to vector<1x16xf32>
          tpu.vector_store %arg19[%swap3A_925, %swap3A_926], %swap3A_929 {strides = array<i32>} : memref<256x32xf32, #tpu.memory_space<vmem>>, vector<1x16xf32>,
          %add3A_930 = arith.constant 192 : i32
          %add3A_931 = arith.addi %add3A_930, %scan3A_652 : i32
          %get3A_932 = arith.index_cast %add3A_931 : i32 to index
          %get3A_933 = arith.constant 0 : index
          %get3A_934 = tpu.vector_load %arg13[%get3A_932, %get3A_933] {strides = array<i32>} : memref<256x32xf32, #tpu.memory_space<vmem>>, vector<1x16xf32>,
          %get3A_935 = vector.shape_cast %get3A_934 : vector<1x16xf32> to vector<16xf32>
          %get3A_936 = arith.index_cast %add3A_931 : i32 to index
          %get3A_937 = arith.constant 0 : index
          %get3A_938 = tpu.vector_load %arg14[%get3A_936, %get3A_937] {strides = array<i32>} : memref<256x32xf32, #tpu.memory_space<vmem>>, vector<1x16xf32>,
          %get3A_939 = vector.shape_cast %get3A_938 : vector<1x16xf32> to vector<16xf32>
          %add3A_940 = arith.addf %get3A_935, %get3A_939 : vector<16xf32>
          %get3A_941 = arith.index_cast %add3A_837 : i32 to index
          %get3A_942 = arith.constant 64 : index
          %get3A_943 = tpu.vector_load %arg17[%get3A_941, %get3A_942] {strides = array<i32>} : memref<64x128xf32, #tpu.memory_space<vmem>>, vector<1x16xf32>,
          %get3A_944 = vector.shape_cast %get3A_943 : vector<1x16xf32> to vector<16xf32>
          %add3A_945 = arith.addf %add3A_940, %get3A_944 : vector<16xf32>
          %max3A_946 = arith.constant 0.000000e+00 : f32
          %max3A_947 = vector.broadcast %max3A_946 : f32 to vector<16xf32>
          %max3A_948 = arith.maximumf %add3A_945, %max3A_947 : vector<16xf32>
          %swap3A_949 = arith.index_cast %add3A_931 : i32 to index
          %swap3A_950 = arith.constant 0 : index
          %swap3A_951 = tpu.vector_load %arg19[%swap3A_949, %swap3A_950] {strides = array<i32>} : memref<256x32xf32, #tpu.memory_space<vmem>>, vector<1x16xf32>,
          %swap3A_952 = vector.shape_cast %swap3A_951 : vector<1x16xf32> to vector<16xf32>
          %swap3A_953 = vector.shape_cast %max3A_948 : vector<16xf32> to vector<1x16xf32>
          tpu.vector_store %arg19[%swap3A_949, %swap3A_950], %swap3A_953 {strides = array<i32>} : memref<256x32xf32, #tpu.memory_space<vmem>>, vector<1x16xf32>,
          %get3A_954 = arith.index_cast %add3A_931 : i32 to index
          %get3A_955 = arith.constant 16 : index
          %get3A_956 = tpu.vector_load %arg13[%get3A_954, %get3A_955] {strides = array<i32>} : memref<256x32xf32, #tpu.memory_space<vmem>>, vector<1x16xf32>,
          %get3A_957 = vector.shape_cast %get3A_956 : vector<1x16xf32> to vector<16xf32>
          %get3A_958 = arith.index_cast %add3A_931 : i32 to index
          %get3A_959 = arith.constant 16 : index
          %get3A_960 = tpu.vector_load %arg14[%get3A_958, %get3A_959] {strides = array<i32>} : memref<256x32xf32, #tpu.memory_space<vmem>>, vector<1x16xf32>,
          %get3A_961 = vector.shape_cast %get3A_960 : vector<1x16xf32> to vector<16xf32>
          %add3A_962 = arith.addf %get3A_957, %get3A_961 : vector<16xf32>
          %get3A_963 = arith.index_cast %add3A_837 : i32 to index
          %get3A_964 = arith.constant 80 : index
          %get3A_965 = tpu.vector_load %arg17[%get3A_963, %get3A_964] {strides = array<i32>} : memref<64x128xf32, #tpu.memory_space<vmem>>, vector<1x16xf32>,
          %get3A_966 = vector.shape_cast %get3A_965 : vector<1x16xf32> to vector<16xf32>
          %add3A_967 = arith.addf %add3A_962, %get3A_966 : vector<16xf32>
          %max3A_968 = arith.constant 0.000000e+00 : f32
          %max3A_969 = vector.broadcast %max3A_968 : f32 to vector<16xf32>
          %max3A_970 = arith.maximumf %add3A_967, %max3A_969 : vector<16xf32>
          %swap3A_971 = arith.index_cast %add3A_931 : i32 to index
          %swap3A_972 = arith.constant 16 : index
          %swap3A_973 = tpu.vector_load %arg19[%swap3A_971, %swap3A_972] {strides = array<i32>} : memref<256x32xf32, #tpu.memory_space<vmem>>, vector<1x16xf32>,
          %swap3A_974 = vector.shape_cast %swap3A_973 : vector<1x16xf32> to vector<16xf32>
          %swap3A_975 = vector.shape_cast %max3A_970 : vector<16xf32> to vector<1x16xf32>
          tpu.vector_store %arg19[%swap3A_971, %swap3A_972], %swap3A_975 {strides = array<i32>} : memref<256x32xf32, #tpu.memory_space<vmem>>, vector<1x16xf32>,
          %add3A_976 = arith.constant 224 : i32
          %add3A_977 = arith.addi %add3A_976, %scan3A_652 : i32
          %get3A_978 = arith.index_cast %add3A_977 : i32 to index
          %get3A_979 = arith.constant 0 : index
          %get3A_980 = tpu.vector_load %arg13[%get3A_978, %get3A_979] {strides = array<i32>} : memref<256x32xf32, #tpu.memory_space<vmem>>, vector<1x16xf32>,
          %get3A_981 = vector.shape_cast %get3A_980 : vector<1x16xf32> to vector<16xf32>
          %get3A_982 = arith.index_cast %add3A_977 : i32 to index
          %get3A_983 = arith.constant 0 : index
          %get3A_984 = tpu.vector_load %arg14[%get3A_982, %get3A_983] {strides = array<i32>} : memref<256x32xf32, #tpu.memory_space<vmem>>, vector<1x16xf32>,
          %get3A_985 = vector.shape_cast %get3A_984 : vector<1x16xf32> to vector<16xf32>
          %add3A_986 = arith.addf %get3A_981, %get3A_985 : vector<16xf32>
          %get3A_987 = arith.index_cast %add3A_837 : i32 to index
          %get3A_988 = arith.constant 96 : index
          %get3A_989 = tpu.vector_load %arg17[%get3A_987, %get3A_988] {strides = array<i32>} : memref<64x128xf32, #tpu.memory_space<vmem>>, vector<1x16xf32>,
          %get3A_990 = vector.shape_cast %get3A_989 : vector<1x16xf32> to vector<16xf32>
          %add3A_991 = arith.addf %add3A_986, %get3A_990 : vector<16xf32>
          %max3A_992 = arith.constant 0.000000e+00 : f32
          %max3A_993 = vector.broadcast %max3A_992 : f32 to vector<16xf32>
          %max3A_994 = arith.maximumf %add3A_991, %max3A_993 : vector<16xf32>
          %swap3A_995 = arith.index_cast %add3A_977 : i32 to index
          %swap3A_996 = arith.constant 0 : index
          %swap3A_997 = tpu.vector_load %arg19[%swap3A_995, %swap3A_996] {strides = array<i32>} : memref<256x32xf32, #tpu.memory_space<vmem>>, vector<1x16xf32>,
          %swap3A_998 = vector.shape_cast %swap3A_997 : vector<1x16xf32> to vector<16xf32>
          %swap3A_999 = vector.shape_cast %max3A_994 : vector<16xf32> to vector<1x16xf32>
          tpu.vector_store %arg19[%swap3A_995, %swap3A_996], %swap3A_999 {strides = array<i32>} : memref<256x32xf32, #tpu.memory_space<vmem>>, vector<1x16xf32>,
          %get3A_1000 = arith.index_cast %add3A_977 : i32 to index
          %get3A_1001 = arith.constant 16 : index
          %get3A_1002 = tpu.vector_load %arg13[%get3A_1000, %get3A_1001] {strides = array<i32>} : memref<256x32xf32, #tpu.memory_space<vmem>>, vector<1x16xf32>,
          %get3A_1003 = vector.shape_cast %get3A_1002 : vector<1x16xf32> to vector<16xf32>
          %get3A_1004 = arith.index_cast %add3A_977 : i32 to index
          %get3A_1005 = arith.constant 16 : index
          %get3A_1006 = tpu.vector_load %arg14[%get3A_1004, %get3A_1005] {strides = array<i32>} : memref<256x32xf32, #tpu.memory_space<vmem>>, vector<1x16xf32>,
          %get3A_1007 = vector.shape_cast %get3A_1006 : vector<1x16xf32> to vector<16xf32>
          %add3A_1008 = arith.addf %get3A_1003, %get3A_1007 : vector<16xf32>
          %get3A_1009 = arith.index_cast %add3A_837 : i32 to index
          %get3A_1010 = arith.constant 112 : index
          %get3A_1011 = tpu.vector_load %arg17[%get3A_1009, %get3A_1010] {strides = array<i32>} : memref<64x128xf32, #tpu.memory_space<vmem>>, vector<1x16xf32>,
          %get3A_1012 = vector.shape_cast %get3A_1011 : vector<1x16xf32> to vector<16xf32>
          %add3A_1013 = arith.addf %add3A_1008, %get3A_1012 : vector<16xf32>
          %max3A_1014 = arith.constant 0.000000e+00 : f32
          %max3A_1015 = vector.broadcast %max3A_1014 : f32 to vector<16xf32>
          %max3A_1016 = arith.maximumf %add3A_1013, %max3A_1015 : vector<16xf32>
          %swap3A_1017 = arith.index_cast %add3A_977 : i32 to index
          %swap3A_1018 = arith.constant 16 : index
          %swap3A_1019 = tpu.vector_load %arg19[%swap3A_1017, %swap3A_1018] {strides = array<i32>} : memref<256x32xf32, #tpu.memory_space<vmem>>, vector<1x16xf32>,
          %swap3A_1020 = vector.shape_cast %swap3A_1019 : vector<1x16xf32> to vector<16xf32>
          %swap3A_1021 = vector.shape_cast %max3A_1016 : vector<16xf32> to vector<1x16xf32>
          tpu.vector_store %arg19[%swap3A_1017, %swap3A_1018], %swap3A_1021 {strides = array<i32>} : memref<256x32xf32, #tpu.memory_space<vmem>>, vector<1x16xf32>,
        }
        %scan3A_651 = arith.constant 32 : i32
      } else {
      }
      %convert_element_type3A_600 = arith.extui %lt3A_582 : i1 to i32
      %cond3A_601 = arith.constant 0 : i32
      %cond3A_602 = arith.cmpi ne, %convert_element_type3A_600, %cond3A_601 : i32
      scf.if %cond3A_602 {
        %add3A_646 = arith.constant 64 : i32
        %add3A_647 = arith.addi %add3A_572, %add3A_646 : i32
        %mul3A_648 = arith.constant 32 : i32
        %mul3A_649 = arith.muli %add3A_647, %mul3A_648 : i32
        %dma_start3A_650 = arith.constant 0 : i32
        %dma_start3A_651 = arith.constant 0 : i32
        %dma_start3A_652 = tpu.memref_slice %arg17[%dma_start3A_650, %dma_start3A_651] : memref<64x128xf32, #tpu.memory_space<vmem>> -> memref<32x128xf32, #tpu.memory_space<vmem>>
        %dma_start3A_653 = arith.constant 0 : i32
        %dma_start3A_654 = tpu.memref_slice %arg4[%mul3A_649, %dma_start3A_653] : memref<40000x128xf32, #tpu.memory_space<hbm>> -> memref<32x128xf32, #tpu.memory_space<hbm>>
        %dma_start3A_655 = arith.constant 0 : i32
        %dma_start3A_656 = arith.constant 0 : i32
        %dma_start3A_657 = tpu.memref_slice %arg17[%dma_start3A_655, %dma_start3A_656] : memref<64x128xf32, #tpu.memory_space<vmem>> -> memref<32x128xf32, #tpu.memory_space<vmem>>
        %dma_start3A_658 = arith.constant 0 : i32
        %dma_start3A_659 = tpu.memref_slice %arg4[%mul3A_649, %dma_start3A_658] : memref<40000x128xf32, #tpu.memory_space<hbm>> -> memref<32x128xf32, #tpu.memory_space<hbm>>
        tpu.enqueue_dma source(%dma_start3A_659 : memref<32x128xf32, #tpu.memory_space<hbm>>) target(%dma_start3A_657 : memref<32x128xf32, #tpu.memory_space<vmem>>) target_semaphore(%arg28 : memref<!tpu.dma_semaphore, #tpu.memory_space<semaphore_mem>>)
        %mul3A_660 = arith.constant 32 : i32
        %mul3A_661 = arith.muli %add3A_647, %mul3A_660 : i32
        %dma_start3A_662 = arith.constant 32 : i32
        %dma_start3A_663 = arith.constant 0 : i32
        %dma_start3A_664 = tpu.memref_slice %arg17[%dma_start3A_662, %dma_start3A_663] : memref<64x128xf32, #tpu.memory_space<vmem>> -> memref<32x128xf32, #tpu.memory_space<vmem>>
        %dma_start3A_665 = arith.constant 0 : i32
        %dma_start3A_666 = tpu.memref_slice %arg5[%mul3A_661, %dma_start3A_665] : memref<40000x128xf32, #tpu.memory_space<hbm>> -> memref<32x128xf32, #tpu.memory_space<hbm>>
        %dma_start3A_667 = arith.constant 32 : i32
        %dma_start3A_668 = arith.constant 0 : i32
        %dma_start3A_669 = tpu.memref_slice %arg17[%dma_start3A_667, %dma_start3A_668] : memref<64x128xf32, #tpu.memory_space<vmem>> -> memref<32x128xf32, #tpu.memory_space<vmem>>
        %dma_start3A_670 = arith.constant 0 : i32
        %dma_start3A_671 = tpu.memref_slice %arg5[%mul3A_661, %dma_start3A_670] : memref<40000x128xf32, #tpu.memory_space<hbm>> -> memref<32x128xf32, #tpu.memory_space<hbm>>
        tpu.enqueue_dma source(%dma_start3A_671 : memref<32x128xf32, #tpu.memory_space<hbm>>) target(%dma_start3A_669 : memref<32x128xf32, #tpu.memory_space<vmem>>) target_semaphore(%arg28 : memref<!tpu.dma_semaphore, #tpu.memory_space<semaphore_mem>>)
      } else {
      }
      %convert_element_type3A_603 = arith.extui %lt3A_574 : i1 to i32
      %cond3A_604 = arith.constant 0 : i32
      %cond3A_605 = arith.cmpi ne, %convert_element_type3A_603, %cond3A_604 : i32
      scf.if %cond3A_605 {
        %dma_start3A_646 = arith.constant 1 : i32
        %dma_start3A_647 = arith.constant 0 : i32
        %dma_start3A_648 = tpu.memref_slice %arg11[%dma_start3A_646, %dma_start3A_647] : memref<2x256xi32, #tpu.memory_space<vmem>> -> memref<1x256xi32, #tpu.memory_space<vmem>>
        %dma_start3A_649 = tpu.memref_squeeze %dma_start3A_648 : memref<1x256xi32, #tpu.memory_space<vmem>> -> memref<256xi32, #tpu.memory_space<vmem>>
        %dma_start3A_650 = arith.constant 0 : i32
        %dma_start3A_651 = arith.constant 0 : i32
        %dma_start3A_652 = tpu.memref_slice %arg24[%dma_start3A_650, %dma_start3A_651] : memref<10240x32xf32, #tpu.memory_space<vmem_shared>> -> memref<10240x32xf32, #tpu.memory_space<vmem_shared>>
        tpu.enqueue_indirect_dma source(%arg19 : memref<256x32xf32, #tpu.memory_space<vmem>>) target(%dma_start3A_652 : memref<10240x32xf32, #tpu.memory_space<vmem_shared>>) offsets(%dma_start3A_649 : memref<256xi32, #tpu.memory_space<vmem>>) semaphore(%arg32 : memref<!tpu.dma_semaphore, #tpu.memory_space<semaphore_mem>>) {add = true}
        %dma_start3A_653 = arith.constant 1 : i32
        %dma_start3A_654 = arith.constant 0 : i32
        %dma_start3A_655 = tpu.memref_slice %arg11[%dma_start3A_653, %dma_start3A_654] : memref<2x256xi32, #tpu.memory_space<vmem>> -> memref<1x256xi32, #tpu.memory_space<vmem>>
        %dma_start3A_656 = tpu.memref_squeeze %dma_start3A_655 : memref<1x256xi32, #tpu.memory_space<vmem>> -> memref<256xi32, #tpu.memory_space<vmem>>
        %dma_start3A_657 = arith.constant 0 : i32
        %dma_start3A_658 = tpu.memref_slice %arg25[%dma_start3A_657] : memref<10240xf32, #tpu.memory_space<vmem_shared>> -> memref<10240xf32, #tpu.memory_space<vmem_shared>>
        tpu.enqueue_indirect_dma source(%arg21 : memref<256xf32, #tpu.memory_space<vmem>>) target(%dma_start3A_658 : memref<10240xf32, #tpu.memory_space<vmem_shared>>) offsets(%dma_start3A_656 : memref<256xi32, #tpu.memory_space<vmem>>) semaphore(%arg32 : memref<!tpu.dma_semaphore, #tpu.memory_space<semaphore_mem>>) {add = true}
      } else {
      }
      %mul3A_606 = arith.constant 4 : i32
      %mul3A_607 = arith.muli %mul3A_606, %scan3A_486 : i32
      %add3A_608 = arith.constant 3 : i32
      %add3A_609 = arith.addi %mul3A_607, %add3A_608 : i32
      %mul3A_610 = arith.constant 32 : i32
      %mul3A_611 = arith.muli %add3A_609, %mul3A_610 : i32
      %add3A_612 = arith.addi %mul3A_611, %add3A : i32
      %lt3A_613 = arith.constant 1250 : i32
      %lt3A_614 = arith.cmpi slt, %add3A_612, %lt3A_613 : i32
      %add3A_615 = arith.constant 32 : i32
      %add3A_616 = arith.addi %add3A_612, %add3A_615 : i32
      %lt3A_617 = arith.constant 1250 : i32
      %lt3A_618 = arith.cmpi slt, %add3A_616, %lt3A_617 : i32
      %add3A_619 = arith.constant 64 : i32
      %add3A_620 = arith.addi %add3A_612, %add3A_619 : i32
      %lt3A_621 = arith.constant 1250 : i32
      %lt3A_622 = arith.cmpi slt, %add3A_620, %lt3A_621 : i32
      %convert_element_type3A_623 = arith.extui %lt3A_614 : i1 to i32
      %cond3A_624 = arith.constant 0 : i32
      %cond3A_625 = arith.cmpi ne, %convert_element_type3A_623, %cond3A_624 : i32
      scf.if %cond3A_625 {
        %dma_wait3A_646 = arith.constant 0 : i32
        %dma_wait3A_647 = arith.constant 0 : i32
        %dma_wait3A_648 = tpu.memref_slice %arg2[%dma_wait3A_646, %dma_wait3A_647] : memref<10000x32xf32, #tpu.memory_space<hbm>> -> memref<256x32xf32, #tpu.memory_space<hbm>>
        %dma_wait3A_649 = arith.constant 0 : i32
        %dma_wait3A_650 = arith.constant 0 : i32
        %dma_wait3A_651 = tpu.memref_slice %arg2[%dma_wait3A_649, %dma_wait3A_650] : memref<10000x32xf32, #tpu.memory_space<hbm>> -> memref<256x32xf32, #tpu.memory_space<hbm>>
        tpu.wait_dma2 semaphore(%arg31 : memref<!tpu.dma_semaphore, #tpu.memory_space<semaphore_mem>>) src(%dma_wait3A_651 : memref<256x32xf32, #tpu.memory_space<hbm>>) dst(%arg15 : memref<256x32xf32, #tpu.memory_space<vmem>>)
        %dma_wait3A_652 = arith.constant 0 : i32
        %dma_wait3A_653 = arith.constant 0 : i32
        %dma_wait3A_654 = tpu.memref_slice %arg3[%dma_wait3A_652, %dma_wait3A_653] : memref<10000x32xf32, #tpu.memory_space<hbm>> -> memref<256x32xf32, #tpu.memory_space<hbm>>
        %dma_wait3A_655 = arith.constant 0 : i32
        %dma_wait3A_656 = arith.constant 0 : i32
        %dma_wait3A_657 = tpu.memref_slice %arg3[%dma_wait3A_655, %dma_wait3A_656] : memref<10000x32xf32, #tpu.memory_space<hbm>> -> memref<256x32xf32, #tpu.memory_space<hbm>>
        tpu.wait_dma2 semaphore(%arg31 : memref<!tpu.dma_semaphore, #tpu.memory_space<semaphore_mem>>) src(%dma_wait3A_657 : memref<256x32xf32, #tpu.memory_space<hbm>>) dst(%arg16 : memref<256x32xf32, #tpu.memory_space<vmem>>)
        %dma_wait3A_658 = arith.constant 0 : i32
        %dma_wait3A_659 = arith.constant 0 : i32
        %dma_wait3A_660 = tpu.memref_slice %arg18[%dma_wait3A_658, %dma_wait3A_659] : memref<64x128xf32, #tpu.memory_space<vmem>> -> memref<32x128xf32, #tpu.memory_space<vmem>>
        %dma_wait3A_661 = arith.constant 0 : i32
        %dma_wait3A_662 = arith.constant 0 : i32
        %dma_wait3A_663 = tpu.memref_slice %arg4[%dma_wait3A_661, %dma_wait3A_662] : memref<40000x128xf32, #tpu.memory_space<hbm>> -> memref<32x128xf32, #tpu.memory_space<hbm>>
        %dma_wait3A_664 = arith.constant 0 : i32
        %dma_wait3A_665 = arith.constant 0 : i32
        %dma_wait3A_666 = tpu.memref_slice %arg18[%dma_wait3A_664, %dma_wait3A_665] : memref<64x128xf32, #tpu.memory_space<vmem>> -> memref<32x128xf32, #tpu.memory_space<vmem>>
        %dma_wait3A_667 = arith.constant 0 : i32
        %dma_wait3A_668 = arith.constant 0 : i32
        %dma_wait3A_669 = tpu.memref_slice %arg4[%dma_wait3A_667, %dma_wait3A_668] : memref<40000x128xf32, #tpu.memory_space<hbm>> -> memref<32x128xf32, #tpu.memory_space<hbm>>
        tpu.wait_dma2 semaphore(%arg29 : memref<!tpu.dma_semaphore, #tpu.memory_space<semaphore_mem>>) src(%dma_wait3A_669 : memref<32x128xf32, #tpu.memory_space<hbm>>) dst(%dma_wait3A_666 : memref<32x128xf32, #tpu.memory_space<vmem>>)
        %dma_wait3A_670 = arith.constant 32 : i32
        %dma_wait3A_671 = arith.constant 0 : i32
        %dma_wait3A_672 = tpu.memref_slice %arg18[%dma_wait3A_670, %dma_wait3A_671] : memref<64x128xf32, #tpu.memory_space<vmem>> -> memref<32x128xf32, #tpu.memory_space<vmem>>
        %dma_wait3A_673 = arith.constant 0 : i32
        %dma_wait3A_674 = arith.constant 0 : i32
        %dma_wait3A_675 = tpu.memref_slice %arg5[%dma_wait3A_673, %dma_wait3A_674] : memref<40000x128xf32, #tpu.memory_space<hbm>> -> memref<32x128xf32, #tpu.memory_space<hbm>>
        %dma_wait3A_676 = arith.constant 32 : i32
        %dma_wait3A_677 = arith.constant 0 : i32
        %dma_wait3A_678 = tpu.memref_slice %arg18[%dma_wait3A_676, %dma_wait3A_677] : memref<64x128xf32, #tpu.memory_space<vmem>> -> memref<32x128xf32, #tpu.memory_space<vmem>>
        %dma_wait3A_679 = arith.constant 0 : i32
        %dma_wait3A_680 = arith.constant 0 : i32
        %dma_wait3A_681 = tpu.memref_slice %arg5[%dma_wait3A_679, %dma_wait3A_680] : memref<40000x128xf32, #tpu.memory_space<hbm>> -> memref<32x128xf32, #tpu.memory_space<hbm>>
        tpu.wait_dma2 semaphore(%arg29 : memref<!tpu.dma_semaphore, #tpu.memory_space<semaphore_mem>>) src(%dma_wait3A_681 : memref<32x128xf32, #tpu.memory_space<hbm>>) dst(%dma_wait3A_678 : memref<32x128xf32, #tpu.memory_space<vmem>>)
      } else {
      }
      %ge3A_626 = arith.constant 2 : i32
      %ge3A_627 = arith.cmpi sge, %add3A_609, %ge3A_626 : i32
      %convert_element_type3A_628 = arith.extui %ge3A_627 : i1 to i32
      %cond3A_629 = arith.constant 0 : i32
      %cond3A_630 = arith.cmpi ne, %convert_element_type3A_628, %cond3A_629 : i32
      scf.if %cond3A_630 {
        %dma_wait3A_646 = arith.constant 1 : i32
        %dma_wait3A_647 = arith.constant 0 : i32
        %dma_wait3A_648 = tpu.memref_slice %arg10[%dma_wait3A_646, %dma_wait3A_647] : memref<2x256xi32, #tpu.memory_space<vmem>> -> memref<1x256xi32, #tpu.memory_space<vmem>>
        %dma_wait3A_649 = tpu.memref_squeeze %dma_wait3A_648 : memref<1x256xi32, #tpu.memory_space<vmem>> -> memref<256xi32, #tpu.memory_space<vmem>>
        %dma_wait3A_650 = arith.constant 0 : i32
        %dma_wait3A_651 = arith.constant 0 : i32
        %dma_wait3A_652 = tpu.memref_slice %arg24[%dma_wait3A_650, %dma_wait3A_651] : memref<10240x32xf32, #tpu.memory_space<vmem_shared>> -> memref<10240x32xf32, #tpu.memory_space<vmem_shared>>
        tpu.wait_indirect_dma semaphore(%arg33 : memref<!tpu.dma_semaphore, #tpu.memory_space<semaphore_mem>>) src(%arg20 : memref<256x32xf32, #tpu.memory_space<vmem>>) dst(%dma_wait3A_652 : memref<10240x32xf32, #tpu.memory_space<vmem_shared>>)
        %dma_wait3A_653 = arith.constant 1 : i32
        %dma_wait3A_654 = arith.constant 0 : i32
        %dma_wait3A_655 = tpu.memref_slice %arg10[%dma_wait3A_653, %dma_wait3A_654] : memref<2x256xi32, #tpu.memory_space<vmem>> -> memref<1x256xi32, #tpu.memory_space<vmem>>
        %dma_wait3A_656 = tpu.memref_squeeze %dma_wait3A_655 : memref<1x256xi32, #tpu.memory_space<vmem>> -> memref<256xi32, #tpu.memory_space<vmem>>
        %dma_wait3A_657 = arith.constant 0 : i32
        %dma_wait3A_658 = tpu.memref_slice %arg25[%dma_wait3A_657] : memref<10240xf32, #tpu.memory_space<vmem_shared>> -> memref<10240xf32, #tpu.memory_space<vmem_shared>>
        tpu.wait_indirect_dma semaphore(%arg33 : memref<!tpu.dma_semaphore, #tpu.memory_space<semaphore_mem>>) src(%arg21 : memref<256xf32, #tpu.memory_space<vmem>>) dst(%dma_wait3A_658 : memref<10240xf32, #tpu.memory_space<vmem_shared>>)
      } else {
      }
      %convert_element_type3A_631 = arith.extui %lt3A_618 : i1 to i32
      %cond3A_632 = arith.constant 0 : i32
      %cond3A_633 = arith.cmpi ne, %convert_element_type3A_631, %cond3A_632 : i32
      scf.if %cond3A_633 {
        %dma_wait3A_646 = arith.constant 0 : i32
        %dma_wait3A_647 = arith.constant 0 : i32
        %dma_wait3A_648 = arith.constant 0 : i32
        %dma_wait3A_649 = tpu.memref_slice %arg6[%dma_wait3A_646, %dma_wait3A_647, %dma_wait3A_648] : memref<2500x2x128xi32, #tpu.memory_space<hbm>> -> memref<1x2x128xi32, #tpu.memory_space<hbm>>
        %dma_wait3A_650 = tpu.memref_squeeze %dma_wait3A_649 : memref<1x2x128xi32, #tpu.memory_space<hbm>> -> memref<2x128xi32, #tpu.memory_space<hbm>>
        %dma_wait3A_651 = arith.constant 0 : i32
        %dma_wait3A_652 = arith.constant 0 : i32
        %dma_wait3A_653 = tpu.memref_slice %arg6[%dma_wait3A_646, %dma_wait3A_651, %dma_wait3A_652] : memref<2500x2x128xi32, #tpu.memory_space<hbm>> -> memref<1x2x128xi32, #tpu.memory_space<hbm>>
        %dma_wait3A_654 = tpu.memref_squeeze %dma_wait3A_653 : memref<1x2x128xi32, #tpu.memory_space<hbm>> -> memref<2x128xi32, #tpu.memory_space<hbm>>
        tpu.wait_dma2 semaphore(%arg26 : memref<!tpu.dma_semaphore, #tpu.memory_space<semaphore_mem>>) src(%dma_wait3A_654 : memref<2x128xi32, #tpu.memory_space<hbm>>) dst(%arg9 : memref<2x256xi32, #tpu.memory_space<vmem>>)
        %dma_start3A_655 = arith.constant 0 : i32
        %dma_start3A_656 = arith.constant 0 : i32
        %dma_start3A_657 = tpu.memref_slice %arg9[%dma_start3A_655, %dma_start3A_656] : memref<2x256xi32, #tpu.memory_space<vmem>> -> memref<1x256xi32, #tpu.memory_space<vmem>>
        %dma_start3A_658 = tpu.memref_squeeze %dma_start3A_657 : memref<1x256xi32, #tpu.memory_space<vmem>> -> memref<256xi32, #tpu.memory_space<vmem>>
        %dma_start3A_659 = arith.constant 0 : i32
        %dma_start3A_660 = arith.constant 0 : i32
        %dma_start3A_661 = tpu.memref_slice %arg2[%dma_start3A_659, %dma_start3A_660] : memref<10000x32xf32, #tpu.memory_space<hbm>> -> memref<10000x32xf32, #tpu.memory_space<hbm>>
        tpu.enqueue_indirect_dma source(%dma_start3A_661 : memref<10000x32xf32, #tpu.memory_space<hbm>>) target(%arg13 : memref<256x32xf32, #tpu.memory_space<vmem>>) offsets(%dma_start3A_658 : memref<256xi32, #tpu.memory_space<vmem>>) semaphore(%arg30 : memref<!tpu.dma_semaphore, #tpu.memory_space<semaphore_mem>>)
        %dma_start3A_662 = arith.constant 1 : i32
        %dma_start3A_663 = arith.constant 0 : i32
        %dma_start3A_664 = tpu.memref_slice %arg9[%dma_start3A_662, %dma_start3A_663] : memref<2x256xi32, #tpu.memory_space<vmem>> -> memref<1x256xi32, #tpu.memory_space<vmem>>
        %dma_start3A_665 = tpu.memref_squeeze %dma_start3A_664 : memref<1x256xi32, #tpu.memory_space<vmem>> -> memref<256xi32, #tpu.memory_space<vmem>>
        %dma_start3A_666 = arith.constant 0 : i32
        %dma_start3A_667 = arith.constant 0 : i32
        %dma_start3A_668 = tpu.memref_slice %arg3[%dma_start3A_666, %dma_start3A_667] : memref<10000x32xf32, #tpu.memory_space<hbm>> -> memref<10000x32xf32, #tpu.memory_space<hbm>>
        tpu.enqueue_indirect_dma source(%dma_start3A_668 : memref<10000x32xf32, #tpu.memory_space<hbm>>) target(%arg14 : memref<256x32xf32, #tpu.memory_space<vmem>>) offsets(%dma_start3A_665 : memref<256xi32, #tpu.memory_space<vmem>>) semaphore(%arg30 : memref<!tpu.dma_semaphore, #tpu.memory_space<semaphore_mem>>)
      } else {
      }
      %convert_element_type3A_634 = arith.extui %lt3A_622 : i1 to i32
      %cond3A_635 = arith.constant 0 : i32
      %cond3A_636 = arith.cmpi ne, %convert_element_type3A_634, %cond3A_635 : i32
      scf.if %cond3A_636 {
        %add3A_646 = arith.constant 64 : i32
        %add3A_647 = arith.addi %add3A_612, %add3A_646 : i32
        %mul3A_648 = arith.constant 10486 : i32
        %mul3A_649 = arith.muli %add3A_647, %mul3A_648 : i32
        %shift_right_arithmetic3A_650 = arith.constant 19 : i32
        %shift_right_arithmetic3A_651 = arith.shrsi %mul3A_649, %shift_right_arithmetic3A_650 : i32
        %mul3A_652 = arith.constant 12800 : i32
        %mul3A_653 = arith.muli %mul3A_652, %shift_right_arithmetic3A_651 : i32
        %mul3A_654 = arith.constant 50 : i32
        %mul3A_655 = arith.muli %mul3A_654, %shift_right_arithmetic3A_651 : i32
        %sub3A_656 = arith.subi %add3A_647, %mul3A_655 : i32
        %mul3A_657 = arith.constant 32 : i32
        %mul3A_658 = arith.muli %mul3A_657, %sub3A_656 : i32
        %add3A_659 = arith.addi %mul3A_653, %mul3A_658 : i32
        %add3A_660 = arith.constant 0 : i32
        %add3A_661 = arith.addi %add3A_659, %add3A_660 : i32
        %add3A_662 = arith.constant 0 : i32
        %add3A_663 = arith.addi %add3A_661, %add3A_662 : i32
        %and3A_664 = arith.constant 127 : i32
        %and3A_665 = arith.andi %add3A_663, %and3A_664 : i32
        %multiple_of3A_666 = tpu.assume_multiple %and3A_665, 32 : i32
        %shift_right_arithmetic3A_667 = arith.constant 7 : i32
        %shift_right_arithmetic3A_668 = arith.shrsi %add3A_663, %shift_right_arithmetic3A_667 : i32
        %dma_start3A_669 = arith.constant 0 : i32
        %dma_start3A_670 = arith.constant 0 : i32
        %dma_start3A_671 = tpu.memref_slice %arg10[%dma_start3A_669, %dma_start3A_670] : memref<2x256xi32, #tpu.memory_space<vmem>> -> memref<2x32xi32, #tpu.memory_space<vmem>>
        %dma_start3A_672 = arith.constant 0 : i32
        %dma_start3A_673 = tpu.memref_slice %arg6[%shift_right_arithmetic3A_668, %dma_start3A_672, %multiple_of3A_666] : memref<2500x2x128xi32, #tpu.memory_space<hbm>> -> memref<1x2x32xi32, #tpu.memory_space<hbm>>
        %dma_start3A_674 = tpu.memref_squeeze %dma_start3A_673 : memref<1x2x32xi32, #tpu.memory_space<hbm>> -> memref<2x32xi32, #tpu.memory_space<hbm>>
        %dma_start3A_675 = arith.constant 0 : i32
        %dma_start3A_676 = arith.constant 0 : i32
        %dma_start3A_677 = tpu.memref_slice %arg10[%dma_start3A_675, %dma_start3A_676] : memref<2x256xi32, #tpu.memory_space<vmem>> -> memref<2x32xi32, #tpu.memory_space<vmem>>
        %dma_start3A_678 = arith.constant 0 : i32
        %dma_start3A_679 = tpu.memref_slice %arg6[%shift_right_arithmetic3A_668, %dma_start3A_678, %multiple_of3A_666] : memref<2500x2x128xi32, #tpu.memory_space<hbm>> -> memref<1x2x32xi32, #tpu.memory_space<hbm>>
        %dma_start3A_680 = tpu.memref_squeeze %dma_start3A_679 : memref<1x2x32xi32, #tpu.memory_space<hbm>> -> memref<2x32xi32, #tpu.memory_space<hbm>>
        tpu.enqueue_dma source(%dma_start3A_680 : memref<2x32xi32, #tpu.memory_space<hbm>>) target(%dma_start3A_677 : memref<2x32xi32, #tpu.memory_space<vmem>>) target_semaphore(%arg27 : memref<!tpu.dma_semaphore, #tpu.memory_space<semaphore_mem>>)
        %add3A_681 = arith.constant 0 : i32
        %add3A_682 = arith.addi %add3A_659, %add3A_681 : i32
        %add3A_683 = arith.constant 1600 : i32
        %add3A_684 = arith.addi %add3A_682, %add3A_683 : i32
        %and3A_685 = arith.constant 127 : i32
        %and3A_686 = arith.andi %add3A_684, %and3A_685 : i32
        %multiple_of3A_687 = tpu.assume_multiple %and3A_686, 32 : i32
        %shift_right_arithmetic3A_688 = arith.constant 7 : i32
        %shift_right_arithmetic3A_689 = arith.shrsi %add3A_684, %shift_right_arithmetic3A_688 : i32
        %dma_start3A_690 = arith.constant 0 : i32
        %dma_start3A_691 = arith.constant 32 : i32
        %dma_start3A_692 = tpu.memref_slice %arg10[%dma_start3A_690, %dma_start3A_691] : memref<2x256xi32, #tpu.memory_space<vmem>> -> memref<2x32xi32, #tpu.memory_space<vmem>>
        %dma_start3A_693 = arith.constant 0 : i32
        %dma_start3A_694 = tpu.memref_slice %arg6[%shift_right_arithmetic3A_689, %dma_start3A_693, %multiple_of3A_687] : memref<2500x2x128xi32, #tpu.memory_space<hbm>> -> memref<1x2x32xi32, #tpu.memory_space<hbm>>
        %dma_start3A_695 = tpu.memref_squeeze %dma_start3A_694 : memref<1x2x32xi32, #tpu.memory_space<hbm>> -> memref<2x32xi32, #tpu.memory_space<hbm>>
        %dma_start3A_696 = arith.constant 0 : i32
        %dma_start3A_697 = arith.constant 32 : i32
        %dma_start3A_698 = tpu.memref_slice %arg10[%dma_start3A_696, %dma_start3A_697] : memref<2x256xi32, #tpu.memory_space<vmem>> -> memref<2x32xi32, #tpu.memory_space<vmem>>
        %dma_start3A_699 = arith.constant 0 : i32
        %dma_start3A_700 = tpu.memref_slice %arg6[%shift_right_arithmetic3A_689, %dma_start3A_699, %multiple_of3A_687] : memref<2500x2x128xi32, #tpu.memory_space<hbm>> -> memref<1x2x32xi32, #tpu.memory_space<hbm>>
        %dma_start3A_701 = tpu.memref_squeeze %dma_start3A_700 : memref<1x2x32xi32, #tpu.memory_space<hbm>> -> memref<2x32xi32, #tpu.memory_space<hbm>>
        tpu.enqueue_dma source(%dma_start3A_701 : memref<2x32xi32, #tpu.memory_space<hbm>>) target(%dma_start3A_698 : memref<2x32xi32, #tpu.memory_space<vmem>>) target_semaphore(%arg27 : memref<!tpu.dma_semaphore, #tpu.memory_space<semaphore_mem>>)
        %add3A_702 = arith.constant 0 : i32
        %add3A_703 = arith.addi %add3A_659, %add3A_702 : i32
        %add3A_704 = arith.constant 3200 : i32
        %add3A_705 = arith.addi %add3A_703, %add3A_704 : i32
        %and3A_706 = arith.constant 127 : i32
        %and3A_707 = arith.andi %add3A_705, %and3A_706 : i32
        %multiple_of3A_708 = tpu.assume_multiple %and3A_707, 32 : i32
        %shift_right_arithmetic3A_709 = arith.constant 7 : i32
        %shift_right_arithmetic3A_710 = arith.shrsi %add3A_705, %shift_right_arithmetic3A_709 : i32
        %dma_start3A_711 = arith.constant 0 : i32
        %dma_start3A_712 = arith.constant 64 : i32
        %dma_start3A_713 = tpu.memref_slice %arg10[%dma_start3A_711, %dma_start3A_712] : memref<2x256xi32, #tpu.memory_space<vmem>> -> memref<2x32xi32, #tpu.memory_space<vmem>>
        %dma_start3A_714 = arith.constant 0 : i32
        %dma_start3A_715 = tpu.memref_slice %arg6[%shift_right_arithmetic3A_710, %dma_start3A_714, %multiple_of3A_708] : memref<2500x2x128xi32, #tpu.memory_space<hbm>> -> memref<1x2x32xi32, #tpu.memory_space<hbm>>
        %dma_start3A_716 = tpu.memref_squeeze %dma_start3A_715 : memref<1x2x32xi32, #tpu.memory_space<hbm>> -> memref<2x32xi32, #tpu.memory_space<hbm>>
        %dma_start3A_717 = arith.constant 0 : i32
        %dma_start3A_718 = arith.constant 64 : i32
        %dma_start3A_719 = tpu.memref_slice %arg10[%dma_start3A_717, %dma_start3A_718] : memref<2x256xi32, #tpu.memory_space<vmem>> -> memref<2x32xi32, #tpu.memory_space<vmem>>
        %dma_start3A_720 = arith.constant 0 : i32
        %dma_start3A_721 = tpu.memref_slice %arg6[%shift_right_arithmetic3A_710, %dma_start3A_720, %multiple_of3A_708] : memref<2500x2x128xi32, #tpu.memory_space<hbm>> -> memref<1x2x32xi32, #tpu.memory_space<hbm>>
        %dma_start3A_722 = tpu.memref_squeeze %dma_start3A_721 : memref<1x2x32xi32, #tpu.memory_space<hbm>> -> memref<2x32xi32, #tpu.memory_space<hbm>>
        tpu.enqueue_dma source(%dma_start3A_722 : memref<2x32xi32, #tpu.memory_space<hbm>>) target(%dma_start3A_719 : memref<2x32xi32, #tpu.memory_space<vmem>>) target_semaphore(%arg27 : memref<!tpu.dma_semaphore, #tpu.memory_space<semaphore_mem>>)
        %add3A_723 = arith.constant 0 : i32
        %add3A_724 = arith.addi %add3A_659, %add3A_723 : i32
        %add3A_725 = arith.constant 4800 : i32
        %add3A_726 = arith.addi %add3A_724, %add3A_725 : i32
        %and3A_727 = arith.constant 127 : i32
        %and3A_728 = arith.andi %add3A_726, %and3A_727 : i32
        %multiple_of3A_729 = tpu.assume_multiple %and3A_728, 32 : i32
        %shift_right_arithmetic3A_730 = arith.constant 7 : i32
        %shift_right_arithmetic3A_731 = arith.shrsi %add3A_726, %shift_right_arithmetic3A_730 : i32
        %dma_start3A_732 = arith.constant 0 : i32
        %dma_start3A_733 = arith.constant 96 : i32
        %dma_start3A_734 = tpu.memref_slice %arg10[%dma_start3A_732, %dma_start3A_733] : memref<2x256xi32, #tpu.memory_space<vmem>> -> memref<2x32xi32, #tpu.memory_space<vmem>>
        %dma_start3A_735 = arith.constant 0 : i32
        %dma_start3A_736 = tpu.memref_slice %arg6[%shift_right_arithmetic3A_731, %dma_start3A_735, %multiple_of3A_729] : memref<2500x2x128xi32, #tpu.memory_space<hbm>> -> memref<1x2x32xi32, #tpu.memory_space<hbm>>
        %dma_start3A_737 = tpu.memref_squeeze %dma_start3A_736 : memref<1x2x32xi32, #tpu.memory_space<hbm>> -> memref<2x32xi32, #tpu.memory_space<hbm>>
        %dma_start3A_738 = arith.constant 0 : i32
        %dma_start3A_739 = arith.constant 96 : i32
        %dma_start3A_740 = tpu.memref_slice %arg10[%dma_start3A_738, %dma_start3A_739] : memref<2x256xi32, #tpu.memory_space<vmem>> -> memref<2x32xi32, #tpu.memory_space<vmem>>
        %dma_start3A_741 = arith.constant 0 : i32
        %dma_start3A_742 = tpu.memref_slice %arg6[%shift_right_arithmetic3A_731, %dma_start3A_741, %multiple_of3A_729] : memref<2500x2x128xi32, #tpu.memory_space<hbm>> -> memref<1x2x32xi32, #tpu.memory_space<hbm>>
        %dma_start3A_743 = tpu.memref_squeeze %dma_start3A_742 : memref<1x2x32xi32, #tpu.memory_space<hbm>> -> memref<2x32xi32, #tpu.memory_space<hbm>>
        tpu.enqueue_dma source(%dma_start3A_743 : memref<2x32xi32, #tpu.memory_space<hbm>>) target(%dma_start3A_740 : memref<2x32xi32, #tpu.memory_space<vmem>>) target_semaphore(%arg27 : memref<!tpu.dma_semaphore, #tpu.memory_space<semaphore_mem>>)
        %add3A_744 = arith.constant 6400 : i32
        %add3A_745 = arith.addi %add3A_659, %add3A_744 : i32
        %add3A_746 = arith.constant 0 : i32
        %add3A_747 = arith.addi %add3A_745, %add3A_746 : i32
        %and3A_748 = arith.constant 127 : i32
        %and3A_749 = arith.andi %add3A_747, %and3A_748 : i32
        %multiple_of3A_750 = tpu.assume_multiple %and3A_749, 32 : i32
        %shift_right_arithmetic3A_751 = arith.constant 7 : i32
        %shift_right_arithmetic3A_752 = arith.shrsi %add3A_747, %shift_right_arithmetic3A_751 : i32
        %dma_start3A_753 = arith.constant 0 : i32
        %dma_start3A_754 = arith.constant 128 : i32
        %dma_start3A_755 = tpu.memref_slice %arg10[%dma_start3A_753, %dma_start3A_754] : memref<2x256xi32, #tpu.memory_space<vmem>> -> memref<2x32xi32, #tpu.memory_space<vmem>>
        %dma_start3A_756 = arith.constant 0 : i32
        %dma_start3A_757 = tpu.memref_slice %arg6[%shift_right_arithmetic3A_752, %dma_start3A_756, %multiple_of3A_750] : memref<2500x2x128xi32, #tpu.memory_space<hbm>> -> memref<1x2x32xi32, #tpu.memory_space<hbm>>
        %dma_start3A_758 = tpu.memref_squeeze %dma_start3A_757 : memref<1x2x32xi32, #tpu.memory_space<hbm>> -> memref<2x32xi32, #tpu.memory_space<hbm>>
        %dma_start3A_759 = arith.constant 0 : i32
        %dma_start3A_760 = arith.constant 128 : i32
        %dma_start3A_761 = tpu.memref_slice %arg10[%dma_start3A_759, %dma_start3A_760] : memref<2x256xi32, #tpu.memory_space<vmem>> -> memref<2x32xi32, #tpu.memory_space<vmem>>
        %dma_start3A_762 = arith.constant 0 : i32
        %dma_start3A_763 = tpu.memref_slice %arg6[%shift_right_arithmetic3A_752, %dma_start3A_762, %multiple_of3A_750] : memref<2500x2x128xi32, #tpu.memory_space<hbm>> -> memref<1x2x32xi32, #tpu.memory_space<hbm>>
        %dma_start3A_764 = tpu.memref_squeeze %dma_start3A_763 : memref<1x2x32xi32, #tpu.memory_space<hbm>> -> memref<2x32xi32, #tpu.memory_space<hbm>>
        tpu.enqueue_dma source(%dma_start3A_764 : memref<2x32xi32, #tpu.memory_space<hbm>>) target(%dma_start3A_761 : memref<2x32xi32, #tpu.memory_space<vmem>>) target_semaphore(%arg27 : memref<!tpu.dma_semaphore, #tpu.memory_space<semaphore_mem>>)
        %add3A_765 = arith.constant 6400 : i32
        %add3A_766 = arith.addi %add3A_659, %add3A_765 : i32
        %add3A_767 = arith.constant 1600 : i32
        %add3A_768 = arith.addi %add3A_766, %add3A_767 : i32
        %and3A_769 = arith.constant 127 : i32
        %and3A_770 = arith.andi %add3A_768, %and3A_769 : i32
        %multiple_of3A_771 = tpu.assume_multiple %and3A_770, 32 : i32
        %shift_right_arithmetic3A_772 = arith.constant 7 : i32
        %shift_right_arithmetic3A_773 = arith.shrsi %add3A_768, %shift_right_arithmetic3A_772 : i32
        %dma_start3A_774 = arith.constant 0 : i32
        %dma_start3A_775 = arith.constant 160 : i32
        %dma_start3A_776 = tpu.memref_slice %arg10[%dma_start3A_774, %dma_start3A_775] : memref<2x256xi32, #tpu.memory_space<vmem>> -> memref<2x32xi32, #tpu.memory_space<vmem>>
        %dma_start3A_777 = arith.constant 0 : i32
        %dma_start3A_778 = tpu.memref_slice %arg6[%shift_right_arithmetic3A_773, %dma_start3A_777, %multiple_of3A_771] : memref<2500x2x128xi32, #tpu.memory_space<hbm>> -> memref<1x2x32xi32, #tpu.memory_space<hbm>>
        %dma_start3A_779 = tpu.memref_squeeze %dma_start3A_778 : memref<1x2x32xi32, #tpu.memory_space<hbm>> -> memref<2x32xi32, #tpu.memory_space<hbm>>
        %dma_start3A_780 = arith.constant 0 : i32
        %dma_start3A_781 = arith.constant 160 : i32
        %dma_start3A_782 = tpu.memref_slice %arg10[%dma_start3A_780, %dma_start3A_781] : memref<2x256xi32, #tpu.memory_space<vmem>> -> memref<2x32xi32, #tpu.memory_space<vmem>>
        %dma_start3A_783 = arith.constant 0 : i32
        %dma_start3A_784 = tpu.memref_slice %arg6[%shift_right_arithmetic3A_773, %dma_start3A_783, %multiple_of3A_771] : memref<2500x2x128xi32, #tpu.memory_space<hbm>> -> memref<1x2x32xi32, #tpu.memory_space<hbm>>
        %dma_start3A_785 = tpu.memref_squeeze %dma_start3A_784 : memref<1x2x32xi32, #tpu.memory_space<hbm>> -> memref<2x32xi32, #tpu.memory_space<hbm>>
        tpu.enqueue_dma source(%dma_start3A_785 : memref<2x32xi32, #tpu.memory_space<hbm>>) target(%dma_start3A_782 : memref<2x32xi32, #tpu.memory_space<vmem>>) target_semaphore(%arg27 : memref<!tpu.dma_semaphore, #tpu.memory_space<semaphore_mem>>)
        %add3A_786 = arith.constant 6400 : i32
        %add3A_787 = arith.addi %add3A_659, %add3A_786 : i32
        %add3A_788 = arith.constant 3200 : i32
        %add3A_789 = arith.addi %add3A_787, %add3A_788 : i32
        %and3A_790 = arith.constant 127 : i32
        %and3A_791 = arith.andi %add3A_789, %and3A_790 : i32
        %multiple_of3A_792 = tpu.assume_multiple %and3A_791, 32 : i32
        %shift_right_arithmetic3A_793 = arith.constant 7 : i32
        %shift_right_arithmetic3A_794 = arith.shrsi %add3A_789, %shift_right_arithmetic3A_793 : i32
        %dma_start3A_795 = arith.constant 0 : i32
        %dma_start3A_796 = arith.constant 192 : i32
        %dma_start3A_797 = tpu.memref_slice %arg10[%dma_start3A_795, %dma_start3A_796] : memref<2x256xi32, #tpu.memory_space<vmem>> -> memref<2x32xi32, #tpu.memory_space<vmem>>
        %dma_start3A_798 = arith.constant 0 : i32
        %dma_start3A_799 = tpu.memref_slice %arg6[%shift_right_arithmetic3A_794, %dma_start3A_798, %multiple_of3A_792] : memref<2500x2x128xi32, #tpu.memory_space<hbm>> -> memref<1x2x32xi32, #tpu.memory_space<hbm>>
        %dma_start3A_800 = tpu.memref_squeeze %dma_start3A_799 : memref<1x2x32xi32, #tpu.memory_space<hbm>> -> memref<2x32xi32, #tpu.memory_space<hbm>>
        %dma_start3A_801 = arith.constant 0 : i32
        %dma_start3A_802 = arith.constant 192 : i32
        %dma_start3A_803 = tpu.memref_slice %arg10[%dma_start3A_801, %dma_start3A_802] : memref<2x256xi32, #tpu.memory_space<vmem>> -> memref<2x32xi32, #tpu.memory_space<vmem>>
        %dma_start3A_804 = arith.constant 0 : i32
        %dma_start3A_805 = tpu.memref_slice %arg6[%shift_right_arithmetic3A_794, %dma_start3A_804, %multiple_of3A_792] : memref<2500x2x128xi32, #tpu.memory_space<hbm>> -> memref<1x2x32xi32, #tpu.memory_space<hbm>>
        %dma_start3A_806 = tpu.memref_squeeze %dma_start3A_805 : memref<1x2x32xi32, #tpu.memory_space<hbm>> -> memref<2x32xi32, #tpu.memory_space<hbm>>
        tpu.enqueue_dma source(%dma_start3A_806 : memref<2x32xi32, #tpu.memory_space<hbm>>) target(%dma_start3A_803 : memref<2x32xi32, #tpu.memory_space<vmem>>) target_semaphore(%arg27 : memref<!tpu.dma_semaphore, #tpu.memory_space<semaphore_mem>>)
        %add3A_807 = arith.constant 6400 : i32
        %add3A_808 = arith.addi %add3A_659, %add3A_807 : i32
        %add3A_809 = arith.constant 4800 : i32
        %add3A_810 = arith.addi %add3A_808, %add3A_809 : i32
        %and3A_811 = arith.constant 127 : i32
        %and3A_812 = arith.andi %add3A_810, %and3A_811 : i32
        %multiple_of3A_813 = tpu.assume_multiple %and3A_812, 32 : i32
        %shift_right_arithmetic3A_814 = arith.constant 7 : i32
        %shift_right_arithmetic3A_815 = arith.shrsi %add3A_810, %shift_right_arithmetic3A_814 : i32
        %dma_start3A_816 = arith.constant 0 : i32
        %dma_start3A_817 = arith.constant 224 : i32
        %dma_start3A_818 = tpu.memref_slice %arg10[%dma_start3A_816, %dma_start3A_817] : memref<2x256xi32, #tpu.memory_space<vmem>> -> memref<2x32xi32, #tpu.memory_space<vmem>>
        %dma_start3A_819 = arith.constant 0 : i32
        %dma_start3A_820 = tpu.memref_slice %arg6[%shift_right_arithmetic3A_815, %dma_start3A_819, %multiple_of3A_813] : memref<2500x2x128xi32, #tpu.memory_space<hbm>> -> memref<1x2x32xi32, #tpu.memory_space<hbm>>
        %dma_start3A_821 = tpu.memref_squeeze %dma_start3A_820 : memref<1x2x32xi32, #tpu.memory_space<hbm>> -> memref<2x32xi32, #tpu.memory_space<hbm>>
        %dma_start3A_822 = arith.constant 0 : i32
        %dma_start3A_823 = arith.constant 224 : i32
        %dma_start3A_824 = tpu.memref_slice %arg10[%dma_start3A_822, %dma_start3A_823] : memref<2x256xi32, #tpu.memory_space<vmem>> -> memref<2x32xi32, #tpu.memory_space<vmem>>
        %dma_start3A_825 = arith.constant 0 : i32
        %dma_start3A_826 = tpu.memref_slice %arg6[%shift_right_arithmetic3A_815, %dma_start3A_825, %multiple_of3A_813] : memref<2500x2x128xi32, #tpu.memory_space<hbm>> -> memref<1x2x32xi32, #tpu.memory_space<hbm>>
        %dma_start3A_827 = tpu.memref_squeeze %dma_start3A_826 : memref<1x2x32xi32, #tpu.memory_space<hbm>> -> memref<2x32xi32, #tpu.memory_space<hbm>>
        tpu.enqueue_dma source(%dma_start3A_827 : memref<2x32xi32, #tpu.memory_space<hbm>>) target(%dma_start3A_824 : memref<2x32xi32, #tpu.memory_space<vmem>>) target_semaphore(%arg27 : memref<!tpu.dma_semaphore, #tpu.memory_space<semaphore_mem>>)
      } else {
      }
      %convert_element_type3A_637 = arith.extui %lt3A_614 : i1 to i32
      %cond3A_638 = arith.constant 0 : i32
      %cond3A_639 = arith.cmpi ne, %convert_element_type3A_637, %cond3A_638 : i32
      scf.if %cond3A_639 {
        %scan3A_646 = arith.constant 0 : i32
        %scan3A_647 = arith.constant 0 : i32
        %scan3A_648 = arith.constant 32 : i32
        %scan3A_649 = arith.addi %scan3A_647, %scan3A_648 : i32
        %scan3A_650 = arith.constant 1 : i32
        scf.for %scan3A_652 = %scan3A_647 to %scan3A_649 step %scan3A_650  : i32 {
          %add3A_653 = arith.constant 0 : i32
          %add3A_654 = arith.addi %add3A_653, %scan3A_652 : i32
          %add3A_655 = arith.constant 0 : i32
          %add3A_656 = arith.addi %add3A_655, %scan3A_652 : i32
          %get3A = arith.index_cast %add3A_656 : i32 to index
          %get3A_657 = arith.constant 0 : index
          %get3A_658 = tpu.vector_load %arg15[%get3A, %get3A_657] {strides = array<i32>} : memref<256x32xf32, #tpu.memory_space<vmem>>, vector<1x16xf32>,
          %get3A_659 = vector.shape_cast %get3A_658 : vector<1x16xf32> to vector<16xf32>
          %get3A_660 = arith.index_cast %add3A_656 : i32 to index
          %get3A_661 = arith.constant 0 : index
          %get3A_662 = tpu.vector_load %arg16[%get3A_660, %get3A_661] {strides = array<i32>} : memref<256x32xf32, #tpu.memory_space<vmem>>, vector<1x16xf32>,
          %get3A_663 = vector.shape_cast %get3A_662 : vector<1x16xf32> to vector<16xf32>
          %add3A_664 = arith.addf %get3A_659, %get3A_663 : vector<16xf32>
          %get3A_665 = arith.index_cast %add3A_654 : i32 to index
          %get3A_666 = arith.constant 0 : index
          %get3A_667 = tpu.vector_load %arg18[%get3A_665, %get3A_666] {strides = array<i32>} : memref<64x128xf32, #tpu.memory_space<vmem>>, vector<1x16xf32>,
          %get3A_668 = vector.shape_cast %get3A_667 : vector<1x16xf32> to vector<16xf32>
          %add3A_669 = arith.addf %add3A_664, %get3A_668 : vector<16xf32>
          %max3A = arith.constant 0.000000e+00 : f32
          %max3A_670 = vector.broadcast %max3A : f32 to vector<16xf32>
          %max3A_671 = arith.maximumf %add3A_669, %max3A_670 : vector<16xf32>
          %swap3A = arith.index_cast %add3A_656 : i32 to index
          %swap3A_672 = arith.constant 0 : index
          %swap3A_673 = tpu.vector_load %arg20[%swap3A, %swap3A_672] {strides = array<i32>} : memref<256x32xf32, #tpu.memory_space<vmem>>, vector<1x16xf32>,
          %swap3A_674 = vector.shape_cast %swap3A_673 : vector<1x16xf32> to vector<16xf32>
          %swap3A_675 = vector.shape_cast %max3A_671 : vector<16xf32> to vector<1x16xf32>
          tpu.vector_store %arg20[%swap3A, %swap3A_672], %swap3A_675 {strides = array<i32>} : memref<256x32xf32, #tpu.memory_space<vmem>>, vector<1x16xf32>,
          %get3A_676 = arith.index_cast %add3A_656 : i32 to index
          %get3A_677 = arith.constant 16 : index
          %get3A_678 = tpu.vector_load %arg15[%get3A_676, %get3A_677] {strides = array<i32>} : memref<256x32xf32, #tpu.memory_space<vmem>>, vector<1x16xf32>,
          %get3A_679 = vector.shape_cast %get3A_678 : vector<1x16xf32> to vector<16xf32>
          %get3A_680 = arith.index_cast %add3A_656 : i32 to index
          %get3A_681 = arith.constant 16 : index
          %get3A_682 = tpu.vector_load %arg16[%get3A_680, %get3A_681] {strides = array<i32>} : memref<256x32xf32, #tpu.memory_space<vmem>>, vector<1x16xf32>,
          %get3A_683 = vector.shape_cast %get3A_682 : vector<1x16xf32> to vector<16xf32>
          %add3A_684 = arith.addf %get3A_679, %get3A_683 : vector<16xf32>
          %get3A_685 = arith.index_cast %add3A_654 : i32 to index
          %get3A_686 = arith.constant 16 : index
          %get3A_687 = tpu.vector_load %arg18[%get3A_685, %get3A_686] {strides = array<i32>} : memref<64x128xf32, #tpu.memory_space<vmem>>, vector<1x16xf32>,
          %get3A_688 = vector.shape_cast %get3A_687 : vector<1x16xf32> to vector<16xf32>
          %add3A_689 = arith.addf %add3A_684, %get3A_688 : vector<16xf32>
          %max3A_690 = arith.constant 0.000000e+00 : f32
          %max3A_691 = vector.broadcast %max3A_690 : f32 to vector<16xf32>
          %max3A_692 = arith.maximumf %add3A_689, %max3A_691 : vector<16xf32>
          %swap3A_693 = arith.index_cast %add3A_656 : i32 to index
          %swap3A_694 = arith.constant 16 : index
          %swap3A_695 = tpu.vector_load %arg20[%swap3A_693, %swap3A_694] {strides = array<i32>} : memref<256x32xf32, #tpu.memory_space<vmem>>, vector<1x16xf32>,
          %swap3A_696 = vector.shape_cast %swap3A_695 : vector<1x16xf32> to vector<16xf32>
          %swap3A_697 = vector.shape_cast %max3A_692 : vector<16xf32> to vector<1x16xf32>
          tpu.vector_store %arg20[%swap3A_693, %swap3A_694], %swap3A_697 {strides = array<i32>} : memref<256x32xf32, #tpu.memory_space<vmem>>, vector<1x16xf32>,
          %add3A_698 = arith.constant 32 : i32
          %add3A_699 = arith.addi %add3A_698, %scan3A_652 : i32
          %get3A_700 = arith.index_cast %add3A_699 : i32 to index
          %get3A_701 = arith.constant 0 : index
          %get3A_702 = tpu.vector_load %arg15[%get3A_700, %get3A_701] {strides = array<i32>} : memref<256x32xf32, #tpu.memory_space<vmem>>, vector<1x16xf32>,
          %get3A_703 = vector.shape_cast %get3A_702 : vector<1x16xf32> to vector<16xf32>
          %get3A_704 = arith.index_cast %add3A_699 : i32 to index
          %get3A_705 = arith.constant 0 : index
          %get3A_706 = tpu.vector_load %arg16[%get3A_704, %get3A_705] {strides = array<i32>} : memref<256x32xf32, #tpu.memory_space<vmem>>, vector<1x16xf32>,
          %get3A_707 = vector.shape_cast %get3A_706 : vector<1x16xf32> to vector<16xf32>
          %add3A_708 = arith.addf %get3A_703, %get3A_707 : vector<16xf32>
          %get3A_709 = arith.index_cast %add3A_654 : i32 to index
          %get3A_710 = arith.constant 32 : index
          %get3A_711 = tpu.vector_load %arg18[%get3A_709, %get3A_710] {strides = array<i32>} : memref<64x128xf32, #tpu.memory_space<vmem>>, vector<1x16xf32>,
          %get3A_712 = vector.shape_cast %get3A_711 : vector<1x16xf32> to vector<16xf32>
          %add3A_713 = arith.addf %add3A_708, %get3A_712 : vector<16xf32>
          %max3A_714 = arith.constant 0.000000e+00 : f32
          %max3A_715 = vector.broadcast %max3A_714 : f32 to vector<16xf32>
          %max3A_716 = arith.maximumf %add3A_713, %max3A_715 : vector<16xf32>
          %swap3A_717 = arith.index_cast %add3A_699 : i32 to index
          %swap3A_718 = arith.constant 0 : index
          %swap3A_719 = tpu.vector_load %arg20[%swap3A_717, %swap3A_718] {strides = array<i32>} : memref<256x32xf32, #tpu.memory_space<vmem>>, vector<1x16xf32>,
          %swap3A_720 = vector.shape_cast %swap3A_719 : vector<1x16xf32> to vector<16xf32>
          %swap3A_721 = vector.shape_cast %max3A_716 : vector<16xf32> to vector<1x16xf32>
          tpu.vector_store %arg20[%swap3A_717, %swap3A_718], %swap3A_721 {strides = array<i32>} : memref<256x32xf32, #tpu.memory_space<vmem>>, vector<1x16xf32>,
          %get3A_722 = arith.index_cast %add3A_699 : i32 to index
          %get3A_723 = arith.constant 16 : index
          %get3A_724 = tpu.vector_load %arg15[%get3A_722, %get3A_723] {strides = array<i32>} : memref<256x32xf32, #tpu.memory_space<vmem>>, vector<1x16xf32>,
          %get3A_725 = vector.shape_cast %get3A_724 : vector<1x16xf32> to vector<16xf32>
          %get3A_726 = arith.index_cast %add3A_699 : i32 to index
          %get3A_727 = arith.constant 16 : index
          %get3A_728 = tpu.vector_load %arg16[%get3A_726, %get3A_727] {strides = array<i32>} : memref<256x32xf32, #tpu.memory_space<vmem>>, vector<1x16xf32>,
          %get3A_729 = vector.shape_cast %get3A_728 : vector<1x16xf32> to vector<16xf32>
          %add3A_730 = arith.addf %get3A_725, %get3A_729 : vector<16xf32>
          %get3A_731 = arith.index_cast %add3A_654 : i32 to index
          %get3A_732 = arith.constant 48 : index
          %get3A_733 = tpu.vector_load %arg18[%get3A_731, %get3A_732] {strides = array<i32>} : memref<64x128xf32, #tpu.memory_space<vmem>>, vector<1x16xf32>,
          %get3A_734 = vector.shape_cast %get3A_733 : vector<1x16xf32> to vector<16xf32>
          %add3A_735 = arith.addf %add3A_730, %get3A_734 : vector<16xf32>
          %max3A_736 = arith.constant 0.000000e+00 : f32
          %max3A_737 = vector.broadcast %max3A_736 : f32 to vector<16xf32>
          %max3A_738 = arith.maximumf %add3A_735, %max3A_737 : vector<16xf32>
          %swap3A_739 = arith.index_cast %add3A_699 : i32 to index
          %swap3A_740 = arith.constant 16 : index
          %swap3A_741 = tpu.vector_load %arg20[%swap3A_739, %swap3A_740] {strides = array<i32>} : memref<256x32xf32, #tpu.memory_space<vmem>>, vector<1x16xf32>,
          %swap3A_742 = vector.shape_cast %swap3A_741 : vector<1x16xf32> to vector<16xf32>
          %swap3A_743 = vector.shape_cast %max3A_738 : vector<16xf32> to vector<1x16xf32>
          tpu.vector_store %arg20[%swap3A_739, %swap3A_740], %swap3A_743 {strides = array<i32>} : memref<256x32xf32, #tpu.memory_space<vmem>>, vector<1x16xf32>,
          %add3A_744 = arith.constant 64 : i32
          %add3A_745 = arith.addi %add3A_744, %scan3A_652 : i32
          %get3A_746 = arith.index_cast %add3A_745 : i32 to index
          %get3A_747 = arith.constant 0 : index
          %get3A_748 = tpu.vector_load %arg15[%get3A_746, %get3A_747] {strides = array<i32>} : memref<256x32xf32, #tpu.memory_space<vmem>>, vector<1x16xf32>,
          %get3A_749 = vector.shape_cast %get3A_748 : vector<1x16xf32> to vector<16xf32>
          %get3A_750 = arith.index_cast %add3A_745 : i32 to index
          %get3A_751 = arith.constant 0 : index
          %get3A_752 = tpu.vector_load %arg16[%get3A_750, %get3A_751] {strides = array<i32>} : memref<256x32xf32, #tpu.memory_space<vmem>>, vector<1x16xf32>,
          %get3A_753 = vector.shape_cast %get3A_752 : vector<1x16xf32> to vector<16xf32>
          %add3A_754 = arith.addf %get3A_749, %get3A_753 : vector<16xf32>
          %get3A_755 = arith.index_cast %add3A_654 : i32 to index
          %get3A_756 = arith.constant 64 : index
          %get3A_757 = tpu.vector_load %arg18[%get3A_755, %get3A_756] {strides = array<i32>} : memref<64x128xf32, #tpu.memory_space<vmem>>, vector<1x16xf32>,
          %get3A_758 = vector.shape_cast %get3A_757 : vector<1x16xf32> to vector<16xf32>
          %add3A_759 = arith.addf %add3A_754, %get3A_758 : vector<16xf32>
          %max3A_760 = arith.constant 0.000000e+00 : f32
          %max3A_761 = vector.broadcast %max3A_760 : f32 to vector<16xf32>
          %max3A_762 = arith.maximumf %add3A_759, %max3A_761 : vector<16xf32>
          %swap3A_763 = arith.index_cast %add3A_745 : i32 to index
          %swap3A_764 = arith.constant 0 : index
          %swap3A_765 = tpu.vector_load %arg20[%swap3A_763, %swap3A_764] {strides = array<i32>} : memref<256x32xf32, #tpu.memory_space<vmem>>, vector<1x16xf32>,
          %swap3A_766 = vector.shape_cast %swap3A_765 : vector<1x16xf32> to vector<16xf32>
          %swap3A_767 = vector.shape_cast %max3A_762 : vector<16xf32> to vector<1x16xf32>
          tpu.vector_store %arg20[%swap3A_763, %swap3A_764], %swap3A_767 {strides = array<i32>} : memref<256x32xf32, #tpu.memory_space<vmem>>, vector<1x16xf32>,
          %get3A_768 = arith.index_cast %add3A_745 : i32 to index
          %get3A_769 = arith.constant 16 : index
          %get3A_770 = tpu.vector_load %arg15[%get3A_768, %get3A_769] {strides = array<i32>} : memref<256x32xf32, #tpu.memory_space<vmem>>, vector<1x16xf32>,
          %get3A_771 = vector.shape_cast %get3A_770 : vector<1x16xf32> to vector<16xf32>
          %get3A_772 = arith.index_cast %add3A_745 : i32 to index
          %get3A_773 = arith.constant 16 : index
          %get3A_774 = tpu.vector_load %arg16[%get3A_772, %get3A_773] {strides = array<i32>} : memref<256x32xf32, #tpu.memory_space<vmem>>, vector<1x16xf32>,
          %get3A_775 = vector.shape_cast %get3A_774 : vector<1x16xf32> to vector<16xf32>
          %add3A_776 = arith.addf %get3A_771, %get3A_775 : vector<16xf32>
          %get3A_777 = arith.index_cast %add3A_654 : i32 to index
          %get3A_778 = arith.constant 80 : index
          %get3A_779 = tpu.vector_load %arg18[%get3A_777, %get3A_778] {strides = array<i32>} : memref<64x128xf32, #tpu.memory_space<vmem>>, vector<1x16xf32>,
          %get3A_780 = vector.shape_cast %get3A_779 : vector<1x16xf32> to vector<16xf32>
          %add3A_781 = arith.addf %add3A_776, %get3A_780 : vector<16xf32>
          %max3A_782 = arith.constant 0.000000e+00 : f32
          %max3A_783 = vector.broadcast %max3A_782 : f32 to vector<16xf32>
          %max3A_784 = arith.maximumf %add3A_781, %max3A_783 : vector<16xf32>
          %swap3A_785 = arith.index_cast %add3A_745 : i32 to index
          %swap3A_786 = arith.constant 16 : index
          %swap3A_787 = tpu.vector_load %arg20[%swap3A_785, %swap3A_786] {strides = array<i32>} : memref<256x32xf32, #tpu.memory_space<vmem>>, vector<1x16xf32>,
          %swap3A_788 = vector.shape_cast %swap3A_787 : vector<1x16xf32> to vector<16xf32>
          %swap3A_789 = vector.shape_cast %max3A_784 : vector<16xf32> to vector<1x16xf32>
          tpu.vector_store %arg20[%swap3A_785, %swap3A_786], %swap3A_789 {strides = array<i32>} : memref<256x32xf32, #tpu.memory_space<vmem>>, vector<1x16xf32>,
          %add3A_790 = arith.constant 96 : i32
          %add3A_791 = arith.addi %add3A_790, %scan3A_652 : i32
          %get3A_792 = arith.index_cast %add3A_791 : i32 to index
          %get3A_793 = arith.constant 0 : index
          %get3A_794 = tpu.vector_load %arg15[%get3A_792, %get3A_793] {strides = array<i32>} : memref<256x32xf32, #tpu.memory_space<vmem>>, vector<1x16xf32>,
          %get3A_795 = vector.shape_cast %get3A_794 : vector<1x16xf32> to vector<16xf32>
          %get3A_796 = arith.index_cast %add3A_791 : i32 to index
          %get3A_797 = arith.constant 0 : index
          %get3A_798 = tpu.vector_load %arg16[%get3A_796, %get3A_797] {strides = array<i32>} : memref<256x32xf32, #tpu.memory_space<vmem>>, vector<1x16xf32>,
          %get3A_799 = vector.shape_cast %get3A_798 : vector<1x16xf32> to vector<16xf32>
          %add3A_800 = arith.addf %get3A_795, %get3A_799 : vector<16xf32>
          %get3A_801 = arith.index_cast %add3A_654 : i32 to index
          %get3A_802 = arith.constant 96 : index
          %get3A_803 = tpu.vector_load %arg18[%get3A_801, %get3A_802] {strides = array<i32>} : memref<64x128xf32, #tpu.memory_space<vmem>>, vector<1x16xf32>,
          %get3A_804 = vector.shape_cast %get3A_803 : vector<1x16xf32> to vector<16xf32>
          %add3A_805 = arith.addf %add3A_800, %get3A_804 : vector<16xf32>
          %max3A_806 = arith.constant 0.000000e+00 : f32
          %max3A_807 = vector.broadcast %max3A_806 : f32 to vector<16xf32>
          %max3A_808 = arith.maximumf %add3A_805, %max3A_807 : vector<16xf32>
          %swap3A_809 = arith.index_cast %add3A_791 : i32 to index
          %swap3A_810 = arith.constant 0 : index
          %swap3A_811 = tpu.vector_load %arg20[%swap3A_809, %swap3A_810] {strides = array<i32>} : memref<256x32xf32, #tpu.memory_space<vmem>>, vector<1x16xf32>,
          %swap3A_812 = vector.shape_cast %swap3A_811 : vector<1x16xf32> to vector<16xf32>
          %swap3A_813 = vector.shape_cast %max3A_808 : vector<16xf32> to vector<1x16xf32>
          tpu.vector_store %arg20[%swap3A_809, %swap3A_810], %swap3A_813 {strides = array<i32>} : memref<256x32xf32, #tpu.memory_space<vmem>>, vector<1x16xf32>,
          %get3A_814 = arith.index_cast %add3A_791 : i32 to index
          %get3A_815 = arith.constant 16 : index
          %get3A_816 = tpu.vector_load %arg15[%get3A_814, %get3A_815] {strides = array<i32>} : memref<256x32xf32, #tpu.memory_space<vmem>>, vector<1x16xf32>,
          %get3A_817 = vector.shape_cast %get3A_816 : vector<1x16xf32> to vector<16xf32>
          %get3A_818 = arith.index_cast %add3A_791 : i32 to index
          %get3A_819 = arith.constant 16 : index
          %get3A_820 = tpu.vector_load %arg16[%get3A_818, %get3A_819] {strides = array<i32>} : memref<256x32xf32, #tpu.memory_space<vmem>>, vector<1x16xf32>,
          %get3A_821 = vector.shape_cast %get3A_820 : vector<1x16xf32> to vector<16xf32>
          %add3A_822 = arith.addf %get3A_817, %get3A_821 : vector<16xf32>
          %get3A_823 = arith.index_cast %add3A_654 : i32 to index
          %get3A_824 = arith.constant 112 : index
          %get3A_825 = tpu.vector_load %arg18[%get3A_823, %get3A_824] {strides = array<i32>} : memref<64x128xf32, #tpu.memory_space<vmem>>, vector<1x16xf32>,
          %get3A_826 = vector.shape_cast %get3A_825 : vector<1x16xf32> to vector<16xf32>
          %add3A_827 = arith.addf %add3A_822, %get3A_826 : vector<16xf32>
          %max3A_828 = arith.constant 0.000000e+00 : f32
          %max3A_829 = vector.broadcast %max3A_828 : f32 to vector<16xf32>
          %max3A_830 = arith.maximumf %add3A_827, %max3A_829 : vector<16xf32>
          %swap3A_831 = arith.index_cast %add3A_791 : i32 to index
          %swap3A_832 = arith.constant 16 : index
          %swap3A_833 = tpu.vector_load %arg20[%swap3A_831, %swap3A_832] {strides = array<i32>} : memref<256x32xf32, #tpu.memory_space<vmem>>, vector<1x16xf32>,
          %swap3A_834 = vector.shape_cast %swap3A_833 : vector<1x16xf32> to vector<16xf32>
          %swap3A_835 = vector.shape_cast %max3A_830 : vector<16xf32> to vector<1x16xf32>
          tpu.vector_store %arg20[%swap3A_831, %swap3A_832], %swap3A_835 {strides = array<i32>} : memref<256x32xf32, #tpu.memory_space<vmem>>, vector<1x16xf32>,
          %add3A_836 = arith.constant 32 : i32
          %add3A_837 = arith.addi %add3A_836, %scan3A_652 : i32
          %add3A_838 = arith.constant 128 : i32
          %add3A_839 = arith.addi %add3A_838, %scan3A_652 : i32
          %get3A_840 = arith.index_cast %add3A_839 : i32 to index
          %get3A_841 = arith.constant 0 : index
          %get3A_842 = tpu.vector_load %arg15[%get3A_840, %get3A_841] {strides = array<i32>} : memref<256x32xf32, #tpu.memory_space<vmem>>, vector<1x16xf32>,
          %get3A_843 = vector.shape_cast %get3A_842 : vector<1x16xf32> to vector<16xf32>
          %get3A_844 = arith.index_cast %add3A_839 : i32 to index
          %get3A_845 = arith.constant 0 : index
          %get3A_846 = tpu.vector_load %arg16[%get3A_844, %get3A_845] {strides = array<i32>} : memref<256x32xf32, #tpu.memory_space<vmem>>, vector<1x16xf32>,
          %get3A_847 = vector.shape_cast %get3A_846 : vector<1x16xf32> to vector<16xf32>
          %add3A_848 = arith.addf %get3A_843, %get3A_847 : vector<16xf32>
          %get3A_849 = arith.index_cast %add3A_837 : i32 to index
          %get3A_850 = arith.constant 0 : index
          %get3A_851 = tpu.vector_load %arg18[%get3A_849, %get3A_850] {strides = array<i32>} : memref<64x128xf32, #tpu.memory_space<vmem>>, vector<1x16xf32>,
          %get3A_852 = vector.shape_cast %get3A_851 : vector<1x16xf32> to vector<16xf32>
          %add3A_853 = arith.addf %add3A_848, %get3A_852 : vector<16xf32>
          %max3A_854 = arith.constant 0.000000e+00 : f32
          %max3A_855 = vector.broadcast %max3A_854 : f32 to vector<16xf32>
          %max3A_856 = arith.maximumf %add3A_853, %max3A_855 : vector<16xf32>
          %swap3A_857 = arith.index_cast %add3A_839 : i32 to index
          %swap3A_858 = arith.constant 0 : index
          %swap3A_859 = tpu.vector_load %arg20[%swap3A_857, %swap3A_858] {strides = array<i32>} : memref<256x32xf32, #tpu.memory_space<vmem>>, vector<1x16xf32>,
          %swap3A_860 = vector.shape_cast %swap3A_859 : vector<1x16xf32> to vector<16xf32>
          %swap3A_861 = vector.shape_cast %max3A_856 : vector<16xf32> to vector<1x16xf32>
          tpu.vector_store %arg20[%swap3A_857, %swap3A_858], %swap3A_861 {strides = array<i32>} : memref<256x32xf32, #tpu.memory_space<vmem>>, vector<1x16xf32>,
          %get3A_862 = arith.index_cast %add3A_839 : i32 to index
          %get3A_863 = arith.constant 16 : index
          %get3A_864 = tpu.vector_load %arg15[%get3A_862, %get3A_863] {strides = array<i32>} : memref<256x32xf32, #tpu.memory_space<vmem>>, vector<1x16xf32>,
          %get3A_865 = vector.shape_cast %get3A_864 : vector<1x16xf32> to vector<16xf32>
          %get3A_866 = arith.index_cast %add3A_839 : i32 to index
          %get3A_867 = arith.constant 16 : index
          %get3A_868 = tpu.vector_load %arg16[%get3A_866, %get3A_867] {strides = array<i32>} : memref<256x32xf32, #tpu.memory_space<vmem>>, vector<1x16xf32>,
          %get3A_869 = vector.shape_cast %get3A_868 : vector<1x16xf32> to vector<16xf32>
          %add3A_870 = arith.addf %get3A_865, %get3A_869 : vector<16xf32>
          %get3A_871 = arith.index_cast %add3A_837 : i32 to index
          %get3A_872 = arith.constant 16 : index
          %get3A_873 = tpu.vector_load %arg18[%get3A_871, %get3A_872] {strides = array<i32>} : memref<64x128xf32, #tpu.memory_space<vmem>>, vector<1x16xf32>,
          %get3A_874 = vector.shape_cast %get3A_873 : vector<1x16xf32> to vector<16xf32>
          %add3A_875 = arith.addf %add3A_870, %get3A_874 : vector<16xf32>
          %max3A_876 = arith.constant 0.000000e+00 : f32
          %max3A_877 = vector.broadcast %max3A_876 : f32 to vector<16xf32>
          %max3A_878 = arith.maximumf %add3A_875, %max3A_877 : vector<16xf32>
          %swap3A_879 = arith.index_cast %add3A_839 : i32 to index
          %swap3A_880 = arith.constant 16 : index
          %swap3A_881 = tpu.vector_load %arg20[%swap3A_879, %swap3A_880] {strides = array<i32>} : memref<256x32xf32, #tpu.memory_space<vmem>>, vector<1x16xf32>,
          %swap3A_882 = vector.shape_cast %swap3A_881 : vector<1x16xf32> to vector<16xf32>
          %swap3A_883 = vector.shape_cast %max3A_878 : vector<16xf32> to vector<1x16xf32>
          tpu.vector_store %arg20[%swap3A_879, %swap3A_880], %swap3A_883 {strides = array<i32>} : memref<256x32xf32, #tpu.memory_space<vmem>>, vector<1x16xf32>,
          %add3A_884 = arith.constant 160 : i32
          %add3A_885 = arith.addi %add3A_884, %scan3A_652 : i32
          %get3A_886 = arith.index_cast %add3A_885 : i32 to index
          %get3A_887 = arith.constant 0 : index
          %get3A_888 = tpu.vector_load %arg15[%get3A_886, %get3A_887] {strides = array<i32>} : memref<256x32xf32, #tpu.memory_space<vmem>>, vector<1x16xf32>,
          %get3A_889 = vector.shape_cast %get3A_888 : vector<1x16xf32> to vector<16xf32>
          %get3A_890 = arith.index_cast %add3A_885 : i32 to index
          %get3A_891 = arith.constant 0 : index
          %get3A_892 = tpu.vector_load %arg16[%get3A_890, %get3A_891] {strides = array<i32>} : memref<256x32xf32, #tpu.memory_space<vmem>>, vector<1x16xf32>,
          %get3A_893 = vector.shape_cast %get3A_892 : vector<1x16xf32> to vector<16xf32>
          %add3A_894 = arith.addf %get3A_889, %get3A_893 : vector<16xf32>
          %get3A_895 = arith.index_cast %add3A_837 : i32 to index
          %get3A_896 = arith.constant 32 : index
          %get3A_897 = tpu.vector_load %arg18[%get3A_895, %get3A_896] {strides = array<i32>} : memref<64x128xf32, #tpu.memory_space<vmem>>, vector<1x16xf32>,
          %get3A_898 = vector.shape_cast %get3A_897 : vector<1x16xf32> to vector<16xf32>
          %add3A_899 = arith.addf %add3A_894, %get3A_898 : vector<16xf32>
          %max3A_900 = arith.constant 0.000000e+00 : f32
          %max3A_901 = vector.broadcast %max3A_900 : f32 to vector<16xf32>
          %max3A_902 = arith.maximumf %add3A_899, %max3A_901 : vector<16xf32>
          %swap3A_903 = arith.index_cast %add3A_885 : i32 to index
          %swap3A_904 = arith.constant 0 : index
          %swap3A_905 = tpu.vector_load %arg20[%swap3A_903, %swap3A_904] {strides = array<i32>} : memref<256x32xf32, #tpu.memory_space<vmem>>, vector<1x16xf32>,
          %swap3A_906 = vector.shape_cast %swap3A_905 : vector<1x16xf32> to vector<16xf32>
          %swap3A_907 = vector.shape_cast %max3A_902 : vector<16xf32> to vector<1x16xf32>
          tpu.vector_store %arg20[%swap3A_903, %swap3A_904], %swap3A_907 {strides = array<i32>} : memref<256x32xf32, #tpu.memory_space<vmem>>, vector<1x16xf32>,
          %get3A_908 = arith.index_cast %add3A_885 : i32 to index
          %get3A_909 = arith.constant 16 : index
          %get3A_910 = tpu.vector_load %arg15[%get3A_908, %get3A_909] {strides = array<i32>} : memref<256x32xf32, #tpu.memory_space<vmem>>, vector<1x16xf32>,
          %get3A_911 = vector.shape_cast %get3A_910 : vector<1x16xf32> to vector<16xf32>
          %get3A_912 = arith.index_cast %add3A_885 : i32 to index
          %get3A_913 = arith.constant 16 : index
          %get3A_914 = tpu.vector_load %arg16[%get3A_912, %get3A_913] {strides = array<i32>} : memref<256x32xf32, #tpu.memory_space<vmem>>, vector<1x16xf32>,
          %get3A_915 = vector.shape_cast %get3A_914 : vector<1x16xf32> to vector<16xf32>
          %add3A_916 = arith.addf %get3A_911, %get3A_915 : vector<16xf32>
          %get3A_917 = arith.index_cast %add3A_837 : i32 to index
          %get3A_918 = arith.constant 48 : index
          %get3A_919 = tpu.vector_load %arg18[%get3A_917, %get3A_918] {strides = array<i32>} : memref<64x128xf32, #tpu.memory_space<vmem>>, vector<1x16xf32>,
          %get3A_920 = vector.shape_cast %get3A_919 : vector<1x16xf32> to vector<16xf32>
          %add3A_921 = arith.addf %add3A_916, %get3A_920 : vector<16xf32>
          %max3A_922 = arith.constant 0.000000e+00 : f32
          %max3A_923 = vector.broadcast %max3A_922 : f32 to vector<16xf32>
          %max3A_924 = arith.maximumf %add3A_921, %max3A_923 : vector<16xf32>
          %swap3A_925 = arith.index_cast %add3A_885 : i32 to index
          %swap3A_926 = arith.constant 16 : index
          %swap3A_927 = tpu.vector_load %arg20[%swap3A_925, %swap3A_926] {strides = array<i32>} : memref<256x32xf32, #tpu.memory_space<vmem>>, vector<1x16xf32>,
          %swap3A_928 = vector.shape_cast %swap3A_927 : vector<1x16xf32> to vector<16xf32>
          %swap3A_929 = vector.shape_cast %max3A_924 : vector<16xf32> to vector<1x16xf32>
          tpu.vector_store %arg20[%swap3A_925, %swap3A_926], %swap3A_929 {strides = array<i32>} : memref<256x32xf32, #tpu.memory_space<vmem>>, vector<1x16xf32>,
          %add3A_930 = arith.constant 192 : i32
          %add3A_931 = arith.addi %add3A_930, %scan3A_652 : i32
          %get3A_932 = arith.index_cast %add3A_931 : i32 to index
          %get3A_933 = arith.constant 0 : index
          %get3A_934 = tpu.vector_load %arg15[%get3A_932, %get3A_933] {strides = array<i32>} : memref<256x32xf32, #tpu.memory_space<vmem>>, vector<1x16xf32>,
          %get3A_935 = vector.shape_cast %get3A_934 : vector<1x16xf32> to vector<16xf32>
          %get3A_936 = arith.index_cast %add3A_931 : i32 to index
          %get3A_937 = arith.constant 0 : index
          %get3A_938 = tpu.vector_load %arg16[%get3A_936, %get3A_937] {strides = array<i32>} : memref<256x32xf32, #tpu.memory_space<vmem>>, vector<1x16xf32>,
          %get3A_939 = vector.shape_cast %get3A_938 : vector<1x16xf32> to vector<16xf32>
          %add3A_940 = arith.addf %get3A_935, %get3A_939 : vector<16xf32>
          %get3A_941 = arith.index_cast %add3A_837 : i32 to index
          %get3A_942 = arith.constant 64 : index
          %get3A_943 = tpu.vector_load %arg18[%get3A_941, %get3A_942] {strides = array<i32>} : memref<64x128xf32, #tpu.memory_space<vmem>>, vector<1x16xf32>,
          %get3A_944 = vector.shape_cast %get3A_943 : vector<1x16xf32> to vector<16xf32>
          %add3A_945 = arith.addf %add3A_940, %get3A_944 : vector<16xf32>
          %max3A_946 = arith.constant 0.000000e+00 : f32
          %max3A_947 = vector.broadcast %max3A_946 : f32 to vector<16xf32>
          %max3A_948 = arith.maximumf %add3A_945, %max3A_947 : vector<16xf32>
          %swap3A_949 = arith.index_cast %add3A_931 : i32 to index
          %swap3A_950 = arith.constant 0 : index
          %swap3A_951 = tpu.vector_load %arg20[%swap3A_949, %swap3A_950] {strides = array<i32>} : memref<256x32xf32, #tpu.memory_space<vmem>>, vector<1x16xf32>,
          %swap3A_952 = vector.shape_cast %swap3A_951 : vector<1x16xf32> to vector<16xf32>
          %swap3A_953 = vector.shape_cast %max3A_948 : vector<16xf32> to vector<1x16xf32>
          tpu.vector_store %arg20[%swap3A_949, %swap3A_950], %swap3A_953 {strides = array<i32>} : memref<256x32xf32, #tpu.memory_space<vmem>>, vector<1x16xf32>,
          %get3A_954 = arith.index_cast %add3A_931 : i32 to index
          %get3A_955 = arith.constant 16 : index
          %get3A_956 = tpu.vector_load %arg15[%get3A_954, %get3A_955] {strides = array<i32>} : memref<256x32xf32, #tpu.memory_space<vmem>>, vector<1x16xf32>,
          %get3A_957 = vector.shape_cast %get3A_956 : vector<1x16xf32> to vector<16xf32>
          %get3A_958 = arith.index_cast %add3A_931 : i32 to index
          %get3A_959 = arith.constant 16 : index
          %get3A_960 = tpu.vector_load %arg16[%get3A_958, %get3A_959] {strides = array<i32>} : memref<256x32xf32, #tpu.memory_space<vmem>>, vector<1x16xf32>,
          %get3A_961 = vector.shape_cast %get3A_960 : vector<1x16xf32> to vector<16xf32>
          %add3A_962 = arith.addf %get3A_957, %get3A_961 : vector<16xf32>
          %get3A_963 = arith.index_cast %add3A_837 : i32 to index
          %get3A_964 = arith.constant 80 : index
          %get3A_965 = tpu.vector_load %arg18[%get3A_963, %get3A_964] {strides = array<i32>} : memref<64x128xf32, #tpu.memory_space<vmem>>, vector<1x16xf32>,
          %get3A_966 = vector.shape_cast %get3A_965 : vector<1x16xf32> to vector<16xf32>
          %add3A_967 = arith.addf %add3A_962, %get3A_966 : vector<16xf32>
          %max3A_968 = arith.constant 0.000000e+00 : f32
          %max3A_969 = vector.broadcast %max3A_968 : f32 to vector<16xf32>
          %max3A_970 = arith.maximumf %add3A_967, %max3A_969 : vector<16xf32>
          %swap3A_971 = arith.index_cast %add3A_931 : i32 to index
          %swap3A_972 = arith.constant 16 : index
          %swap3A_973 = tpu.vector_load %arg20[%swap3A_971, %swap3A_972] {strides = array<i32>} : memref<256x32xf32, #tpu.memory_space<vmem>>, vector<1x16xf32>,
          %swap3A_974 = vector.shape_cast %swap3A_973 : vector<1x16xf32> to vector<16xf32>
          %swap3A_975 = vector.shape_cast %max3A_970 : vector<16xf32> to vector<1x16xf32>
          tpu.vector_store %arg20[%swap3A_971, %swap3A_972], %swap3A_975 {strides = array<i32>} : memref<256x32xf32, #tpu.memory_space<vmem>>, vector<1x16xf32>,
          %add3A_976 = arith.constant 224 : i32
          %add3A_977 = arith.addi %add3A_976, %scan3A_652 : i32
          %get3A_978 = arith.index_cast %add3A_977 : i32 to index
          %get3A_979 = arith.constant 0 : index
          %get3A_980 = tpu.vector_load %arg15[%get3A_978, %get3A_979] {strides = array<i32>} : memref<256x32xf32, #tpu.memory_space<vmem>>, vector<1x16xf32>,
          %get3A_981 = vector.shape_cast %get3A_980 : vector<1x16xf32> to vector<16xf32>
          %get3A_982 = arith.index_cast %add3A_977 : i32 to index
          %get3A_983 = arith.constant 0 : index
          %get3A_984 = tpu.vector_load %arg16[%get3A_982, %get3A_983] {strides = array<i32>} : memref<256x32xf32, #tpu.memory_space<vmem>>, vector<1x16xf32>,
          %get3A_985 = vector.shape_cast %get3A_984 : vector<1x16xf32> to vector<16xf32>
          %add3A_986 = arith.addf %get3A_981, %get3A_985 : vector<16xf32>
          %get3A_987 = arith.index_cast %add3A_837 : i32 to index
          %get3A_988 = arith.constant 96 : index
          %get3A_989 = tpu.vector_load %arg18[%get3A_987, %get3A_988] {strides = array<i32>} : memref<64x128xf32, #tpu.memory_space<vmem>>, vector<1x16xf32>,
          %get3A_990 = vector.shape_cast %get3A_989 : vector<1x16xf32> to vector<16xf32>
          %add3A_991 = arith.addf %add3A_986, %get3A_990 : vector<16xf32>
          %max3A_992 = arith.constant 0.000000e+00 : f32
          %max3A_993 = vector.broadcast %max3A_992 : f32 to vector<16xf32>
          %max3A_994 = arith.maximumf %add3A_991, %max3A_993 : vector<16xf32>
          %swap3A_995 = arith.index_cast %add3A_977 : i32 to index
          %swap3A_996 = arith.constant 0 : index
          %swap3A_997 = tpu.vector_load %arg20[%swap3A_995, %swap3A_996] {strides = array<i32>} : memref<256x32xf32, #tpu.memory_space<vmem>>, vector<1x16xf32>,
          %swap3A_998 = vector.shape_cast %swap3A_997 : vector<1x16xf32> to vector<16xf32>
          %swap3A_999 = vector.shape_cast %max3A_994 : vector<16xf32> to vector<1x16xf32>
          tpu.vector_store %arg20[%swap3A_995, %swap3A_996], %swap3A_999 {strides = array<i32>} : memref<256x32xf32, #tpu.memory_space<vmem>>, vector<1x16xf32>,
          %get3A_1000 = arith.index_cast %add3A_977 : i32 to index
          %get3A_1001 = arith.constant 16 : index
          %get3A_1002 = tpu.vector_load %arg15[%get3A_1000, %get3A_1001] {strides = array<i32>} : memref<256x32xf32, #tpu.memory_space<vmem>>, vector<1x16xf32>,
          %get3A_1003 = vector.shape_cast %get3A_1002 : vector<1x16xf32> to vector<16xf32>
          %get3A_1004 = arith.index_cast %add3A_977 : i32 to index
          %get3A_1005 = arith.constant 16 : index
          %get3A_1006 = tpu.vector_load %arg16[%get3A_1004, %get3A_1005] {strides = array<i32>} : memref<256x32xf32, #tpu.memory_space<vmem>>, vector<1x16xf32>,
          %get3A_1007 = vector.shape_cast %get3A_1006 : vector<1x16xf32> to vector<16xf32>
          %add3A_1008 = arith.addf %get3A_1003, %get3A_1007 : vector<16xf32>
          %get3A_1009 = arith.index_cast %add3A_837 : i32 to index
          %get3A_1010 = arith.constant 112 : index
          %get3A_1011 = tpu.vector_load %arg18[%get3A_1009, %get3A_1010] {strides = array<i32>} : memref<64x128xf32, #tpu.memory_space<vmem>>, vector<1x16xf32>,
          %get3A_1012 = vector.shape_cast %get3A_1011 : vector<1x16xf32> to vector<16xf32>
          %add3A_1013 = arith.addf %add3A_1008, %get3A_1012 : vector<16xf32>
          %max3A_1014 = arith.constant 0.000000e+00 : f32
          %max3A_1015 = vector.broadcast %max3A_1014 : f32 to vector<16xf32>
          %max3A_1016 = arith.maximumf %add3A_1013, %max3A_1015 : vector<16xf32>
          %swap3A_1017 = arith.index_cast %add3A_977 : i32 to index
          %swap3A_1018 = arith.constant 16 : index
          %swap3A_1019 = tpu.vector_load %arg20[%swap3A_1017, %swap3A_1018] {strides = array<i32>} : memref<256x32xf32, #tpu.memory_space<vmem>>, vector<1x16xf32>,
          %swap3A_1020 = vector.shape_cast %swap3A_1019 : vector<1x16xf32> to vector<16xf32>
          %swap3A_1021 = vector.shape_cast %max3A_1016 : vector<16xf32> to vector<1x16xf32>
          tpu.vector_store %arg20[%swap3A_1017, %swap3A_1018], %swap3A_1021 {strides = array<i32>} : memref<256x32xf32, #tpu.memory_space<vmem>>, vector<1x16xf32>,
        }
        %scan3A_651 = arith.constant 32 : i32
      } else {
      }
      %convert_element_type3A_640 = arith.extui %lt3A_622 : i1 to i32
      %cond3A_641 = arith.constant 0 : i32
      %cond3A_642 = arith.cmpi ne, %convert_element_type3A_640, %cond3A_641 : i32
      scf.if %cond3A_642 {
        %add3A_646 = arith.constant 64 : i32
        %add3A_647 = arith.addi %add3A_612, %add3A_646 : i32
        %mul3A_648 = arith.constant 32 : i32
        %mul3A_649 = arith.muli %add3A_647, %mul3A_648 : i32
        %dma_start3A_650 = arith.constant 0 : i32
        %dma_start3A_651 = arith.constant 0 : i32
        %dma_start3A_652 = tpu.memref_slice %arg18[%dma_start3A_650, %dma_start3A_651] : memref<64x128xf32, #tpu.memory_space<vmem>> -> memref<32x128xf32, #tpu.memory_space<vmem>>
        %dma_start3A_653 = arith.constant 0 : i32
        %dma_start3A_654 = tpu.memref_slice %arg4[%mul3A_649, %dma_start3A_653] : memref<40000x128xf32, #tpu.memory_space<hbm>> -> memref<32x128xf32, #tpu.memory_space<hbm>>
        %dma_start3A_655 = arith.constant 0 : i32
        %dma_start3A_656 = arith.constant 0 : i32
        %dma_start3A_657 = tpu.memref_slice %arg18[%dma_start3A_655, %dma_start3A_656] : memref<64x128xf32, #tpu.memory_space<vmem>> -> memref<32x128xf32, #tpu.memory_space<vmem>>
        %dma_start3A_658 = arith.constant 0 : i32
        %dma_start3A_659 = tpu.memref_slice %arg4[%mul3A_649, %dma_start3A_658] : memref<40000x128xf32, #tpu.memory_space<hbm>> -> memref<32x128xf32, #tpu.memory_space<hbm>>
        tpu.enqueue_dma source(%dma_start3A_659 : memref<32x128xf32, #tpu.memory_space<hbm>>) target(%dma_start3A_657 : memref<32x128xf32, #tpu.memory_space<vmem>>) target_semaphore(%arg29 : memref<!tpu.dma_semaphore, #tpu.memory_space<semaphore_mem>>)
        %mul3A_660 = arith.constant 32 : i32
        %mul3A_661 = arith.muli %add3A_647, %mul3A_660 : i32
        %dma_start3A_662 = arith.constant 32 : i32
        %dma_start3A_663 = arith.constant 0 : i32
        %dma_start3A_664 = tpu.memref_slice %arg18[%dma_start3A_662, %dma_start3A_663] : memref<64x128xf32, #tpu.memory_space<vmem>> -> memref<32x128xf32, #tpu.memory_space<vmem>>
        %dma_start3A_665 = arith.constant 0 : i32
        %dma_start3A_666 = tpu.memref_slice %arg5[%mul3A_661, %dma_start3A_665] : memref<40000x128xf32, #tpu.memory_space<hbm>> -> memref<32x128xf32, #tpu.memory_space<hbm>>
        %dma_start3A_667 = arith.constant 32 : i32
        %dma_start3A_668 = arith.constant 0 : i32
        %dma_start3A_669 = tpu.memref_slice %arg18[%dma_start3A_667, %dma_start3A_668] : memref<64x128xf32, #tpu.memory_space<vmem>> -> memref<32x128xf32, #tpu.memory_space<vmem>>
        %dma_start3A_670 = arith.constant 0 : i32
        %dma_start3A_671 = tpu.memref_slice %arg5[%mul3A_661, %dma_start3A_670] : memref<40000x128xf32, #tpu.memory_space<hbm>> -> memref<32x128xf32, #tpu.memory_space<hbm>>
        tpu.enqueue_dma source(%dma_start3A_671 : memref<32x128xf32, #tpu.memory_space<hbm>>) target(%dma_start3A_669 : memref<32x128xf32, #tpu.memory_space<vmem>>) target_semaphore(%arg29 : memref<!tpu.dma_semaphore, #tpu.memory_space<semaphore_mem>>)
      } else {
      }
      %convert_element_type3A_643 = arith.extui %lt3A_614 : i1 to i32
      %cond3A_644 = arith.constant 0 : i32
      %cond3A_645 = arith.cmpi ne, %convert_element_type3A_643, %cond3A_644 : i32
      scf.if %cond3A_645 {
        %dma_start3A_646 = arith.constant 1 : i32
        %dma_start3A_647 = arith.constant 0 : i32
        %dma_start3A_648 = tpu.memref_slice %arg12[%dma_start3A_646, %dma_start3A_647] : memref<2x256xi32, #tpu.memory_space<vmem>> -> memref<1x256xi32, #tpu.memory_space<vmem>>
        %dma_start3A_649 = tpu.memref_squeeze %dma_start3A_648 : memref<1x256xi32, #tpu.memory_space<vmem>> -> memref<256xi32, #tpu.memory_space<vmem>>
        %dma_start3A_650 = arith.constant 0 : i32
        %dma_start3A_651 = arith.constant 0 : i32
        %dma_start3A_652 = tpu.memref_slice %arg24[%dma_start3A_650, %dma_start3A_651] : memref<10240x32xf32, #tpu.memory_space<vmem_shared>> -> memref<10240x32xf32, #tpu.memory_space<vmem_shared>>
        tpu.enqueue_indirect_dma source(%arg20 : memref<256x32xf32, #tpu.memory_space<vmem>>) target(%dma_start3A_652 : memref<10240x32xf32, #tpu.memory_space<vmem_shared>>) offsets(%dma_start3A_649 : memref<256xi32, #tpu.memory_space<vmem>>) semaphore(%arg33 : memref<!tpu.dma_semaphore, #tpu.memory_space<semaphore_mem>>) {add = true}
        %dma_start3A_653 = arith.constant 1 : i32
        %dma_start3A_654 = arith.constant 0 : i32
        %dma_start3A_655 = tpu.memref_slice %arg12[%dma_start3A_653, %dma_start3A_654] : memref<2x256xi32, #tpu.memory_space<vmem>> -> memref<1x256xi32, #tpu.memory_space<vmem>>
        %dma_start3A_656 = tpu.memref_squeeze %dma_start3A_655 : memref<1x256xi32, #tpu.memory_space<vmem>> -> memref<256xi32, #tpu.memory_space<vmem>>
        %dma_start3A_657 = arith.constant 0 : i32
        %dma_start3A_658 = tpu.memref_slice %arg25[%dma_start3A_657] : memref<10240xf32, #tpu.memory_space<vmem_shared>> -> memref<10240xf32, #tpu.memory_space<vmem_shared>>
        tpu.enqueue_indirect_dma source(%arg21 : memref<256xf32, #tpu.memory_space<vmem>>) target(%dma_start3A_658 : memref<10240xf32, #tpu.memory_space<vmem_shared>>) offsets(%dma_start3A_656 : memref<256xi32, #tpu.memory_space<vmem>>) semaphore(%arg33 : memref<!tpu.dma_semaphore, #tpu.memory_space<semaphore_mem>>) {add = true}
      } else {
      }
    }
    %scan3A_459 = arith.constant 10 : i32
    %dma_wait3A_460 = arith.constant 1 : i32
    %dma_wait3A_461 = arith.constant 0 : i32
    %dma_wait3A_462 = tpu.memref_slice %arg11[%dma_wait3A_460, %dma_wait3A_461] : memref<2x256xi32, #tpu.memory_space<vmem>> -> memref<1x256xi32, #tpu.memory_space<vmem>>
    %dma_wait3A_463 = tpu.memref_squeeze %dma_wait3A_462 : memref<1x256xi32, #tpu.memory_space<vmem>> -> memref<256xi32, #tpu.memory_space<vmem>>
    %dma_wait3A_464 = arith.constant 0 : i32
    %dma_wait3A_465 = arith.constant 0 : i32
    %dma_wait3A_466 = tpu.memref_slice %arg24[%dma_wait3A_464, %dma_wait3A_465] : memref<10240x32xf32, #tpu.memory_space<vmem_shared>> -> memref<10240x32xf32, #tpu.memory_space<vmem_shared>>
    tpu.wait_indirect_dma semaphore(%arg32 : memref<!tpu.dma_semaphore, #tpu.memory_space<semaphore_mem>>) src(%arg19 : memref<256x32xf32, #tpu.memory_space<vmem>>) dst(%dma_wait3A_466 : memref<10240x32xf32, #tpu.memory_space<vmem_shared>>)
    %dma_wait3A_467 = arith.constant 1 : i32
    %dma_wait3A_468 = arith.constant 0 : i32
    %dma_wait3A_469 = tpu.memref_slice %arg11[%dma_wait3A_467, %dma_wait3A_468] : memref<2x256xi32, #tpu.memory_space<vmem>> -> memref<1x256xi32, #tpu.memory_space<vmem>>
    %dma_wait3A_470 = tpu.memref_squeeze %dma_wait3A_469 : memref<1x256xi32, #tpu.memory_space<vmem>> -> memref<256xi32, #tpu.memory_space<vmem>>
    %dma_wait3A_471 = arith.constant 0 : i32
    %dma_wait3A_472 = tpu.memref_slice %arg25[%dma_wait3A_471] : memref<10240xf32, #tpu.memory_space<vmem_shared>> -> memref<10240xf32, #tpu.memory_space<vmem_shared>>
    tpu.wait_indirect_dma semaphore(%arg32 : memref<!tpu.dma_semaphore, #tpu.memory_space<semaphore_mem>>) src(%arg21 : memref<256xf32, #tpu.memory_space<vmem>>) dst(%dma_wait3A_472 : memref<10240xf32, #tpu.memory_space<vmem_shared>>)
    %add3A_473 = arith.constant 1248 : i32
    %add3A_474 = arith.addi %add3A_473, %add3A : i32
    %lt3A = arith.constant 1250 : i32
    %lt3A_475 = arith.cmpi slt, %add3A_474, %lt3A : i32
    %convert_element_type3A = arith.extui %lt3A_475 : i1 to i32
    %cond3A = arith.constant 0 : i32
    %cond3A_476 = arith.cmpi ne, %convert_element_type3A, %cond3A : i32
    scf.if %cond3A_476 {
      %dma_wait3A_486 = arith.constant 1 : i32
      %dma_wait3A_487 = arith.constant 0 : i32
      %dma_wait3A_488 = tpu.memref_slice %arg12[%dma_wait3A_486, %dma_wait3A_487] : memref<2x256xi32, #tpu.memory_space<vmem>> -> memref<1x256xi32, #tpu.memory_space<vmem>>
      %dma_wait3A_489 = tpu.memref_squeeze %dma_wait3A_488 : memref<1x256xi32, #tpu.memory_space<vmem>> -> memref<256xi32, #tpu.memory_space<vmem>>
      %dma_wait3A_490 = arith.constant 0 : i32
      %dma_wait3A_491 = arith.constant 0 : i32
      %dma_wait3A_492 = tpu.memref_slice %arg24[%dma_wait3A_490, %dma_wait3A_491] : memref<10240x32xf32, #tpu.memory_space<vmem_shared>> -> memref<10240x32xf32, #tpu.memory_space<vmem_shared>>
      tpu.wait_indirect_dma semaphore(%arg33 : memref<!tpu.dma_semaphore, #tpu.memory_space<semaphore_mem>>) src(%arg20 : memref<256x32xf32, #tpu.memory_space<vmem>>) dst(%dma_wait3A_492 : memref<10240x32xf32, #tpu.memory_space<vmem_shared>>)
      %dma_wait3A_493 = arith.constant 1 : i32
      %dma_wait3A_494 = arith.constant 0 : i32
      %dma_wait3A_495 = tpu.memref_slice %arg12[%dma_wait3A_493, %dma_wait3A_494] : memref<2x256xi32, #tpu.memory_space<vmem>> -> memref<1x256xi32, #tpu.memory_space<vmem>>
      %dma_wait3A_496 = tpu.memref_squeeze %dma_wait3A_495 : memref<1x256xi32, #tpu.memory_space<vmem>> -> memref<256xi32, #tpu.memory_space<vmem>>
      %dma_wait3A_497 = arith.constant 0 : i32
      %dma_wait3A_498 = tpu.memref_slice %arg25[%dma_wait3A_497] : memref<10240xf32, #tpu.memory_space<vmem_shared>> -> memref<10240xf32, #tpu.memory_space<vmem_shared>>
      tpu.wait_indirect_dma semaphore(%arg33 : memref<!tpu.dma_semaphore, #tpu.memory_space<semaphore_mem>>) src(%arg21 : memref<256xf32, #tpu.memory_space<vmem>>) dst(%dma_wait3A_498 : memref<10240xf32, #tpu.memory_space<vmem_shared>>)
    } else {
    }
    %barrier3A_477 = arith.constant 0 : index
    tpu.barrier barrier_id(%barrier3A_477)
    %mul3A_478 = arith.constant 640 : i32
    %mul3A_479 = arith.muli %arg1, %mul3A_478 : i32
    %mul3A_480 = arith.constant 640 : i32
    %mul3A_481 = arith.muli %arg1, %mul3A_480 : i32
    "tpu.region"() ({
      %run_scoped3A = tpu.sem_alloc : memref<!tpu.dma_semaphore, #tpu.memory_space<semaphore_mem>>
      %dma_start3A_486 = arith.constant 0 : i32
      %dma_start3A_487 = tpu.memref_slice %arg7[%arg0, %mul3A_481, %dma_start3A_486] : memref<2x10240x32xf32, #tpu.memory_space<hbm>> -> memref<1x640x32xf32, #tpu.memory_space<hbm>>
      %dma_start3A_488 = tpu.memref_squeeze %dma_start3A_487 : memref<1x640x32xf32, #tpu.memory_space<hbm>> -> memref<640x32xf32, #tpu.memory_space<hbm>>
      %dma_start3A_489 = arith.constant 0 : i32
      %dma_start3A_490 = tpu.memref_slice %arg24[%mul3A_479, %dma_start3A_489] : memref<10240x32xf32, #tpu.memory_space<vmem_shared>> -> memref<640x32xf32, #tpu.memory_space<vmem_shared>>
      tpu.enqueue_dma source(%dma_start3A_490 : memref<640x32xf32, #tpu.memory_space<vmem_shared>>) target(%dma_start3A_488 : memref<640x32xf32, #tpu.memory_space<hbm>>) target_semaphore(%run_scoped3A : memref<!tpu.dma_semaphore, #tpu.memory_space<semaphore_mem>>)
      %dma_wait3A_491 = arith.constant 0 : i32
      %dma_wait3A_492 = tpu.memref_slice %arg7[%arg0, %mul3A_481, %dma_wait3A_491] : memref<2x10240x32xf32, #tpu.memory_space<hbm>> -> memref<1x640x32xf32, #tpu.memory_space<hbm>>
      %dma_wait3A_493 = tpu.memref_squeeze %dma_wait3A_492 : memref<1x640x32xf32, #tpu.memory_space<hbm>> -> memref<640x32xf32, #tpu.memory_space<hbm>>
      %dma_wait3A_494 = arith.constant 0 : i32
      %dma_wait3A_495 = tpu.memref_slice %arg24[%mul3A_479, %dma_wait3A_494] : memref<10240x32xf32, #tpu.memory_space<vmem_shared>> -> memref<640x32xf32, #tpu.memory_space<vmem_shared>>
      tpu.wait_dma2 semaphore(%run_scoped3A : memref<!tpu.dma_semaphore, #tpu.memory_space<semaphore_mem>>) src(%dma_wait3A_495 : memref<640x32xf32, #tpu.memory_space<vmem_shared>>) dst(%dma_wait3A_493 : memref<640x32xf32, #tpu.memory_space<hbm>>)
      tpu.yield
    }) : () -> ()
    %mul3A_482 = arith.constant 640 : i32
    %mul3A_483 = arith.muli %arg1, %mul3A_482 : i32
    %mul3A_484 = arith.constant 640 : i32
    %mul3A_485 = arith.muli %arg1, %mul3A_484 : i32
    "tpu.region"() ({
      %run_scoped3A = tpu.sem_alloc : memref<!tpu.dma_semaphore, #tpu.memory_space<semaphore_mem>>
      %dma_start3A_486 = tpu.memref_slice %arg8[%arg0, %mul3A_485] : memref<2x10240xf32, #tpu.memory_space<hbm>> -> memref<1x640xf32, #tpu.memory_space<hbm>>
      %dma_start3A_487 = tpu.memref_squeeze %dma_start3A_486 : memref<1x640xf32, #tpu.memory_space<hbm>> -> memref<640xf32, #tpu.memory_space<hbm>>
      %dma_start3A_488 = tpu.memref_slice %arg25[%mul3A_483] : memref<10240xf32, #tpu.memory_space<vmem_shared>> -> memref<640xf32, #tpu.memory_space<vmem_shared>>
      tpu.enqueue_dma source(%dma_start3A_488 : memref<640xf32, #tpu.memory_space<vmem_shared>>) target(%dma_start3A_487 : memref<640xf32, #tpu.memory_space<hbm>>) target_semaphore(%run_scoped3A : memref<!tpu.dma_semaphore, #tpu.memory_space<semaphore_mem>>)
      %dma_wait3A_489 = tpu.memref_slice %arg8[%arg0, %mul3A_485] : memref<2x10240xf32, #tpu.memory_space<hbm>> -> memref<1x640xf32, #tpu.memory_space<hbm>>
      %dma_wait3A_490 = tpu.memref_squeeze %dma_wait3A_489 : memref<1x640xf32, #tpu.memory_space<hbm>> -> memref<640xf32, #tpu.memory_space<hbm>>
      %dma_wait3A_491 = tpu.memref_slice %arg25[%mul3A_483] : memref<10240xf32, #tpu.memory_space<vmem_shared>> -> memref<640xf32, #tpu.memory_space<vmem_shared>>
      tpu.wait_dma2 semaphore(%run_scoped3A : memref<!tpu.dma_semaphore, #tpu.memory_space<semaphore_mem>>) src(%dma_wait3A_491 : memref<640xf32, #tpu.memory_space<vmem_shared>>) dst(%dma_wait3A_490 : memref<640xf32, #tpu.memory_space<hbm>>)
      tpu.yield
    }) : () -> ()
    return
  }
}

module attributes {stable_mosaic.version = 14 : i64} {
  func.func @_pre_nodes_body(%arg0: i32, %arg1: memref<1000x128xf32, #tpu.memory_space<vmem>>, %arg2: memref<128x32xf32, #tpu.memory_space<vmem>>, %arg3: memref<128x32xf32, #tpu.memory_space<vmem>>, %arg4: memref<1x32xf32, #tpu.memory_space<vmem>>, %arg5: memref<1000x32xf32, #tpu.memory_space<vmem>>, %arg6: memref<1000x32xf32, #tpu.memory_space<vmem>>) attributes {dimension_semantics = [#tpu.dimension_semantics<arbitrary>], iteration_bounds = array<i64: 10>, scalar_prefetch = 0 : i64, scratch_operands = 0 : i64, tpu.core_type = #tpu.core_type<tc>, window_params = [{transform_indices = @transform_0, window_bounds = array<i64: 1000, 128>}, {pipeline_mode = #tpu.pipeline_mode<synchronous>, transform_indices = @transform_1, window_bounds = array<i64: 128, 32>}, {pipeline_mode = #tpu.pipeline_mode<synchronous>, transform_indices = @transform_2, window_bounds = array<i64: 128, 32>}, {pipeline_mode = #tpu.pipeline_mode<synchronous>, transform_indices = @transform_3, window_bounds = array<i64: 1, 32>}, {transform_indices = @transform_4, window_bounds = array<i64: 1000, 32>}, {transform_indices = @transform_5, window_bounds = array<i64: 1000, 32>}]} {
    %get3A = arith.constant 0 : index
    %get3A_0 = arith.constant 0 : index
    %get3A_1 = vector.load %arg1[%get3A, %get3A_0] : memref<1000x128xf32, #tpu.memory_space<vmem>>, vector<1000x128xf32>
    %get3A_2 = arith.constant 0 : index
    %get3A_3 = arith.constant 0 : index
    %get3A_4 = vector.load %arg2[%get3A_2, %get3A_3] : memref<128x32xf32, #tpu.memory_space<vmem>>, vector<128x32xf32>
    %dot_general3A = arith.constant dense<0.000000e+00> : vector<1000x32xf32>
    %dot_general3A_5 = tpu.matmul %get3A_1, %get3A_4, %dot_general3A {dimension_numbers = #tpu.dot_dimension_numbers<[1], [0], [0], [1], [0, 0, 1, 1], [], []>, transpose_lhs_hint = false} : vector<1000x128xf32>, vector<128x32xf32>, vector<1000x32xf32> -> vector<1000x32xf32>
    %swap3A = arith.constant 0 : index
    %swap3A_6 = arith.constant 0 : index
    %swap3A_7 = vector.load %arg5[%swap3A, %swap3A_6] : memref<1000x32xf32, #tpu.memory_space<vmem>>, vector<1000x32xf32>
    tpu.vector_store %arg5[%swap3A, %swap3A_6], %dot_general3A_5 {strides = array<i32>} : memref<1000x32xf32, #tpu.memory_space<vmem>>, vector<1000x32xf32>,
    %get3A_8 = arith.constant 0 : index
    %get3A_9 = arith.constant 0 : index
    %get3A_10 = vector.load %arg3[%get3A_8, %get3A_9] : memref<128x32xf32, #tpu.memory_space<vmem>>, vector<128x32xf32>
    %dot_general3A_11 = arith.constant dense<0.000000e+00> : vector<1000x32xf32>
    %dot_general3A_12 = tpu.matmul %get3A_1, %get3A_10, %dot_general3A_11 {dimension_numbers = #tpu.dot_dimension_numbers<[1], [0], [0], [1], [0, 0, 1, 1], [], []>, transpose_lhs_hint = false} : vector<1000x128xf32>, vector<128x32xf32>, vector<1000x32xf32> -> vector<1000x32xf32>
    %get3A_13 = arith.constant 0 : index
    %get3A_14 = arith.constant 0 : index
    %get3A_15 = vector.load %arg4[%get3A_13, %get3A_14] : memref<1x32xf32, #tpu.memory_space<vmem>>, vector<1x32xf32>
    %add3A = vector.broadcast %get3A_15 : vector<1x32xf32> to vector<1000x32xf32>
    %add3A_16 = arith.addf %dot_general3A_12, %add3A : vector<1000x32xf32>
    %swap3A_17 = arith.constant 0 : index
    %swap3A_18 = arith.constant 0 : index
    %swap3A_19 = vector.load %arg6[%swap3A_17, %swap3A_18] : memref<1000x32xf32, #tpu.memory_space<vmem>>, vector<1000x32xf32>
    tpu.vector_store %arg6[%swap3A_17, %swap3A_18], %add3A_16 {strides = array<i32>} : memref<1000x32xf32, #tpu.memory_space<vmem>>, vector<1000x32xf32>,
    return
  }
  func.func @transform_0(%arg0: i32) -> (i32, i32) {
    %c0_i32 = arith.constant 0 : i32
    %c0_i32_0 = arith.constant 0 : i32
    return %arg0, %c0_i32 : i32, i32
  }
  func.func @transform_1(%arg0: i32) -> (i32, i32) {
    %c0_i32 = arith.constant 0 : i32
    %c0_i32_0 = arith.constant 0 : i32
    %c0_i32_1 = arith.constant 0 : i32
    return %c0_i32, %c0_i32_0 : i32, i32
  }
  func.func @transform_2(%arg0: i32) -> (i32, i32) {
    %c0_i32 = arith.constant 0 : i32
    %c0_i32_0 = arith.constant 0 : i32
    %c0_i32_1 = arith.constant 0 : i32
    return %c0_i32, %c0_i32_0 : i32, i32
  }
  func.func @transform_3(%arg0: i32) -> (i32, i32) {
    %c0_i32 = arith.constant 0 : i32
    %c0_i32_0 = arith.constant 0 : i32
    %c0_i32_1 = arith.constant 0 : i32
    return %c0_i32, %c0_i32_0 : i32, i32
  }
  func.func @transform_4(%arg0: i32) -> (i32, i32) {
    %c0_i32 = arith.constant 0 : i32
    %c0_i32_0 = arith.constant 0 : i32
    return %arg0, %c0_i32 : i32, i32
  }
  func.func @transform_5(%arg0: i32) -> (i32, i32) {
    %c0_i32 = arith.constant 0 : i32
    %c0_i32_0 = arith.constant 0 : i32
    return %arg0, %c0_i32 : i32, i32
  }
}

module attributes {stable_mosaic.version = 14 : i64} {
  func.func @_pre_edges_body(%arg0: i32, %arg1: memref<16x12800xf32, #tpu.memory_space<vmem>>, %arg2: memref<4x16x128xbf16, #tpu.memory_space<vmem>>, %arg3: memref<1600x128xf32, #tpu.memory_space<vmem>>, %arg4: memref<1600x128xf32, #tpu.memory_space<vmem>>) attributes {dimension_semantics = [#tpu.dimension_semantics<arbitrary>], iteration_bounds = array<i64: 25>, scalar_prefetch = 0 : i64, scratch_operands = 0 : i64, tpu.core_type = #tpu.core_type<tc>, window_params = [{transform_indices = @transform_0, window_bounds = array<i64: 16, 12800>}, {pipeline_mode = #tpu.pipeline_mode<synchronous>, transform_indices = @transform_1, window_bounds = array<i64: 4, 16, 128>}, {transform_indices = @transform_2, window_bounds = array<i64: 1600, 128>}, {transform_indices = @transform_3, window_bounds = array<i64: 1600, 128>}]} {
    %get3A = arith.constant 0 : index
    %get3A_0 = arith.constant 0 : index
    %get3A_1 = vector.load %arg1[%get3A, %get3A_0] : memref<16x12800xf32, #tpu.memory_space<vmem>>, vector<16x12800xf32>
    %convert_element_type3A = arith.truncf %get3A_1 : vector<16x12800xf32> to vector<16x12800xbf16>
    %slice3A = vector.extract_strided_slice %convert_element_type3A {offsets = [0, 0], sizes = [16, 1600], strides = [1, 1]} : vector<16x12800xbf16> to vector<16x1600xbf16>
    %get3A_2 = arith.constant 0 : index
    %get3A_3 = arith.constant 0 : index
    %get3A_4 = arith.constant 0 : index
    %get3A_5 = vector.load %arg2[%get3A_2, %get3A_3, %get3A_4] : memref<4x16x128xbf16, #tpu.memory_space<vmem>>, vector<1x16x128xbf16>
    %get3A_6 = vector.shape_cast %get3A_5 : vector<1x16x128xbf16> to vector<16x128xbf16>
    %dot_general3A = arith.constant dense<0.000000e+00> : vector<1600x128xf32>
    %dot_general3A_7 = tpu.matmul %slice3A, %get3A_6, %dot_general3A {dimension_numbers = #tpu.dot_dimension_numbers<[0], [0], [1], [1], [0, 1, 1, 1], [], []>, transpose_lhs_hint = true} : vector<16x1600xbf16>, vector<16x128xbf16>, vector<1600x128xf32> -> vector<1600x128xf32>
    %slice3A_8 = vector.extract_strided_slice %convert_element_type3A {offsets = [0, 1600], sizes = [16, 1600], strides = [1, 1]} : vector<16x12800xbf16> to vector<16x1600xbf16>
    %get3A_9 = arith.constant 1 : index
    %get3A_10 = arith.constant 0 : index
    %get3A_11 = arith.constant 0 : index
    %get3A_12 = vector.load %arg2[%get3A_9, %get3A_10, %get3A_11] : memref<4x16x128xbf16, #tpu.memory_space<vmem>>, vector<1x16x128xbf16>
    %get3A_13 = vector.shape_cast %get3A_12 : vector<1x16x128xbf16> to vector<16x128xbf16>
    %dot_general3A_14 = arith.constant dense<0.000000e+00> : vector<1600x128xf32>
    %dot_general3A_15 = tpu.matmul %slice3A_8, %get3A_13, %dot_general3A_14 {dimension_numbers = #tpu.dot_dimension_numbers<[0], [0], [1], [1], [0, 1, 1, 1], [], []>, transpose_lhs_hint = true} : vector<16x1600xbf16>, vector<16x128xbf16>, vector<1600x128xf32> -> vector<1600x128xf32>
    %add3A = arith.addf %dot_general3A_7, %dot_general3A_15 : vector<1600x128xf32>
    %slice3A_16 = vector.extract_strided_slice %convert_element_type3A {offsets = [0, 3200], sizes = [16, 1600], strides = [1, 1]} : vector<16x12800xbf16> to vector<16x1600xbf16>
    %get3A_17 = arith.constant 2 : index
    %get3A_18 = arith.constant 0 : index
    %get3A_19 = arith.constant 0 : index
    %get3A_20 = vector.load %arg2[%get3A_17, %get3A_18, %get3A_19] : memref<4x16x128xbf16, #tpu.memory_space<vmem>>, vector<1x16x128xbf16>
    %get3A_21 = vector.shape_cast %get3A_20 : vector<1x16x128xbf16> to vector<16x128xbf16>
    %dot_general3A_22 = arith.constant dense<0.000000e+00> : vector<1600x128xf32>
    %dot_general3A_23 = tpu.matmul %slice3A_16, %get3A_21, %dot_general3A_22 {dimension_numbers = #tpu.dot_dimension_numbers<[0], [0], [1], [1], [0, 1, 1, 1], [], []>, transpose_lhs_hint = true} : vector<16x1600xbf16>, vector<16x128xbf16>, vector<1600x128xf32> -> vector<1600x128xf32>
    %add3A_24 = arith.addf %add3A, %dot_general3A_23 : vector<1600x128xf32>
    %slice3A_25 = vector.extract_strided_slice %convert_element_type3A {offsets = [0, 4800], sizes = [16, 1600], strides = [1, 1]} : vector<16x12800xbf16> to vector<16x1600xbf16>
    %get3A_26 = arith.constant 3 : index
    %get3A_27 = arith.constant 0 : index
    %get3A_28 = arith.constant 0 : index
    %get3A_29 = vector.load %arg2[%get3A_26, %get3A_27, %get3A_28] : memref<4x16x128xbf16, #tpu.memory_space<vmem>>, vector<1x16x128xbf16>
    %get3A_30 = vector.shape_cast %get3A_29 : vector<1x16x128xbf16> to vector<16x128xbf16>
    %dot_general3A_31 = arith.constant dense<0.000000e+00> : vector<1600x128xf32>
    %dot_general3A_32 = tpu.matmul %slice3A_25, %get3A_30, %dot_general3A_31 {dimension_numbers = #tpu.dot_dimension_numbers<[0], [0], [1], [1], [0, 1, 1, 1], [], []>, transpose_lhs_hint = true} : vector<16x1600xbf16>, vector<16x128xbf16>, vector<1600x128xf32> -> vector<1600x128xf32>
    %add3A_33 = arith.addf %add3A_24, %dot_general3A_32 : vector<1600x128xf32>
    %swap3A = arith.constant 0 : index
    %swap3A_34 = arith.constant 0 : index
    %swap3A_35 = vector.load %arg3[%swap3A, %swap3A_34] : memref<1600x128xf32, #tpu.memory_space<vmem>>, vector<1600x128xf32>
    tpu.vector_store %arg3[%swap3A, %swap3A_34], %add3A_33 {strides = array<i32>} : memref<1600x128xf32, #tpu.memory_space<vmem>>, vector<1600x128xf32>,
    %slice3A_36 = vector.extract_strided_slice %convert_element_type3A {offsets = [0, 6400], sizes = [16, 1600], strides = [1, 1]} : vector<16x12800xbf16> to vector<16x1600xbf16>
    %get3A_37 = arith.constant 0 : index
    %get3A_38 = arith.constant 0 : index
    %get3A_39 = arith.constant 0 : index
    %get3A_40 = vector.load %arg2[%get3A_37, %get3A_38, %get3A_39] : memref<4x16x128xbf16, #tpu.memory_space<vmem>>, vector<1x16x128xbf16>
    %get3A_41 = vector.shape_cast %get3A_40 : vector<1x16x128xbf16> to vector<16x128xbf16>
    %dot_general3A_42 = arith.constant dense<0.000000e+00> : vector<1600x128xf32>
    %dot_general3A_43 = tpu.matmul %slice3A_36, %get3A_41, %dot_general3A_42 {dimension_numbers = #tpu.dot_dimension_numbers<[0], [0], [1], [1], [0, 1, 1, 1], [], []>, transpose_lhs_hint = true} : vector<16x1600xbf16>, vector<16x128xbf16>, vector<1600x128xf32> -> vector<1600x128xf32>
    %slice3A_44 = vector.extract_strided_slice %convert_element_type3A {offsets = [0, 8000], sizes = [16, 1600], strides = [1, 1]} : vector<16x12800xbf16> to vector<16x1600xbf16>
    %get3A_45 = arith.constant 1 : index
    %get3A_46 = arith.constant 0 : index
    %get3A_47 = arith.constant 0 : index
    %get3A_48 = vector.load %arg2[%get3A_45, %get3A_46, %get3A_47] : memref<4x16x128xbf16, #tpu.memory_space<vmem>>, vector<1x16x128xbf16>
    %get3A_49 = vector.shape_cast %get3A_48 : vector<1x16x128xbf16> to vector<16x128xbf16>
    %dot_general3A_50 = arith.constant dense<0.000000e+00> : vector<1600x128xf32>
    %dot_general3A_51 = tpu.matmul %slice3A_44, %get3A_49, %dot_general3A_50 {dimension_numbers = #tpu.dot_dimension_numbers<[0], [0], [1], [1], [0, 1, 1, 1], [], []>, transpose_lhs_hint = true} : vector<16x1600xbf16>, vector<16x128xbf16>, vector<1600x128xf32> -> vector<1600x128xf32>
    %add3A_52 = arith.addf %dot_general3A_43, %dot_general3A_51 : vector<1600x128xf32>
    %slice3A_53 = vector.extract_strided_slice %convert_element_type3A {offsets = [0, 9600], sizes = [16, 1600], strides = [1, 1]} : vector<16x12800xbf16> to vector<16x1600xbf16>
    %get3A_54 = arith.constant 2 : index
    %get3A_55 = arith.constant 0 : index
    %get3A_56 = arith.constant 0 : index
    %get3A_57 = vector.load %arg2[%get3A_54, %get3A_55, %get3A_56] : memref<4x16x128xbf16, #tpu.memory_space<vmem>>, vector<1x16x128xbf16>
    %get3A_58 = vector.shape_cast %get3A_57 : vector<1x16x128xbf16> to vector<16x128xbf16>
    %dot_general3A_59 = arith.constant dense<0.000000e+00> : vector<1600x128xf32>
    %dot_general3A_60 = tpu.matmul %slice3A_53, %get3A_58, %dot_general3A_59 {dimension_numbers = #tpu.dot_dimension_numbers<[0], [0], [1], [1], [0, 1, 1, 1], [], []>, transpose_lhs_hint = true} : vector<16x1600xbf16>, vector<16x128xbf16>, vector<1600x128xf32> -> vector<1600x128xf32>
    %add3A_61 = arith.addf %add3A_52, %dot_general3A_60 : vector<1600x128xf32>
    %slice3A_62 = vector.extract_strided_slice %convert_element_type3A {offsets = [0, 11200], sizes = [16, 1600], strides = [1, 1]} : vector<16x12800xbf16> to vector<16x1600xbf16>
    %get3A_63 = arith.constant 3 : index
    %get3A_64 = arith.constant 0 : index
    %get3A_65 = arith.constant 0 : index
    %get3A_66 = vector.load %arg2[%get3A_63, %get3A_64, %get3A_65] : memref<4x16x128xbf16, #tpu.memory_space<vmem>>, vector<1x16x128xbf16>
    %get3A_67 = vector.shape_cast %get3A_66 : vector<1x16x128xbf16> to vector<16x128xbf16>
    %dot_general3A_68 = arith.constant dense<0.000000e+00> : vector<1600x128xf32>
    %dot_general3A_69 = tpu.matmul %slice3A_62, %get3A_67, %dot_general3A_68 {dimension_numbers = #tpu.dot_dimension_numbers<[0], [0], [1], [1], [0, 1, 1, 1], [], []>, transpose_lhs_hint = true} : vector<16x1600xbf16>, vector<16x128xbf16>, vector<1600x128xf32> -> vector<1600x128xf32>
    %add3A_70 = arith.addf %add3A_61, %dot_general3A_69 : vector<1600x128xf32>
    %swap3A_71 = arith.constant 0 : index
    %swap3A_72 = arith.constant 0 : index
    %swap3A_73 = vector.load %arg4[%swap3A_71, %swap3A_72] : memref<1600x128xf32, #tpu.memory_space<vmem>>, vector<1600x128xf32>
    tpu.vector_store %arg4[%swap3A_71, %swap3A_72], %add3A_70 {strides = array<i32>} : memref<1600x128xf32, #tpu.memory_space<vmem>>, vector<1600x128xf32>,
    return
  }
  func.func @transform_0(%arg0: i32) -> (i32, i32) {
    %c0_i32 = arith.constant 0 : i32
    %c0_i32_0 = arith.constant 0 : i32
    return %c0_i32, %arg0 : i32, i32
  }
  func.func @transform_1(%arg0: i32) -> (i32, i32, i32) {
    %c0_i32 = arith.constant 0 : i32
    %c0_i32_0 = arith.constant 0 : i32
    %c0_i32_1 = arith.constant 0 : i32
    %c0_i32_2 = arith.constant 0 : i32
    return %c0_i32, %c0_i32_0, %c0_i32_1 : i32, i32, i32
  }
  func.func @transform_2(%arg0: i32) -> (i32, i32) {
    %c0_i32 = arith.constant 0 : i32
    %c0_i32_0 = arith.constant 0 : i32
    return %arg0, %c0_i32 : i32, i32
  }
  func.func @transform_3(%arg0: i32) -> (i32, i32) {
    %c0_i32 = arith.constant 0 : i32
    %c0_i32_0 = arith.constant 0 : i32
    return %arg0, %c0_i32 : i32, i32
  }
}

module attributes {stable_mosaic.version = 14 : i64} {
  func.func @_post_body(%arg0: i32, %arg1: memref<1000x128xf32, #tpu.memory_space<vmem>>, %arg2: memref<2x1000x32xf32, #tpu.memory_space<vmem>>, %arg3: memref<2x1000x1xf32, #tpu.memory_space<vmem>>, %arg4: memref<32x32xf32, #tpu.memory_space<vmem>>, %arg5: memref<1x32xf32, #tpu.memory_space<vmem>>, %arg6: memref<128x128xf32, #tpu.memory_space<vmem>>, %arg7: memref<32x128xf32, #tpu.memory_space<vmem>>, %arg8: memref<1x128xf32, #tpu.memory_space<vmem>>, %arg9: memref<1000x128xf32, #tpu.memory_space<vmem>>) attributes {dimension_semantics = [#tpu.dimension_semantics<arbitrary>], iteration_bounds = array<i64: 10>, scalar_prefetch = 0 : i64, scratch_operands = 0 : i64, tpu.core_type = #tpu.core_type<tc>, window_params = [{transform_indices = @transform_0, window_bounds = array<i64: 1000, 128>}, {transform_indices = @transform_1, window_bounds = array<i64: 2, 1000, 32>}, {transform_indices = @transform_2, window_bounds = array<i64: 2, 1000, 1>}, {pipeline_mode = #tpu.pipeline_mode<synchronous>, transform_indices = @transform_3, window_bounds = array<i64: 32, 32>}, {pipeline_mode = #tpu.pipeline_mode<synchronous>, transform_indices = @transform_4, window_bounds = array<i64: 1, 32>}, {pipeline_mode = #tpu.pipeline_mode<synchronous>, transform_indices = @transform_5, window_bounds = array<i64: 128, 128>}, {pipeline_mode = #tpu.pipeline_mode<synchronous>, transform_indices = @transform_6, window_bounds = array<i64: 32, 128>}, {pipeline_mode = #tpu.pipeline_mode<synchronous>, transform_indices = @transform_7, window_bounds = array<i64: 1, 128>}, {transform_indices = @transform_8, window_bounds = array<i64: 1000, 128>}]} {
    %get3A = arith.constant 0 : index
    %get3A_0 = arith.constant 0 : index
    %get3A_1 = arith.constant 0 : index
    %get3A_2 = vector.load %arg2[%get3A, %get3A_0, %get3A_1] : memref<2x1000x32xf32, #tpu.memory_space<vmem>>, vector<1x1000x32xf32>
    %get3A_3 = vector.shape_cast %get3A_2 : vector<1x1000x32xf32> to vector<1000x32xf32>
    %get3A_4 = arith.constant 1 : index
    %get3A_5 = arith.constant 0 : index
    %get3A_6 = arith.constant 0 : index
    %get3A_7 = vector.load %arg2[%get3A_4, %get3A_5, %get3A_6] : memref<2x1000x32xf32, #tpu.memory_space<vmem>>, vector<1x1000x32xf32>
    %get3A_8 = vector.shape_cast %get3A_7 : vector<1x1000x32xf32> to vector<1000x32xf32>
    %add3A = arith.addf %get3A_3, %get3A_8 : vector<1000x32xf32>
    %get3A_9 = arith.constant 0 : index
    %get3A_10 = arith.constant 0 : index
    %get3A_11 = arith.constant 0 : index
    %get3A_12 = vector.load %arg3[%get3A_9, %get3A_10, %get3A_11] : memref<2x1000x1xf32, #tpu.memory_space<vmem>>, vector<1x1000x1xf32>
    %get3A_13 = vector.shape_cast %get3A_12 : vector<1x1000x1xf32> to vector<1000x1xf32>
    %get3A_14 = arith.constant 1 : index
    %get3A_15 = arith.constant 0 : index
    %get3A_16 = arith.constant 0 : index
    %get3A_17 = vector.load %arg3[%get3A_14, %get3A_15, %get3A_16] : memref<2x1000x1xf32, #tpu.memory_space<vmem>>, vector<1x1000x1xf32>
    %get3A_18 = vector.shape_cast %get3A_17 : vector<1x1000x1xf32> to vector<1000x1xf32>
    %add3A_19 = arith.addf %get3A_13, %get3A_18 : vector<1000x1xf32>
    %get3A_20 = arith.constant 0 : index
    %get3A_21 = arith.constant 0 : index
    %get3A_22 = vector.load %arg4[%get3A_20, %get3A_21] : memref<32x32xf32, #tpu.memory_space<vmem>>, vector<32x32xf32>
    %dot_general3A = arith.constant dense<0.000000e+00> : vector<1000x32xf32>
    %dot_general3A_23 = tpu.matmul %add3A, %get3A_22, %dot_general3A {dimension_numbers = #tpu.dot_dimension_numbers<[1], [0], [0], [1], [0, 0, 1, 1], [], []>, transpose_lhs_hint = false} : vector<1000x32xf32>, vector<32x32xf32>, vector<1000x32xf32> -> vector<1000x32xf32>
    %get3A_24 = arith.constant 0 : index
    %get3A_25 = arith.constant 0 : index
    %get3A_26 = vector.load %arg5[%get3A_24, %get3A_25] : memref<1x32xf32, #tpu.memory_space<vmem>>, vector<1x32xf32>
    %mul3A = vector.broadcast %add3A_19 : vector<1000x1xf32> to vector<1000x32xf32>
    %mul3A_27 = vector.broadcast %get3A_26 : vector<1x32xf32> to vector<1000x32xf32>
    %mul3A_28 = arith.mulf %mul3A, %mul3A_27 : vector<1000x32xf32>
    %add3A_29 = arith.addf %dot_general3A_23, %mul3A_28 : vector<1000x32xf32>
    %add3A_30 = arith.constant 9.99999997E-7 : f32
    %add3A_31 = vector.broadcast %add3A_30 : f32 to vector<1000x1xf32>
    %add3A_32 = arith.addf %add3A_19, %add3A_31 : vector<1000x1xf32>
    %div3A = vector.broadcast %add3A_32 : vector<1000x1xf32> to vector<1000x32xf32>
    %div3A_33 = arith.divf %add3A_29, %div3A : vector<1000x32xf32>
    %get3A_34 = arith.constant 0 : index
    %get3A_35 = arith.constant 0 : index
    %get3A_36 = vector.load %arg1[%get3A_34, %get3A_35] : memref<1000x128xf32, #tpu.memory_space<vmem>>, vector<1000x128xf32>
    %get3A_37 = arith.constant 0 : index
    %get3A_38 = arith.constant 0 : index
    %get3A_39 = vector.load %arg6[%get3A_37, %get3A_38] : memref<128x128xf32, #tpu.memory_space<vmem>>, vector<128x128xf32>
    %dot_general3A_40 = arith.constant dense<0.000000e+00> : vector<1000x128xf32>
    %dot_general3A_41 = tpu.matmul %get3A_36, %get3A_39, %dot_general3A_40 {dimension_numbers = #tpu.dot_dimension_numbers<[1], [0], [0], [1], [0, 0, 1, 1], [], []>, transpose_lhs_hint = false} : vector<1000x128xf32>, vector<128x128xf32>, vector<1000x128xf32> -> vector<1000x128xf32>
    %get3A_42 = arith.constant 0 : index
    %get3A_43 = arith.constant 0 : index
    %get3A_44 = vector.load %arg7[%get3A_42, %get3A_43] : memref<32x128xf32, #tpu.memory_space<vmem>>, vector<32x128xf32>
    %dot_general3A_45 = arith.constant dense<0.000000e+00> : vector<1000x128xf32>
    %dot_general3A_46 = tpu.matmul %div3A_33, %get3A_44, %dot_general3A_45 {dimension_numbers = #tpu.dot_dimension_numbers<[1], [0], [0], [1], [0, 0, 1, 1], [], []>, transpose_lhs_hint = false} : vector<1000x32xf32>, vector<32x128xf32>, vector<1000x128xf32> -> vector<1000x128xf32>
    %add3A_47 = arith.addf %dot_general3A_41, %dot_general3A_46 : vector<1000x128xf32>
    %get3A_48 = arith.constant 0 : index
    %get3A_49 = arith.constant 0 : index
    %get3A_50 = vector.load %arg8[%get3A_48, %get3A_49] : memref<1x128xf32, #tpu.memory_space<vmem>>, vector<1x128xf32>
    %add3A_51 = vector.broadcast %get3A_50 : vector<1x128xf32> to vector<1000x128xf32>
    %add3A_52 = arith.addf %add3A_47, %add3A_51 : vector<1000x128xf32>
    %max3A = arith.constant 0.000000e+00 : f32
    %max3A_53 = vector.broadcast %max3A : f32 to vector<1000x128xf32>
    %max3A_54 = arith.maximumf %add3A_52, %max3A_53 : vector<1000x128xf32>
    %add3A_55 = arith.addf %get3A_36, %max3A_54 : vector<1000x128xf32>
    %swap3A = arith.constant 0 : index
    %swap3A_56 = arith.constant 0 : index
    %swap3A_57 = vector.load %arg9[%swap3A, %swap3A_56] : memref<1000x128xf32, #tpu.memory_space<vmem>>, vector<1000x128xf32>
    tpu.vector_store %arg9[%swap3A, %swap3A_56], %add3A_55 {strides = array<i32>} : memref<1000x128xf32, #tpu.memory_space<vmem>>, vector<1000x128xf32>,
    return
  }
  func.func @transform_0(%arg0: i32) -> (i32, i32) {
    %c0_i32 = arith.constant 0 : i32
    %c0_i32_0 = arith.constant 0 : i32
    return %arg0, %c0_i32 : i32, i32
  }
  func.func @transform_1(%arg0: i32) -> (i32, i32, i32) {
    %c0_i32 = arith.constant 0 : i32
    %c0_i32_0 = arith.constant 0 : i32
    %c0_i32_1 = arith.constant 0 : i32
    return %c0_i32, %arg0, %c0_i32_0 : i32, i32, i32
  }
  func.func @transform_2(%arg0: i32) -> (i32, i32, i32) {
    %c0_i32 = arith.constant 0 : i32
    %c0_i32_0 = arith.constant 0 : i32
    %c0_i32_1 = arith.constant 0 : i32
    return %c0_i32, %arg0, %c0_i32_0 : i32, i32, i32
  }
  func.func @transform_3(%arg0: i32) -> (i32, i32) {
    %c0_i32 = arith.constant 0 : i32
    %c0_i32_0 = arith.constant 0 : i32
    %c0_i32_1 = arith.constant 0 : i32
    return %c0_i32, %c0_i32_0 : i32, i32
  }
  func.func @transform_4(%arg0: i32) -> (i32, i32) {
    %c0_i32 = arith.constant 0 : i32
    %c0_i32_0 = arith.constant 0 : i32
    %c0_i32_1 = arith.constant 0 : i32
    return %c0_i32, %c0_i32_0 : i32, i32
  }
  func.func @transform_5(%arg0: i32) -> (i32, i32) {
    %c0_i32 = arith.constant 0 : i32
    %c0_i32_0 = arith.constant 0 : i32
    %c0_i32_1 = arith.constant 0 : i32
    return %c0_i32, %c0_i32_0 : i32, i32
  }
  func.func @transform_6(%arg0: i32) -> (i32, i32) {
    %c0_i32 = arith.constant 0 : i32
    %c0_i32_0 = arith.constant 0 : i32
    %c0_i32_1 = arith.constant 0 : i32
    return %c0_i32, %c0_i32_0 : i32, i32
  }
  func.func @transform_7(%arg0: i32) -> (i32, i32) {
    %c0_i32 = arith.constant 0 : i32
    %c0_i32_0 = arith.constant 0 : i32
    %c0_i32_1 = arith.constant 0 : i32
    return %c0_i32, %c0_i32_0 : i32, i32
  }
  func.func @transform_8(%arg0: i32) -> (i32, i32) {
    %c0_i32 = arith.constant 0 : i32
    %c0_i32_0 = arith.constant 0 : i32
    return %arg0, %c0_i32 : i32, i32
  }
}

</mosaic_0001>

<sc_bundles>
// kernel: kernel.6.cloned.1.call-start
scs
__scs_entry_jumppad:
0x0: {  	(pc) =	sbr.rel $0x88, $3  }
0x1: {  	(tag) =	ssettag $0x0;
	lr =	simm.s32 $0x1  }
0x2: {  	[smem:$0x3F98] =	sst lr;
	_ =	strace $0xD0000000  }
0x3: {  	_ = 	snop  }
0x4: {  	_ = 	snop  }
0x5: {  	_ = 	snop  }
0x6: {  	_ = 	snop  }
0x7: {  	_ = 	snop  }
__scs_overlays_trampoline_lowered:
0x8: {  	[smem:$0x3FA7] =	sst s0  }
0x9: {  	[smem:$0x3FA8] =	sst s1  }
0xa: {  	[smem:$0x3FA9] =	sst s2  }
0xb: {  	[smem:$0x3FAA] =	sst s3  }
0xc: {  	[smem:$0x3FAB] =	sst s4  }
0xd: {  	[smem:$0x3FAC] =	sst s5  }
0xe: {  	[smem:$0x3FAD] =	sst s6  }
0xf: {  	[smem:$0x3FAE] =	sst s7  }
0x10: {  	[smem:$0x3FAF] =	sst s8  }
0x11: {  	[smem:$0x3FB0] =	sst s9;
	s0 =	simm.s32 @!p0 $0x0  }
0x12: {  	s1 =	sld [smem:$0x3F96];
	s0 =	simm.s32 @p0 $0x1  }
0x13: {  	[smem:$0x3FB1] =	sst s0;
	s0 =	simm.s32 @!p1 $0x0  }
0x14: {  	s2 =	sld [smem:$0x3F95];
	s0 =	simm.s32 @p1 $0x1  }
0x15: {  	[smem:$0x3FB2] =	sst s0;
	s0 =	simm.s32 @!p2 $0x0  }
0x16: {  	s3 =	sld [smem:$0x3FDB];
	s0 =	simm.s32 @p2 $0x1  }
0x17: {  	s4 =	simm.s32 $0x1BF5;
	[smem:$0x3FB4] =	sst s0  }
0x18: {  	s0 =	sld [smem:$0x3F97];
	_ =	swait.ge [sflag:s4], $0x0  }
0x19: {  	s7 =	sld [smem:$0x3F98]  }
0x1a: {  	s8 =	sadd.s32 $0xFFFFE003, lr  }
0x1b: {  	s9 =	sadd.s32 $0xFFFFFEF7, lr;
	s5 =	simm.s32 $0xFFFFFFFF;
	p2 =	slt.u32 s8, $0xFFFFF086  }
0x1c: {  	p1 =	slt.u32 s9, $0xF7A;
	s5 =	simm.s32 @!p2 $0x0  }
0x1d: {  	s5 =	simm.s32 @p1 $0x1;
	p0 =	seq.s32 s7, s2  }
0x1e: {  	s7 =	smul.u32 @!p0 $0xF7A, s2;
	p2 =	seq.s32 @!p0 s5, $0x0  }
0x1f: {  	s9 =	smul.u32 $0xF7A, s1;
	s8 =	simm.s32 @!p0 $0x1BF5;
	p2 =	por !p2, p0  }
0x20: {  	[sflag:s8] =	ssyncset.s32 @!p0 $0xFFFFF086;
	s6 =	sadd.s32 @!p0 s3, s7;
	s7 =	simm.s32 @!p0 $0x108  }
0x21: {  	s3 =	sadd.s32 s3, s9;
	s6 =	sadd.s32 @!p0 $0x88, s6;
	s7 =	simm.s32 @p2 $0x1082  }
0x22: {  	[simem:s7], [sflag:s8] =	dma.local @!p0 [hbm:s6], $0xF7A  }
0x23: {  	s9 =	sor.u32 $0xD0000000, s2;
	s6 =	simm.s32 $0x108;
	_ =	swait.ge @!p0 [sflag:s8], $0x0  }
0x24: {  	s3 =	sadd.s32 $0x88, s3;
	s6 =	simm.s32 @!p1 $0x1082;
	[sflag:s4] =	ssyncset.s32 $0xFFFFF086  }
0x25: {  	[simem:s6], [sflag:s4] =	dma.local [hbm:s3], $0xF7A  }
0x26: {  	[smem:$0x3F98] =	sst s1;
	(tag) =	ssettag s2;
	_ =	strace s9  }
0x27: {  	s1 =	sld [smem:$0x3FA8]  }
0x28: {  	s2 =	sld [smem:$0x3FA9]  }
0x29: {  	s4 =	sld [smem:$0x3FAB]  }
0x2a: {  	p0 =	seq.s32 s5, $0x0;
	s5 =	sld [smem:$0x3FAC]  }
0x2b: {  	s6 =	sld [smem:$0x3FAD]  }
0x2c: {  	s7 =	sld [smem:$0x3FAE]  }
0x2d: {  	s3 =	simm.s32 $0x108;
	s8 =	sld [smem:$0x3FAF]  }
0x2e: {  	s3 =	simm.s32 @!p0 $0x1082;
	s9 =	sld [smem:$0x3FB0]  }
0x2f: {  	lr =	sadd.s32 s0, s3;
	s0 =	sld [smem:$0x3FA7]  }
0x30: {  	s3 =	sld [smem:$0x3FAA]  }
0x31: {  	[smem:$0x3FB3] =	sst s10  }
0x32: {  	s10 =	sld [smem:$0x3FB1];
	_ =	sdelay $0x3  }
0x33: {  	p0 =	seq.s32 s10, $0x1;
	s10 =	sld [smem:$0x3FB3];
	_ =	sdelay $0x3  }
0x34: {  	[smem:$0x3FB3] =	sst s10  }
0x35: {  	s10 =	sld [smem:$0x3FB2];
	_ =	sdelay $0x3  }
0x36: {  	p1 =	seq.s32 s10, $0x1;
	s10 =	sld [smem:$0x3FB3];
	_ =	sdelay $0x3  }
0x37: {  	[smem:$0x3FB3] =	sst s10  }
0x38: {  	s10 =	sld [smem:$0x3FB4]  }
0x39: {  	_ = 	snop;
	(pc) =	sbr.ind lr, $3  }
0x3a: {  	_ = 	snop  }
0x3b: {  	_ = 	snop  }
0x3c: {  	p2 =	seq.s32 s10, $0x1;
	s10 =	sld [smem:$0x3FB3]  }
0x3d: {  	_ =	shalt  }
0x3e: {  	_ =	shalt  }
0x3f: {  	_ =	shalt  }
0x40: {  	_ =	shalt  }
0x41: {  	_ =	shalt  }
0x42: {  	_ =	shalt  }
0x43: {  	_ =	shalt  }
0x44: {  	_ =	shalt  }
0x45: {  	_ =	shalt  }
0x46: {  	_ =	shalt  }
0x47: {  	_ =	shalt  }
0x48: {  	_ =	shalt  }
0x49: {  	_ =	shalt  }
0x4a: {  	_ =	shalt  }
0x4b: {  	_ =	shalt  }
0x4c: {  	_ =	shalt  }
0x4d: {  	_ =	shalt  }
0x4e: {  	_ =	shalt  }
0x4f: {  	_ =	shalt  }
0x50: {  	_ =	shalt  }
0x51: {  	_ =	shalt  }
0x52: {  	_ =	shalt  }
0x53: {  	_ =	shalt  }
0x54: {  	_ =	shalt  }
0x55: {  	_ =	shalt  }
0x56: {  	_ =	shalt  }
0x57: {  	_ =	shalt  }
0x58: {  	_ =	shalt  }
0x59: {  	_ =	shalt  }
0x5a: {  	_ =	shalt  }
0x5b: {  	_ =	shalt  }
0x5c: {  	_ =	shalt  }
0x5d: {  	_ =	shalt  }
0x5e: {  	_ =	shalt  }
0x5f: {  	_ =	shalt  }
0x60: {  	_ =	shalt  }
0x61: {  	_ =	shalt  }
0x62: {  	_ =	shalt  }
0x63: {  	_ =	shalt  }
0x64: {  	_ =	shalt  }
0x65: {  	_ =	shalt  }
0x66: {  	_ =	shalt  }
0x67: {  	_ =	shalt  }
0x68: {  	_ =	shalt  }
0x69: {  	_ =	shalt  }
0x6a: {  	_ =	shalt  }
0x6b: {  	_ =	shalt  }
0x6c: {  	_ =	shalt  }
0x6d: {  	_ =	shalt  }
0x6e: {  	_ =	shalt  }
0x6f: {  	_ =	shalt  }
0x70: {  	_ =	shalt  }
0x71: {  	_ =	shalt  }
0x72: {  	_ =	shalt  }
0x73: {  	_ =	shalt  }
0x74: {  	_ =	shalt  }
0x75: {  	_ =	shalt  }
0x76: {  	_ =	shalt  }
0x77: {  	_ =	shalt  }
0x78: {  	_ =	shalt  }
0x79: {  	_ =	shalt  }
0x7a: {  	_ =	shalt  }
0x7b: {  	_ =	shalt  }
0x7c: {  	_ =	shalt  }
0x7d: {  	_ =	shalt  }
0x7e: {  	_ =	shalt  }
0x7f: {  	_ =	shalt  }
0x80: {  	_ =	shalt  }
0x81: {  	_ =	shalt  }
0x82: {  	_ =	shalt  }
0x83: {  	_ =	shalt  }
0x84: {  	_ =	shalt  }
0x85: {  	_ =	shalt  }
0x86: {  	_ =	shalt  }
0x87: {  	_ =	shalt  }
.Lfunc_end0:
.L_simem_size_0:
called_computation_lowered:
.L_overlay_start_0:
0x88: {  	s2 =	sld [smem:$0x3FD9]  }
0x89: {  	s3 =	sld [smem:$0x3FFE];
	_ =	sdelay $0x1  }
0x8a: {  	s1 =	srdreg.scid  }
0x8b: {  	s0 =	sand.u32 $0x1, s1  }
0x8c: {  	s17 =	sshll.u32 s0, $0xA;
	s2 =	sadd.s32 s3, s2  }
0x8d: {  	s2 =	sadd.s32 s2, s17  }
0x8e: {  	[smem:$0x3FBF] =	sst s2  }
0x8f: {  	_ = 	snop  }
0x90: {  	s2 =	sld [smem:$0x3FC8]  }
0x91: {  	s18 =	sld [smem:$0x3FD0];
	(tm) =	ssettm $0x1  }
0x92: {  	s4 =	sld [smem:$0x3FFB];
	_ =	sdelay $0x3  }
0x93: {  	_ =	strace s4  }
0x94: {  	s4 =	sld [smem:$0x3FFC];
	_ =	sdelay $0x3  }
0x95: {  	_ =	strace s4  }
0x96: {  	s4 =	sld [smem:$0x3FFD];
	_ =	sdelay $0x3  }
0x97: {  	_ =	strace s4  }
0x98: {  	_ =	strace $0x8FFFFFFF  }
0x99: {  	s19 =	sld [smem:$0x3FDB];
	_ =	sdelay $0x1  }
0x9a: {  	s5 =	simm.s32 $_scs_section_size  }
0x9b: {  	s6 =	simm.s32 $_size__tile_overlayer_lowered;
	s7 =	simm.s32 $_tile_overlayer_lowered  }
0x9c: {  	s22 =	simm.s32 $0x1BFF;
	s21 =	sshll.u32 s7, $0x1;
	s4 =	sadd.s32 s5, s19  }
0x9d: {  	s8 =	simm.s32 $0x0;
	s20 =	sshll.u32 s6, $0x1;
	s6 =	sadd.s32 s21, s4  }
0x9e: {  	[timem:s8], [sflag:s22] =	dma.local [hbm:s6], s20  }
0x9f: {  	_ =	swait.ge [sflag:s22], s20  }
0xa0: {  	s5 =	ssub.s32 $0x0, s20;
	[sflag:s22] =	ssyncset.done $0x0  }
0xa1: {  	[sflag:s22] =	ssyncadd.s32 s5;
	_ =	sdelay $0x1  }
0xa2: {  	s23 =	simm.s32 $0x1B8B  }
0xa3: {  	_ =	swait.ge [sflag:s23], $0x1  }
0xa4: {  	[sflag:s23] =	ssyncset.done $0x0  }
0xa5: {  	s25 =	simm.s32 $0x1B8E;
	s24 =	sld [smem:$0x3FFE];
	[sflag:s23] =	ssyncadd.s32 $0xFFFFFFFF  }
0xa6: {  	s26 =	simm.s32 $execute0_lowered;
	[smem:$0x3FD2] =	sst s25  }
0xa7: {  	s6 =	sshll.u32 s26, $0x1;
	_ =	strace $0x80000046;
	[dreg:$0x1] =	wrdreg $0xFFFFFFFF  }
0xa8: {  	s28 =	simm.s32 $_size_execute0_lowered;
	s4 =	sadd.s32 s4, s6;
	[dreg:$0x0] =	wrdreg $0x0  }
0xa9: {  	s6 =	sshll.u32 s28, $0x1;
	[dreg:$0x2] =	wrdreg s4  }
0xaa: {  	[dreg:$0x3] =	wrdreg s6  }
0xab: {  	[dreg:$0x4] =	wrdreg $0xC0  }
0xac: {  	_ =	task [dreg:s8], $0x5FFFF  }
0xad: {  	[dreg:$0x1] =	wrdreg $0xFFFFFFFF  }
0xae: {  	[dreg:$0x0] =	wrdreg $0x60  }
0xaf: {  	[dreg:$0x2] =	wrdreg s24  }
0xb0: {  	[dreg:$0x3] =	wrdreg s2  }
0xb1: {  	[dreg:$0x4] =	wrdreg s18  }
0xb2: {  	[dreg:$0x5] =	wrdreg $0x15B800  }
0xb3: {  	[dreg:$0x6] =	wrdreg $0x1AB800  }
0xb4: {  	[dreg:$0x7] =	wrdreg $0x9  }
0xb5: {  	_ =	task.clear_ibuf [dreg:s8], $0x8FFFF;
	_ =	strace $0x90000046  }
0xb6: {  	s29 =	simm.s32 $0x9;
	_ =	strace $0x80000048  }
0xb7: {  	_ =	swait.ge [sflag:s29], $0x1  }
0xb8: {  	[sflag:s29] =	ssyncadd.s32 $0xFFFFFFFF  }
0xb9: {  	_ =	strace $0x90000048  }
0xba: {  	_ =	sfence  }
0xbb: {  	s30 =	sld [smem:$0x0];
	_ =	sdelay $0x2  }
0xbc: {  	s31 =	sshll.u32 s1, $0xD;
	s1 =	sshrl.u32 s1, $0x2  }
0xbd: {  	s3 =	sand.u32 $0x4000, s31;
	s1 =	sadd.s32 s1, s30  }
0xbe: {  	s0 =	sor.u32 s3, s0;
	s1 =	sshll.u32 s1, $0x11  }
0xbf: {  	s0 =	sor.u32 s1, s0  }
0xc0: {  	s0 =	sadd.s32 $0x8F2B, s0  }
0xc1: {  	[sflag:s0] =	ssyncadd.remote.s32 $0x1  }
0xc2: {  	_ =	sfence.sel $0xFFFF  }
0xc3: {  	[dreg:$0x0] =	wrdreg $0xFFFFFFFF;
	(pc) =	sbr.abs _section_cstart, $3  }
0xc4: {  	[dreg:$0x1] =	wrdreg $0xFFFFFFFF  }
0xc5: {  	_ =	task.clear_ibuf [dreg:s8], $0x2FFFF;
	_ =	strace $0x9FFFFFFF  }
0xc6: {  	(tm) =	ssettm $0x7FFFFFFF  }
0xc7: {  	_ =	shalt  }
tec
execute0_lowered:
.L_overlay_start_1:
0x0: {  	(tag) =	ssettag $0x1  }
0x1: {  	s8 =	rddreg [dreg:$0x0]  }
0x2: {  	s1 =	rddreg [dreg:$0x1]  }
0x3: {  	s9 =	rddreg [dreg:$0x2]  }
0x4: {  	s2 =	rddreg [dreg:$0x3]  }
0x5: {  	s3 =	rddreg [dreg:$0x4]  }
0x6: {  	s0 =	srdreg.scid;
	s4 =	simm.s32 $0x0;
	s25 =	stileid.u32  }
0x7: {  	s30 =	simm.s32 $0x9;
	s29 =	simm.s32 $0x1;
	s7 =	sand.u32 $0x1, s0  }
0x8: {  	[smem:$0x7FF] =	sst s4;
	s5 =	sshll.u32 s25, $0x1;
	s13 =	smul.u32 $0x280, s25  }
0x9: {  	s21 =	sshll.u32 s25, $0x7;
	s15 =	smul.u32 $0x5000, s25;
	p0 =	sne.s32 s25, $0x0  }
0xa: {  	s25 =	simm.s32 $0x10800;
	s0 =	ssub.s32 $0x2, s7;
	s6 =	sor.u32 s7, s5  }
0xb: {  	s5 =	sand.u32 $0x700, s21;
	_ =	strace $0x80000047;
	s10 =	sshrl.u32 s0, $0x1  }
0xc: {  	s31 =	sshll.u32 s6, $0x5;
	s28 =	sadd.s32 s13, s3;
	s0 =	ssub.s32 s0, s10  }
0xd: {  	s11 =	sand.u32 $0x60, s31;
	s22 =	sadd.s32 $0x640, s31;
	s16 =	sadd.s32 $0x12C0, s31  }
0xe: {  	s19 =	sadd.s32 $0x1F40, s31;
	s10 =	sadd.s32 $0x2BC0, s31;
	[dreg:$0x8] =	wrdreg s28  }
0xf: {  	s12 =	sor.u32 s5, s11;
	s5 =	sor.u32 $0x20, s6;
	s14 =	sshll.u32 s22, $0x1  }
0x10: {  	s11 =	sand.u32 $0x60, s22;
	s18 =	sshll.u32 s16, $0x1;
	s17 =	smul.u32 $0x28F6, s5  }
0x11: {  	s16 =	sand.u32 $0x60, s16;
	s20 =	sshll.u32 s19, $0x1;
	s31 =	sand.u32 $0x60, s19  }
0x12: {  	s0 =	smax.u32 s0, $0x1;
	s14 =	sand.u32 $0x1F00, s14;
	s17 =	sshrl.u32 s17, $0x13  }
0x13: {  	s18 =	sand.u32 $0x2F00, s18;
	s23 =	sand.u32 $0x7F00, s20;
	s21 =	smul.u32 $0x7FFFFCE, s17  }
0x14: {  	s20 =	sshll.u32 s10, $0x1;
	s10 =	sand.u32 $0x60, s10;
	[dreg:$0x1e] =	wrdreg s0  }
0x15: {  	s22 =	sor.u32 s11, s14;
	s24 =	smul.u32 $0x3200, s17;
	s26 =	sadd.s32 s5, s21  }
0x16: {  	s16 =	sor.u32 s16, s18;
	s19 =	sand.u32 $0x5F00, s20;
	s17 =	sshll.u32 s26, $0x5  }
0x17: {  	s18 =	sor.u32 s31, s23;
	s19 =	sor.u32 s10, s19;
	s20 =	sadd.s32 s24, s17  }
0x18: {  	s5 =	sshll.u32 s5, $0x9;
	s23 =	sand.u32 $0x60, s17;
	s21 =	sshll.u32 s20, $0x1  }
0x19: {  	s24 =	sadd.s32 $0x640, s20;
	s31 =	sadd.s32 $0x12C0, s20;
	s10 =	sand.u32 $0xFFFFFF00, s21  }
0x1a: {  	s26 =	sshll.u32 s24, $0x1;
	s17 =	sand.u32 $0x60, s24;
	s11 =	sand.u32 $0x60, s31  }
0x1b: {  	s14 =	sor.u32 s23, s10;
	s10 =	sand.u32 $0xFFFFFF00, s26;
	s23 =	sshll.u32 s31, $0x1  }
0x1c: {  	s21 =	sand.u32 $0xFFFFFF00, s23;
	s23 =	sadd.s32 $0x1F40, s20;
	s17 =	sor.u32 s17, s10  }
0x1d: {  	s20 =	sadd.s32 $0x2BC0, s20;
	s21 =	sor.u32 s11, s21;
	s24 =	sshll.u32 s23, $0x1  }
0x1e: {  	s26 =	sand.u32 $0x60, s23;
	s31 =	sshll.u32 s20, $0x1;
	s11 =	smul.u32 $0x50000, s7  }
0x1f: {  	s10 =	sand.u32 $0xFFFFFF00, s24;
	s24 =	smul.u32 $0x2800, s7;
	s7 =	sadd.s32 $0x1C00, s8  }
0x20: {  	s23 =	sor.u32 s26, s10;
	s26 =	sand.u32 $0xFFFFFF00, s31;
	s31 =	sand.u32 $0x60, s20  }
0x21: {  	s11 =	sadd.s32 s15, s11;
	s20 =	sor.u32 s31, s26;
	s24 =	sadd.s32 s13, s24  }
0x22: {  	s10 =	sshrl.u32 s11, $0x3;
	s11 =	sadd.s32 $0x15800, s8;
	s31 =	sshrl.u32 s12, $0x3  }
0x23: {  	s13 =	sshrl.u32 s22, $0x3;
	s9 =	sadd.s32 s9, s10;
	s26 =	sshrl.u32 s24, $0x3  }
0x24: {  	s10 =	sadd.s32 $0xB1C00, s8;
	[dreg:$0x6] =	wrdreg s9;
	s9 =	sadd.s32 $0xBA00, s8  }
0x25: {  	s24 =	sadd.s32 s26, s8;
	s26 =	sadd.s32 s15, s2;
	s8 =	sadd.s32 s1, s31  }
0x26: {  	s15 =	sadd.s32 $0x1900, s12;
	s31 =	sshrl.u32 s16, $0x3;
	s16 =	sadd.s32 $0x3200, s12  }
0x27: {  	s12 =	sadd.s32 $0x4B00, s12;
	[dreg:$0x9] =	wrdreg s8;
	s8 =	sadd.s32 s1, s13  }
0x28: {  	s22 =	sshrl.u32 s15, $0x3;
	s15 =	sadd.s32 s1, s31;
	s12 =	sshrl.u32 s12, $0x3  }
0x29: {  	s13 =	sshrl.u32 s19, $0x3;
	s19 =	sshrl.u32 s17, $0x3;
	[dreg:$0x7] =	wrdreg s26  }
0x2a: {  	s17 =	sshrl.u32 s23, $0x3;
	s23 =	sadd.s32 s10, s5;
	[dreg:$0xa] =	wrdreg s8  }
0x2b: {  	s5 =	sadd.s32 s11, s5;
	s8 =	sadd.s32 s1, s22;
	[dreg:$0xc] =	wrdreg s15  }
0x2c: {  	s22 =	sshrl.u32 s18, $0x3;
	s15 =	sshll.u32 s6, $0x9;
	[dreg:$0x1b] =	wrdreg s23  }
0x2d: {  	[dreg:$0x1c] =	wrdreg s5;
	s5 =	simm.s32 $0x300;
	s23 =	simm.s32 $0x3  }
0x2e: {  	[dreg:$0xb] =	wrdreg s8;
	s8 =	sshrl.u32 s16, $0x3;
	s31 =	sadd.s32 s1, s22  }
0x2f: {  	s16 =	sadd.s32 s10, s15;
	s18 =	sadd.s32 s11, s15;
	[dreg:$0xe] =	wrdreg s31  }
0x30: {  	s22 =	sshrl.u32 s14, $0x3;
	s15 =	sadd.s32 $0x3200, s14;
	[dreg:$0x11] =	wrdreg s16  }
0x31: {  	s8 =	sadd.s32 s1, s8;
	[dreg:$0x12] =	wrdreg s18;
	s31 =	sadd.s32 $0x1900, s14  }
0x32: {  	s16 =	sshrl.u32 s15, $0x3;
	s18 =	sadd.s32 s1, s17;
	[dreg:$0xd] =	wrdreg s8  }
0x33: {  	s15 =	simm.s32 $0x400;
	s8 =	sadd.s32 s1, s12;
	[dreg:$0x18] =	wrdreg s18  }
0x34: {  	s17 =	simm.s32 $0x700;
	s12 =	sadd.s32 s1, s22;
	[dreg:$0xf] =	wrdreg s8  }
0x35: {  	s18 =	simm.s32 $0x0;
	s8 =	sadd.s32 s1, s13;
	[dreg:$0x13] =	wrdreg s12  }
0x36: {  	s12 =	sshrl.u32 s31, $0x3;
	s13 =	sshrl.u32 s21, $0x3;
	s21 =	sshrl.u32 s20, $0x3  }
0x37: {  	s31 =	sadd.s32 $0x14E000, s24;
	s24 =	simm.s32 $0xC800;
	[dreg:$0x10] =	wrdreg s8  }
0x38: {  	s20 =	simm.s32 $0x8;
	s8 =	sadd.s32 s1, s19;
	[dreg:$0x1d] =	wrdreg s31  }
0x39: {  	s19 =	sadd.s32 $0x4B00, s14;
	s22 =	sadd.s32 s1, s21;
	[dreg:$0x14] =	wrdreg s8  }
0x3a: {  	s14 =	simm.s32 $0x4;
	s8 =	sadd.s32 s1, s12;
	[dreg:$0x1a] =	wrdreg s22  }
.Ltmp0:
0x3b: {  	[dreg:$0x15] =	wrdreg s8;
	s8 =	sadd.s32 s1, s13;
	(pc) =	sbr.rel .LBB2_1-.Ltmp0, $4  }
0x3c: {  	s22 =	simm.s32 $0x5;
	[dreg:$0x16] =	wrdreg s8;
	s8 =	sadd.s32 s1, s16  }
0x3d: {  	s12 =	simm.s32 $0x2;
	[dreg:$0x17] =	wrdreg s8;
	s8 =	sshrl.u32 s19, $0x3  }
0x3e: {  	s13 =	simm.s32 $0x6;
	s16 =	simm.s32 $0x500;
	s8 =	sadd.s32 s1, s8  }
0x3f: {  	v0 =	vimm.f32 $0.0e+00;
	v1 =	vimm.f32 $1.000000000e+00;
	s19 =	simm.s32 $0x7;
	[dreg:$0x19] =	wrdreg s8;
	s8 =	simm.s32 $0x100  }
.LBB2_26:
0x40: {  	_ =	swait.ge [sflag:s19], $0x2000  }
0x41: {  	[sflag:s19] =	ssyncset.done $0x0  }
0x42: {  	[sflag:s19] =	ssyncadd.s32 $0xFFFFE000  }
0x43: {  	_ =	swait.ge [sflag:s19], $0x100  }
0x44: {  	[sflag:s19] =	ssyncset.done $0x0  }
0x45: {  	s0 =	simm.s32 @!p0 $0x8;
	[sflag:s19] =	ssyncadd.s32 $0xFFFFFF00  }
0x46: {  	_ =	swait.ge @!p0 [sflag:s0], $0x2000  }
0x47: {  	[sflag:s0] =	ssyncset.done @!p0 $0x0  }
0x48: {  	[sflag:s0] =	ssyncadd.s32 @!p0 $0xFFFFE000  }
0x49: {  	_ =	swait.ge @!p0 [sflag:s0], $0x100  }
0x4a: {  	[sflag:s0] =	ssyncset.done @!p0 $0x0  }
0x4b: {  	[sflag:s0] =	ssyncadd.s32 @!p0 $0xFFFFFF00  }
0x4c: {  	s18 =	stileid.u32;
	[bflag:$0x0] =	sbarrier.arrive $0xFFFF  }
0x4d: {  	s30 =	simm.s32 $0x9;
	s0 =	sshll.u32 s18, $0x6;
	s26 =	rddreg [dreg:$0x7]  }
0x4e: {  	s0 =	sor.u32 $0x1C09, s0;
	s21 =	rddreg [dreg:$0x6];
	s18 =	sshrl.u32 s26, $0x3  }
0x4f: {  	[hbm:s21], [sflag:s0] =	dma.local [spmem:s18], $0xA00  }
0x50: {  	_ =	swait.ge [sflag:s30], $0xA00  }
0x51: {  	[sflag:s30] =	ssyncset.done $0x0;
	s28 =	rddreg [dreg:$0x8]  }
0x52: {  	s31 =	rddreg [dreg:$0x1d];
	[sflag:s30] =	ssyncadd.s32 $0xFFFFF600;
	s21 =	sshrl.u32 s28, $0x3  }
0x53: {  	[hbm:s31], [sflag:s0] =	dma.local [spmem:s21], $0x50  }
0x54: {  	_ =	swait.ge [sflag:s30], $0x50  }
0x55: {  	s21 =	rddreg [dreg:$0x1f]  }
0x56: {  	s31 =	rddreg [dreg:$0x1e];
	s18 =	sadd.s32 $0x1, s21  }
0x57: {  	p1 =	sne.s32 s18, s31  }
.Ltmp1:
0x58: {  	_ = 	snop;
	(pc) =	sbr.rel @!p1 .LBB2_27-.Ltmp1, $3  }
0x59: {  	_ =	sdelay $0x1  }
0x5a: {  	[sflag:s30] =	ssyncset.done $0x0  }
0x5b: {  	[sflag:s30] =	ssyncadd.s32 $0xFFFFFFB0  }
.LBB2_1:
0x5c: {  	[dreg:$0x1f] =	wrdreg s18;
	s0 =	simm.s32 $0x80;
	s18 =	simm.s32 $0x0  }
.LBB2_2:
0x5d: {  	p1 =	sne.s32 s0, $0x13F80;
	[tilespmem:s18+$0x10900] =	vst v0;
	s21 =	smov.u32 s0;
	s0 =	sadd.s32 $0x80, s0  }
.Ltmp2:
0x5e: {  	[tilespmem:s18+$0x10910] =	vst v0;
	(pc) =	sbr.rel @p1 .LBB2_2-.Ltmp2, $2  }
0x5f: {  	_ =	sdelay $0x2  }
0x60: {  	s18 =	sshra.s32 s21, $0x2  }
0x61: {  	[tilespmem:s18+$0x10900] =	vst v0  }
0x62: {  	[tilespmem:s18+$0x10910] =	vst v0  }
0x63: {  	[tilespmem:$0x15900] =	vst v0  }
0x64: {  	[tilespmem:$0x15910] =	vst v0  }
0x65: {  	[tilespmem:$0x15920] =	vst v0  }
0x66: {  	[tilespmem:$0x15930] =	vst v0  }
0x67: {  	[tilespmem:$0x15940] =	vst v0  }
0x68: {  	[tilespmem:$0x15950] =	vst v0  }
0x69: {  	[tilespmem:$0x15960] =	vst v0  }
0x6a: {  	[tilespmem:$0x15970] =	vst v0  }
0x6b: {  	[tilespmem:$0x15980] =	vst v0  }
0x6c: {  	[tilespmem:$0x15990] =	vst v0  }
0x6d: {  	[tilespmem:$0x159A0] =	vst v0  }
0x6e: {  	[tilespmem:$0x159B0] =	vst v0  }
0x6f: {  	[tilespmem:$0x159C0] =	vst v0  }
0x70: {  	[tilespmem:$0x159D0] =	vst v0  }
0x71: {  	[tilespmem:$0x159E0] =	vst v0  }
0x72: {  	[tilespmem:$0x159F0] =	vst v0  }
0x73: {  	[tilespmem:$0x15A00] =	vst v0  }
0x74: {  	[tilespmem:$0x15A10] =	vst v0  }
0x75: {  	[tilespmem:$0x15A20] =	vst v0  }
0x76: {  	[tilespmem:$0x15A30] =	vst v0  }
0x77: {  	[tilespmem:$0x15A40] =	vst v0  }
0x78: {  	[tilespmem:$0x15A50] =	vst v0  }
0x79: {  	[tilespmem:$0x15A60] =	vst v0  }
0x7a: {  	[tilespmem:$0x15A70] =	vst v0  }
0x7b: {  	[tilespmem:$0x15A80] =	vst v0  }
0x7c: {  	[tilespmem:$0x15A90] =	vst v0  }
0x7d: {  	[tilespmem:$0x15AA0] =	vst v0  }
0x7e: {  	[tilespmem:$0x15AB0] =	vst v0  }
0x7f: {  	[tilespmem:$0x15AC0] =	vst v0  }
0x80: {  	[tilespmem:$0x15AD0] =	vst v0  }
0x81: {  	[tilespmem:$0x15AE0] =	vst v0  }
0x82: {  	[tilespmem:$0x15AF0] =	vst v0  }
0x83: {  	[tilespmem:$0x15B00] =	vst v0  }
0x84: {  	[tilespmem:$0x15B10] =	vst v0  }
0x85: {  	[tilespmem:$0x15B20] =	vst v0  }
0x86: {  	[tilespmem:$0x15B30] =	vst v0  }
0x87: {  	[tilespmem:$0x15B40] =	vst v0  }
0x88: {  	[tilespmem:$0x15B50] =	vst v0  }
0x89: {  	[tilespmem:$0x15B60] =	vst v0  }
0x8a: {  	[tilespmem:$0x15B70] =	vst v0  }
0x8b: {  	[tilespmem:$0x10800] =	vst v1  }
0x8c: {  	[tilespmem:$0x10810] =	vst v1  }
0x8d: {  	[tilespmem:$0x10820] =	vst v1  }
0x8e: {  	[tilespmem:$0x10830] =	vst v1  }
0x8f: {  	[tilespmem:$0x10840] =	vst v1  }
0x90: {  	[tilespmem:$0x10850] =	vst v1  }
0x91: {  	[tilespmem:$0x10860] =	vst v1  }
0x92: {  	[tilespmem:$0x10870] =	vst v1  }
0x93: {  	[tilespmem:$0x10880] =	vst v1  }
0x94: {  	[tilespmem:$0x10890] =	vst v1  }
0x95: {  	[tilespmem:$0x108A0] =	vst v1  }
0x96: {  	[tilespmem:$0x108B0] =	vst v1  }
0x97: {  	[tilespmem:$0x108C0] =	vst v1  }
0x98: {  	[tilespmem:$0x108D0] =	vst v1  }
0x99: {  	[tilespmem:$0x108E0] =	vst v1  }
0x9a: {  	s0 =	simm.s32 $0x10900;
	[tilespmem:$0x108F0] =	vst v1  }
0x9b: {  	[spmem:s26] =	stream.linear.scatter [tilespmem:s0], [sflag:$0x9], $0x5000, $0x38;
	[tilespmem:$0x1AE00] =	vst v63  }
0x9c: {  	_ =	swait.ge [sflag:s30], $0x5000  }
0x9d: {  	[sflag:s30] =	ssyncset.done $0x0  }
0x9e: {  	s26 =	simm.s32 $0x15900;
	[sflag:s30] =	ssyncadd.s32 $0xFFFFB000  }
0x9f: {  	[spmem:s28] =	stream.linear.scatter [tilespmem:s26], [sflag:$0x9], $0x280, $0x38;
	[tilespmem:$0x1AE00] =	vst v63  }
0xa0: {  	_ =	swait.ge [sflag:s30], $0x280  }
0xa1: {  	[sflag:s30] =	ssyncset.done $0x0  }
0xa2: {  	[sflag:s30] =	ssyncadd.s32 $0xFFFFFD80  }
0xa3: {  	[bflag:$0x0] =	sbarrier.arrive $0xFFFF  }
0xa4: {  	s21 =	simm.s32 $0x0;
	s30 =	rddreg [dreg:$0x9]  }
0xa5: {  	[tilespmem:s21], [sflag:$0x1] =	stream.linear.gather [hbm4b:s30+s21], $0x20, $0x38;
	[tilespmem:$0x1AE00] =	vst v63  }
0xa6: {  	s0 =	sadd.s32 $0x10, s30  }
0xa7: {  	[tilespmem:s8], [sflag:$0x1] =	stream.linear.gather [hbm4b:s0+s21], $0x20, $0x38;
	[tilespmem:$0x1AE00] =	vst v63  }
0xa8: {  	s26 =	simm.s32 $0x20;
	s31 =	rddreg [dreg:$0xa]  }
0xa9: {  	[tilespmem:s26], [sflag:$0x1] =	stream.linear.gather [hbm4b:s31+s21], $0x20, $0x38;
	[tilespmem:$0x1AE00] =	vst v63  }
0xaa: {  	s28 =	simm.s32 $0x120;
	s0 =	sadd.s32 $0x10, s31  }
0xab: {  	[tilespmem:s28], [sflag:$0x1] =	stream.linear.gather [hbm4b:s0+s21], $0x20, $0x38;
	[tilespmem:$0x1AE00] =	vst v63  }
0xac: {  	s30 =	rddreg [dreg:$0xb];
	s31 =	simm.s32 $0x40  }
0xad: {  	[tilespmem:s31], [sflag:$0x1] =	stream.linear.gather [hbm4b:s30+s21], $0x20, $0x38;
	[tilespmem:$0x1AE00] =	vst v63  }
0xae: {  	s26 =	simm.s32 $0x140;
	s0 =	sadd.s32 $0x10, s30  }
0xaf: {  	[tilespmem:s26], [sflag:$0x1] =	stream.linear.gather [hbm4b:s0+s21], $0x20, $0x38;
	[tilespmem:$0x1AE00] =	vst v63  }
0xb0: {  	s28 =	rddreg [dreg:$0xc];
	s30 =	simm.s32 $0x60  }
0xb1: {  	[tilespmem:s30], [sflag:$0x1] =	stream.linear.gather [hbm4b:s28+s21], $0x20, $0x38;
	[tilespmem:$0x1AE00] =	vst v63  }
0xb2: {  	s31 =	simm.s32 $0x160;
	s0 =	sadd.s32 $0x10, s28  }
0xb3: {  	[tilespmem:s31], [sflag:$0x1] =	stream.linear.gather [hbm4b:s0+s21], $0x20, $0x38;
	[tilespmem:$0x1AE00] =	vst v63  }
0xb4: {  	s26 =	rddreg [dreg:$0xd];
	s28 =	simm.s32 $0x80  }
0xb5: {  	[tilespmem:s28], [sflag:$0x1] =	stream.linear.gather [hbm4b:s26+s21], $0x20, $0x38;
	[tilespmem:$0x1AE00] =	vst v63  }
0xb6: {  	s30 =	simm.s32 $0x180;
	s0 =	sadd.s32 $0x10, s26  }
0xb7: {  	[tilespmem:s30], [sflag:$0x1] =	stream.linear.gather [hbm4b:s0+s21], $0x20, $0x38;
	[tilespmem:$0x1AE00] =	vst v63  }
0xb8: {  	s31 =	rddreg [dreg:$0xe];
	s26 =	simm.s32 $0xA0  }
0xb9: {  	[tilespmem:s26], [sflag:$0x1] =	stream.linear.gather [hbm4b:s31+s21], $0x20, $0x38;
	[tilespmem:$0x1AE00] =	vst v63  }
0xba: {  	s28 =	simm.s32 $0x1A0;
	s0 =	sadd.s32 $0x10, s31  }
0xbb: {  	[tilespmem:s28], [sflag:$0x1] =	stream.linear.gather [hbm4b:s0+s21], $0x20, $0x38;
	[tilespmem:$0x1AE00] =	vst v63  }
0xbc: {  	s30 =	rddreg [dreg:$0xf];
	s31 =	simm.s32 $0xC0  }
0xbd: {  	[tilespmem:s31], [sflag:$0x1] =	stream.linear.gather [hbm4b:s30+s21], $0x20, $0x38;
	[tilespmem:$0x1AE00] =	vst v63  }
0xbe: {  	s26 =	simm.s32 $0x1C0;
	s0 =	sadd.s32 $0x10, s30  }
0xbf: {  	[tilespmem:s26], [sflag:$0x1] =	stream.linear.gather [hbm4b:s0+s21], $0x20, $0x38;
	[tilespmem:$0x1AE00] =	vst v63  }
0xc0: {  	s28 =	rddreg [dreg:$0x10];
	s30 =	simm.s32 $0xE0  }
0xc1: {  	[tilespmem:s30], [sflag:$0x1] =	stream.linear.gather [hbm4b:s28+s21], $0x20, $0x38;
	[tilespmem:$0x1AE00] =	vst v63  }
0xc2: {  	s31 =	simm.s32 $0x1E0;
	s0 =	sadd.s32 $0x10, s28  }
0xc3: {  	[tilespmem:s31], [sflag:$0x1] =	stream.linear.gather [hbm4b:s0+s21], $0x20, $0x38;
	[tilespmem:$0x1AE00] =	vst v63  }
0xc4: {  	s26 =	rddreg [dreg:$0x11];
	s28 =	simm.s32 $0x8800  }
0xc5: {  	[tilespmem:s28], [sflag:$0x3] =	stream.linear.gather [hbm4b:s26+s21], $0x1000, $0x38;
	[tilespmem:$0x1AE00] =	vst v63  }
0xc6: {  	s30 =	rddreg [dreg:$0x12];
	s31 =	simm.s32 $0x9800  }
0xc7: {  	[tilespmem:s31], [sflag:$0x3] =	stream.linear.gather [hbm4b:s30+s21], $0x1000, $0x38;
	[tilespmem:$0x1AE00] =	vst v63  }
0xc8: {  	_ =	swait.ge [sflag:s29], $0x200  }
0xc9: {  	[sflag:s29] =	ssyncset.done $0x0  }
0xca: {  	s18 =	simm.s32 $0x800;
	[sflag:s29] =	ssyncadd.s32 $0xFFFFFE00  }
0xcb: {  	[tilespmem:s18], [sflag:$0x5] =	stream.indirect.gather [hbm4b:s7+s8], $0x20, s21, s8, $0xb8;
	[tilespmem:$0x1AE00] =	vst v63  }
0xcc: {  	s26 =	simm.s32 $0x2800  }
0xcd: {  	[tilespmem:s26], [sflag:$0x5] =	stream.indirect.gather [hbm4b:s9+s8], $0x20, s8, s8, $0xb8;
	[tilespmem:$0x1AE00] =	vst v63  }
0xce: {  	s30 =	simm.s32 $0x200;
	s28 =	rddreg [dreg:$0x13]  }
0xcf: {  	[tilespmem:s30], [sflag:$0x2] =	stream.linear.gather [hbm4b:s28+s21], $0x20, $0x38;
	[tilespmem:$0x1AE00] =	vst v63  }
0xd0: {  	s0 =	sadd.s32 $0x10, s28  }
0xd1: {  	[tilespmem:s5], [sflag:$0x2] =	stream.linear.gather [hbm4b:s0+s21], $0x20, $0x38;
	[tilespmem:$0x1AE00] =	vst v63  }
0xd2: {  	s31 =	rddreg [dreg:$0x14];
	s26 =	simm.s32 $0x220  }
0xd3: {  	[tilespmem:s26], [sflag:$0x2] =	stream.linear.gather [hbm4b:s31+s21], $0x20, $0x38;
	[tilespmem:$0x1AE00] =	vst v63  }
0xd4: {  	s28 =	simm.s32 $0x320;
	s0 =	sadd.s32 $0x10, s31  }
0xd5: {  	[tilespmem:s28], [sflag:$0x2] =	stream.linear.gather [hbm4b:s0+s21], $0x20, $0x38;
	[tilespmem:$0x1AE00] =	vst v63  }
0xd6: {  	s30 =	rddreg [dreg:$0x15];
	s31 =	simm.s32 $0x240  }
0xd7: {  	[tilespmem:s31], [sflag:$0x2] =	stream.linear.gather [hbm4b:s30+s21], $0x20, $0x38;
	[tilespmem:$0x1AE00] =	vst v63  }
0xd8: {  	s26 =	simm.s32 $0x340;
	s0 =	sadd.s32 $0x10, s30  }
0xd9: {  	[tilespmem:s26], [sflag:$0x2] =	stream.linear.gather [hbm4b:s0+s21], $0x20, $0x38;
	[tilespmem:$0x1AE00] =	vst v63  }
0xda: {  	s28 =	rddreg [dreg:$0x16];
	s30 =	simm.s32 $0x260  }
0xdb: {  	[tilespmem:s30], [sflag:$0x2] =	stream.linear.gather [hbm4b:s28+s21], $0x20, $0x38;
	[tilespmem:$0x1AE00] =	vst v63  }
0xdc: {  	s31 =	simm.s32 $0x360;
	s0 =	sadd.s32 $0x10, s28  }
0xdd: {  	[tilespmem:s31], [sflag:$0x2] =	stream.linear.gather [hbm4b:s0+s21], $0x20, $0x38;
	[tilespmem:$0x1AE00] =	vst v63  }
0xde: {  	s26 =	rddreg [dreg:$0x17];
	s28 =	simm.s32 $0x280  }
0xdf: {  	[tilespmem:s28], [sflag:$0x2] =	stream.linear.gather [hbm4b:s26+s21], $0x20, $0x38;
	[tilespmem:$0x1AE00] =	vst v63  }
0xe0: {  	s30 =	simm.s32 $0x380;
	s0 =	sadd.s32 $0x10, s26  }
0xe1: {  	[tilespmem:s30], [sflag:$0x2] =	stream.linear.gather [hbm4b:s0+s21], $0x20, $0x38;
	[tilespmem:$0x1AE00] =	vst v63  }
0xe2: {  	s31 =	rddreg [dreg:$0x18];
	s26 =	simm.s32 $0x2A0  }
0xe3: {  	[tilespmem:s26], [sflag:$0x2] =	stream.linear.gather [hbm4b:s31+s21], $0x20, $0x38;
	[tilespmem:$0x1AE00] =	vst v63  }
0xe4: {  	s28 =	simm.s32 $0x3A0;
	s0 =	sadd.s32 $0x10, s31  }
0xe5: {  	[tilespmem:s28], [sflag:$0x2] =	stream.linear.gather [hbm4b:s0+s21], $0x20, $0x38;
	[tilespmem:$0x1AE00] =	vst v63  }
0xe6: {  	s30 =	rddreg [dreg:$0x19];
	s31 =	simm.s32 $0x2C0  }
0xe7: {  	[tilespmem:s31], [sflag:$0x2] =	stream.linear.gather [hbm4b:s30+s21], $0x20, $0x38;
	[tilespmem:$0x1AE00] =	vst v63  }
0xe8: {  	s26 =	simm.s32 $0x3C0;
	s0 =	sadd.s32 $0x10, s30  }
0xe9: {  	[tilespmem:s26], [sflag:$0x2] =	stream.linear.gather [hbm4b:s0+s21], $0x20, $0x38;
	[tilespmem:$0x1AE00] =	vst v63  }
0xea: {  	s28 =	rddreg [dreg:$0x1a];
	s30 =	simm.s32 $0x2E0  }
0xeb: {  	[tilespmem:s30], [sflag:$0x2] =	stream.linear.gather [hbm4b:s28+s21], $0x20, $0x38;
	[tilespmem:$0x1AE00] =	vst v63  }
0xec: {  	s31 =	simm.s32 $0x3E0;
	s0 =	sadd.s32 $0x10, s28  }
0xed: {  	[tilespmem:s31], [sflag:$0x2] =	stream.linear.gather [hbm4b:s0+s21], $0x20, $0x38;
	[tilespmem:$0x1AE00] =	vst v63  }
.Ltmp3:
0xee: {  	_ = 	snop;
	(pc) =	sbr.rel .LBB2_4-.Ltmp3, $4  }
0xef: {  	s26 =	rddreg [dreg:$0x1b];
	s28 =	simm.s32 $0xA800  }
0xf0: {  	[tilespmem:s28], [sflag:$0x4] =	stream.linear.gather [hbm4b:s26+s21], $0x1000, $0x38;
	[tilespmem:$0x1AE00] =	vst v63  }
0xf1: {  	s30 =	rddreg [dreg:$0x1c];
	s31 =	simm.s32 $0xB800  }
0xf2: {  	[tilespmem:s31], [sflag:$0x4] =	stream.linear.gather [hbm4b:s30+s21], $0x1000, $0x38;
	[tilespmem:$0x1AE00] =	vst v63  }
.LBB2_25:
0xf3: {  	s21 =	sadd.s32 $0x1, s21  }
0xf4: {  	p1 =	sne.s32 s21, $0xA  }
.Ltmp4:
0xf5: {  	_ = 	snop;
	(pc) =	sbr.rel @!p1 .LBB2_26-.Ltmp4, $1  }
0xf6: {  	_ =	sdelay $0x3  }
.LBB2_4:
0xf7: {  	_ =	swait.ge [sflag:s22], $0x2000  }
0xf8: {  	[sflag:s22] =	ssyncset.done $0x0  }
0xf9: {  	[sflag:s22] =	ssyncadd.s32 $0xFFFFE000  }
0xfa: {  	_ =	swait.ge [sflag:s22], $0x2000  }
0xfb: {  	[sflag:s22] =	ssyncset.done $0x0  }
0xfc: {  	[sflag:s22] =	ssyncadd.s32 $0xFFFFE000  }
0xfd: {  	_ =	swait.ge [sflag:s23], $0x1000  }
0xfe: {  	[sflag:s23] =	ssyncset.done $0x0  }
0xff: {  	[sflag:s23] =	ssyncadd.s32 $0xFFFFF000  }
0x100: {  	_ =	swait.ge [sflag:s23], $0x1000  }
0x101: {  	p1 =	seq.s32 s21, $0x0;
	[sflag:s23] =	ssyncset.done $0x0  }
0x102: {  	s0 =	simm.s32 @!p1 $0x7;
	[sflag:s23] =	ssyncadd.s32 $0xFFFFF000  }
0x103: {  	_ =	swait.ge @!p1 [sflag:s0], $0x2000  }
0x104: {  	[sflag:s0] =	ssyncset.done @!p1 $0x0  }
0x105: {  	[sflag:s0] =	ssyncadd.s32 @!p1 $0xFFFFE000  }
0x106: {  	_ =	swait.ge @!p1 [sflag:s0], $0x100  }
0x107: {  	[sflag:s0] =	ssyncset.done @!p1 $0x0  }
0x108: {  	s18 =	sshll.u32 s21, $0x7;
	[sflag:s0] =	ssyncadd.s32 @!p1 $0xFFFFFF00  }
0x109: {  	s0 =	sor.u32 s6, s18;
	_ =	swait.ge [sflag:s12], $0x200  }
0x10a: {  	s28 =	simm.s32 $0x200;
	s26 =	sor.u32 $0x40, s0;
	[sflag:s12] =	ssyncset.done $0x0  }
0x10b: {  	s30 =	simm.s32 $0x4800;
	s18 =	smul.u32 $0x28F6, s26;
	[sflag:s12] =	ssyncadd.s32 $0xFFFFFE00  }
0x10c: {  	[tilespmem:s30], [sflag:$0x6] =	stream.indirect.gather [hbm4b:s7+s8], $0x20, s28, s8, $0xb8;
	[tilespmem:$0x1AE00] =	vst v63  }
0x10d: {  	s18 =	sshrl.u32 s18, $0x13  }
0x10e: {  	s30 =	simm.s32 $0x6800;
	s28 =	smul.u32 $0x7FFFFCE, s18  }
0x10f: {  	[tilespmem:s30], [sflag:$0x6] =	stream.indirect.gather [hbm4b:s9+s8], $0x20, s5, s8, $0xb8;
	[tilespmem:$0x1AE00] =	vst v63  }
0x110: {  	s18 =	smul.u32 $0x3200, s18;
	s28 =	sadd.s32 s26, s28  }
0x111: {  	s28 =	sshll.u32 s28, $0x5  }
0x112: {  	s18 =	sadd.s32 s18, s28  }
0x113: {  	s30 =	sshll.u32 s18, $0x1  }
0x114: {  	s28 =	sand.u32 $0x60, s28;
	s30 =	sand.u32 $0xFFFFFF00, s30  }
0x115: {  	s28 =	sor.u32 s28, s30  }
0x116: {  	s30 =	sshrl.u32 s28, $0x3  }
0x117: {  	s30 =	sadd.s32 s1, s30  }
0x118: {  	[tilespmem:s15], [sflag:$0x1] =	stream.linear.gather [hbm4b:s30+s4], $0x20, $0x38;
	[tilespmem:$0x1AE00] =	vst v63  }
0x119: {  	s30 =	sadd.s32 $0x10, s30  }
0x11a: {  	[tilespmem:s16], [sflag:$0x1] =	stream.linear.gather [hbm4b:s30+s4], $0x20, $0x38;
	[tilespmem:$0x1AE00] =	vst v63  }
0x11b: {  	s30 =	sadd.s32 $0x640, s18  }
0x11c: {  	s31 =	sshll.u32 s30, $0x1  }
0x11d: {  	s30 =	sand.u32 $0x60, s30;
	s31 =	sand.u32 $0xFFFFFF00, s31  }
0x11e: {  	s30 =	sor.u32 s30, s31  }
0x11f: {  	s30 =	sshrl.u32 s30, $0x3  }
0x120: {  	s31 =	simm.s32 $0x420;
	s30 =	sadd.s32 s1, s30  }
0x121: {  	[tilespmem:s31], [sflag:$0x1] =	stream.linear.gather [hbm4b:s30+s4], $0x20, $0x38;
	[tilespmem:$0x1AE00] =	vst v63  }
0x122: {  	s30 =	sadd.s32 $0x10, s30;
	s31 =	simm.s32 $0x520  }
0x123: {  	[tilespmem:s31], [sflag:$0x1] =	stream.linear.gather [hbm4b:s30+s4], $0x20, $0x38;
	[tilespmem:$0x1AE00] =	vst v63  }
0x124: {  	s30 =	sadd.s32 $0x1900, s28  }
0x125: {  	s30 =	sshrl.u32 s30, $0x3  }
0x126: {  	s31 =	simm.s32 $0x440;
	s30 =	sadd.s32 s1, s30  }
0x127: {  	[tilespmem:s31], [sflag:$0x1] =	stream.linear.gather [hbm4b:s30+s4], $0x20, $0x38;
	[tilespmem:$0x1AE00] =	vst v63  }
0x128: {  	s30 =	sadd.s32 $0x10, s30;
	s31 =	simm.s32 $0x540  }
0x129: {  	[tilespmem:s31], [sflag:$0x1] =	stream.linear.gather [hbm4b:s30+s4], $0x20, $0x38;
	[tilespmem:$0x1AE00] =	vst v63  }
0x12a: {  	s30 =	sadd.s32 $0x12C0, s18  }
0x12b: {  	s31 =	sshll.u32 s30, $0x1  }
0x12c: {  	s30 =	sand.u32 $0x60, s30;
	s31 =	sand.u32 $0xFFFFFF00, s31  }
0x12d: {  	s30 =	sor.u32 s30, s31  }
0x12e: {  	s30 =	sshrl.u32 s30, $0x3  }
0x12f: {  	s31 =	simm.s32 $0x460;
	s30 =	sadd.s32 s1, s30  }
0x130: {  	[tilespmem:s31], [sflag:$0x1] =	stream.linear.gather [hbm4b:s30+s4], $0x20, $0x38;
	[tilespmem:$0x1AE00] =	vst v63  }
0x131: {  	s30 =	sadd.s32 $0x10, s30;
	s31 =	simm.s32 $0x560  }
0x132: {  	[tilespmem:s31], [sflag:$0x1] =	stream.linear.gather [hbm4b:s30+s4], $0x20, $0x38;
	[tilespmem:$0x1AE00] =	vst v63  }
0x133: {  	s30 =	sadd.s32 $0x3200, s28  }
0x134: {  	s30 =	sshrl.u32 s30, $0x3  }
0x135: {  	s31 =	simm.s32 $0x480;
	s30 =	sadd.s32 s1, s30  }
0x136: {  	[tilespmem:s31], [sflag:$0x1] =	stream.linear.gather [hbm4b:s30+s4], $0x20, $0x38;
	[tilespmem:$0x1AE00] =	vst v63  }
0x137: {  	s30 =	sadd.s32 $0x10, s30;
	s31 =	simm.s32 $0x580  }
0x138: {  	[tilespmem:s31], [sflag:$0x1] =	stream.linear.gather [hbm4b:s30+s4], $0x20, $0x38;
	[tilespmem:$0x1AE00] =	vst v63  }
0x139: {  	s30 =	sadd.s32 $0x1F40, s18  }
0x13a: {  	s31 =	sshll.u32 s30, $0x1  }
0x13b: {  	s30 =	sand.u32 $0x60, s30;
	s31 =	sand.u32 $0xFFFFFF00, s31  }
0x13c: {  	s30 =	sor.u32 s30, s31  }
0x13d: {  	s30 =	sshrl.u32 s30, $0x3  }
0x13e: {  	s28 =	sadd.s32 $0x4B00, s28;
	s31 =	simm.s32 $0x4A0;
	s30 =	sadd.s32 s1, s30  }
0x13f: {  	[tilespmem:s31], [sflag:$0x1] =	stream.linear.gather [hbm4b:s30+s4], $0x20, $0x38;
	[tilespmem:$0x1AE00] =	vst v63  }
0x140: {  	s28 =	sshrl.u32 s28, $0x3;
	s30 =	sadd.s32 $0x10, s30;
	s31 =	simm.s32 $0x5A0  }
0x141: {  	[tilespmem:s31], [sflag:$0x1] =	stream.linear.gather [hbm4b:s30+s4], $0x20, $0x38;
	[tilespmem:$0x1AE00] =	vst v63  }
0x142: {  	s28 =	sadd.s32 s1, s28;
	s30 =	simm.s32 $0x4C0  }
0x143: {  	[tilespmem:s30], [sflag:$0x1] =	stream.linear.gather [hbm4b:s28+s4], $0x20, $0x38;
	[tilespmem:$0x1AE00] =	vst v63  }
0x144: {  	s18 =	sadd.s32 $0x2BC0, s18;
	s28 =	sadd.s32 $0x10, s28;
	s30 =	simm.s32 $0x5C0  }
0x145: {  	[tilespmem:s30], [sflag:$0x1] =	stream.linear.gather [hbm4b:s28+s4], $0x20, $0x38;
	[tilespmem:$0x1AE00] =	vst v63  }
0x146: {  	s28 =	sshll.u32 s18, $0x1  }
0x147: {  	s18 =	sand.u32 $0x60, s18;
	s28 =	sand.u32 $0xFFFFFF00, s28  }
0x148: {  	s18 =	sor.u32 s18, s28  }
0x149: {  	s18 =	sshrl.u32 s18, $0x3  }
0x14a: {  	s28 =	simm.s32 $0x4E0;
	s18 =	sadd.s32 s1, s18  }
0x14b: {  	[tilespmem:s28], [sflag:$0x1] =	stream.linear.gather [hbm4b:s18+s4], $0x20, $0x38;
	[tilespmem:$0x1AE00] =	vst v63  }
0x14c: {  	s18 =	sadd.s32 $0x10, s18;
	s28 =	simm.s32 $0x5E0  }
0x14d: {  	[tilespmem:s28], [sflag:$0x1] =	stream.linear.gather [hbm4b:s18+s4], $0x20, $0x38;
	[tilespmem:$0x1AE00] =	vst v63  }
0x14e: {  	s28 =	simm.s32 $0xFFFFFC00  }
0x14f: {  	v2 =	vld [tilespmem:s28+$0xC00]  }
0x150: {  	v3 =	vld [tilespmem:s28+$0x2C00]  }
0x151: {  	s30 =	simm.s32 $0x9800  }
0x152: {  	v4 =	vld [tilespmem:s30+$0xFFFFF000];
	_ =	sdelay $0x2  }
0x153: {  	v2 =	vadd.f32 v3, v2;
	_ =	sdelay $0x1  }
0x154: {  	v2 =	vadd.f32 v4, v2  }
0x155: {  	v3 =	vld [tilespmem:s28+$0xC10]  }
0x156: {  	v4 =	vld [tilespmem:s28+$0x2C10];
	v2 =	vmax.f32 v2, $0.0e+00  }
0x157: {  	[tilespmem:s28+$0xCC00] =	vst v2  }
0x158: {  	v2 =	vld [tilespmem:s30+$0xFFFFF010];
	_ =	sdelay $0x2  }
0x159: {  	v3 =	vadd.f32 v4, v3;
	_ =	sdelay $0x1  }
0x15a: {  	v2 =	vadd.f32 v2, v3  }
0x15b: {  	v4 =	vld [tilespmem:s28+$0x3000]  }
0x15c: {  	v3 =	vld [tilespmem:s28+$0x1000];
	v2 =	vmax.f32 v2, $0.0e+00  }
0x15d: {  	[tilespmem:s28+$0xCC10] =	vst v2  }
0x15e: {  	v2 =	vld [tilespmem:s30+$0xFFFFF020];
	_ =	sdelay $0x2  }
0x15f: {  	v3 =	vadd.f32 v4, v3;
	_ =	sdelay $0x1  }
0x160: {  	v2 =	vadd.f32 v2, v3  }
0x161: {  	v4 =	vld [tilespmem:s28+$0x3010]  }
0x162: {  	v3 =	vld [tilespmem:s28+$0x1010];
	v2 =	vmax.f32 v2, $0.0e+00  }
0x163: {  	[tilespmem:s28+$0xD000] =	vst v2  }
0x164: {  	v2 =	vld [tilespmem:s30+$0xFFFFF030];
	_ =	sdelay $0x2  }
0x165: {  	v3 =	vadd.f32 v4, v3;
	_ =	sdelay $0x1  }
0x166: {  	v2 =	vadd.f32 v2, v3  }
0x167: {  	v4 =	vld [tilespmem:s28+$0x3400]  }
0x168: {  	v3 =	vld [tilespmem:s28+$0x1400];
	v2 =	vmax.f32 v2, $0.0e+00  }
0x169: {  	[tilespmem:s28+$0xD010] =	vst v2  }
0x16a: {  	v2 =	vld [tilespmem:s30+$0xFFFFF040];
	_ =	sdelay $0x2  }
0x16b: {  	v3 =	vadd.f32 v4, v3;
	_ =	sdelay $0x1  }
0x16c: {  	v2 =	vadd.f32 v2, v3  }
0x16d: {  	v4 =	vld [tilespmem:s28+$0x3410]  }
0x16e: {  	v3 =	vld [tilespmem:s28+$0x1410];
	v2 =	vmax.f32 v2, $0.0e+00  }
0x16f: {  	[tilespmem:s28+$0xD400] =	vst v2  }
0x170: {  	v2 =	vld [tilespmem:s30+$0xFFFFF050];
	_ =	sdelay $0x2  }
0x171: {  	v3 =	vadd.f32 v4, v3;
	_ =	sdelay $0x1  }
0x172: {  	v2 =	vadd.f32 v2, v3  }
0x173: {  	v4 =	vld [tilespmem:s28+$0x3800]  }
0x174: {  	v3 =	vld [tilespmem:s28+$0x1800];
	v2 =	vmax.f32 v2, $0.0e+00  }
0x175: {  	[tilespmem:s28+$0xD410] =	vst v2  }
0x176: {  	v2 =	vld [tilespmem:s30+$0xFFFFF060];
	_ =	sdelay $0x2  }
0x177: {  	v3 =	vadd.f32 v4, v3;
	_ =	sdelay $0x1  }
0x178: {  	v2 =	vadd.f32 v2, v3  }
0x179: {  	v4 =	vld [tilespmem:s28+$0x3810]  }
0x17a: {  	v3 =	vld [tilespmem:s28+$0x1810];
	v2 =	vmax.f32 v2, $0.0e+00  }
0x17b: {  	[tilespmem:s28+$0xD800] =	vst v2  }
0x17c: {  	v2 =	vld [tilespmem:s30+$0xFFFFF070];
	_ =	sdelay $0x2  }
0x17d: {  	v3 =	vadd.f32 v4, v3;
	_ =	sdelay $0x1  }
0x17e: {  	v2 =	vadd.f32 v2, v3  }
0x17f: {  	v4 =	vld [tilespmem:s28+$0x3C00]  }
0x180: {  	v3 =	vld [tilespmem:s28+$0x1C00];
	v2 =	vmax.f32 v2, $0.0e+00  }
0x181: {  	[tilespmem:s28+$0xD810] =	vst v2  }
0x182: {  	v2 =	vld [tilespmem:s30+$0x0];
	_ =	sdelay $0x2  }
0x183: {  	v3 =	vadd.f32 v4, v3;
	_ =	sdelay $0x1  }
0x184: {  	v2 =	vadd.f32 v2, v3  }
0x185: {  	v4 =	vld [tilespmem:s28+$0x3C10]  }
0x186: {  	v3 =	vld [tilespmem:s28+$0x1C10];
	v2 =	vmax.f32 v2, $0.0e+00  }
0x187: {  	[tilespmem:s28+$0xDC00] =	vst v2  }
0x188: {  	v2 =	vld [tilespmem:s30+$0x10];
	_ =	sdelay $0x2  }
0x189: {  	v3 =	vadd.f32 v4, v3;
	_ =	sdelay $0x1  }
0x18a: {  	v2 =	vadd.f32 v2, v3  }
0x18b: {  	v4 =	vld [tilespmem:s28+$0x4000]  }
0x18c: {  	v3 =	vld [tilespmem:s28+$0x2000];
	v2 =	vmax.f32 v2, $0.0e+00  }
0x18d: {  	[tilespmem:s28+$0xDC10] =	vst v2  }
0x18e: {  	v2 =	vld [tilespmem:s30+$0x20];
	_ =	sdelay $0x2  }
0x18f: {  	v3 =	vadd.f32 v4, v3;
	_ =	sdelay $0x1  }
0x190: {  	v2 =	vadd.f32 v2, v3  }
0x191: {  	v4 =	vld [tilespmem:s28+$0x4010]  }
0x192: {  	v3 =	vld [tilespmem:s28+$0x2010];
	v2 =	vmax.f32 v2, $0.0e+00  }
0x193: {  	[tilespmem:s28+$0xE000] =	vst v2  }
0x194: {  	v2 =	vld [tilespmem:s30+$0x30];
	_ =	sdelay $0x2  }
0x195: {  	v3 =	vadd.f32 v4, v3;
	_ =	sdelay $0x1  }
0x196: {  	v2 =	vadd.f32 v2, v3  }
0x197: {  	v4 =	vld [tilespmem:s28+$0x4400]  }
0x198: {  	v3 =	vld [tilespmem:s28+$0x2400];
	v2 =	vmax.f32 v2, $0.0e+00  }
0x199: {  	[tilespmem:s28+$0xE010] =	vst v2  }
0x19a: {  	v2 =	vld [tilespmem:s30+$0x40];
	_ =	sdelay $0x2  }
0x19b: {  	v3 =	vadd.f32 v4, v3;
	_ =	sdelay $0x1  }
0x19c: {  	v2 =	vadd.f32 v2, v3  }
0x19d: {  	v4 =	vld [tilespmem:s28+$0x4410]  }
0x19e: {  	v3 =	vld [tilespmem:s28+$0x2410];
	v2 =	vmax.f32 v2, $0.0e+00  }
0x19f: {  	[tilespmem:s28+$0xE400] =	vst v2  }
0x1a0: {  	v2 =	vld [tilespmem:s30+$0x50];
	_ =	sdelay $0x2  }
0x1a1: {  	v3 =	vadd.f32 v4, v3;
	_ =	sdelay $0x1  }
0x1a2: {  	v2 =	vadd.f32 v2, v3  }
0x1a3: {  	v4 =	vld [tilespmem:s28+$0x4800]  }
0x1a4: {  	v3 =	vld [tilespmem:s28+$0x2800];
	v2 =	vmax.f32 v2, $0.0e+00  }
0x1a5: {  	[tilespmem:s28+$0xE410] =	vst v2  }
0x1a6: {  	v2 =	vld [tilespmem:s30+$0x60];
	_ =	sdelay $0x2  }
0x1a7: {  	v3 =	vadd.f32 v4, v3;
	_ =	sdelay $0x1  }
0x1a8: {  	v2 =	vadd.f32 v2, v3  }
0x1a9: {  	v4 =	vld [tilespmem:s28+$0x4810]  }
0x1aa: {  	v3 =	vld [tilespmem:s28+$0x2810];
	v2 =	vmax.f32 v2, $0.0e+00  }
0x1ab: {  	[tilespmem:s28+$0xE800] =	vst v2  }
0x1ac: {  	v2 =	vld [tilespmem:s30+$0x70];
	_ =	sdelay $0x2  }
0x1ad: {  	v3 =	vadd.f32 v4, v3;
	_ =	sdelay $0x1  }
0x1ae: {  	s18 =	simm.s32 $0xFFFFFC20;
	v3 =	vadd.f32 v2, v3  }
0x1af: {  	s31 =	simm.s32 $0xFFFFF100;
	v2 =	vld [tilespmem:s18+$0xC00]  }
.LBB2_5:
0x1b0: {  	p2 =	sne.s32 s31, $0xFFFFFF80;
	v4 =	vld [tilespmem:s18+$0x2C00];
	v3 =	vmax.f32 v3, $0.0e+00  }
0x1b1: {  	s30 =	sadd.s32 $0x80, s30;
	[tilespmem:s28+$0xE810] =	vst v3;
	s28 =	smov.u32 s18  }
0x1b2: {  	v3 =	vld [tilespmem:s30+$0xFFFFF000];
	_ =	sdelay $0x2  }
0x1b3: {  	v2 =	vadd.f32 v4, v2;
	_ =	sdelay $0x1  }
0x1b4: {  	v2 =	vadd.f32 v3, v2  }
0x1b5: {  	v3 =	vld [tilespmem:s28+$0xC10]  }
0x1b6: {  	v2 =	vmax.f32 v2, $0.0e+00;
	v4 =	vld [tilespmem:s28+$0x2C10]  }
0x1b7: {  	[tilespmem:s28+$0xCC00] =	vst v2  }
0x1b8: {  	v2 =	vld [tilespmem:s30+$0xFFFFF010];
	_ =	sdelay $0x2  }
0x1b9: {  	v3 =	vadd.f32 v4, v3;
	_ =	sdelay $0x1  }
0x1ba: {  	v2 =	vadd.f32 v2, v3  }
0x1bb: {  	v3 =	vld [tilespmem:s28+$0x1000]  }
0x1bc: {  	v2 =	vmax.f32 v2, $0.0e+00;
	v4 =	vld [tilespmem:s28+$0x3000]  }
0x1bd: {  	[tilespmem:s28+$0xCC10] =	vst v2  }
0x1be: {  	v2 =	vld [tilespmem:s30+$0xFFFFF020];
	_ =	sdelay $0x2  }
0x1bf: {  	v3 =	vadd.f32 v4, v3;
	_ =	sdelay $0x1  }
0x1c0: {  	v2 =	vadd.f32 v2, v3  }
0x1c1: {  	v3 =	vld [tilespmem:s28+$0x1010]  }
0x1c2: {  	v2 =	vmax.f32 v2, $0.0e+00;
	v4 =	vld [tilespmem:s28+$0x3010]  }
0x1c3: {  	[tilespmem:s28+$0xD000] =	vst v2  }
0x1c4: {  	v2 =	vld [tilespmem:s30+$0xFFFFF030];
	_ =	sdelay $0x2  }
0x1c5: {  	v3 =	vadd.f32 v4, v3;
	_ =	sdelay $0x1  }
0x1c6: {  	v2 =	vadd.f32 v2, v3  }
0x1c7: {  	v3 =	vld [tilespmem:s28+$0x1400]  }
0x1c8: {  	v2 =	vmax.f32 v2, $0.0e+00;
	v4 =	vld [tilespmem:s28+$0x3400]  }
0x1c9: {  	[tilespmem:s28+$0xD010] =	vst v2  }
0x1ca: {  	v2 =	vld [tilespmem:s30+$0xFFFFF040];
	_ =	sdelay $0x2  }
0x1cb: {  	v3 =	vadd.f32 v4, v3;
	_ =	sdelay $0x1  }
0x1cc: {  	v2 =	vadd.f32 v2, v3  }
0x1cd: {  	v3 =	vld [tilespmem:s28+$0x1410]  }
0x1ce: {  	v2 =	vmax.f32 v2, $0.0e+00;
	v4 =	vld [tilespmem:s28+$0x3410]  }
0x1cf: {  	[tilespmem:s28+$0xD400] =	vst v2  }
0x1d0: {  	v2 =	vld [tilespmem:s30+$0xFFFFF050];
	_ =	sdelay $0x2  }
0x1d1: {  	v3 =	vadd.f32 v4, v3;
	_ =	sdelay $0x1  }
0x1d2: {  	v2 =	vadd.f32 v2, v3  }
0x1d3: {  	v3 =	vld [tilespmem:s28+$0x1800]  }
0x1d4: {  	v2 =	vmax.f32 v2, $0.0e+00;
	v4 =	vld [tilespmem:s28+$0x3800]  }
0x1d5: {  	[tilespmem:s28+$0xD410] =	vst v2  }
0x1d6: {  	v2 =	vld [tilespmem:s30+$0xFFFFF060];
	_ =	sdelay $0x2  }
0x1d7: {  	v3 =	vadd.f32 v4, v3;
	_ =	sdelay $0x1  }
0x1d8: {  	v2 =	vadd.f32 v2, v3  }
0x1d9: {  	v3 =	vld [tilespmem:s28+$0x1810]  }
0x1da: {  	v2 =	vmax.f32 v2, $0.0e+00;
	v4 =	vld [tilespmem:s28+$0x3810]  }
0x1db: {  	[tilespmem:s28+$0xD800] =	vst v2  }
0x1dc: {  	v2 =	vld [tilespmem:s30+$0xFFFFF070];
	_ =	sdelay $0x2  }
0x1dd: {  	v3 =	vadd.f32 v4, v3;
	_ =	sdelay $0x1  }
0x1de: {  	v2 =	vadd.f32 v2, v3  }
0x1df: {  	v3 =	vld [tilespmem:s28+$0x1C00]  }
0x1e0: {  	v2 =	vmax.f32 v2, $0.0e+00;
	v4 =	vld [tilespmem:s28+$0x3C00]  }
0x1e1: {  	[tilespmem:s28+$0xD810] =	vst v2  }
0x1e2: {  	v2 =	vld [tilespmem:s30+$0x0];
	_ =	sdelay $0x2  }
0x1e3: {  	v3 =	vadd.f32 v4, v3;
	_ =	sdelay $0x1  }
0x1e4: {  	v2 =	vadd.f32 v2, v3  }
0x1e5: {  	v3 =	vld [tilespmem:s28+$0x1C10]  }
0x1e6: {  	v2 =	vmax.f32 v2, $0.0e+00;
	v4 =	vld [tilespmem:s28+$0x3C10]  }
0x1e7: {  	[tilespmem:s28+$0xDC00] =	vst v2  }
0x1e8: {  	v2 =	vld [tilespmem:s30+$0x10];
	_ =	sdelay $0x2  }
0x1e9: {  	v3 =	vadd.f32 v4, v3;
	_ =	sdelay $0x1  }
0x1ea: {  	v2 =	vadd.f32 v2, v3  }
0x1eb: {  	v3 =	vld [tilespmem:s28+$0x2000]  }
0x1ec: {  	v2 =	vmax.f32 v2, $0.0e+00;
	v4 =	vld [tilespmem:s28+$0x4000]  }
0x1ed: {  	[tilespmem:s28+$0xDC10] =	vst v2  }
0x1ee: {  	v2 =	vld [tilespmem:s30+$0x20];
	_ =	sdelay $0x2  }
0x1ef: {  	v3 =	vadd.f32 v4, v3;
	_ =	sdelay $0x1  }
0x1f0: {  	v2 =	vadd.f32 v2, v3  }
0x1f1: {  	v3 =	vld [tilespmem:s28+$0x2010]  }
0x1f2: {  	v2 =	vmax.f32 v2, $0.0e+00;
	v4 =	vld [tilespmem:s28+$0x4010]  }
0x1f3: {  	[tilespmem:s28+$0xE000] =	vst v2  }
0x1f4: {  	v2 =	vld [tilespmem:s30+$0x30];
	_ =	sdelay $0x2  }
0x1f5: {  	v3 =	vadd.f32 v4, v3;
	_ =	sdelay $0x1  }
0x1f6: {  	v2 =	vadd.f32 v2, v3  }
0x1f7: {  	v3 =	vld [tilespmem:s28+$0x2400]  }
0x1f8: {  	v2 =	vmax.f32 v2, $0.0e+00;
	v4 =	vld [tilespmem:s28+$0x4400]  }
0x1f9: {  	[tilespmem:s28+$0xE010] =	vst v2  }
0x1fa: {  	v2 =	vld [tilespmem:s30+$0x40];
	_ =	sdelay $0x2  }
0x1fb: {  	v3 =	vadd.f32 v4, v3;
	_ =	sdelay $0x1  }
0x1fc: {  	v2 =	vadd.f32 v2, v3  }
0x1fd: {  	v3 =	vld [tilespmem:s28+$0x2410]  }
0x1fe: {  	v2 =	vmax.f32 v2, $0.0e+00;
	v4 =	vld [tilespmem:s28+$0x4410]  }
0x1ff: {  	[tilespmem:s28+$0xE400] =	vst v2  }
0x200: {  	v2 =	vld [tilespmem:s30+$0x50];
	_ =	sdelay $0x2  }
0x201: {  	v3 =	vadd.f32 v4, v3;
	_ =	sdelay $0x1  }
0x202: {  	v2 =	vadd.f32 v2, v3  }
0x203: {  	v3 =	vld [tilespmem:s28+$0x2800]  }
0x204: {  	v2 =	vmax.f32 v2, $0.0e+00;
	v4 =	vld [tilespmem:s28+$0x4800]  }
0x205: {  	[tilespmem:s28+$0xE410] =	vst v2  }
0x206: {  	v2 =	vld [tilespmem:s30+$0x60];
	_ =	sdelay $0x2  }
0x207: {  	v3 =	vadd.f32 v4, v3;
	_ =	sdelay $0x1  }
0x208: {  	v2 =	vadd.f32 v2, v3  }
0x209: {  	v3 =	vld [tilespmem:s28+$0x2810]  }
0x20a: {  	v2 =	vmax.f32 v2, $0.0e+00;
	v4 =	vld [tilespmem:s28+$0x4810]  }
0x20b: {  	[tilespmem:s28+$0xE800] =	vst v2  }
0x20c: {  	v2 =	vld [tilespmem:s30+$0x70];
	_ =	sdelay $0x1  }
.Ltmp5:
0x20d: {  	(pc) =	sbr.rel @p2 .LBB2_5-.Ltmp5, $3  }
0x20e: {  	v3 =	vadd.f32 v4, v3;
	_ =	sdelay $0x1  }
0x20f: {  	s18 =	sshra.s32 s31, $0x2;
	v3 =	vadd.f32 v2, v3  }
0x210: {  	s31 =	sadd.s32 $0x80, s31;
	v2 =	vld [tilespmem:s18+$0xC00]  }
0x211: {  	v4 =	vld [tilespmem:s18+$0x2C00];
	v3 =	vmax.f32 v3, $0.0e+00  }
0x212: {  	s31 =	sadd.s32 $0x80, s30;
	[tilespmem:s28+$0xE810] =	vst v3  }
0x213: {  	v3 =	vld [tilespmem:s31+$0xFFFFF000];
	_ =	sdelay $0x2  }
0x214: {  	v2 =	vadd.f32 v4, v2;
	_ =	sdelay $0x1  }
0x215: {  	v2 =	vadd.f32 v3, v2  }
0x216: {  	v49 =	vld [tilespmem:s18+$0x2C10]  }
0x217: {  	v3 =	vld [tilespmem:s18+$0xC10];
	v2 =	vmax.f32 v2, $0.0e+00  }
0x218: {  	[tilespmem:s18+$0xCC00] =	vst v2  }
0x219: {  	v2 =	vld [tilespmem:s31+$0xFFFFF010];
	_ =	sdelay $0x2  }
0x21a: {  	v3 =	vadd.f32 v49, v3;
	_ =	sdelay $0x1  }
0x21b: {  	v2 =	vadd.f32 v2, v3  }
0x21c: {  	v50 =	vld [tilespmem:s18+$0x3000]  }
0x21d: {  	v3 =	vld [tilespmem:s18+$0x1000];
	v2 =	vmax.f32 v2, $0.0e+00  }
0x21e: {  	[tilespmem:s18+$0xCC10] =	vst v2  }
0x21f: {  	v2 =	vld [tilespmem:s31+$0xFFFFF020];
	_ =	sdelay $0x2  }
0x220: {  	v3 =	vadd.f32 v50, v3;
	_ =	sdelay $0x1  }
0x221: {  	v2 =	vadd.f32 v2, v3  }
0x222: {  	v51 =	vld [tilespmem:s18+$0x3010]  }
0x223: {  	v3 =	vld [tilespmem:s18+$0x1010];
	v2 =	vmax.f32 v2, $0.0e+00  }
0x224: {  	[tilespmem:s18+$0xD000] =	vst v2  }
0x225: {  	v2 =	vld [tilespmem:s31+$0xFFFFF030];
	_ =	sdelay $0x2  }
0x226: {  	v3 =	vadd.f32 v51, v3;
	_ =	sdelay $0x1  }
0x227: {  	v2 =	vadd.f32 v2, v3  }
0x228: {  	v52 =	vld [tilespmem:s18+$0x3400]  }
0x229: {  	v3 =	vld [tilespmem:s18+$0x1400];
	v2 =	vmax.f32 v2, $0.0e+00  }
0x22a: {  	[tilespmem:s18+$0xD010] =	vst v2  }
0x22b: {  	v2 =	vld [tilespmem:s31+$0xFFFFF040];
	_ =	sdelay $0x2  }
0x22c: {  	v3 =	vadd.f32 v52, v3;
	_ =	sdelay $0x1  }
0x22d: {  	v2 =	vadd.f32 v2, v3  }
0x22e: {  	v53 =	vld [tilespmem:s18+$0x3410]  }
0x22f: {  	v3 =	vld [tilespmem:s18+$0x1410];
	v2 =	vmax.f32 v2, $0.0e+00  }
0x230: {  	[tilespmem:s18+$0xD400] =	vst v2  }
0x231: {  	v2 =	vld [tilespmem:s31+$0xFFFFF050];
	_ =	sdelay $0x2  }
0x232: {  	v3 =	vadd.f32 v53, v3;
	_ =	sdelay $0x1  }
0x233: {  	v2 =	vadd.f32 v2, v3  }
0x234: {  	v54 =	vld [tilespmem:s18+$0x3800]  }
0x235: {  	v3 =	vld [tilespmem:s18+$0x1800];
	v2 =	vmax.f32 v2, $0.0e+00  }
0x236: {  	[tilespmem:s18+$0xD410] =	vst v2  }
0x237: {  	v2 =	vld [tilespmem:s31+$0xFFFFF060];
	_ =	sdelay $0x2  }
0x238: {  	v3 =	vadd.f32 v54, v3;
	_ =	sdelay $0x1  }
0x239: {  	v2 =	vadd.f32 v2, v3  }
0x23a: {  	v55 =	vld [tilespmem:s18+$0x3810]  }
0x23b: {  	v3 =	vld [tilespmem:s18+$0x1810];
	v2 =	vmax.f32 v2, $0.0e+00  }
0x23c: {  	[tilespmem:s18+$0xD800] =	vst v2  }
0x23d: {  	v2 =	vld [tilespmem:s31+$0xFFFFF070];
	_ =	sdelay $0x2  }
0x23e: {  	v3 =	vadd.f32 v55, v3;
	_ =	sdelay $0x1  }
0x23f: {  	v2 =	vadd.f32 v2, v3  }
0x240: {  	v56 =	vld [tilespmem:s18+$0x3C00]  }
0x241: {  	v3 =	vld [tilespmem:s18+$0x1C00];
	v2 =	vmax.f32 v2, $0.0e+00  }
0x242: {  	[tilespmem:s18+$0xD810] =	vst v2  }
0x243: {  	v2 =	vld [tilespmem:s31+$0x0];
	_ =	sdelay $0x2  }
0x244: {  	v3 =	vadd.f32 v56, v3;
	_ =	sdelay $0x1  }
0x245: {  	v2 =	vadd.f32 v2, v3  }
0x246: {  	v57 =	vld [tilespmem:s18+$0x3C10]  }
0x247: {  	v3 =	vld [tilespmem:s18+$0x1C10];
	v2 =	vmax.f32 v2, $0.0e+00  }
0x248: {  	[tilespmem:s18+$0xDC00] =	vst v2  }
0x249: {  	v2 =	vld [tilespmem:s31+$0x10];
	_ =	sdelay $0x2  }
0x24a: {  	v3 =	vadd.f32 v57, v3;
	_ =	sdelay $0x1  }
0x24b: {  	v2 =	vadd.f32 v2, v3  }
0x24c: {  	v58 =	vld [tilespmem:s18+$0x4000]  }
0x24d: {  	v3 =	vld [tilespmem:s18+$0x2000];
	v2 =	vmax.f32 v2, $0.0e+00  }
0x24e: {  	[tilespmem:s18+$0xDC10] =	vst v2  }
0x24f: {  	v2 =	vld [tilespmem:s31+$0x20];
	_ =	sdelay $0x2  }
0x250: {  	v3 =	vadd.f32 v58, v3;
	_ =	sdelay $0x1  }
0x251: {  	v2 =	vadd.f32 v2, v3  }
0x252: {  	v59 =	vld [tilespmem:s18+$0x4010]  }
0x253: {  	v3 =	vld [tilespmem:s18+$0x2010];
	v2 =	vmax.f32 v2, $0.0e+00  }
0x254: {  	[tilespmem:s18+$0xE000] =	vst v2  }
0x255: {  	v2 =	vld [tilespmem:s31+$0x30];
	_ =	sdelay $0x2  }
0x256: {  	v3 =	vadd.f32 v59, v3;
	_ =	sdelay $0x1  }
0x257: {  	v2 =	vadd.f32 v2, v3  }
0x258: {  	v60 =	vld [tilespmem:s18+$0x4400]  }
0x259: {  	v3 =	vld [tilespmem:s18+$0x2400];
	v2 =	vmax.f32 v2, $0.0e+00  }
0x25a: {  	[tilespmem:s18+$0xE010] =	vst v2  }
0x25b: {  	v2 =	vld [tilespmem:s31+$0x40];
	_ =	sdelay $0x2  }
0x25c: {  	v3 =	vadd.f32 v60, v3;
	_ =	sdelay $0x1  }
0x25d: {  	v2 =	vadd.f32 v2, v3  }
0x25e: {  	v61 =	vld [tilespmem:s18+$0x4410]  }
0x25f: {  	v3 =	vld [tilespmem:s18+$0x2410];
	v2 =	vmax.f32 v2, $0.0e+00  }
0x260: {  	[tilespmem:s18+$0xE400] =	vst v2  }
0x261: {  	v2 =	vld [tilespmem:s31+$0x50];
	_ =	sdelay $0x2  }
0x262: {  	v3 =	vadd.f32 v61, v3;
	_ =	sdelay $0x1  }
0x263: {  	v2 =	vadd.f32 v2, v3  }
0x264: {  	v62 =	vld [tilespmem:s18+$0x4800]  }
0x265: {  	v3 =	vld [tilespmem:s18+$0x2800];
	v2 =	vmax.f32 v2, $0.0e+00  }
0x266: {  	[tilespmem:s18+$0xE410] =	vst v2  }
0x267: {  	v2 =	vld [tilespmem:s31+$0x60];
	_ =	sdelay $0x2  }
0x268: {  	v3 =	vadd.f32 v62, v3;
	_ =	sdelay $0x1  }
0x269: {  	v2 =	vadd.f32 v2, v3  }
0x26a: {  	v63 =	vld [tilespmem:s18+$0x4810]  }
0x26b: {  	v3 =	vld [tilespmem:s18+$0x2810];
	v2 =	vmax.f32 v2, $0.0e+00  }
0x26c: {  	[tilespmem:s18+$0xE800] =	vst v2  }
0x26d: {  	v2 =	vld [tilespmem:s31+$0x70];
	_ =	sdelay $0x2  }
0x26e: {  	v3 =	vadd.f32 v63, v3;
	_ =	sdelay $0x1  }
0x26f: {  	v2 =	vadd.f32 v2, v3;
	_ =	sdelay $0x1  }
0x270: {  	s26 =	sshll.u32 s26, $0x9;
	v2 =	vmax.f32 v2, $0.0e+00  }
0x271: {  	s30 =	sadd.s32 s10, s26;
	s31 =	simm.s32 $0x8800;
	[tilespmem:s18+$0xE810] =	vst v2  }
0x272: {  	[tilespmem:s31], [sflag:$0x3] =	stream.linear.gather [hbm4b:s30+s4], $0x1000, $0x38;
	[tilespmem:$0x1AE00] =	vst v63  }
0x273: {  	s26 =	sadd.s32 s11, s26;
	s28 =	simm.s32 $0x9800  }
0x274: {  	[tilespmem:s28], [sflag:$0x3] =	stream.linear.gather [hbm4b:s26+s4], $0x1000, $0x38;
	[tilespmem:$0x1AE00] =	vst v63  }
0x275: {  	_ = 	snop  }
0x276: {  	[spmem:s2] =	stream.indirect.scatter.add.f32 [tilespmem:s24], [sflag:$0x7], $0x20, s8, s8, $0xb8;
	[tilespmem:$0x1AE00] =	vst v63  }
0x277: {  	_ = 	snop  }
0x278: {  	[spmem:s3] =	stream.indirect.scatter.add.f32 [tilespmem:s25], [sflag:$0x7], $0x1, s8, s8, $0xb8;
	[tilespmem:$0x1AE00] =	vst v63  }
0x279: {  	_ =	swait.ge [sflag:s13], $0x2000  }
0x27a: {  	[sflag:s13] =	ssyncset.done $0x0  }
0x27b: {  	[sflag:s13] =	ssyncadd.s32 $0xFFFFE000  }
0x27c: {  	_ =	swait.ge [sflag:s13], $0x2000  }
0x27d: {  	[sflag:s13] =	ssyncset.done $0x0  }
0x27e: {  	[sflag:s13] =	ssyncadd.s32 $0xFFFFE000  }
0x27f: {  	_ =	swait.ge [sflag:s14], $0x1000  }
0x280: {  	[sflag:s14] =	ssyncset.done $0x0  }
0x281: {  	[sflag:s14] =	ssyncadd.s32 $0xFFFFF000  }
0x282: {  	_ =	swait.ge [sflag:s14], $0x1000  }
0x283: {  	[sflag:s14] =	ssyncset.done $0x0  }
0x284: {  	s18 =	simm.s32 @!p1 $0x8;
	[sflag:s14] =	ssyncadd.s32 $0xFFFFF000  }
0x285: {  	_ =	swait.ge @!p1 [sflag:s18], $0x2000  }
0x286: {  	[sflag:s18] =	ssyncset.done @!p1 $0x0  }
0x287: {  	[sflag:s18] =	ssyncadd.s32 @!p1 $0xFFFFE000  }
0x288: {  	_ =	swait.ge @!p1 [sflag:s18], $0x100  }
0x289: {  	[sflag:s18] =	ssyncset.done @!p1 $0x0  }
0x28a: {  	s26 =	sor.u32 $0x60, s0;
	[sflag:s18] =	ssyncadd.s32 @!p1 $0xFFFFFF00  }
0x28b: {  	p1 =	sgt.u32 s26, $0x4E1;
	_ =	swait.ge [sflag:s29], $0x200  }
.Ltmp6:
0x28c: {  	[sflag:s29] =	ssyncset.done $0x0;
	(pc) =	sbr.rel @p1 .LBB2_8-.Ltmp6, $4  }
0x28d: {  	s30 =	simm.s32 $0x800;
	[sflag:s29] =	ssyncadd.s32 $0xFFFFFE00  }
0x28e: {  	[tilespmem:s30], [sflag:$0x5] =	stream.indirect.gather [hbm4b:s7+s8], $0x20, s15, s8, $0xb8;
	[tilespmem:$0x1AE00] =	vst v63  }
0x28f: {  	s31 =	simm.s32 $0x2800  }
0x290: {  	[tilespmem:s31], [sflag:$0x5] =	stream.indirect.gather [hbm4b:s9+s8], $0x20, s16, s8, $0xb8;
	[tilespmem:$0x1AE00] =	vst v63  }
0x291: {  	s18 =	smul.u32 $0x28F6, s26;
	_ =	sdelay $0x1  }
0x292: {  	s18 =	sshrl.u32 s18, $0x13  }
0x293: {  	s28 =	smul.u32 $0x7FFFFCE, s18;
	_ =	sdelay $0x1  }
0x294: {  	s18 =	smul.u32 $0x3200, s18;
	s28 =	sadd.s32 s26, s28  }
0x295: {  	s28 =	sshll.u32 s28, $0x5  }
0x296: {  	s18 =	sadd.s32 s18, s28  }
0x297: {  	s30 =	sshll.u32 s18, $0x1  }
0x298: {  	s28 =	sand.u32 $0x60, s28;
	s30 =	sand.u32 $0xFFFFFF00, s30  }
0x299: {  	s28 =	sor.u32 s28, s30  }
0x29a: {  	s30 =	sshrl.u32 s28, $0x3  }
0x29b: {  	s31 =	simm.s32 $0x600;
	s30 =	sadd.s32 s1, s30  }
0x29c: {  	[tilespmem:s31], [sflag:$0x2] =	stream.linear.gather [hbm4b:s30+s4], $0x20, $0x38;
	[tilespmem:$0x1AE00] =	vst v63  }
0x29d: {  	s30 =	sadd.s32 $0x10, s30  }
0x29e: {  	[tilespmem:s17], [sflag:$0x2] =	stream.linear.gather [hbm4b:s30+s4], $0x20, $0x38;
	[tilespmem:$0x1AE00] =	vst v63  }
0x29f: {  	s30 =	sadd.s32 $0x640, s18  }
0x2a0: {  	s31 =	sshll.u32 s30, $0x1  }
0x2a1: {  	s30 =	sand.u32 $0x60, s30;
	s31 =	sand.u32 $0xFFFFFF00, s31  }
0x2a2: {  	s30 =	sor.u32 s30, s31  }
0x2a3: {  	s30 =	sshrl.u32 s30, $0x3  }
0x2a4: {  	s31 =	simm.s32 $0x620;
	s30 =	sadd.s32 s1, s30  }
0x2a5: {  	[tilespmem:s31], [sflag:$0x2] =	stream.linear.gather [hbm4b:s30+s4], $0x20, $0x38;
	[tilespmem:$0x1AE00] =	vst v63  }
0x2a6: {  	s30 =	sadd.s32 $0x10, s30;
	s31 =	simm.s32 $0x720  }
0x2a7: {  	[tilespmem:s31], [sflag:$0x2] =	stream.linear.gather [hbm4b:s30+s4], $0x20, $0x38;
	[tilespmem:$0x1AE00] =	vst v63  }
0x2a8: {  	s31 =	sadd.s32 $0x1900, s28  }
0x2a9: {  	s30 =	sshrl.u32 s31, $0x3  }
0x2aa: {  	s31 =	simm.s32 $0x640;
	s30 =	sadd.s32 s1, s30  }
0x2ab: {  	[tilespmem:s31], [sflag:$0x2] =	stream.linear.gather [hbm4b:s30+s4], $0x20, $0x38;
	[tilespmem:$0x1AE00] =	vst v63  }
0x2ac: {  	s30 =	sadd.s32 $0x10, s30;
	s31 =	simm.s32 $0x740  }
0x2ad: {  	[tilespmem:s31], [sflag:$0x2] =	stream.linear.gather [hbm4b:s30+s4], $0x20, $0x38;
	[tilespmem:$0x1AE00] =	vst v63  }
0x2ae: {  	s30 =	sadd.s32 $0x12C0, s18  }
0x2af: {  	s31 =	sshll.u32 s30, $0x1  }
0x2b0: {  	s30 =	sand.u32 $0x60, s30;
	s31 =	sand.u32 $0xFFFFFF00, s31  }
0x2b1: {  	s30 =	sor.u32 s30, s31  }
0x2b2: {  	s30 =	sshrl.u32 s30, $0x3  }
0x2b3: {  	s31 =	simm.s32 $0x660;
	s30 =	sadd.s32 s1, s30  }
0x2b4: {  	[tilespmem:s31], [sflag:$0x2] =	stream.linear.gather [hbm4b:s30+s4], $0x20, $0x38;
	[tilespmem:$0x1AE00] =	vst v63  }
0x2b5: {  	s30 =	sadd.s32 $0x10, s30;
	s31 =	simm.s32 $0x760  }
0x2b6: {  	[tilespmem:s31], [sflag:$0x2] =	stream.linear.gather [hbm4b:s30+s4], $0x20, $0x38;
	[tilespmem:$0x1AE00] =	vst v63  }
0x2b7: {  	s31 =	sadd.s32 $0x3200, s28  }
0x2b8: {  	s30 =	sshrl.u32 s31, $0x3  }
0x2b9: {  	s31 =	simm.s32 $0x680;
	s30 =	sadd.s32 s1, s30  }
0x2ba: {  	[tilespmem:s31], [sflag:$0x2] =	stream.linear.gather [hbm4b:s30+s4], $0x20, $0x38;
	[tilespmem:$0x1AE00] =	vst v63  }
0x2bb: {  	s30 =	sadd.s32 $0x10, s30;
	s31 =	simm.s32 $0x780  }
0x2bc: {  	[tilespmem:s31], [sflag:$0x2] =	stream.linear.gather [hbm4b:s30+s4], $0x20, $0x38;
	[tilespmem:$0x1AE00] =	vst v63  }
0x2bd: {  	s30 =	sadd.s32 $0x1F40, s18  }
0x2be: {  	s31 =	sshll.u32 s30, $0x1  }
0x2bf: {  	s30 =	sand.u32 $0x60, s30;
	s31 =	sand.u32 $0xFFFFFF00, s31  }
0x2c0: {  	s30 =	sor.u32 s30, s31  }
0x2c1: {  	s30 =	sshrl.u32 s30, $0x3  }
0x2c2: {  	s28 =	sadd.s32 $0x4B00, s28;
	s31 =	simm.s32 $0x6A0;
	s30 =	sadd.s32 s1, s30  }
0x2c3: {  	[tilespmem:s31], [sflag:$0x2] =	stream.linear.gather [hbm4b:s30+s4], $0x20, $0x38;
	[tilespmem:$0x1AE00] =	vst v63  }
0x2c4: {  	s28 =	sshrl.u32 s28, $0x3;
	s30 =	sadd.s32 $0x10, s30;
	s31 =	simm.s32 $0x7A0  }
0x2c5: {  	[tilespmem:s31], [sflag:$0x2] =	stream.linear.gather [hbm4b:s30+s4], $0x20, $0x38;
	[tilespmem:$0x1AE00] =	vst v63  }
0x2c6: {  	s28 =	sadd.s32 s1, s28;
	s31 =	simm.s32 $0x6C0  }
0x2c7: {  	[tilespmem:s31], [sflag:$0x2] =	stream.linear.gather [hbm4b:s28+s4], $0x20, $0x38;
	[tilespmem:$0x1AE00] =	vst v63  }
0x2c8: {  	s18 =	sadd.s32 $0x2BC0, s18;
	s28 =	sadd.s32 $0x10, s28;
	s31 =	simm.s32 $0x7C0  }
0x2c9: {  	[tilespmem:s31], [sflag:$0x2] =	stream.linear.gather [hbm4b:s28+s4], $0x20, $0x38;
	[tilespmem:$0x1AE00] =	vst v63  }
0x2ca: {  	s31 =	sshll.u32 s18, $0x1  }
0x2cb: {  	s18 =	sand.u32 $0x60, s18;
	s28 =	sand.u32 $0xFFFFFF00, s31  }
0x2cc: {  	s18 =	sor.u32 s18, s28  }
0x2cd: {  	s18 =	sshrl.u32 s18, $0x3  }
0x2ce: {  	s30 =	simm.s32 $0x6E0;
	s18 =	sadd.s32 s1, s18  }
0x2cf: {  	[tilespmem:s30], [sflag:$0x2] =	stream.linear.gather [hbm4b:s18+s4], $0x20, $0x38;
	[tilespmem:$0x1AE00] =	vst v63  }
0x2d0: {  	s31 =	simm.s32 $0x7E0;
	s18 =	sadd.s32 $0x10, s18  }
0x2d1: {  	[tilespmem:s31], [sflag:$0x2] =	stream.linear.gather [hbm4b:s18+s4], $0x20, $0x38;
	[tilespmem:$0x1AE00] =	vst v63  }
.LBB2_8:
0x2d2: {  	s28 =	simm.s32 $0xFFFFFC00  }
0x2d3: {  	v2 =	vld [tilespmem:s28+$0x4C00]  }
0x2d4: {  	v3 =	vld [tilespmem:s28+$0x6C00]  }
0x2d5: {  	s30 =	simm.s32 $0xB800  }
0x2d6: {  	v4 =	vld [tilespmem:s30+$0xFFFFF000];
	_ =	sdelay $0x2  }
0x2d7: {  	v2 =	vadd.f32 v3, v2;
	_ =	sdelay $0x1  }
0x2d8: {  	v2 =	vadd.f32 v4, v2  }
0x2d9: {  	v3 =	vld [tilespmem:s28+$0x4C10]  }
0x2da: {  	v4 =	vld [tilespmem:s28+$0x6C10];
	v2 =	vmax.f32 v2, $0.0e+00  }
0x2db: {  	[tilespmem:s28+$0xEC00] =	vst v2  }
0x2dc: {  	v2 =	vld [tilespmem:s30+$0xFFFFF010];
	_ =	sdelay $0x2  }
0x2dd: {  	v3 =	vadd.f32 v4, v3;
	_ =	sdelay $0x1  }
0x2de: {  	v2 =	vadd.f32 v2, v3  }
0x2df: {  	v4 =	vld [tilespmem:s28+$0x7000]  }
0x2e0: {  	v3 =	vld [tilespmem:s28+$0x5000];
	v2 =	vmax.f32 v2, $0.0e+00  }
0x2e1: {  	[tilespmem:s28+$0xEC10] =	vst v2  }
0x2e2: {  	v2 =	vld [tilespmem:s30+$0xFFFFF020];
	_ =	sdelay $0x2  }
0x2e3: {  	v3 =	vadd.f32 v4, v3;
	_ =	sdelay $0x1  }
0x2e4: {  	v2 =	vadd.f32 v2, v3  }
0x2e5: {  	v4 =	vld [tilespmem:s28+$0x7010]  }
0x2e6: {  	v3 =	vld [tilespmem:s28+$0x5010];
	v2 =	vmax.f32 v2, $0.0e+00  }
0x2e7: {  	[tilespmem:s28+$0xF000] =	vst v2  }
0x2e8: {  	v2 =	vld [tilespmem:s30+$0xFFFFF030];
	_ =	sdelay $0x2  }
0x2e9: {  	v3 =	vadd.f32 v4, v3;
	_ =	sdelay $0x1  }
0x2ea: {  	v2 =	vadd.f32 v2, v3  }
0x2eb: {  	v4 =	vld [tilespmem:s28+$0x7400]  }
0x2ec: {  	v3 =	vld [tilespmem:s28+$0x5400];
	v2 =	vmax.f32 v2, $0.0e+00  }
0x2ed: {  	[tilespmem:s28+$0xF010] =	vst v2  }
0x2ee: {  	v2 =	vld [tilespmem:s30+$0xFFFFF040];
	_ =	sdelay $0x2  }
0x2ef: {  	v3 =	vadd.f32 v4, v3;
	_ =	sdelay $0x1  }
0x2f0: {  	v2 =	vadd.f32 v2, v3  }
0x2f1: {  	v4 =	vld [tilespmem:s28+$0x7410]  }
0x2f2: {  	v3 =	vld [tilespmem:s28+$0x5410];
	v2 =	vmax.f32 v2, $0.0e+00  }
0x2f3: {  	[tilespmem:s28+$0xF400] =	vst v2  }
0x2f4: {  	v2 =	vld [tilespmem:s30+$0xFFFFF050];
	_ =	sdelay $0x2  }
0x2f5: {  	v3 =	vadd.f32 v4, v3;
	_ =	sdelay $0x1  }
0x2f6: {  	v2 =	vadd.f32 v2, v3  }
0x2f7: {  	v4 =	vld [tilespmem:s28+$0x7800]  }
0x2f8: {  	v3 =	vld [tilespmem:s28+$0x5800];
	v2 =	vmax.f32 v2, $0.0e+00  }
0x2f9: {  	[tilespmem:s28+$0xF410] =	vst v2  }
0x2fa: {  	v2 =	vld [tilespmem:s30+$0xFFFFF060];
	_ =	sdelay $0x2  }
0x2fb: {  	v3 =	vadd.f32 v4, v3;
	_ =	sdelay $0x1  }
0x2fc: {  	v2 =	vadd.f32 v2, v3  }
0x2fd: {  	v4 =	vld [tilespmem:s28+$0x7810]  }
0x2fe: {  	v3 =	vld [tilespmem:s28+$0x5810];
	v2 =	vmax.f32 v2, $0.0e+00  }
0x2ff: {  	[tilespmem:s28+$0xF800] =	vst v2  }
0x300: {  	v2 =	vld [tilespmem:s30+$0xFFFFF070];
	_ =	sdelay $0x2  }
0x301: {  	v3 =	vadd.f32 v4, v3;
	_ =	sdelay $0x1  }
0x302: {  	v2 =	vadd.f32 v2, v3  }
0x303: {  	v4 =	vld [tilespmem:s28+$0x7C00]  }
0x304: {  	v3 =	vld [tilespmem:s28+$0x5C00];
	v2 =	vmax.f32 v2, $0.0e+00  }
0x305: {  	[tilespmem:s28+$0xF810] =	vst v2  }
0x306: {  	v2 =	vld [tilespmem:s30+$0x0];
	_ =	sdelay $0x2  }
0x307: {  	v3 =	vadd.f32 v4, v3;
	_ =	sdelay $0x1  }
0x308: {  	v2 =	vadd.f32 v2, v3  }
0x309: {  	v4 =	vld [tilespmem:s28+$0x7C10]  }
0x30a: {  	v3 =	vld [tilespmem:s28+$0x5C10];
	v2 =	vmax.f32 v2, $0.0e+00  }
0x30b: {  	[tilespmem:s28+$0xFC00] =	vst v2  }
0x30c: {  	v2 =	vld [tilespmem:s30+$0x10];
	_ =	sdelay $0x2  }
0x30d: {  	v3 =	vadd.f32 v4, v3;
	_ =	sdelay $0x1  }
0x30e: {  	v2 =	vadd.f32 v2, v3  }
0x30f: {  	v4 =	vld [tilespmem:s28+$0x8000]  }
0x310: {  	v3 =	vld [tilespmem:s28+$0x6000];
	v2 =	vmax.f32 v2, $0.0e+00  }
0x311: {  	[tilespmem:s28+$0xFC10] =	vst v2  }
0x312: {  	v2 =	vld [tilespmem:s30+$0x20];
	_ =	sdelay $0x2  }
0x313: {  	v3 =	vadd.f32 v4, v3;
	_ =	sdelay $0x1  }
0x314: {  	v2 =	vadd.f32 v2, v3  }
0x315: {  	v4 =	vld [tilespmem:s28+$0x8010]  }
0x316: {  	v3 =	vld [tilespmem:s28+$0x6010];
	v2 =	vmax.f32 v2, $0.0e+00  }
0x317: {  	[tilespmem:s28+$0x10000] =	vst v2  }
0x318: {  	v2 =	vld [tilespmem:s30+$0x30];
	_ =	sdelay $0x2  }
0x319: {  	v3 =	vadd.f32 v4, v3;
	_ =	sdelay $0x1  }
0x31a: {  	v2 =	vadd.f32 v2, v3  }
0x31b: {  	v4 =	vld [tilespmem:s28+$0x8400]  }
0x31c: {  	v3 =	vld [tilespmem:s28+$0x6400];
	v2 =	vmax.f32 v2, $0.0e+00  }
0x31d: {  	[tilespmem:s28+$0x10010] =	vst v2  }
0x31e: {  	v2 =	vld [tilespmem:s30+$0x40];
	_ =	sdelay $0x2  }
0x31f: {  	v3 =	vadd.f32 v4, v3;
	_ =	sdelay $0x1  }
0x320: {  	v2 =	vadd.f32 v2, v3  }
0x321: {  	v4 =	vld [tilespmem:s28+$0x8410]  }
0x322: {  	v3 =	vld [tilespmem:s28+$0x6410];
	v2 =	vmax.f32 v2, $0.0e+00  }
0x323: {  	[tilespmem:s28+$0x10400] =	vst v2  }
0x324: {  	v2 =	vld [tilespmem:s30+$0x50];
	_ =	sdelay $0x2  }
0x325: {  	v3 =	vadd.f32 v4, v3;
	_ =	sdelay $0x1  }
0x326: {  	v2 =	vadd.f32 v2, v3  }
0x327: {  	v4 =	vld [tilespmem:s28+$0x8800]  }
0x328: {  	v3 =	vld [tilespmem:s28+$0x6800];
	v2 =	vmax.f32 v2, $0.0e+00  }
0x329: {  	[tilespmem:s28+$0x10410] =	vst v2  }
0x32a: {  	v2 =	vld [tilespmem:s30+$0x60];
	_ =	sdelay $0x2  }
0x32b: {  	v3 =	vadd.f32 v4, v3;
	_ =	sdelay $0x1  }
0x32c: {  	v2 =	vadd.f32 v2, v3  }
0x32d: {  	v4 =	vld [tilespmem:s28+$0x8810]  }
0x32e: {  	v3 =	vld [tilespmem:s28+$0x6810];
	v2 =	vmax.f32 v2, $0.0e+00  }
0x32f: {  	[tilespmem:s28+$0x10800] =	vst v2  }
0x330: {  	v2 =	vld [tilespmem:s30+$0x70];
	_ =	sdelay $0x2  }
0x331: {  	v3 =	vadd.f32 v4, v3;
	_ =	sdelay $0x1  }
0x332: {  	s18 =	simm.s32 $0xFFFFFC20;
	v3 =	vadd.f32 v2, v3  }
0x333: {  	s31 =	simm.s32 $0xFFFFF100;
	v2 =	vld [tilespmem:s18+$0x4C00]  }
.LBB2_9:
0x334: {  	p2 =	sne.s32 s31, $0xFFFFFF80;
	v4 =	vld [tilespmem:s18+$0x6C00];
	v3 =	vmax.f32 v3, $0.0e+00  }
0x335: {  	s30 =	sadd.s32 $0x80, s30;
	[tilespmem:s28+$0x10810] =	vst v3;
	s28 =	smov.u32 s18  }
0x336: {  	v3 =	vld [tilespmem:s30+$0xFFFFF000];
	_ =	sdelay $0x2  }
0x337: {  	v2 =	vadd.f32 v4, v2;
	_ =	sdelay $0x1  }
0x338: {  	v2 =	vadd.f32 v3, v2  }
0x339: {  	v3 =	vld [tilespmem:s28+$0x4C10]  }
0x33a: {  	v2 =	vmax.f32 v2, $0.0e+00;
	v4 =	vld [tilespmem:s28+$0x6C10]  }
0x33b: {  	[tilespmem:s28+$0xEC00] =	vst v2  }
0x33c: {  	v2 =	vld [tilespmem:s30+$0xFFFFF010];
	_ =	sdelay $0x2  }
0x33d: {  	v3 =	vadd.f32 v4, v3;
	_ =	sdelay $0x1  }
0x33e: {  	v2 =	vadd.f32 v2, v3  }
0x33f: {  	v3 =	vld [tilespmem:s28+$0x5000]  }
0x340: {  	v2 =	vmax.f32 v2, $0.0e+00;
	v4 =	vld [tilespmem:s28+$0x7000]  }
0x341: {  	[tilespmem:s28+$0xEC10] =	vst v2  }
0x342: {  	v2 =	vld [tilespmem:s30+$0xFFFFF020];
	_ =	sdelay $0x2  }
0x343: {  	v3 =	vadd.f32 v4, v3;
	_ =	sdelay $0x1  }
0x344: {  	v2 =	vadd.f32 v2, v3  }
0x345: {  	v3 =	vld [tilespmem:s28+$0x5010]  }
0x346: {  	v2 =	vmax.f32 v2, $0.0e+00;
	v4 =	vld [tilespmem:s28+$0x7010]  }
0x347: {  	[tilespmem:s28+$0xF000] =	vst v2  }
0x348: {  	v2 =	vld [tilespmem:s30+$0xFFFFF030];
	_ =	sdelay $0x2  }
0x349: {  	v3 =	vadd.f32 v4, v3;
	_ =	sdelay $0x1  }
0x34a: {  	v2 =	vadd.f32 v2, v3  }
0x34b: {  	v3 =	vld [tilespmem:s28+$0x5400]  }
0x34c: {  	v2 =	vmax.f32 v2, $0.0e+00;
	v4 =	vld [tilespmem:s28+$0x7400]  }
0x34d: {  	[tilespmem:s28+$0xF010] =	vst v2  }
0x34e: {  	v2 =	vld [tilespmem:s30+$0xFFFFF040];
	_ =	sdelay $0x2  }
0x34f: {  	v3 =	vadd.f32 v4, v3;
	_ =	sdelay $0x1  }
0x350: {  	v2 =	vadd.f32 v2, v3  }
0x351: {  	v3 =	vld [tilespmem:s28+$0x5410]  }
0x352: {  	v2 =	vmax.f32 v2, $0.0e+00;
	v4 =	vld [tilespmem:s28+$0x7410]  }
0x353: {  	[tilespmem:s28+$0xF400] =	vst v2  }
0x354: {  	v2 =	vld [tilespmem:s30+$0xFFFFF050];
	_ =	sdelay $0x2  }
0x355: {  	v3 =	vadd.f32 v4, v3;
	_ =	sdelay $0x1  }
0x356: {  	v2 =	vadd.f32 v2, v3  }
0x357: {  	v3 =	vld [tilespmem:s28+$0x5800]  }
0x358: {  	v2 =	vmax.f32 v2, $0.0e+00;
	v4 =	vld [tilespmem:s28+$0x7800]  }
0x359: {  	[tilespmem:s28+$0xF410] =	vst v2  }
0x35a: {  	v2 =	vld [tilespmem:s30+$0xFFFFF060];
	_ =	sdelay $0x2  }
0x35b: {  	v3 =	vadd.f32 v4, v3;
	_ =	sdelay $0x1  }
0x35c: {  	v2 =	vadd.f32 v2, v3  }
0x35d: {  	v3 =	vld [tilespmem:s28+$0x5810]  }
0x35e: {  	v2 =	vmax.f32 v2, $0.0e+00;
	v4 =	vld [tilespmem:s28+$0x7810]  }
0x35f: {  	[tilespmem:s28+$0xF800] =	vst v2  }
0x360: {  	v2 =	vld [tilespmem:s30+$0xFFFFF070];
	_ =	sdelay $0x2  }
0x361: {  	v3 =	vadd.f32 v4, v3;
	_ =	sdelay $0x1  }
0x362: {  	v2 =	vadd.f32 v2, v3  }
0x363: {  	v3 =	vld [tilespmem:s28+$0x5C00]  }
0x364: {  	v2 =	vmax.f32 v2, $0.0e+00;
	v4 =	vld [tilespmem:s28+$0x7C00]  }
0x365: {  	[tilespmem:s28+$0xF810] =	vst v2  }
0x366: {  	v2 =	vld [tilespmem:s30+$0x0];
	_ =	sdelay $0x2  }
0x367: {  	v3 =	vadd.f32 v4, v3;
	_ =	sdelay $0x1  }
0x368: {  	v2 =	vadd.f32 v2, v3  }
0x369: {  	v3 =	vld [tilespmem:s28+$0x5C10]  }
0x36a: {  	v2 =	vmax.f32 v2, $0.0e+00;
	v4 =	vld [tilespmem:s28+$0x7C10]  }
0x36b: {  	[tilespmem:s28+$0xFC00] =	vst v2  }
0x36c: {  	v2 =	vld [tilespmem:s30+$0x10];
	_ =	sdelay $0x2  }
0x36d: {  	v3 =	vadd.f32 v4, v3;
	_ =	sdelay $0x1  }
0x36e: {  	v2 =	vadd.f32 v2, v3  }
0x36f: {  	v3 =	vld [tilespmem:s28+$0x6000]  }
0x370: {  	v2 =	vmax.f32 v2, $0.0e+00;
	v4 =	vld [tilespmem:s28+$0x8000]  }
0x371: {  	[tilespmem:s28+$0xFC10] =	vst v2  }
0x372: {  	v2 =	vld [tilespmem:s30+$0x20];
	_ =	sdelay $0x2  }
0x373: {  	v3 =	vadd.f32 v4, v3;
	_ =	sdelay $0x1  }
0x374: {  	v2 =	vadd.f32 v2, v3  }
0x375: {  	v3 =	vld [tilespmem:s28+$0x6010]  }
0x376: {  	v2 =	vmax.f32 v2, $0.0e+00;
	v4 =	vld [tilespmem:s28+$0x8010]  }
0x377: {  	[tilespmem:s28+$0x10000] =	vst v2  }
0x378: {  	v2 =	vld [tilespmem:s30+$0x30];
	_ =	sdelay $0x2  }
0x379: {  	v3 =	vadd.f32 v4, v3;
	_ =	sdelay $0x1  }
0x37a: {  	v2 =	vadd.f32 v2, v3  }
0x37b: {  	v3 =	vld [tilespmem:s28+$0x6400]  }
0x37c: {  	v2 =	vmax.f32 v2, $0.0e+00;
	v4 =	vld [tilespmem:s28+$0x8400]  }
0x37d: {  	[tilespmem:s28+$0x10010] =	vst v2  }
0x37e: {  	v2 =	vld [tilespmem:s30+$0x40];
	_ =	sdelay $0x2  }
0x37f: {  	v3 =	vadd.f32 v4, v3;
	_ =	sdelay $0x1  }
0x380: {  	v2 =	vadd.f32 v2, v3  }
0x381: {  	v3 =	vld [tilespmem:s28+$0x6410]  }
0x382: {  	v2 =	vmax.f32 v2, $0.0e+00;
	v4 =	vld [tilespmem:s28+$0x8410]  }
0x383: {  	[tilespmem:s28+$0x10400] =	vst v2  }
0x384: {  	v2 =	vld [tilespmem:s30+$0x50];
	_ =	sdelay $0x2  }
0x385: {  	v3 =	vadd.f32 v4, v3;
	_ =	sdelay $0x1  }
0x386: {  	v2 =	vadd.f32 v2, v3  }
0x387: {  	v3 =	vld [tilespmem:s28+$0x6800]  }
0x388: {  	v2 =	vmax.f32 v2, $0.0e+00;
	v4 =	vld [tilespmem:s28+$0x8800]  }
0x389: {  	[tilespmem:s28+$0x10410] =	vst v2  }
0x38a: {  	v2 =	vld [tilespmem:s30+$0x60];
	_ =	sdelay $0x2  }
0x38b: {  	v3 =	vadd.f32 v4, v3;
	_ =	sdelay $0x1  }
0x38c: {  	v2 =	vadd.f32 v2, v3  }
0x38d: {  	v3 =	vld [tilespmem:s28+$0x6810]  }
0x38e: {  	v2 =	vmax.f32 v2, $0.0e+00;
	v4 =	vld [tilespmem:s28+$0x8810]  }
0x38f: {  	[tilespmem:s28+$0x10800] =	vst v2  }
0x390: {  	v2 =	vld [tilespmem:s30+$0x70];
	_ =	sdelay $0x1  }
.Ltmp7:
0x391: {  	(pc) =	sbr.rel @p2 .LBB2_9-.Ltmp7, $3  }
0x392: {  	v3 =	vadd.f32 v4, v3;
	_ =	sdelay $0x1  }
0x393: {  	s18 =	sshra.s32 s31, $0x2;
	v3 =	vadd.f32 v2, v3  }
0x394: {  	s31 =	sadd.s32 $0x80, s31;
	v2 =	vld [tilespmem:s18+$0x4C00]  }
0x395: {  	v4 =	vld [tilespmem:s18+$0x6C00];
	v3 =	vmax.f32 v3, $0.0e+00  }
0x396: {  	s30 =	sadd.s32 $0x80, s30;
	[tilespmem:s28+$0x10810] =	vst v3  }
0x397: {  	v3 =	vld [tilespmem:s30+$0xFFFFF000];
	_ =	sdelay $0x2  }
0x398: {  	v2 =	vadd.f32 v4, v2;
	_ =	sdelay $0x1  }
0x399: {  	v2 =	vadd.f32 v3, v2  }
0x39a: {  	v49 =	vld [tilespmem:s18+$0x6C10]  }
0x39b: {  	v3 =	vld [tilespmem:s18+$0x4C10];
	v2 =	vmax.f32 v2, $0.0e+00  }
0x39c: {  	[tilespmem:s18+$0xEC00] =	vst v2  }
0x39d: {  	v2 =	vld [tilespmem:s30+$0xFFFFF010];
	_ =	sdelay $0x2  }
0x39e: {  	v3 =	vadd.f32 v49, v3;
	_ =	sdelay $0x1  }
0x39f: {  	v2 =	vadd.f32 v2, v3  }
0x3a0: {  	v50 =	vld [tilespmem:s18+$0x7000]  }
0x3a1: {  	v3 =	vld [tilespmem:s18+$0x5000];
	v2 =	vmax.f32 v2, $0.0e+00  }
0x3a2: {  	[tilespmem:s18+$0xEC10] =	vst v2  }
0x3a3: {  	v2 =	vld [tilespmem:s30+$0xFFFFF020];
	_ =	sdelay $0x2  }
0x3a4: {  	v3 =	vadd.f32 v50, v3;
	_ =	sdelay $0x1  }
0x3a5: {  	v2 =	vadd.f32 v2, v3  }
0x3a6: {  	v51 =	vld [tilespmem:s18+$0x7010]  }
0x3a7: {  	v3 =	vld [tilespmem:s18+$0x5010];
	v2 =	vmax.f32 v2, $0.0e+00  }
0x3a8: {  	[tilespmem:s18+$0xF000] =	vst v2  }
0x3a9: {  	v2 =	vld [tilespmem:s30+$0xFFFFF030];
	_ =	sdelay $0x2  }
0x3aa: {  	v3 =	vadd.f32 v51, v3;
	_ =	sdelay $0x1  }
0x3ab: {  	v2 =	vadd.f32 v2, v3  }
0x3ac: {  	v52 =	vld [tilespmem:s18+$0x7400]  }
0x3ad: {  	v3 =	vld [tilespmem:s18+$0x5400];
	v2 =	vmax.f32 v2, $0.0e+00  }
0x3ae: {  	[tilespmem:s18+$0xF010] =	vst v2  }
0x3af: {  	v2 =	vld [tilespmem:s30+$0xFFFFF040];
	_ =	sdelay $0x2  }
0x3b0: {  	v3 =	vadd.f32 v52, v3;
	_ =	sdelay $0x1  }
0x3b1: {  	v2 =	vadd.f32 v2, v3  }
0x3b2: {  	v53 =	vld [tilespmem:s18+$0x7410]  }
0x3b3: {  	v3 =	vld [tilespmem:s18+$0x5410];
	v2 =	vmax.f32 v2, $0.0e+00  }
0x3b4: {  	[tilespmem:s18+$0xF400] =	vst v2  }
0x3b5: {  	v2 =	vld [tilespmem:s30+$0xFFFFF050];
	_ =	sdelay $0x2  }
0x3b6: {  	v3 =	vadd.f32 v53, v3;
	_ =	sdelay $0x1  }
0x3b7: {  	v2 =	vadd.f32 v2, v3  }
0x3b8: {  	v54 =	vld [tilespmem:s18+$0x7800]  }
0x3b9: {  	v3 =	vld [tilespmem:s18+$0x5800];
	v2 =	vmax.f32 v2, $0.0e+00  }
0x3ba: {  	[tilespmem:s18+$0xF410] =	vst v2  }
0x3bb: {  	v2 =	vld [tilespmem:s30+$0xFFFFF060];
	_ =	sdelay $0x2  }
0x3bc: {  	v3 =	vadd.f32 v54, v3;
	_ =	sdelay $0x1  }
0x3bd: {  	v2 =	vadd.f32 v2, v3  }
0x3be: {  	v55 =	vld [tilespmem:s18+$0x7810]  }
0x3bf: {  	v3 =	vld [tilespmem:s18+$0x5810];
	v2 =	vmax.f32 v2, $0.0e+00  }
0x3c0: {  	[tilespmem:s18+$0xF800] =	vst v2  }
0x3c1: {  	v2 =	vld [tilespmem:s30+$0xFFFFF070];
	_ =	sdelay $0x2  }
0x3c2: {  	v3 =	vadd.f32 v55, v3;
	_ =	sdelay $0x1  }
0x3c3: {  	v2 =	vadd.f32 v2, v3  }
0x3c4: {  	v56 =	vld [tilespmem:s18+$0x7C00]  }
0x3c5: {  	v3 =	vld [tilespmem:s18+$0x5C00];
	v2 =	vmax.f32 v2, $0.0e+00  }
0x3c6: {  	[tilespmem:s18+$0xF810] =	vst v2  }
0x3c7: {  	v2 =	vld [tilespmem:s30+$0x0];
	_ =	sdelay $0x2  }
0x3c8: {  	v3 =	vadd.f32 v56, v3;
	_ =	sdelay $0x1  }
0x3c9: {  	v2 =	vadd.f32 v2, v3  }
0x3ca: {  	v57 =	vld [tilespmem:s18+$0x7C10]  }
0x3cb: {  	v3 =	vld [tilespmem:s18+$0x5C10];
	v2 =	vmax.f32 v2, $0.0e+00  }
0x3cc: {  	[tilespmem:s18+$0xFC00] =	vst v2  }
0x3cd: {  	v2 =	vld [tilespmem:s30+$0x10];
	_ =	sdelay $0x2  }
0x3ce: {  	v3 =	vadd.f32 v57, v3;
	_ =	sdelay $0x1  }
0x3cf: {  	v2 =	vadd.f32 v2, v3  }
0x3d0: {  	v58 =	vld [tilespmem:s18+$0x8000]  }
0x3d1: {  	v3 =	vld [tilespmem:s18+$0x6000];
	v2 =	vmax.f32 v2, $0.0e+00  }
0x3d2: {  	[tilespmem:s18+$0xFC10] =	vst v2  }
0x3d3: {  	v2 =	vld [tilespmem:s30+$0x20];
	_ =	sdelay $0x2  }
0x3d4: {  	v3 =	vadd.f32 v58, v3;
	_ =	sdelay $0x1  }
0x3d5: {  	v2 =	vadd.f32 v2, v3  }
0x3d6: {  	v59 =	vld [tilespmem:s18+$0x8010]  }
0x3d7: {  	v3 =	vld [tilespmem:s18+$0x6010];
	v2 =	vmax.f32 v2, $0.0e+00  }
0x3d8: {  	[tilespmem:s18+$0x10000] =	vst v2  }
0x3d9: {  	v2 =	vld [tilespmem:s30+$0x30];
	_ =	sdelay $0x2  }
0x3da: {  	v3 =	vadd.f32 v59, v3;
	_ =	sdelay $0x1  }
0x3db: {  	v2 =	vadd.f32 v2, v3  }
0x3dc: {  	v60 =	vld [tilespmem:s18+$0x8400]  }
0x3dd: {  	v3 =	vld [tilespmem:s18+$0x6400];
	v2 =	vmax.f32 v2, $0.0e+00  }
0x3de: {  	[tilespmem:s18+$0x10010] =	vst v2  }
0x3df: {  	v2 =	vld [tilespmem:s30+$0x40];
	_ =	sdelay $0x2  }
0x3e0: {  	v3 =	vadd.f32 v60, v3;
	_ =	sdelay $0x1  }
0x3e1: {  	v2 =	vadd.f32 v2, v3  }
0x3e2: {  	v61 =	vld [tilespmem:s18+$0x8410]  }
0x3e3: {  	v3 =	vld [tilespmem:s18+$0x6410];
	v2 =	vmax.f32 v2, $0.0e+00  }
0x3e4: {  	[tilespmem:s18+$0x10400] =	vst v2  }
0x3e5: {  	v2 =	vld [tilespmem:s30+$0x50];
	_ =	sdelay $0x2  }
0x3e6: {  	v3 =	vadd.f32 v61, v3;
	_ =	sdelay $0x1  }
0x3e7: {  	v2 =	vadd.f32 v2, v3  }
0x3e8: {  	v62 =	vld [tilespmem:s18+$0x8800]  }
0x3e9: {  	v3 =	vld [tilespmem:s18+$0x6800];
	v2 =	vmax.f32 v2, $0.0e+00  }
0x3ea: {  	[tilespmem:s18+$0x10410] =	vst v2  }
0x3eb: {  	v2 =	vld [tilespmem:s30+$0x60];
	_ =	sdelay $0x2  }
0x3ec: {  	v3 =	vadd.f32 v62, v3;
	_ =	sdelay $0x1  }
0x3ed: {  	v2 =	vadd.f32 v2, v3  }
0x3ee: {  	v63 =	vld [tilespmem:s18+$0x8810]  }
0x3ef: {  	v3 =	vld [tilespmem:s18+$0x6810];
	v2 =	vmax.f32 v2, $0.0e+00  }
0x3f0: {  	[tilespmem:s18+$0x10800] =	vst v2  }
0x3f1: {  	v2 =	vld [tilespmem:s30+$0x70];
	_ =	sdelay $0x2  }
0x3f2: {  	v3 =	vadd.f32 v63, v3;
	_ =	sdelay $0x1  }
0x3f3: {  	v2 =	vadd.f32 v2, v3;
	_ =	sdelay $0x1  }
0x3f4: {  	s26 =	sshll.u32 @!p1 s26, $0x9;
	v2 =	vmax.f32 v2, $0.0e+00  }
0x3f5: {  	s28 =	simm.s32 @!p1 $0x0;
	s30 =	simm.s32 @!p1 $0xA800;
	[tilespmem:s18+$0x10810] =	vst v2;
	s18 =	sadd.s32 @!p1 s10, s26  }
0x3f6: {  	[tilespmem:s30], [sflag:$0x4] =	stream.linear.gather @!p1 [hbm4b:s18+s28], $0x1000, $0x38;
	[tilespmem:$0x1AE00] =	vst v63  }
0x3f7: {  	s18 =	sadd.s32 @!p1 s11, s26;
	s26 =	simm.s32 @!p1 $0xB800  }
0x3f8: {  	[tilespmem:s26], [sflag:$0x4] =	stream.linear.gather @!p1 [hbm4b:s18+s28], $0x1000, $0x38;
	[tilespmem:$0x1AE00] =	vst v63  }
0x3f9: {  	s31 =	simm.s32 $0xE800  }
0x3fa: {  	[spmem:s2] =	stream.indirect.scatter.add.f32 [tilespmem:s31], [sflag:$0x8], $0x20, s5, s8, $0xb8;
	[tilespmem:$0x1AE00] =	vst v63  }
0x3fb: {  	_ = 	snop  }
0x3fc: {  	[spmem:s3] =	stream.indirect.scatter.add.f32 [tilespmem:s25], [sflag:$0x8], $0x1, s5, s8, $0xb8;
	[tilespmem:$0x1AE00] =	vst v63  }
0x3fd: {  	_ =	swait.ge [sflag:s22], $0x2000  }
0x3fe: {  	[sflag:s22] =	ssyncset.done $0x0  }
0x3ff: {  	[sflag:s22] =	ssyncadd.s32 $0xFFFFE000  }
0x400: {  	_ =	swait.ge [sflag:s22], $0x2000  }
0x401: {  	[sflag:s22] =	ssyncset.done $0x0  }
0x402: {  	[sflag:s22] =	ssyncadd.s32 $0xFFFFE000  }
0x403: {  	_ =	swait.ge [sflag:s23], $0x1000  }
0x404: {  	[sflag:s23] =	ssyncset.done $0x0  }
0x405: {  	[sflag:s23] =	ssyncadd.s32 $0xFFFFF000  }
0x406: {  	_ =	swait.ge [sflag:s23], $0x1000  }
0x407: {  	[sflag:s23] =	ssyncset.done $0x0  }
0x408: {  	[sflag:s23] =	ssyncadd.s32 $0xFFFFF000  }
0x409: {  	_ =	swait.ge [sflag:s19], $0x2000  }
0x40a: {  	[sflag:s19] =	ssyncset.done $0x0  }
0x40b: {  	[sflag:s19] =	ssyncadd.s32 $0xFFFFE000  }
0x40c: {  	_ =	swait.ge [sflag:s19], $0x100  }
0x40d: {  	[sflag:s19] =	ssyncset.done $0x0  }
0x40e: {  	p2 =	sgt.u32 @!p1 s0, $0x461;
	s18 =	simm.s32 @!p1 $0x2;
	[sflag:s19] =	ssyncadd.s32 $0xFFFFFF00  }
0x40f: {  	p2 =	por p1, p2;
	_ =	swait.ge @!p1 [sflag:s18], $0x200  }
0x410: {  	s26 =	simm.s32 @!p1 $0x600;
	s28 =	simm.s32 @!p1 $0x4800;
	[sflag:s18] =	ssyncset.done @!p1 $0x0  }
.Ltmp8:
0x411: {  	[sflag:s18] =	ssyncadd.s32 @!p1 $0xFFFFFE00;
	s18 =	simm.s32 @!p1 $0x100;
	(pc) =	sbr.rel @p2 .LBB2_12-.Ltmp8, $4  }
0x412: {  	[tilespmem:s28], [sflag:$0x6] =	stream.indirect.gather @!p1 [hbm4b:s7+s18], $0x20, s26, s18, $0xb8;
	[tilespmem:$0x1AE00] =	vst v63  }
0x413: {  	s26 =	simm.s32 @!p1 $0x700;
	s28 =	simm.s32 @!p1 $0x6800  }
0x414: {  	[tilespmem:s28], [sflag:$0x6] =	stream.indirect.gather @!p1 [hbm4b:s9+s18], $0x20, s26, s18, $0xb8;
	[tilespmem:$0x1AE00] =	vst v63  }
0x415: {  	s26 =	sadd.s32 $0x80, s0  }
0x416: {  	s18 =	smul.u32 $0x28F6, s26;
	_ =	sdelay $0x1  }
0x417: {  	s18 =	sshrl.u32 s18, $0x13  }
0x418: {  	s28 =	smul.u32 $0x7FFFFCE, s18;
	_ =	sdelay $0x1  }
0x419: {  	s18 =	smul.u32 $0x3200, s18;
	s28 =	sadd.s32 s26, s28  }
0x41a: {  	s28 =	sshll.u32 s28, $0x5  }
0x41b: {  	s18 =	sadd.s32 s18, s28  }
0x41c: {  	s30 =	sshll.u32 s18, $0x1  }
0x41d: {  	s28 =	sand.u32 $0x60, s28;
	s30 =	sand.u32 $0xFFFFFF00, s30  }
0x41e: {  	s28 =	sor.u32 s28, s30  }
0x41f: {  	s30 =	sshrl.u32 s28, $0x3  }
0x420: {  	s30 =	sadd.s32 s1, s30  }
0x421: {  	[tilespmem:s4], [sflag:$0x1] =	stream.linear.gather [hbm4b:s30+s4], $0x20, $0x38;
	[tilespmem:$0x1AE00] =	vst v63  }
0x422: {  	s30 =	sadd.s32 $0x10, s30  }
0x423: {  	[tilespmem:s8], [sflag:$0x1] =	stream.linear.gather [hbm4b:s30+s4], $0x20, $0x38;
	[tilespmem:$0x1AE00] =	vst v63  }
0x424: {  	s30 =	sadd.s32 $0x640, s18  }
0x425: {  	s31 =	sshll.u32 s30, $0x1  }
0x426: {  	s30 =	sand.u32 $0x60, s30;
	s31 =	sand.u32 $0xFFFFFF00, s31  }
0x427: {  	s30 =	sor.u32 s30, s31  }
0x428: {  	s30 =	sshrl.u32 s30, $0x3  }
0x429: {  	s31 =	simm.s32 $0x20;
	s30 =	sadd.s32 s1, s30  }
0x42a: {  	[tilespmem:s31], [sflag:$0x1] =	stream.linear.gather [hbm4b:s30+s4], $0x20, $0x38;
	[tilespmem:$0x1AE00] =	vst v63  }
0x42b: {  	s30 =	sadd.s32 $0x10, s30;
	s31 =	simm.s32 $0x120  }
0x42c: {  	[tilespmem:s31], [sflag:$0x1] =	stream.linear.gather [hbm4b:s30+s4], $0x20, $0x38;
	[tilespmem:$0x1AE00] =	vst v63  }
0x42d: {  	s31 =	sadd.s32 $0x1900, s28  }
0x42e: {  	s30 =	sshrl.u32 s31, $0x3  }
0x42f: {  	s31 =	simm.s32 $0x40;
	s30 =	sadd.s32 s1, s30  }
0x430: {  	[tilespmem:s31], [sflag:$0x1] =	stream.linear.gather [hbm4b:s30+s4], $0x20, $0x38;
	[tilespmem:$0x1AE00] =	vst v63  }
0x431: {  	s30 =	sadd.s32 $0x10, s30;
	s31 =	simm.s32 $0x140  }
0x432: {  	[tilespmem:s31], [sflag:$0x1] =	stream.linear.gather [hbm4b:s30+s4], $0x20, $0x38;
	[tilespmem:$0x1AE00] =	vst v63  }
0x433: {  	s30 =	sadd.s32 $0x12C0, s18  }
0x434: {  	s31 =	sshll.u32 s30, $0x1  }
0x435: {  	s30 =	sand.u32 $0x60, s30;
	s31 =	sand.u32 $0xFFFFFF00, s31  }
0x436: {  	s30 =	sor.u32 s30, s31  }
0x437: {  	s30 =	sshrl.u32 s30, $0x3  }
0x438: {  	s31 =	simm.s32 $0x60;
	s30 =	sadd.s32 s1, s30  }
0x439: {  	[tilespmem:s31], [sflag:$0x1] =	stream.linear.gather [hbm4b:s30+s4], $0x20, $0x38;
	[tilespmem:$0x1AE00] =	vst v63  }
0x43a: {  	s30 =	sadd.s32 $0x10, s30;
	s31 =	simm.s32 $0x160  }
0x43b: {  	[tilespmem:s31], [sflag:$0x1] =	stream.linear.gather [hbm4b:s30+s4], $0x20, $0x38;
	[tilespmem:$0x1AE00] =	vst v63  }
0x43c: {  	s31 =	sadd.s32 $0x3200, s28  }
0x43d: {  	s30 =	sshrl.u32 s31, $0x3  }
0x43e: {  	s31 =	simm.s32 $0x80;
	s30 =	sadd.s32 s1, s30  }
0x43f: {  	[tilespmem:s31], [sflag:$0x1] =	stream.linear.gather [hbm4b:s30+s4], $0x20, $0x38;
	[tilespmem:$0x1AE00] =	vst v63  }
0x440: {  	s30 =	sadd.s32 $0x10, s30;
	s31 =	simm.s32 $0x180  }
0x441: {  	[tilespmem:s31], [sflag:$0x1] =	stream.linear.gather [hbm4b:s30+s4], $0x20, $0x38;
	[tilespmem:$0x1AE00] =	vst v63  }
0x442: {  	s30 =	sadd.s32 $0x1F40, s18  }
0x443: {  	s31 =	sshll.u32 s30, $0x1  }
0x444: {  	s30 =	sand.u32 $0x60, s30;
	s31 =	sand.u32 $0xFFFFFF00, s31  }
0x445: {  	s30 =	sor.u32 s30, s31  }
0x446: {  	s30 =	sshrl.u32 s30, $0x3  }
0x447: {  	s28 =	sadd.s32 $0x4B00, s28;
	s31 =	simm.s32 $0xA0;
	s30 =	sadd.s32 s1, s30  }
0x448: {  	[tilespmem:s31], [sflag:$0x1] =	stream.linear.gather [hbm4b:s30+s4], $0x20, $0x38;
	[tilespmem:$0x1AE00] =	vst v63  }
0x449: {  	s28 =	sshrl.u32 s28, $0x3;
	s30 =	sadd.s32 $0x10, s30;
	s31 =	simm.s32 $0x1A0  }
0x44a: {  	[tilespmem:s31], [sflag:$0x1] =	stream.linear.gather [hbm4b:s30+s4], $0x20, $0x38;
	[tilespmem:$0x1AE00] =	vst v63  }
0x44b: {  	s28 =	sadd.s32 s1, s28;
	s31 =	simm.s32 $0xC0  }
0x44c: {  	[tilespmem:s31], [sflag:$0x1] =	stream.linear.gather [hbm4b:s28+s4], $0x20, $0x38;
	[tilespmem:$0x1AE00] =	vst v63  }
0x44d: {  	s18 =	sadd.s32 $0x2BC0, s18;
	s28 =	sadd.s32 $0x10, s28;
	s31 =	simm.s32 $0x1C0  }
0x44e: {  	[tilespmem:s31], [sflag:$0x1] =	stream.linear.gather [hbm4b:s28+s4], $0x20, $0x38;
	[tilespmem:$0x1AE00] =	vst v63  }
0x44f: {  	s31 =	sshll.u32 s18, $0x1  }
0x450: {  	s18 =	sand.u32 $0x60, s18;
	s28 =	sand.u32 $0xFFFFFF00, s31  }
0x451: {  	s18 =	sor.u32 s18, s28  }
0x452: {  	s18 =	sshrl.u32 s18, $0x3  }
0x453: {  	s30 =	simm.s32 $0xE0;
	s18 =	sadd.s32 s1, s18  }
0x454: {  	[tilespmem:s30], [sflag:$0x1] =	stream.linear.gather [hbm4b:s18+s4], $0x20, $0x38;
	[tilespmem:$0x1AE00] =	vst v63  }
0x455: {  	s31 =	simm.s32 $0x1E0;
	s18 =	sadd.s32 $0x10, s18  }
0x456: {  	[tilespmem:s31], [sflag:$0x1] =	stream.linear.gather [hbm4b:s18+s4], $0x20, $0x38;
	[tilespmem:$0x1AE00] =	vst v63  }
.LBB2_12:
0x457: {  	s28 =	simm.s32 $0xFFFFFC00  }
0x458: {  	v2 =	vld [tilespmem:s28+$0xC00]  }
0x459: {  	v3 =	vld [tilespmem:s28+$0x2C00]  }
0x45a: {  	s30 =	simm.s32 $0x9800  }
0x45b: {  	v4 =	vld [tilespmem:s30+$0xFFFFF000];
	_ =	sdelay $0x2  }
0x45c: {  	v2 =	vadd.f32 v3, v2;
	_ =	sdelay $0x1  }
0x45d: {  	v2 =	vadd.f32 v4, v2  }
0x45e: {  	v3 =	vld [tilespmem:s28+$0xC10]  }
0x45f: {  	v4 =	vld [tilespmem:s28+$0x2C10];
	v2 =	vmax.f32 v2, $0.0e+00  }
0x460: {  	[tilespmem:s28+$0xCC00] =	vst v2  }
0x461: {  	v2 =	vld [tilespmem:s30+$0xFFFFF010];
	_ =	sdelay $0x2  }
0x462: {  	v3 =	vadd.f32 v4, v3;
	_ =	sdelay $0x1  }
0x463: {  	v2 =	vadd.f32 v2, v3  }
0x464: {  	v4 =	vld [tilespmem:s28+$0x3000]  }
0x465: {  	v3 =	vld [tilespmem:s28+$0x1000];
	v2 =	vmax.f32 v2, $0.0e+00  }
0x466: {  	[tilespmem:s28+$0xCC10] =	vst v2  }
0x467: {  	v2 =	vld [tilespmem:s30+$0xFFFFF020];
	_ =	sdelay $0x2  }
0x468: {  	v3 =	vadd.f32 v4, v3;
	_ =	sdelay $0x1  }
0x469: {  	v2 =	vadd.f32 v2, v3  }
0x46a: {  	v4 =	vld [tilespmem:s28+$0x3010]  }
0x46b: {  	v3 =	vld [tilespmem:s28+$0x1010];
	v2 =	vmax.f32 v2, $0.0e+00  }
0x46c: {  	[tilespmem:s28+$0xD000] =	vst v2  }
0x46d: {  	v2 =	vld [tilespmem:s30+$0xFFFFF030];
	_ =	sdelay $0x2  }
0x46e: {  	v3 =	vadd.f32 v4, v3;
	_ =	sdelay $0x1  }
0x46f: {  	v2 =	vadd.f32 v2, v3  }
0x470: {  	v4 =	vld [tilespmem:s28+$0x3400]  }
0x471: {  	v3 =	vld [tilespmem:s28+$0x1400];
	v2 =	vmax.f32 v2, $0.0e+00  }
0x472: {  	[tilespmem:s28+$0xD010] =	vst v2  }
0x473: {  	v2 =	vld [tilespmem:s30+$0xFFFFF040];
	_ =	sdelay $0x2  }
0x474: {  	v3 =	vadd.f32 v4, v3;
	_ =	sdelay $0x1  }
0x475: {  	v2 =	vadd.f32 v2, v3  }
0x476: {  	v4 =	vld [tilespmem:s28+$0x3410]  }
0x477: {  	v3 =	vld [tilespmem:s28+$0x1410];
	v2 =	vmax.f32 v2, $0.0e+00  }
0x478: {  	[tilespmem:s28+$0xD400] =	vst v2  }
0x479: {  	v2 =	vld [tilespmem:s30+$0xFFFFF050];
	_ =	sdelay $0x2  }
0x47a: {  	v3 =	vadd.f32 v4, v3;
	_ =	sdelay $0x1  }
0x47b: {  	v2 =	vadd.f32 v2, v3  }
0x47c: {  	v4 =	vld [tilespmem:s28+$0x3800]  }
0x47d: {  	v3 =	vld [tilespmem:s28+$0x1800];
	v2 =	vmax.f32 v2, $0.0e+00  }
0x47e: {  	[tilespmem:s28+$0xD410] =	vst v2  }
0x47f: {  	v2 =	vld [tilespmem:s30+$0xFFFFF060];
	_ =	sdelay $0x2  }
0x480: {  	v3 =	vadd.f32 v4, v3;
	_ =	sdelay $0x1  }
0x481: {  	v2 =	vadd.f32 v2, v3  }
0x482: {  	v4 =	vld [tilespmem:s28+$0x3810]  }
0x483: {  	v3 =	vld [tilespmem:s28+$0x1810];
	v2 =	vmax.f32 v2, $0.0e+00  }
0x484: {  	[tilespmem:s28+$0xD800] =	vst v2  }
0x485: {  	v2 =	vld [tilespmem:s30+$0xFFFFF070];
	_ =	sdelay $0x2  }
0x486: {  	v3 =	vadd.f32 v4, v3;
	_ =	sdelay $0x1  }
0x487: {  	v2 =	vadd.f32 v2, v3  }
0x488: {  	v4 =	vld [tilespmem:s28+$0x3C00]  }
0x489: {  	v3 =	vld [tilespmem:s28+$0x1C00];
	v2 =	vmax.f32 v2, $0.0e+00  }
0x48a: {  	[tilespmem:s28+$0xD810] =	vst v2  }
0x48b: {  	v2 =	vld [tilespmem:s30+$0x0];
	_ =	sdelay $0x2  }
0x48c: {  	v3 =	vadd.f32 v4, v3;
	_ =	sdelay $0x1  }
0x48d: {  	v2 =	vadd.f32 v2, v3  }
0x48e: {  	v4 =	vld [tilespmem:s28+$0x3C10]  }
0x48f: {  	v3 =	vld [tilespmem:s28+$0x1C10];
	v2 =	vmax.f32 v2, $0.0e+00  }
0x490: {  	[tilespmem:s28+$0xDC00] =	vst v2  }
0x491: {  	v2 =	vld [tilespmem:s30+$0x10];
	_ =	sdelay $0x2  }
0x492: {  	v3 =	vadd.f32 v4, v3;
	_ =	sdelay $0x1  }
0x493: {  	v2 =	vadd.f32 v2, v3  }
0x494: {  	v4 =	vld [tilespmem:s28+$0x4000]  }
0x495: {  	v3 =	vld [tilespmem:s28+$0x2000];
	v2 =	vmax.f32 v2, $0.0e+00  }
0x496: {  	[tilespmem:s28+$0xDC10] =	vst v2  }
0x497: {  	v2 =	vld [tilespmem:s30+$0x20];
	_ =	sdelay $0x2  }
0x498: {  	v3 =	vadd.f32 v4, v3;
	_ =	sdelay $0x1  }
0x499: {  	v2 =	vadd.f32 v2, v3  }
0x49a: {  	v4 =	vld [tilespmem:s28+$0x4010]  }
0x49b: {  	v3 =	vld [tilespmem:s28+$0x2010];
	v2 =	vmax.f32 v2, $0.0e+00  }
0x49c: {  	[tilespmem:s28+$0xE000] =	vst v2  }
0x49d: {  	v2 =	vld [tilespmem:s30+$0x30];
	_ =	sdelay $0x2  }
0x49e: {  	v3 =	vadd.f32 v4, v3;
	_ =	sdelay $0x1  }
0x49f: {  	v2 =	vadd.f32 v2, v3  }
0x4a0: {  	v4 =	vld [tilespmem:s28+$0x4400]  }
0x4a1: {  	v3 =	vld [tilespmem:s28+$0x2400];
	v2 =	vmax.f32 v2, $0.0e+00  }
0x4a2: {  	[tilespmem:s28+$0xE010] =	vst v2  }
0x4a3: {  	v2 =	vld [tilespmem:s30+$0x40];
	_ =	sdelay $0x2  }
0x4a4: {  	v3 =	vadd.f32 v4, v3;
	_ =	sdelay $0x1  }
0x4a5: {  	v2 =	vadd.f32 v2, v3  }
0x4a6: {  	v4 =	vld [tilespmem:s28+$0x4410]  }
0x4a7: {  	v3 =	vld [tilespmem:s28+$0x2410];
	v2 =	vmax.f32 v2, $0.0e+00  }
0x4a8: {  	[tilespmem:s28+$0xE400] =	vst v2  }
0x4a9: {  	v2 =	vld [tilespmem:s30+$0x50];
	_ =	sdelay $0x2  }
0x4aa: {  	v3 =	vadd.f32 v4, v3;
	_ =	sdelay $0x1  }
0x4ab: {  	v2 =	vadd.f32 v2, v3  }
0x4ac: {  	v4 =	vld [tilespmem:s28+$0x4800]  }
0x4ad: {  	v3 =	vld [tilespmem:s28+$0x2800];
	v2 =	vmax.f32 v2, $0.0e+00  }
0x4ae: {  	[tilespmem:s28+$0xE410] =	vst v2  }
0x4af: {  	v2 =	vld [tilespmem:s30+$0x60];
	_ =	sdelay $0x2  }
0x4b0: {  	v3 =	vadd.f32 v4, v3;
	_ =	sdelay $0x1  }
0x4b1: {  	v2 =	vadd.f32 v2, v3  }
0x4b2: {  	v4 =	vld [tilespmem:s28+$0x4810]  }
0x4b3: {  	v3 =	vld [tilespmem:s28+$0x2810];
	v2 =	vmax.f32 v2, $0.0e+00  }
0x4b4: {  	[tilespmem:s28+$0xE800] =	vst v2  }
0x4b5: {  	v2 =	vld [tilespmem:s30+$0x70];
	_ =	sdelay $0x2  }
0x4b6: {  	v3 =	vadd.f32 v4, v3;
	_ =	sdelay $0x1  }
0x4b7: {  	s18 =	simm.s32 $0xFFFFFC20;
	v3 =	vadd.f32 v2, v3  }
0x4b8: {  	s31 =	simm.s32 $0xFFFFF100;
	v2 =	vld [tilespmem:s18+$0xC00]  }
.LBB2_13:
0x4b9: {  	p2 =	sne.s32 s31, $0xFFFFFF80;
	v4 =	vld [tilespmem:s18+$0x2C00];
	v3 =	vmax.f32 v3, $0.0e+00  }
0x4ba: {  	s30 =	sadd.s32 $0x80, s30;
	[tilespmem:s28+$0xE810] =	vst v3;
	s28 =	smov.u32 s18  }
0x4bb: {  	v3 =	vld [tilespmem:s30+$0xFFFFF000];
	_ =	sdelay $0x2  }
0x4bc: {  	v2 =	vadd.f32 v4, v2;
	_ =	sdelay $0x1  }
0x4bd: {  	v2 =	vadd.f32 v3, v2  }
0x4be: {  	v3 =	vld [tilespmem:s28+$0xC10]  }
0x4bf: {  	v2 =	vmax.f32 v2, $0.0e+00;
	v4 =	vld [tilespmem:s28+$0x2C10]  }
0x4c0: {  	[tilespmem:s28+$0xCC00] =	vst v2  }
0x4c1: {  	v2 =	vld [tilespmem:s30+$0xFFFFF010];
	_ =	sdelay $0x2  }
0x4c2: {  	v3 =	vadd.f32 v4, v3;
	_ =	sdelay $0x1  }
0x4c3: {  	v2 =	vadd.f32 v2, v3  }
0x4c4: {  	v3 =	vld [tilespmem:s28+$0x1000]  }
0x4c5: {  	v2 =	vmax.f32 v2, $0.0e+00;
	v4 =	vld [tilespmem:s28+$0x3000]  }
0x4c6: {  	[tilespmem:s28+$0xCC10] =	vst v2  }
0x4c7: {  	v2 =	vld [tilespmem:s30+$0xFFFFF020];
	_ =	sdelay $0x2  }
0x4c8: {  	v3 =	vadd.f32 v4, v3;
	_ =	sdelay $0x1  }
0x4c9: {  	v2 =	vadd.f32 v2, v3  }
0x4ca: {  	v3 =	vld [tilespmem:s28+$0x1010]  }
0x4cb: {  	v2 =	vmax.f32 v2, $0.0e+00;
	v4 =	vld [tilespmem:s28+$0x3010]  }
0x4cc: {  	[tilespmem:s28+$0xD000] =	vst v2  }
0x4cd: {  	v2 =	vld [tilespmem:s30+$0xFFFFF030];
	_ =	sdelay $0x2  }
0x4ce: {  	v3 =	vadd.f32 v4, v3;
	_ =	sdelay $0x1  }
0x4cf: {  	v2 =	vadd.f32 v2, v3  }
0x4d0: {  	v3 =	vld [tilespmem:s28+$0x1400]  }
0x4d1: {  	v2 =	vmax.f32 v2, $0.0e+00;
	v4 =	vld [tilespmem:s28+$0x3400]  }
0x4d2: {  	[tilespmem:s28+$0xD010] =	vst v2  }
0x4d3: {  	v2 =	vld [tilespmem:s30+$0xFFFFF040];
	_ =	sdelay $0x2  }
0x4d4: {  	v3 =	vadd.f32 v4, v3;
	_ =	sdelay $0x1  }
0x4d5: {  	v2 =	vadd.f32 v2, v3  }
0x4d6: {  	v3 =	vld [tilespmem:s28+$0x1410]  }
0x4d7: {  	v2 =	vmax.f32 v2, $0.0e+00;
	v4 =	vld [tilespmem:s28+$0x3410]  }
0x4d8: {  	[tilespmem:s28+$0xD400] =	vst v2  }
0x4d9: {  	v2 =	vld [tilespmem:s30+$0xFFFFF050];
	_ =	sdelay $0x2  }
0x4da: {  	v3 =	vadd.f32 v4, v3;
	_ =	sdelay $0x1  }
0x4db: {  	v2 =	vadd.f32 v2, v3  }
0x4dc: {  	v3 =	vld [tilespmem:s28+$0x1800]  }
0x4dd: {  	v2 =	vmax.f32 v2, $0.0e+00;
	v4 =	vld [tilespmem:s28+$0x3800]  }
0x4de: {  	[tilespmem:s28+$0xD410] =	vst v2  }
0x4df: {  	v2 =	vld [tilespmem:s30+$0xFFFFF060];
	_ =	sdelay $0x2  }
0x4e0: {  	v3 =	vadd.f32 v4, v3;
	_ =	sdelay $0x1  }
0x4e1: {  	v2 =	vadd.f32 v2, v3  }
0x4e2: {  	v3 =	vld [tilespmem:s28+$0x1810]  }
0x4e3: {  	v2 =	vmax.f32 v2, $0.0e+00;
	v4 =	vld [tilespmem:s28+$0x3810]  }
0x4e4: {  	[tilespmem:s28+$0xD800] =	vst v2  }
0x4e5: {  	v2 =	vld [tilespmem:s30+$0xFFFFF070];
	_ =	sdelay $0x2  }
0x4e6: {  	v3 =	vadd.f32 v4, v3;
	_ =	sdelay $0x1  }
0x4e7: {  	v2 =	vadd.f32 v2, v3  }
0x4e8: {  	v3 =	vld [tilespmem:s28+$0x1C00]  }
0x4e9: {  	v2 =	vmax.f32 v2, $0.0e+00;
	v4 =	vld [tilespmem:s28+$0x3C00]  }
0x4ea: {  	[tilespmem:s28+$0xD810] =	vst v2  }
0x4eb: {  	v2 =	vld [tilespmem:s30+$0x0];
	_ =	sdelay $0x2  }
0x4ec: {  	v3 =	vadd.f32 v4, v3;
	_ =	sdelay $0x1  }
0x4ed: {  	v2 =	vadd.f32 v2, v3  }
0x4ee: {  	v3 =	vld [tilespmem:s28+$0x1C10]  }
0x4ef: {  	v2 =	vmax.f32 v2, $0.0e+00;
	v4 =	vld [tilespmem:s28+$0x3C10]  }
0x4f0: {  	[tilespmem:s28+$0xDC00] =	vst v2  }
0x4f1: {  	v2 =	vld [tilespmem:s30+$0x10];
	_ =	sdelay $0x2  }
0x4f2: {  	v3 =	vadd.f32 v4, v3;
	_ =	sdelay $0x1  }
0x4f3: {  	v2 =	vadd.f32 v2, v3  }
0x4f4: {  	v3 =	vld [tilespmem:s28+$0x2000]  }
0x4f5: {  	v2 =	vmax.f32 v2, $0.0e+00;
	v4 =	vld [tilespmem:s28+$0x4000]  }
0x4f6: {  	[tilespmem:s28+$0xDC10] =	vst v2  }
0x4f7: {  	v2 =	vld [tilespmem:s30+$0x20];
	_ =	sdelay $0x2  }
0x4f8: {  	v3 =	vadd.f32 v4, v3;
	_ =	sdelay $0x1  }
0x4f9: {  	v2 =	vadd.f32 v2, v3  }
0x4fa: {  	v3 =	vld [tilespmem:s28+$0x2010]  }
0x4fb: {  	v2 =	vmax.f32 v2, $0.0e+00;
	v4 =	vld [tilespmem:s28+$0x4010]  }
0x4fc: {  	[tilespmem:s28+$0xE000] =	vst v2  }
0x4fd: {  	v2 =	vld [tilespmem:s30+$0x30];
	_ =	sdelay $0x2  }
0x4fe: {  	v3 =	vadd.f32 v4, v3;
	_ =	sdelay $0x1  }
0x4ff: {  	v2 =	vadd.f32 v2, v3  }
0x500: {  	v3 =	vld [tilespmem:s28+$0x2400]  }
0x501: {  	v2 =	vmax.f32 v2, $0.0e+00;
	v4 =	vld [tilespmem:s28+$0x4400]  }
0x502: {  	[tilespmem:s28+$0xE010] =	vst v2  }
0x503: {  	v2 =	vld [tilespmem:s30+$0x40];
	_ =	sdelay $0x2  }
0x504: {  	v3 =	vadd.f32 v4, v3;
	_ =	sdelay $0x1  }
0x505: {  	v2 =	vadd.f32 v2, v3  }
0x506: {  	v3 =	vld [tilespmem:s28+$0x2410]  }
0x507: {  	v2 =	vmax.f32 v2, $0.0e+00;
	v4 =	vld [tilespmem:s28+$0x4410]  }
0x508: {  	[tilespmem:s28+$0xE400] =	vst v2  }
0x509: {  	v2 =	vld [tilespmem:s30+$0x50];
	_ =	sdelay $0x2  }
0x50a: {  	v3 =	vadd.f32 v4, v3;
	_ =	sdelay $0x1  }
0x50b: {  	v2 =	vadd.f32 v2, v3  }
0x50c: {  	v3 =	vld [tilespmem:s28+$0x2800]  }
0x50d: {  	v2 =	vmax.f32 v2, $0.0e+00;
	v4 =	vld [tilespmem:s28+$0x4800]  }
0x50e: {  	[tilespmem:s28+$0xE410] =	vst v2  }
0x50f: {  	v2 =	vld [tilespmem:s30+$0x60];
	_ =	sdelay $0x2  }
0x510: {  	v3 =	vadd.f32 v4, v3;
	_ =	sdelay $0x1  }
0x511: {  	v2 =	vadd.f32 v2, v3  }
0x512: {  	v3 =	vld [tilespmem:s28+$0x2810]  }
0x513: {  	v2 =	vmax.f32 v2, $0.0e+00;
	v4 =	vld [tilespmem:s28+$0x4810]  }
0x514: {  	[tilespmem:s28+$0xE800] =	vst v2  }
0x515: {  	v2 =	vld [tilespmem:s30+$0x70];
	_ =	sdelay $0x1  }
.Ltmp9:
0x516: {  	(pc) =	sbr.rel @p2 .LBB2_13-.Ltmp9, $3  }
0x517: {  	v3 =	vadd.f32 v4, v3;
	_ =	sdelay $0x1  }
0x518: {  	s18 =	sshra.s32 s31, $0x2;
	v3 =	vadd.f32 v2, v3  }
0x519: {  	s31 =	sadd.s32 $0x80, s31;
	v2 =	vld [tilespmem:s18+$0xC00]  }
0x51a: {  	v4 =	vld [tilespmem:s18+$0x2C00];
	v3 =	vmax.f32 v3, $0.0e+00  }
0x51b: {  	s31 =	sadd.s32 $0x80, s30;
	[tilespmem:s28+$0xE810] =	vst v3  }
0x51c: {  	v3 =	vld [tilespmem:s31+$0xFFFFF000];
	_ =	sdelay $0x2  }
0x51d: {  	v2 =	vadd.f32 v4, v2;
	_ =	sdelay $0x1  }
0x51e: {  	v2 =	vadd.f32 v3, v2  }
0x51f: {  	v49 =	vld [tilespmem:s18+$0x2C10]  }
0x520: {  	v3 =	vld [tilespmem:s18+$0xC10];
	v2 =	vmax.f32 v2, $0.0e+00  }
0x521: {  	[tilespmem:s18+$0xCC00] =	vst v2  }
0x522: {  	v2 =	vld [tilespmem:s31+$0xFFFFF010];
	_ =	sdelay $0x2  }
0x523: {  	v3 =	vadd.f32 v49, v3;
	_ =	sdelay $0x1  }
0x524: {  	v2 =	vadd.f32 v2, v3  }
0x525: {  	v50 =	vld [tilespmem:s18+$0x3000]  }
0x526: {  	v3 =	vld [tilespmem:s18+$0x1000];
	v2 =	vmax.f32 v2, $0.0e+00  }
0x527: {  	[tilespmem:s18+$0xCC10] =	vst v2  }
0x528: {  	v2 =	vld [tilespmem:s31+$0xFFFFF020];
	_ =	sdelay $0x2  }
0x529: {  	v3 =	vadd.f32 v50, v3;
	_ =	sdelay $0x1  }
0x52a: {  	v2 =	vadd.f32 v2, v3  }
0x52b: {  	v51 =	vld [tilespmem:s18+$0x3010]  }
0x52c: {  	v3 =	vld [tilespmem:s18+$0x1010];
	v2 =	vmax.f32 v2, $0.0e+00  }
0x52d: {  	[tilespmem:s18+$0xD000] =	vst v2  }
0x52e: {  	v2 =	vld [tilespmem:s31+$0xFFFFF030];
	_ =	sdelay $0x2  }
0x52f: {  	v3 =	vadd.f32 v51, v3;
	_ =	sdelay $0x1  }
0x530: {  	v2 =	vadd.f32 v2, v3  }
0x531: {  	v52 =	vld [tilespmem:s18+$0x3400]  }
0x532: {  	v3 =	vld [tilespmem:s18+$0x1400];
	v2 =	vmax.f32 v2, $0.0e+00  }
0x533: {  	[tilespmem:s18+$0xD010] =	vst v2  }
0x534: {  	v2 =	vld [tilespmem:s31+$0xFFFFF040];
	_ =	sdelay $0x2  }
0x535: {  	v3 =	vadd.f32 v52, v3;
	_ =	sdelay $0x1  }
0x536: {  	v2 =	vadd.f32 v2, v3  }
0x537: {  	v53 =	vld [tilespmem:s18+$0x3410]  }
0x538: {  	v3 =	vld [tilespmem:s18+$0x1410];
	v2 =	vmax.f32 v2, $0.0e+00  }
0x539: {  	[tilespmem:s18+$0xD400] =	vst v2  }
0x53a: {  	v2 =	vld [tilespmem:s31+$0xFFFFF050];
	_ =	sdelay $0x2  }
0x53b: {  	v3 =	vadd.f32 v53, v3;
	_ =	sdelay $0x1  }
0x53c: {  	v2 =	vadd.f32 v2, v3  }
0x53d: {  	v54 =	vld [tilespmem:s18+$0x3800]  }
0x53e: {  	v3 =	vld [tilespmem:s18+$0x1800];
	v2 =	vmax.f32 v2, $0.0e+00  }
0x53f: {  	[tilespmem:s18+$0xD410] =	vst v2  }
0x540: {  	v2 =	vld [tilespmem:s31+$0xFFFFF060];
	_ =	sdelay $0x2  }
0x541: {  	v3 =	vadd.f32 v54, v3;
	_ =	sdelay $0x1  }
0x542: {  	v2 =	vadd.f32 v2, v3  }
0x543: {  	v55 =	vld [tilespmem:s18+$0x3810]  }
0x544: {  	v3 =	vld [tilespmem:s18+$0x1810];
	v2 =	vmax.f32 v2, $0.0e+00  }
0x545: {  	[tilespmem:s18+$0xD800] =	vst v2  }
0x546: {  	v2 =	vld [tilespmem:s31+$0xFFFFF070];
	_ =	sdelay $0x2  }
0x547: {  	v3 =	vadd.f32 v55, v3;
	_ =	sdelay $0x1  }
0x548: {  	v2 =	vadd.f32 v2, v3  }
0x549: {  	v56 =	vld [tilespmem:s18+$0x3C00]  }
0x54a: {  	v3 =	vld [tilespmem:s18+$0x1C00];
	v2 =	vmax.f32 v2, $0.0e+00  }
0x54b: {  	[tilespmem:s18+$0xD810] =	vst v2  }
0x54c: {  	v2 =	vld [tilespmem:s31+$0x0];
	_ =	sdelay $0x2  }
0x54d: {  	v3 =	vadd.f32 v56, v3;
	_ =	sdelay $0x1  }
0x54e: {  	v2 =	vadd.f32 v2, v3  }
0x54f: {  	v57 =	vld [tilespmem:s18+$0x3C10]  }
0x550: {  	v3 =	vld [tilespmem:s18+$0x1C10];
	v2 =	vmax.f32 v2, $0.0e+00  }
0x551: {  	[tilespmem:s18+$0xDC00] =	vst v2  }
0x552: {  	v2 =	vld [tilespmem:s31+$0x10];
	_ =	sdelay $0x2  }
0x553: {  	v3 =	vadd.f32 v57, v3;
	_ =	sdelay $0x1  }
0x554: {  	v2 =	vadd.f32 v2, v3  }
0x555: {  	v58 =	vld [tilespmem:s18+$0x4000]  }
0x556: {  	v3 =	vld [tilespmem:s18+$0x2000];
	v2 =	vmax.f32 v2, $0.0e+00  }
0x557: {  	[tilespmem:s18+$0xDC10] =	vst v2  }
0x558: {  	v2 =	vld [tilespmem:s31+$0x20];
	_ =	sdelay $0x2  }
0x559: {  	v3 =	vadd.f32 v58, v3;
	_ =	sdelay $0x1  }
0x55a: {  	v2 =	vadd.f32 v2, v3  }
0x55b: {  	v59 =	vld [tilespmem:s18+$0x4010]  }
0x55c: {  	v3 =	vld [tilespmem:s18+$0x2010];
	v2 =	vmax.f32 v2, $0.0e+00  }
0x55d: {  	[tilespmem:s18+$0xE000] =	vst v2  }
0x55e: {  	v2 =	vld [tilespmem:s31+$0x30];
	_ =	sdelay $0x2  }
0x55f: {  	v3 =	vadd.f32 v59, v3;
	_ =	sdelay $0x1  }
0x560: {  	v2 =	vadd.f32 v2, v3  }
0x561: {  	v60 =	vld [tilespmem:s18+$0x4400]  }
0x562: {  	v3 =	vld [tilespmem:s18+$0x2400];
	v2 =	vmax.f32 v2, $0.0e+00  }
0x563: {  	[tilespmem:s18+$0xE010] =	vst v2  }
0x564: {  	v2 =	vld [tilespmem:s31+$0x40];
	_ =	sdelay $0x2  }
0x565: {  	v3 =	vadd.f32 v60, v3;
	_ =	sdelay $0x1  }
0x566: {  	v2 =	vadd.f32 v2, v3  }
0x567: {  	v61 =	vld [tilespmem:s18+$0x4410]  }
0x568: {  	v3 =	vld [tilespmem:s18+$0x2410];
	v2 =	vmax.f32 v2, $0.0e+00  }
0x569: {  	[tilespmem:s18+$0xE400] =	vst v2  }
0x56a: {  	v2 =	vld [tilespmem:s31+$0x50];
	_ =	sdelay $0x2  }
0x56b: {  	v3 =	vadd.f32 v61, v3;
	_ =	sdelay $0x1  }
0x56c: {  	v2 =	vadd.f32 v2, v3  }
0x56d: {  	v62 =	vld [tilespmem:s18+$0x4800]  }
0x56e: {  	v3 =	vld [tilespmem:s18+$0x2800];
	v2 =	vmax.f32 v2, $0.0e+00  }
0x56f: {  	[tilespmem:s18+$0xE410] =	vst v2  }
0x570: {  	v2 =	vld [tilespmem:s31+$0x60];
	_ =	sdelay $0x2  }
0x571: {  	v3 =	vadd.f32 v62, v3;
	_ =	sdelay $0x1  }
0x572: {  	v2 =	vadd.f32 v2, v3  }
0x573: {  	v63 =	vld [tilespmem:s18+$0x4810]  }
0x574: {  	v3 =	vld [tilespmem:s18+$0x2810];
	v2 =	vmax.f32 v2, $0.0e+00  }
0x575: {  	[tilespmem:s18+$0xE800] =	vst v2  }
0x576: {  	v2 =	vld [tilespmem:s31+$0x70];
	_ =	sdelay $0x2  }
0x577: {  	p3 =	sgt.u32 s0, $0x461;
	v3 =	vadd.f32 v63, v3  }
.Ltmp10:
0x578: {  	_ = 	snop;
	(pc) =	sbr.rel @p3 .LBB2_16-.Ltmp10, $3  }
0x579: {  	v2 =	vadd.f32 v2, v3;
	_ =	sdelay $0x1  }
0x57a: {  	v2 =	vmax.f32 v2, $0.0e+00  }
0x57b: {  	[tilespmem:s18+$0xE810] =	vst v2  }
0x57c: {  	s18 =	sshll.u32 s26, $0x9  }
0x57d: {  	s28 =	simm.s32 $0x8800;
	s26 =	sadd.s32 s10, s18  }
0x57e: {  	[tilespmem:s28], [sflag:$0x3] =	stream.linear.gather [hbm4b:s26+s4], $0x1000, $0x38;
	[tilespmem:$0x1AE00] =	vst v63  }
0x57f: {  	s31 =	simm.s32 $0x9800;
	s18 =	sadd.s32 s11, s18  }
0x580: {  	[tilespmem:s31], [sflag:$0x3] =	stream.linear.gather [hbm4b:s18+s4], $0x1000, $0x38;
	[tilespmem:$0x1AE00] =	vst v63  }
.Ltmp11:
0x581: {  	_ = 	snop;
	(pc) =	sbr.rel .LBB2_17-.Ltmp11, $4  }
0x582: {  	_ = 	snop  }
0x583: {  	[spmem:s2] =	stream.indirect.scatter.add.f32 [tilespmem:s24], [sflag:$0x7], $0x20, s16, s8, $0xb8;
	[tilespmem:$0x1AE00] =	vst v63  }
0x584: {  	p2 =	slt.u32 s0, $0x442;
	s26 =	sadd.s32 $0xA0, s0  }
0x585: {  	[spmem:s3] =	stream.indirect.scatter.add.f32 [tilespmem:s25], [sflag:$0x7], $0x1, s16, s8, $0xb8;
	[tilespmem:$0x1AE00] =	vst v63  }
.LBB2_16:
.Ltmp12:
0x586: {  	(pc) =	sbr.rel @p1 .LBB2_18-.Ltmp12, $4  }
0x587: {  	_ = 	snop  }
0x588: {  	[spmem:s2] =	stream.indirect.scatter.add.f32 [tilespmem:s24], [sflag:$0x7], $0x20, s16, s8, $0xb8;
	[tilespmem:$0x1AE00] =	vst v63  }
0x589: {  	s26 =	sadd.s32 $0xA0, s0;
	p2 =	por $0x0, $0x0  }
0x58a: {  	[spmem:s3] =	stream.indirect.scatter.add.f32 [tilespmem:s25], [sflag:$0x7], $0x1, s16, s8, $0xb8;
	[tilespmem:$0x1AE00] =	vst v63  }
.LBB2_17:
0x58b: {  	_ =	swait.ge [sflag:s13], $0x2000  }
0x58c: {  	[sflag:s13] =	ssyncset.done $0x0  }
0x58d: {  	[sflag:s13] =	ssyncadd.s32 $0xFFFFE000  }
0x58e: {  	_ =	swait.ge [sflag:s13], $0x2000  }
0x58f: {  	[sflag:s13] =	ssyncset.done $0x0  }
0x590: {  	[sflag:s13] =	ssyncadd.s32 $0xFFFFE000  }
0x591: {  	_ =	swait.ge [sflag:s14], $0x1000  }
0x592: {  	[sflag:s14] =	ssyncset.done $0x0  }
0x593: {  	[sflag:s14] =	ssyncadd.s32 $0xFFFFF000  }
0x594: {  	_ =	swait.ge [sflag:s14], $0x1000  }
0x595: {  	[sflag:s14] =	ssyncset.done $0x0  }
0x596: {  	[sflag:s14] =	ssyncadd.s32 $0xFFFFF000  }
.LBB2_18:
0x597: {  	_ =	swait.ge [sflag:s20], $0x2000  }
.Ltmp13:
0x598: {  	[sflag:s20] =	ssyncset.done $0x0;
	(pc) =	sbr.rel @p3 .LBB2_21-.Ltmp13, $4  }
0x599: {  	[sflag:s20] =	ssyncadd.s32 $0xFFFFE000  }
0x59a: {  	_ =	swait.ge [sflag:s20], $0x100  }
0x59b: {  	[sflag:s20] =	ssyncset.done $0x0  }
0x59c: {  	[sflag:s20] =	ssyncadd.s32 $0xFFFFFF00  }
0x59d: {  	_ =	swait.ge [sflag:s29], $0x200  }
.Ltmp14:
0x59e: {  	[sflag:s29] =	ssyncset.done $0x0;
	(pc) =	sbr.rel @!p2 .LBB2_22-.Ltmp14, $4  }
0x59f: {  	s0 =	simm.s32 $0x800;
	[sflag:s29] =	ssyncadd.s32 $0xFFFFFE00  }
0x5a0: {  	[tilespmem:s0], [sflag:$0x5] =	stream.indirect.gather [hbm4b:s7+s8], $0x20, s4, s8, $0xb8;
	[tilespmem:$0x1AE00] =	vst v63  }
0x5a1: {  	s31 =	simm.s32 $0x2800  }
0x5a2: {  	[tilespmem:s31], [sflag:$0x5] =	stream.indirect.gather [hbm4b:s9+s8], $0x20, s8, s8, $0xb8;
	[tilespmem:$0x1AE00] =	vst v63  }
0x5a3: {  	s0 =	smul.u32 $0x28F6, s26;
	_ =	sdelay $0x1  }
0x5a4: {  	s0 =	sshrl.u32 s0, $0x13  }
0x5a5: {  	s18 =	smul.u32 $0x7FFFFCE, s0;
	_ =	sdelay $0x1  }
0x5a6: {  	s0 =	smul.u32 $0x3200, s0;
	s18 =	sadd.s32 s26, s18  }
0x5a7: {  	s18 =	sshll.u32 s18, $0x5  }
0x5a8: {  	s0 =	sadd.s32 s0, s18  }
0x5a9: {  	s28 =	sshll.u32 s0, $0x1  }
0x5aa: {  	s18 =	sand.u32 $0x60, s18;
	s28 =	sand.u32 $0xFFFFFF00, s28  }
0x5ab: {  	s18 =	sor.u32 s18, s28  }
0x5ac: {  	s28 =	sshrl.u32 s18, $0x3  }
0x5ad: {  	s30 =	simm.s32 $0x200;
	s28 =	sadd.s32 s1, s28  }
0x5ae: {  	[tilespmem:s30], [sflag:$0x2] =	stream.linear.gather [hbm4b:s28+s4], $0x20, $0x38;
	[tilespmem:$0x1AE00] =	vst v63  }
0x5af: {  	s28 =	sadd.s32 $0x10, s28  }
0x5b0: {  	[tilespmem:s5], [sflag:$0x2] =	stream.linear.gather [hbm4b:s28+s4], $0x20, $0x38;
	[tilespmem:$0x1AE00] =	vst v63  }
0x5b1: {  	s28 =	sadd.s32 $0x640, s0  }
0x5b2: {  	s31 =	sshll.u32 s28, $0x1  }
0x5b3: {  	s28 =	sand.u32 $0x60, s28;
	s30 =	sand.u32 $0xFFFFFF00, s31  }
0x5b4: {  	s28 =	sor.u32 s28, s30  }
0x5b5: {  	s28 =	sshrl.u32 s28, $0x3  }
0x5b6: {  	s31 =	simm.s32 $0x220;
	s28 =	sadd.s32 s1, s28  }
0x5b7: {  	[tilespmem:s31], [sflag:$0x2] =	stream.linear.gather [hbm4b:s28+s4], $0x20, $0x38;
	[tilespmem:$0x1AE00] =	vst v63  }
0x5b8: {  	s30 =	sadd.s32 $0x1900, s18;
	s28 =	sadd.s32 $0x10, s28;
	s31 =	simm.s32 $0x320  }
0x5b9: {  	[tilespmem:s31], [sflag:$0x2] =	stream.linear.gather [hbm4b:s28+s4], $0x20, $0x38;
	[tilespmem:$0x1AE00] =	vst v63  }
0x5ba: {  	s28 =	sshrl.u32 s30, $0x3  }
0x5bb: {  	s31 =	simm.s32 $0x240;
	s28 =	sadd.s32 s1, s28  }
0x5bc: {  	[tilespmem:s31], [sflag:$0x2] =	stream.linear.gather [hbm4b:s28+s4], $0x20, $0x38;
	[tilespmem:$0x1AE00] =	vst v63  }
0x5bd: {  	s28 =	sadd.s32 $0x10, s28;
	s31 =	simm.s32 $0x340  }
0x5be: {  	[tilespmem:s31], [sflag:$0x2] =	stream.linear.gather [hbm4b:s28+s4], $0x20, $0x38;
	[tilespmem:$0x1AE00] =	vst v63  }
0x5bf: {  	s28 =	sadd.s32 $0x12C0, s0  }
0x5c0: {  	s31 =	sshll.u32 s28, $0x1  }
0x5c1: {  	s28 =	sand.u32 $0x60, s28;
	s30 =	sand.u32 $0xFFFFFF00, s31  }
0x5c2: {  	s28 =	sor.u32 s28, s30  }
0x5c3: {  	s28 =	sshrl.u32 s28, $0x3  }
0x5c4: {  	s31 =	simm.s32 $0x260;
	s28 =	sadd.s32 s1, s28  }
0x5c5: {  	[tilespmem:s31], [sflag:$0x2] =	stream.linear.gather [hbm4b:s28+s4], $0x20, $0x38;
	[tilespmem:$0x1AE00] =	vst v63  }
0x5c6: {  	s30 =	sadd.s32 $0x3200, s18;
	s28 =	sadd.s32 $0x10, s28;
	s31 =	simm.s32 $0x360  }
0x5c7: {  	[tilespmem:s31], [sflag:$0x2] =	stream.linear.gather [hbm4b:s28+s4], $0x20, $0x38;
	[tilespmem:$0x1AE00] =	vst v63  }
0x5c8: {  	s28 =	sshrl.u32 s30, $0x3  }
0x5c9: {  	s31 =	simm.s32 $0x280;
	s28 =	sadd.s32 s1, s28  }
0x5ca: {  	[tilespmem:s31], [sflag:$0x2] =	stream.linear.gather [hbm4b:s28+s4], $0x20, $0x38;
	[tilespmem:$0x1AE00] =	vst v63  }
0x5cb: {  	s28 =	sadd.s32 $0x10, s28;
	s31 =	simm.s32 $0x380  }
0x5cc: {  	[tilespmem:s31], [sflag:$0x2] =	stream.linear.gather [hbm4b:s28+s4], $0x20, $0x38;
	[tilespmem:$0x1AE00] =	vst v63  }
0x5cd: {  	s28 =	sadd.s32 $0x1F40, s0  }
0x5ce: {  	s31 =	sshll.u32 s28, $0x1  }
0x5cf: {  	s28 =	sand.u32 $0x60, s28;
	s30 =	sand.u32 $0xFFFFFF00, s31  }
0x5d0: {  	s28 =	sor.u32 s28, s30  }
0x5d1: {  	s28 =	sshrl.u32 s28, $0x3  }
0x5d2: {  	s18 =	sadd.s32 $0x4B00, s18;
	s31 =	simm.s32 $0x2A0;
	s28 =	sadd.s32 s1, s28  }
0x5d3: {  	[tilespmem:s31], [sflag:$0x2] =	stream.linear.gather [hbm4b:s28+s4], $0x20, $0x38;
	[tilespmem:$0x1AE00] =	vst v63  }
0x5d4: {  	s18 =	sshrl.u32 s18, $0x3;
	s28 =	sadd.s32 $0x10, s28;
	s31 =	simm.s32 $0x3A0  }
0x5d5: {  	[tilespmem:s31], [sflag:$0x2] =	stream.linear.gather [hbm4b:s28+s4], $0x20, $0x38;
	[tilespmem:$0x1AE00] =	vst v63  }
0x5d6: {  	s18 =	sadd.s32 s1, s18;
	s0 =	sadd.s32 $0x2BC0, s0;
	s30 =	simm.s32 $0x2C0  }
0x5d7: {  	[tilespmem:s30], [sflag:$0x2] =	stream.linear.gather [hbm4b:s18+s4], $0x20, $0x38;
	[tilespmem:$0x1AE00] =	vst v63  }
0x5d8: {  	s31 =	simm.s32 $0x3C0;
	s28 =	sshll.u32 s0, $0x1;
	s18 =	sadd.s32 $0x10, s18  }
0x5d9: {  	[tilespmem:s31], [sflag:$0x2] =	stream.linear.gather [hbm4b:s18+s4], $0x20, $0x38;
	[tilespmem:$0x1AE00] =	vst v63  }
0x5da: {  	s0 =	sand.u32 $0x60, s0;
	s18 =	sand.u32 $0xFFFFFF00, s28  }
0x5db: {  	s0 =	sor.u32 s0, s18  }
.Ltmp15:
0x5dc: {  	s0 =	sshrl.u32 s0, $0x3;
	(pc) =	sbr.rel .LBB2_22-.Ltmp15, $4  }
0x5dd: {  	s30 =	simm.s32 $0x2E0;
	s0 =	sadd.s32 s1, s0  }
0x5de: {  	[tilespmem:s30], [sflag:$0x2] =	stream.linear.gather [hbm4b:s0+s4], $0x20, $0x38;
	[tilespmem:$0x1AE00] =	vst v63  }
0x5df: {  	s31 =	simm.s32 $0x3E0;
	s0 =	sadd.s32 $0x10, s0  }
0x5e0: {  	[tilespmem:s31], [sflag:$0x2] =	stream.linear.gather [hbm4b:s0+s4], $0x20, $0x38;
	[tilespmem:$0x1AE00] =	vst v63  }
.LBB2_21:
.Ltmp16:
0x5e1: {  	(pc) =	sbr.rel @p1 .LBB2_25-.Ltmp16, $1  }
0x5e2: {  	_ =	sdelay $0x3  }
.LBB2_22:
0x5e3: {  	s0 =	simm.s32 $0xFFFFFC00  }
0x5e4: {  	v2 =	vld [tilespmem:s0+$0x4C00]  }
0x5e5: {  	v3 =	vld [tilespmem:s0+$0x6C00]  }
0x5e6: {  	s28 =	simm.s32 $0xB800  }
0x5e7: {  	v4 =	vld [tilespmem:s28+$0xFFFFF000];
	_ =	sdelay $0x2  }
0x5e8: {  	v2 =	vadd.f32 v3, v2;
	_ =	sdelay $0x1  }
0x5e9: {  	v2 =	vadd.f32 v4, v2  }
0x5ea: {  	v3 =	vld [tilespmem:s0+$0x4C10]  }
0x5eb: {  	v4 =	vld [tilespmem:s0+$0x6C10];
	v2 =	vmax.f32 v2, $0.0e+00  }
0x5ec: {  	[tilespmem:s0+$0xEC00] =	vst v2  }
0x5ed: {  	v2 =	vld [tilespmem:s28+$0xFFFFF010];
	_ =	sdelay $0x2  }
0x5ee: {  	v3 =	vadd.f32 v4, v3;
	_ =	sdelay $0x1  }
0x5ef: {  	v2 =	vadd.f32 v2, v3  }
0x5f0: {  	v4 =	vld [tilespmem:s0+$0x7000]  }
0x5f1: {  	v3 =	vld [tilespmem:s0+$0x5000];
	v2 =	vmax.f32 v2, $0.0e+00  }
0x5f2: {  	[tilespmem:s0+$0xEC10] =	vst v2  }
0x5f3: {  	v2 =	vld [tilespmem:s28+$0xFFFFF020];
	_ =	sdelay $0x2  }
0x5f4: {  	v3 =	vadd.f32 v4, v3;
	_ =	sdelay $0x1  }
0x5f5: {  	v2 =	vadd.f32 v2, v3  }
0x5f6: {  	v4 =	vld [tilespmem:s0+$0x7010]  }
0x5f7: {  	v3 =	vld [tilespmem:s0+$0x5010];
	v2 =	vmax.f32 v2, $0.0e+00  }
0x5f8: {  	[tilespmem:s0+$0xF000] =	vst v2  }
0x5f9: {  	v2 =	vld [tilespmem:s28+$0xFFFFF030];
	_ =	sdelay $0x2  }
0x5fa: {  	v3 =	vadd.f32 v4, v3;
	_ =	sdelay $0x1  }
0x5fb: {  	v2 =	vadd.f32 v2, v3  }
0x5fc: {  	v4 =	vld [tilespmem:s0+$0x7400]  }
0x5fd: {  	v3 =	vld [tilespmem:s0+$0x5400];
	v2 =	vmax.f32 v2, $0.0e+00  }
0x5fe: {  	[tilespmem:s0+$0xF010] =	vst v2  }
0x5ff: {  	v2 =	vld [tilespmem:s28+$0xFFFFF040];
	_ =	sdelay $0x2  }
0x600: {  	v3 =	vadd.f32 v4, v3;
	_ =	sdelay $0x1  }
0x601: {  	v2 =	vadd.f32 v2, v3  }
0x602: {  	v4 =	vld [tilespmem:s0+$0x7410]  }
0x603: {  	v3 =	vld [tilespmem:s0+$0x5410];
	v2 =	vmax.f32 v2, $0.0e+00  }
0x604: {  	[tilespmem:s0+$0xF400] =	vst v2  }
0x605: {  	v2 =	vld [tilespmem:s28+$0xFFFFF050];
	_ =	sdelay $0x2  }
0x606: {  	v3 =	vadd.f32 v4, v3;
	_ =	sdelay $0x1  }
0x607: {  	v2 =	vadd.f32 v2, v3  }
0x608: {  	v4 =	vld [tilespmem:s0+$0x7800]  }
0x609: {  	v3 =	vld [tilespmem:s0+$0x5800];
	v2 =	vmax.f32 v2, $0.0e+00  }
0x60a: {  	[tilespmem:s0+$0xF410] =	vst v2  }
0x60b: {  	v2 =	vld [tilespmem:s28+$0xFFFFF060];
	_ =	sdelay $0x2  }
0x60c: {  	v3 =	vadd.f32 v4, v3;
	_ =	sdelay $0x1  }
0x60d: {  	v2 =	vadd.f32 v2, v3  }
0x60e: {  	v4 =	vld [tilespmem:s0+$0x7810]  }
0x60f: {  	v3 =	vld [tilespmem:s0+$0x5810];
	v2 =	vmax.f32 v2, $0.0e+00  }
0x610: {  	[tilespmem:s0+$0xF800] =	vst v2  }
0x611: {  	v2 =	vld [tilespmem:s28+$0xFFFFF070];
	_ =	sdelay $0x2  }
0x612: {  	v3 =	vadd.f32 v4, v3;
	_ =	sdelay $0x1  }
0x613: {  	v2 =	vadd.f32 v2, v3  }
0x614: {  	v4 =	vld [tilespmem:s0+$0x7C00]  }
0x615: {  	v3 =	vld [tilespmem:s0+$0x5C00];
	v2 =	vmax.f32 v2, $0.0e+00  }
0x616: {  	[tilespmem:s0+$0xF810] =	vst v2  }
0x617: {  	v2 =	vld [tilespmem:s28+$0x0];
	_ =	sdelay $0x2  }
0x618: {  	v3 =	vadd.f32 v4, v3;
	_ =	sdelay $0x1  }
0x619: {  	v2 =	vadd.f32 v2, v3  }
0x61a: {  	v4 =	vld [tilespmem:s0+$0x7C10]  }
0x61b: {  	v3 =	vld [tilespmem:s0+$0x5C10];
	v2 =	vmax.f32 v2, $0.0e+00  }
0x61c: {  	[tilespmem:s0+$0xFC00] =	vst v2  }
0x61d: {  	v2 =	vld [tilespmem:s28+$0x10];
	_ =	sdelay $0x2  }
0x61e: {  	v3 =	vadd.f32 v4, v3;
	_ =	sdelay $0x1  }
0x61f: {  	v2 =	vadd.f32 v2, v3  }
0x620: {  	v4 =	vld [tilespmem:s0+$0x8000]  }
0x621: {  	v3 =	vld [tilespmem:s0+$0x6000];
	v2 =	vmax.f32 v2, $0.0e+00  }
0x622: {  	[tilespmem:s0+$0xFC10] =	vst v2  }
0x623: {  	v2 =	vld [tilespmem:s28+$0x20];
	_ =	sdelay $0x2  }
0x624: {  	v3 =	vadd.f32 v4, v3;
	_ =	sdelay $0x1  }
0x625: {  	v2 =	vadd.f32 v2, v3  }
0x626: {  	v4 =	vld [tilespmem:s0+$0x8010]  }
0x627: {  	v3 =	vld [tilespmem:s0+$0x6010];
	v2 =	vmax.f32 v2, $0.0e+00  }
0x628: {  	[tilespmem:s0+$0x10000] =	vst v2  }
0x629: {  	v2 =	vld [tilespmem:s28+$0x30];
	_ =	sdelay $0x2  }
0x62a: {  	v3 =	vadd.f32 v4, v3;
	_ =	sdelay $0x1  }
0x62b: {  	v2 =	vadd.f32 v2, v3  }
0x62c: {  	v4 =	vld [tilespmem:s0+$0x8400]  }
0x62d: {  	v3 =	vld [tilespmem:s0+$0x6400];
	v2 =	vmax.f32 v2, $0.0e+00  }
0x62e: {  	[tilespmem:s0+$0x10010] =	vst v2  }
0x62f: {  	v2 =	vld [tilespmem:s28+$0x40];
	_ =	sdelay $0x2  }
0x630: {  	v3 =	vadd.f32 v4, v3;
	_ =	sdelay $0x1  }
0x631: {  	v2 =	vadd.f32 v2, v3  }
0x632: {  	v4 =	vld [tilespmem:s0+$0x8410]  }
0x633: {  	v3 =	vld [tilespmem:s0+$0x6410];
	v2 =	vmax.f32 v2, $0.0e+00  }
0x634: {  	[tilespmem:s0+$0x10400] =	vst v2  }
0x635: {  	v2 =	vld [tilespmem:s28+$0x50];
	_ =	sdelay $0x2  }
0x636: {  	v3 =	vadd.f32 v4, v3;
	_ =	sdelay $0x1  }
0x637: {  	v2 =	vadd.f32 v2, v3  }
0x638: {  	v4 =	vld [tilespmem:s0+$0x8800]  }
0x639: {  	v3 =	vld [tilespmem:s0+$0x6800];
	v2 =	vmax.f32 v2, $0.0e+00  }
0x63a: {  	[tilespmem:s0+$0x10410] =	vst v2  }
0x63b: {  	v2 =	vld [tilespmem:s28+$0x60];
	_ =	sdelay $0x2  }
0x63c: {  	v3 =	vadd.f32 v4, v3;
	_ =	sdelay $0x1  }
0x63d: {  	v2 =	vadd.f32 v2, v3  }
0x63e: {  	v4 =	vld [tilespmem:s0+$0x8810]  }
0x63f: {  	v3 =	vld [tilespmem:s0+$0x6810];
	v2 =	vmax.f32 v2, $0.0e+00  }
0x640: {  	[tilespmem:s0+$0x10800] =	vst v2  }
0x641: {  	v2 =	vld [tilespmem:s28+$0x70];
	_ =	sdelay $0x2  }
0x642: {  	v3 =	vadd.f32 v4, v3;
	_ =	sdelay $0x1  }
0x643: {  	s18 =	simm.s32 $0xFFFFFC20;
	v3 =	vadd.f32 v2, v3  }
0x644: {  	s30 =	simm.s32 $0xFFFFF100;
	v2 =	vld [tilespmem:s18+$0x4C00]  }
.LBB2_23:
0x645: {  	p1 =	sne.s32 s30, $0xFFFFFF80;
	v4 =	vld [tilespmem:s18+$0x6C00];
	v3 =	vmax.f32 v3, $0.0e+00  }
0x646: {  	s28 =	sadd.s32 $0x80, s28;
	[tilespmem:s0+$0x10810] =	vst v3;
	s0 =	smov.u32 s18  }
0x647: {  	v3 =	vld [tilespmem:s28+$0xFFFFF000];
	_ =	sdelay $0x2  }
0x648: {  	v2 =	vadd.f32 v4, v2;
	_ =	sdelay $0x1  }
0x649: {  	v2 =	vadd.f32 v3, v2  }
0x64a: {  	v3 =	vld [tilespmem:s0+$0x4C10]  }
0x64b: {  	v2 =	vmax.f32 v2, $0.0e+00;
	v4 =	vld [tilespmem:s0+$0x6C10]  }
0x64c: {  	[tilespmem:s0+$0xEC00] =	vst v2  }
0x64d: {  	v2 =	vld [tilespmem:s28+$0xFFFFF010];
	_ =	sdelay $0x2  }
0x64e: {  	v3 =	vadd.f32 v4, v3;
	_ =	sdelay $0x1  }
0x64f: {  	v2 =	vadd.f32 v2, v3  }
0x650: {  	v3 =	vld [tilespmem:s0+$0x5000]  }
0x651: {  	v2 =	vmax.f32 v2, $0.0e+00;
	v4 =	vld [tilespmem:s0+$0x7000]  }
0x652: {  	[tilespmem:s0+$0xEC10] =	vst v2  }
0x653: {  	v2 =	vld [tilespmem:s28+$0xFFFFF020];
	_ =	sdelay $0x2  }
0x654: {  	v3 =	vadd.f32 v4, v3;
	_ =	sdelay $0x1  }
0x655: {  	v2 =	vadd.f32 v2, v3  }
0x656: {  	v3 =	vld [tilespmem:s0+$0x5010]  }
0x657: {  	v2 =	vmax.f32 v2, $0.0e+00;
	v4 =	vld [tilespmem:s0+$0x7010]  }
0x658: {  	[tilespmem:s0+$0xF000] =	vst v2  }
0x659: {  	v2 =	vld [tilespmem:s28+$0xFFFFF030];
	_ =	sdelay $0x2  }
0x65a: {  	v3 =	vadd.f32 v4, v3;
	_ =	sdelay $0x1  }
0x65b: {  	v2 =	vadd.f32 v2, v3  }
0x65c: {  	v3 =	vld [tilespmem:s0+$0x5400]  }
0x65d: {  	v2 =	vmax.f32 v2, $0.0e+00;
	v4 =	vld [tilespmem:s0+$0x7400]  }
0x65e: {  	[tilespmem:s0+$0xF010] =	vst v2  }
0x65f: {  	v2 =	vld [tilespmem:s28+$0xFFFFF040];
	_ =	sdelay $0x2  }
0x660: {  	v3 =	vadd.f32 v4, v3;
	_ =	sdelay $0x1  }
0x661: {  	v2 =	vadd.f32 v2, v3  }
0x662: {  	v3 =	vld [tilespmem:s0+$0x5410]  }
0x663: {  	v2 =	vmax.f32 v2, $0.0e+00;
	v4 =	vld [tilespmem:s0+$0x7410]  }
0x664: {  	[tilespmem:s0+$0xF400] =	vst v2  }
0x665: {  	v2 =	vld [tilespmem:s28+$0xFFFFF050];
	_ =	sdelay $0x2  }
0x666: {  	v3 =	vadd.f32 v4, v3;
	_ =	sdelay $0x1  }
0x667: {  	v2 =	vadd.f32 v2, v3  }
0x668: {  	v3 =	vld [tilespmem:s0+$0x5800]  }
0x669: {  	v2 =	vmax.f32 v2, $0.0e+00;
	v4 =	vld [tilespmem:s0+$0x7800]  }
0x66a: {  	[tilespmem:s0+$0xF410] =	vst v2  }
0x66b: {  	v2 =	vld [tilespmem:s28+$0xFFFFF060];
	_ =	sdelay $0x2  }
0x66c: {  	v3 =	vadd.f32 v4, v3;
	_ =	sdelay $0x1  }
0x66d: {  	v2 =	vadd.f32 v2, v3  }
0x66e: {  	v3 =	vld [tilespmem:s0+$0x5810]  }
0x66f: {  	v2 =	vmax.f32 v2, $0.0e+00;
	v4 =	vld [tilespmem:s0+$0x7810]  }
0x670: {  	[tilespmem:s0+$0xF800] =	vst v2  }
0x671: {  	v2 =	vld [tilespmem:s28+$0xFFFFF070];
	_ =	sdelay $0x2  }
0x672: {  	v3 =	vadd.f32 v4, v3;
	_ =	sdelay $0x1  }
0x673: {  	v2 =	vadd.f32 v2, v3  }
0x674: {  	v3 =	vld [tilespmem:s0+$0x5C00]  }
0x675: {  	v2 =	vmax.f32 v2, $0.0e+00;
	v4 =	vld [tilespmem:s0+$0x7C00]  }
0x676: {  	[tilespmem:s0+$0xF810] =	vst v2  }
0x677: {  	v2 =	vld [tilespmem:s28+$0x0];
	_ =	sdelay $0x2  }
0x678: {  	v3 =	vadd.f32 v4, v3;
	_ =	sdelay $0x1  }
0x679: {  	v2 =	vadd.f32 v2, v3  }
0x67a: {  	v3 =	vld [tilespmem:s0+$0x5C10]  }
0x67b: {  	v2 =	vmax.f32 v2, $0.0e+00;
	v4 =	vld [tilespmem:s0+$0x7C10]  }
0x67c: {  	[tilespmem:s0+$0xFC00] =	vst v2  }
0x67d: {  	v2 =	vld [tilespmem:s28+$0x10];
	_ =	sdelay $0x2  }
0x67e: {  	v3 =	vadd.f32 v4, v3;
	_ =	sdelay $0x1  }
0x67f: {  	v2 =	vadd.f32 v2, v3  }
0x680: {  	v3 =	vld [tilespmem:s0+$0x6000]  }
0x681: {  	v2 =	vmax.f32 v2, $0.0e+00;
	v4 =	vld [tilespmem:s0+$0x8000]  }
0x682: {  	[tilespmem:s0+$0xFC10] =	vst v2  }
0x683: {  	v2 =	vld [tilespmem:s28+$0x20];
	_ =	sdelay $0x2  }
0x684: {  	v3 =	vadd.f32 v4, v3;
	_ =	sdelay $0x1  }
0x685: {  	v2 =	vadd.f32 v2, v3  }
0x686: {  	v3 =	vld [tilespmem:s0+$0x6010]  }
0x687: {  	v2 =	vmax.f32 v2, $0.0e+00;
	v4 =	vld [tilespmem:s0+$0x8010]  }
0x688: {  	[tilespmem:s0+$0x10000] =	vst v2  }
0x689: {  	v2 =	vld [tilespmem:s28+$0x30];
	_ =	sdelay $0x2  }
0x68a: {  	v3 =	vadd.f32 v4, v3;
	_ =	sdelay $0x1  }
0x68b: {  	v2 =	vadd.f32 v2, v3  }
0x68c: {  	v3 =	vld [tilespmem:s0+$0x6400]  }
0x68d: {  	v2 =	vmax.f32 v2, $0.0e+00;
	v4 =	vld [tilespmem:s0+$0x8400]  }
0x68e: {  	[tilespmem:s0+$0x10010] =	vst v2  }
0x68f: {  	v2 =	vld [tilespmem:s28+$0x40];
	_ =	sdelay $0x2  }
0x690: {  	v3 =	vadd.f32 v4, v3;
	_ =	sdelay $0x1  }
0x691: {  	v2 =	vadd.f32 v2, v3  }
0x692: {  	v3 =	vld [tilespmem:s0+$0x6410]  }
0x693: {  	v2 =	vmax.f32 v2, $0.0e+00;
	v4 =	vld [tilespmem:s0+$0x8410]  }
0x694: {  	[tilespmem:s0+$0x10400] =	vst v2  }
0x695: {  	v2 =	vld [tilespmem:s28+$0x50];
	_ =	sdelay $0x2  }
0x696: {  	v3 =	vadd.f32 v4, v3;
	_ =	sdelay $0x1  }
0x697: {  	v2 =	vadd.f32 v2, v3  }
0x698: {  	v3 =	vld [tilespmem:s0+$0x6800]  }
0x699: {  	v2 =	vmax.f32 v2, $0.0e+00;
	v4 =	vld [tilespmem:s0+$0x8800]  }
0x69a: {  	[tilespmem:s0+$0x10410] =	vst v2  }
0x69b: {  	v2 =	vld [tilespmem:s28+$0x60];
	_ =	sdelay $0x2  }
0x69c: {  	v3 =	vadd.f32 v4, v3;
	_ =	sdelay $0x1  }
0x69d: {  	v2 =	vadd.f32 v2, v3  }
0x69e: {  	v3 =	vld [tilespmem:s0+$0x6810]  }
0x69f: {  	v2 =	vmax.f32 v2, $0.0e+00;
	v4 =	vld [tilespmem:s0+$0x8810]  }
0x6a0: {  	[tilespmem:s0+$0x10800] =	vst v2  }
0x6a1: {  	v2 =	vld [tilespmem:s28+$0x70];
	_ =	sdelay $0x1  }
.Ltmp17:
0x6a2: {  	(pc) =	sbr.rel @p1 .LBB2_23-.Ltmp17, $3  }
0x6a3: {  	v3 =	vadd.f32 v4, v3;
	_ =	sdelay $0x1  }
0x6a4: {  	s18 =	sshra.s32 s30, $0x2;
	v3 =	vadd.f32 v2, v3  }
0x6a5: {  	s30 =	sadd.s32 $0x80, s30;
	v2 =	vld [tilespmem:s18+$0x4C00]  }
0x6a6: {  	v4 =	vld [tilespmem:s18+$0x6C00];
	v3 =	vmax.f32 v3, $0.0e+00  }
0x6a7: {  	s30 =	sadd.s32 $0x80, s28;
	[tilespmem:s0+$0x10810] =	vst v3  }
0x6a8: {  	v3 =	vld [tilespmem:s30+$0xFFFFF000];
	_ =	sdelay $0x2  }
0x6a9: {  	v2 =	vadd.f32 v4, v2;
	_ =	sdelay $0x1  }
0x6aa: {  	v2 =	vadd.f32 v3, v2  }
0x6ab: {  	v49 =	vld [tilespmem:s18+$0x6C10]  }
0x6ac: {  	v3 =	vld [tilespmem:s18+$0x4C10];
	v2 =	vmax.f32 v2, $0.0e+00  }
0x6ad: {  	[tilespmem:s18+$0xEC00] =	vst v2  }
0x6ae: {  	v2 =	vld [tilespmem:s30+$0xFFFFF010];
	_ =	sdelay $0x2  }
0x6af: {  	v3 =	vadd.f32 v49, v3;
	_ =	sdelay $0x1  }
0x6b0: {  	v2 =	vadd.f32 v2, v3  }
0x6b1: {  	v50 =	vld [tilespmem:s18+$0x7000]  }
0x6b2: {  	v3 =	vld [tilespmem:s18+$0x5000];
	v2 =	vmax.f32 v2, $0.0e+00  }
0x6b3: {  	[tilespmem:s18+$0xEC10] =	vst v2  }
0x6b4: {  	v2 =	vld [tilespmem:s30+$0xFFFFF020];
	_ =	sdelay $0x2  }
0x6b5: {  	v3 =	vadd.f32 v50, v3;
	_ =	sdelay $0x1  }
0x6b6: {  	v2 =	vadd.f32 v2, v3  }
0x6b7: {  	v51 =	vld [tilespmem:s18+$0x7010]  }
0x6b8: {  	v3 =	vld [tilespmem:s18+$0x5010];
	v2 =	vmax.f32 v2, $0.0e+00  }
0x6b9: {  	[tilespmem:s18+$0xF000] =	vst v2  }
0x6ba: {  	v2 =	vld [tilespmem:s30+$0xFFFFF030];
	_ =	sdelay $0x2  }
0x6bb: {  	v3 =	vadd.f32 v51, v3;
	_ =	sdelay $0x1  }
0x6bc: {  	v2 =	vadd.f32 v2, v3  }
0x6bd: {  	v52 =	vld [tilespmem:s18+$0x7400]  }
0x6be: {  	v3 =	vld [tilespmem:s18+$0x5400];
	v2 =	vmax.f32 v2, $0.0e+00  }
0x6bf: {  	[tilespmem:s18+$0xF010] =	vst v2  }
0x6c0: {  	v2 =	vld [tilespmem:s30+$0xFFFFF040];
	_ =	sdelay $0x2  }
0x6c1: {  	v3 =	vadd.f32 v52, v3;
	_ =	sdelay $0x1  }
0x6c2: {  	v2 =	vadd.f32 v2, v3  }
0x6c3: {  	v53 =	vld [tilespmem:s18+$0x7410]  }
0x6c4: {  	v3 =	vld [tilespmem:s18+$0x5410];
	v2 =	vmax.f32 v2, $0.0e+00  }
0x6c5: {  	[tilespmem:s18+$0xF400] =	vst v2  }
0x6c6: {  	v2 =	vld [tilespmem:s30+$0xFFFFF050];
	_ =	sdelay $0x2  }
0x6c7: {  	v3 =	vadd.f32 v53, v3;
	_ =	sdelay $0x1  }
0x6c8: {  	v2 =	vadd.f32 v2, v3  }
0x6c9: {  	v54 =	vld [tilespmem:s18+$0x7800]  }
0x6ca: {  	v3 =	vld [tilespmem:s18+$0x5800];
	v2 =	vmax.f32 v2, $0.0e+00  }
0x6cb: {  	[tilespmem:s18+$0xF410] =	vst v2  }
0x6cc: {  	v2 =	vld [tilespmem:s30+$0xFFFFF060];
	_ =	sdelay $0x2  }
0x6cd: {  	v3 =	vadd.f32 v54, v3;
	_ =	sdelay $0x1  }
0x6ce: {  	v2 =	vadd.f32 v2, v3  }
0x6cf: {  	v55 =	vld [tilespmem:s18+$0x7810]  }
0x6d0: {  	v3 =	vld [tilespmem:s18+$0x5810];
	v2 =	vmax.f32 v2, $0.0e+00  }
0x6d1: {  	[tilespmem:s18+$0xF800] =	vst v2  }
0x6d2: {  	v2 =	vld [tilespmem:s30+$0xFFFFF070];
	_ =	sdelay $0x2  }
0x6d3: {  	v3 =	vadd.f32 v55, v3;
	_ =	sdelay $0x1  }
0x6d4: {  	v2 =	vadd.f32 v2, v3  }
0x6d5: {  	v56 =	vld [tilespmem:s18+$0x7C00]  }
0x6d6: {  	v3 =	vld [tilespmem:s18+$0x5C00];
	v2 =	vmax.f32 v2, $0.0e+00  }
0x6d7: {  	[tilespmem:s18+$0xF810] =	vst v2  }
0x6d8: {  	v2 =	vld [tilespmem:s30+$0x0];
	_ =	sdelay $0x2  }
0x6d9: {  	v3 =	vadd.f32 v56, v3;
	_ =	sdelay $0x1  }
0x6da: {  	v2 =	vadd.f32 v2, v3  }
0x6db: {  	v57 =	vld [tilespmem:s18+$0x7C10]  }
0x6dc: {  	v3 =	vld [tilespmem:s18+$0x5C10];
	v2 =	vmax.f32 v2, $0.0e+00  }
0x6dd: {  	[tilespmem:s18+$0xFC00] =	vst v2  }
0x6de: {  	v2 =	vld [tilespmem:s30+$0x10];
	_ =	sdelay $0x2  }
0x6df: {  	v3 =	vadd.f32 v57, v3;
	_ =	sdelay $0x1  }
0x6e0: {  	v2 =	vadd.f32 v2, v3  }
0x6e1: {  	v58 =	vld [tilespmem:s18+$0x8000]  }
0x6e2: {  	v3 =	vld [tilespmem:s18+$0x6000];
	v2 =	vmax.f32 v2, $0.0e+00  }
0x6e3: {  	[tilespmem:s18+$0xFC10] =	vst v2  }
0x6e4: {  	v2 =	vld [tilespmem:s30+$0x20];
	_ =	sdelay $0x2  }
0x6e5: {  	v3 =	vadd.f32 v58, v3;
	_ =	sdelay $0x1  }
0x6e6: {  	v2 =	vadd.f32 v2, v3  }
0x6e7: {  	v59 =	vld [tilespmem:s18+$0x8010]  }
0x6e8: {  	v3 =	vld [tilespmem:s18+$0x6010];
	v2 =	vmax.f32 v2, $0.0e+00  }
0x6e9: {  	[tilespmem:s18+$0x10000] =	vst v2  }
0x6ea: {  	v2 =	vld [tilespmem:s30+$0x30];
	_ =	sdelay $0x2  }
0x6eb: {  	v3 =	vadd.f32 v59, v3;
	_ =	sdelay $0x1  }
0x6ec: {  	v2 =	vadd.f32 v2, v3  }
0x6ed: {  	v60 =	vld [tilespmem:s18+$0x8400]  }
0x6ee: {  	v3 =	vld [tilespmem:s18+$0x6400];
	v2 =	vmax.f32 v2, $0.0e+00  }
0x6ef: {  	[tilespmem:s18+$0x10010] =	vst v2  }
0x6f0: {  	v2 =	vld [tilespmem:s30+$0x40];
	_ =	sdelay $0x2  }
0x6f1: {  	v3 =	vadd.f32 v60, v3;
	_ =	sdelay $0x1  }
0x6f2: {  	v2 =	vadd.f32 v2, v3  }
0x6f3: {  	v61 =	vld [tilespmem:s18+$0x8410]  }
0x6f4: {  	v3 =	vld [tilespmem:s18+$0x6410];
	v2 =	vmax.f32 v2, $0.0e+00  }
0x6f5: {  	[tilespmem:s18+$0x10400] =	vst v2  }
0x6f6: {  	v2 =	vld [tilespmem:s30+$0x50];
	_ =	sdelay $0x2  }
0x6f7: {  	v3 =	vadd.f32 v61, v3;
	_ =	sdelay $0x1  }
0x6f8: {  	v2 =	vadd.f32 v2, v3  }
0x6f9: {  	v62 =	vld [tilespmem:s18+$0x8800]  }
0x6fa: {  	v3 =	vld [tilespmem:s18+$0x6800];
	v2 =	vmax.f32 v2, $0.0e+00  }
0x6fb: {  	[tilespmem:s18+$0x10410] =	vst v2  }
0x6fc: {  	v2 =	vld [tilespmem:s30+$0x60];
	_ =	sdelay $0x2  }
0x6fd: {  	v3 =	vadd.f32 v62, v3;
	_ =	sdelay $0x1  }
0x6fe: {  	v2 =	vadd.f32 v2, v3  }
0x6ff: {  	v63 =	vld [tilespmem:s18+$0x8810]  }
0x700: {  	v3 =	vld [tilespmem:s18+$0x6810];
	v2 =	vmax.f32 v2, $0.0e+00  }
0x701: {  	[tilespmem:s18+$0x10800] =	vst v2  }
0x702: {  	v2 =	vld [tilespmem:s30+$0x70];
	_ =	sdelay $0x2  }
0x703: {  	v3 =	vadd.f32 v63, v3;
	_ =	sdelay $0x1  }
0x704: {  	v2 =	vadd.f32 v2, v3;
	_ =	sdelay $0x1  }
0x705: {  	s0 =	sshll.u32 @p2 s26, $0x9;
	v2 =	vmax.f32 v2, $0.0e+00  }
0x706: {  	s28 =	simm.s32 @p2 $0xA800;
	s26 =	simm.s32 @p2 $0x0;
	[tilespmem:s18+$0x10810] =	vst v2;
	s18 =	sadd.s32 @p2 s10, s0  }
0x707: {  	[tilespmem:s28], [sflag:$0x4] =	stream.linear.gather @p2 [hbm4b:s18+s26], $0x1000, $0x38;
	[tilespmem:$0x1AE00] =	vst v63  }
0x708: {  	s0 =	sadd.s32 @p2 s11, s0;
	s18 =	simm.s32 @p2 $0xB800  }
0x709: {  	[tilespmem:s18], [sflag:$0x4] =	stream.linear.gather @p2 [hbm4b:s0+s26], $0x1000, $0x38;
	[tilespmem:$0x1AE00] =	vst v63  }
.Ltmp18:
0x70a: {  	_ = 	snop;
	(pc) =	sbr.rel .LBB2_25-.Ltmp18, $4  }
0x70b: {  	s31 =	simm.s32 $0xE800  }
0x70c: {  	[spmem:s2] =	stream.indirect.scatter.add.f32 [tilespmem:s31], [sflag:$0x8], $0x20, s17, s8, $0xb8;
	[tilespmem:$0x1AE00] =	vst v63  }
0x70d: {  	_ = 	snop  }
0x70e: {  	[spmem:s3] =	stream.indirect.scatter.add.f32 [tilespmem:s25], [sflag:$0x8], $0x1, s17, s8, $0xb8;
	[tilespmem:$0x1AE00] =	vst v63  }
.LBB2_27:
0x70f: {  	_ =	sfence.sel $0x180000  }
0x710: {  	[bflag:$0x0] =	sbarrier.arrive $0xFFFF  }
0x711: {  	_ =	strace $0x90000047  }
0x712: {  	[bflag:$0x2] =	sbarrier.arrive $0xFFFF  }
0x713: {  	s0 =	rddreg [dreg:$0x5]  }
0x714: {  	s0 =	sadd.s32 @!p0 $0x100000, s0  }
0x715: {  	[sflag:s0] =	ssyncadd.tile.s32 @!p0 $0x1;
	_ =	shalt  }
.Lfunc_end2:
_tile_overlayer_lowered:
.L_overlay_start_2:
0x716: {  	(tag) =	ssettag $0x2  }
0x717: {  	s0 =	rddreg [dreg:$0x0];
	s2 =	stileid.u32  }
0x718: {  	s1 =	rddreg [dreg:$0x1];
	p0 =	sne.s32 s2, $0x0  }
0x719: {  	s3 =	rddreg [dreg:$0x2];
	[bflag:$0x3] =	sbarrier.arrive $0xFFFF;
	s2 =	simm.s32 @!p0 $0x1C09  }
0x71a: {  	[timem:s3], [sflag:s2] =	dma.local @!p0 [hbm:s0], s1  }
0x71b: {  	s0 =	simm.s32 @!p0 $0x9  }
0x71c: {  	_ =	swait.ge @!p0 [sflag:s0], s1  }
0x71d: {  	s1 =	ssub.s32 @!p0 $0x0, s1;
	[sflag:s0] =	ssyncset.done @!p0 $0x0  }
0x71e: {  	[sflag:s0] =	ssyncadd.s32 @!p0 s1  }
0x71f: {  	[bflag:$0x3] =	sbarrier.arrive $0xFFFF  }
0x720: {  	_ =	shalt  }

</sc_bundles>
